<compile_context>
chip_gen: v7x
topology: tpu7x:2x2x1
jax: 0.10.2.dev20260603
libtpu: 0.0.44.dev20260713+nightly
codegen_flags: <defaults>
</compile_context>

<pallas_src>
import jax
import jax.numpy as jnp
from jax import lax
from jax.experimental import pallas as pl
from jax.experimental.pallas import tpu as pltpu
from jax.experimental.pallas import tpu_sc as plsc

B = 16384
D = 32
L = 16
PACK = 128 // D
N = 1000000

_info = plsc.get_sparse_core_info()
NC, NS = _info.num_cores, _info.num_subcores
NW = NC * NS
BPW = B // NW
CHUNK = 128
NCHUNK = BPW // CHUNK
BLKS = CHUNK // L

TROWS = 128
NG = N // TROWS
NTAIL = N % TROWS
NTASK = 2 * NG
TPW = 2 * -(-NTASK // (2 * NW))
NCOMP = N // PACK
CRPT = TROWS // PACK
TAILROW = (N - NTAIL) // PACK
TAILCROWS = NTAIL * D // 128


def _relayout_body(utabT_hbm, itabT_hbm, utail_hbm, itail_hbm,
                   ucomp_hbm, icomp_hbm,
                   tbuf0, tbuf1, cbuf0, cbuf1,
                   tsem0, tsem1, osem0, osem1):
    wid = lax.axis_index("s") * NC + lax.axis_index("c")
    tbufs = (tbuf0, tbuf1)
    cbufs = (cbuf0, cbuf1)
    tsems = (tsem0, tsem1)
    osems = (osem0, osem1)

    @pl.when(wid == 0)
    def _():
        pltpu.sync_copy(utail_hbm, ucomp_hbm.at[pl.ds(TAILROW, TAILCROWS)])

    @pl.when(wid == 1)
    def _():
        pltpu.sync_copy(itail_hbm, icomp_hbm.at[pl.ds(TAILROW, TAILCROWS)])

    def task_of(kt):
        t = lax.rem(wid + NW * kt, NTASK)
        is_u = t < NG
        g = jnp.where(is_u, t, t - NG)
        return is_u, g

    def fire(kt, b):
        is_u, g = task_of(kt)
        off = pl.multiple_of(g * TROWS, 128)

        @pl.when(is_u)
        def _():
            pltpu.async_copy(utabT_hbm.at[:, pl.ds(off, TROWS)],
                             tbufs[b], tsems[b])

        @pl.when(jnp.logical_not(is_u))
        def _():
            pltpu.async_copy(itabT_hbm.at[:, pl.ds(off, TROWS)],
                             tbufs[b], tsems[b])

    def wait_t(b):
        pltpu.make_async_copy(
            utabT_hbm.at[:, pl.ds(0, TROWS)], tbufs[b], tsems[b]).wait()

    def wait_o(b):
        pltpu.make_async_copy(
            utabT_hbm.at[:, pl.ds(0, TROWS)], cbufs[b], osems[b]).wait()

    lane_iota = lax.iota(jnp.int32, L)
    rot = [(lane_iota + k) & (L - 1) for k in range(L)]
    dsta = [rot[k] * D + lane_iota for k in range(L)]

    def transpose(b, cb):
        @plsc.parallel_loop(0, (D // L) * (TROWS // L), 1, unroll=4)
        def _(blk):
            bd = blk >> 3
            bc = blk & 7
            rows = lane_iota + L * bd
            base = L * D * bc + L * bd
            vs = [plsc.load_gather(tbufs[b], [rows, rot[k] + L * bc])
                  for k in range(L)]
            for k in range(L):
                a = dsta[k] + base
                plsc.store_scatter(cbufs[cb], [a >> 7, a & 127], vs[k])

    def out(kt, cb):
        is_u, g = task_of(kt)
        r0 = pl.multiple_of(g * CRPT, 8)

        @pl.when(is_u)
        def _():
            pltpu.async_copy(cbufs[cb], ucomp_hbm.at[pl.ds(r0, CRPT)],
                             osems[cb])

        @pl.when(jnp.logical_not(is_u))
        def _():
            pltpu.async_copy(cbufs[cb], icomp_hbm.at[pl.ds(r0, CRPT)],
                             osems[cb])

    fire(0, 0)

    def pair_body(kp, carry):
        k0 = kp * 2
        fire(k0 + 1, 1)
        wait_t(0)

        @pl.when(kp > 0)
        def _():
            wait_o(0)

        transpose(0, 0)
        out(k0, 0)
        fire(k0 + 2, 0)
        wait_t(1)

        @pl.when(kp > 0)
        def _():
            wait_o(1)

        transpose(1, 1)
        out(k0 + 1, 1)
        return carry

    lax.fori_loop(0, TPW // 2, pair_body, 0)

    wait_t(0)
    wait_o(0)
    wait_o(1)


def _sc_body(uidx_hbm, iidx_hbm, utab_hbm, itab_hbm, out_hbm,
             uidx_v, iidx_v, urow_v, irow_v,
             ubuf0, ubuf1, ibuf0, ibuf1, out_v,
             usem0, usem1, isem0, isem1):
    wid = lax.axis_index("s") * NC + lax.axis_index("c")

    pltpu.sync_copy(uidx_hbm.at[wid], uidx_v)
    pltpu.sync_copy(iidx_hbm.at[wid], iidx_v)

    for k in range(BPW // L):
        sl = pl.ds(k * L, L)
        urow_v[sl] = uidx_v[sl] >> 2
        irow_v[sl] = iidx_v[sl] >> 2

    ubufs = (ubuf0, ubuf1)
    ibufs = (ibuf0, ibuf1)
    usems = (usem0, usem1)
    isems = (isem0, isem1)

    def fire(c):
        sl = pl.ds(c * CHUNK, CHUNK)
        return (
            pltpu.async_copy(utab_hbm.at[urow_v.at[sl]], ubufs[c % 2],
                             usems[c % 2]),
            pltpu.async_copy(itab_hbm.at[irow_v.at[sl]], ibufs[c % 2],
                             isems[c % 2]),
        )

    lane_iota = lax.iota(jnp.int32, L)

    def compute(c):
        ub, ib = ubufs[c % 2], ibufs[c % 2]

        def blk_body(kb, carry):
            rows = kb * L + lane_iota
            sl = pl.ds(c * CHUNK + kb * L, L)
            uoff = (uidx_v[sl] & (PACK - 1)) << 5
            ioff = (iidx_v[sl] & (PACK - 1)) << 5
            acc = jnp.zeros((L,), jnp.float32)
            for j in range(D):
                u = plsc.load_gather(ub, [rows, uoff + j])
                v = plsc.load_gather(ib, [rows, ioff + j])
                acc = acc + u * v
            out_v[sl] = 1.0 / (1.0 + jnp.exp(-acc))
            return carry

        lax.fori_loop(0, BLKS, blk_body, 0)

    cps = fire(0)
    for c in range(NCHUNK):
        nxt = fire(c + 1) if c + 1 < NCHUNK else None
        for cp in cps:
            cp.wait()
        compute(c)
        cps = nxt

    pltpu.sync_copy(out_v, out_hbm.at[pl.ds(wid * BPW, BPW)])


def _relayout(utabT, itabT, utail, itail):
    mesh = plsc.VectorSubcoreMesh(core_axis_name="c", subcore_axis_name="s")
    return pl.kernel(
        _relayout_body,
        out_type=(jax.ShapeDtypeStruct((NCOMP, 128), jnp.float32),
                  jax.ShapeDtypeStruct((NCOMP, 128), jnp.float32)),
        mesh=mesh,
        scratch_types=(
            [pltpu.VMEM((D, TROWS), jnp.float32)] * 2
            + [pltpu.VMEM((CRPT, 128), jnp.float32)] * 2
            + [pltpu.SemaphoreType.DMA] * 4
        ),
        compiler_params=pltpu.CompilerParams(needs_layout_passes=False),
    )(utabT, itabT, utail, itail)


@jax.jit
def _run(uidx, iidx, utab4, itab4):
    mesh = plsc.VectorSubcoreMesh(core_axis_name="c", subcore_axis_name="s")
    return pl.kernel(
        _sc_body,
        out_type=jax.ShapeDtypeStruct((B,), jnp.float32),
        mesh=mesh,
        scratch_types=[
            pltpu.VMEM((BPW,), jnp.int32),
            pltpu.VMEM((BPW,), jnp.int32),
            pltpu.VMEM((BPW,), jnp.int32),
            pltpu.VMEM((BPW,), jnp.int32),
            pltpu.VMEM((CHUNK, 128), jnp.float32),
            pltpu.VMEM((CHUNK, 128), jnp.float32),
            pltpu.VMEM((CHUNK, 128), jnp.float32),
            pltpu.VMEM((CHUNK, 128), jnp.float32),
            pltpu.VMEM((BPW,), jnp.float32),
            pltpu.SemaphoreType.DMA,
            pltpu.SemaphoreType.DMA,
            pltpu.SemaphoreType.DMA,
            pltpu.SemaphoreType.DMA,
        ],
        compiler_params=pltpu.CompilerParams(needs_layout_passes=False),
    )(uidx, iidx, utab4, itab4)


@jax.jit
def kernel(user_indices, item_indices, user_table, tgt_item_table):
    uidx = user_indices.astype(jnp.int32).reshape(NW, BPW)
    iidx = item_indices.astype(jnp.int32).reshape(NW, BPW)
    utail = user_table[N - NTAIL:].reshape(TAILCROWS, 128)
    itail = tgt_item_table[N - NTAIL:].reshape(TAILCROWS, 128)
    ucomp, icomp = _relayout(user_table.T, tgt_item_table.T, utail, itail)
    return _run(uidx, iidx, ucomp, icomp)

# --- scband reference (transcript-rebuilt; emitter-appended) ---
"""Pipeline reference for scband-cmf-31636729103186 (READ-ONLY COPY).

The authoritative reference and input builder live on the scoring server;
editing this copy changes nothing except your own understanding.
"""

import jax, jax.numpy as jnp
import numpy as np

NUM_USERS = 1000000
NUM_TGT_ITEMS = 1000000
EMBED_DIM = 32
BATCH = 16384


def setup_inputs(seed: int = 0) -> dict:
    key = jax.random.key(seed)
    k1, k2, k3, k4 = jax.random.split(key, 4)
    user_indices = jax.random.randint(k1, (BATCH,), 0, NUM_USERS, dtype=jnp.int64 if jax.config.jax_enable_x64 else jnp.int32)
    item_indices = jax.random.randint(k2, (BATCH,), 0, NUM_TGT_ITEMS, dtype=jnp.int64 if jax.config.jax_enable_x64 else jnp.int32)
    user_table = jax.random.normal(k3, (NUM_USERS, EMBED_DIM), dtype=jnp.float32) * 0.01
    tgt_item_table = jax.random.normal(k4, (NUM_TGT_ITEMS, EMBED_DIM), dtype=jnp.float32) * 0.01
    return {
        "user_indices": user_indices,
        "item_indices": item_indices,
        "user_table": user_table,
        "tgt_item_table": tgt_item_table,
    }


def reference(user_indices, item_indices, user_table, tgt_item_table):
    # user_vec = self.user_embedding(user_indices)
    user_vec = jnp.take(user_table, user_indices, axis=0)
    # item_vec = self.tgt_item_embedding(item_indices)  (domain='target' default)
    item_vec = jnp.take(tgt_item_table, item_indices, axis=0)
    dot = jnp.sum(user_vec * item_vec, axis=1)
    return jax.nn.sigmoid(dot)

if __name__ == "__main__":
    import jax
    _d = setup_inputs()
    print(jax.jit(kernel)(*tuple(_d.values())))

</pallas_src>

<mosaic_0001>
#map = affine_map<(d0, d1) -> (0, 0)>
#map1 = affine_map<(d0, d1) -> (0)>
module attributes {stable_mosaic.version = 14 : i64} {
  func.func @_sc_body(%arg0: i32, %arg1: i32, %arg2: memref<32x512xi32, #tpu.memory_space<hbm>>, %arg3: memref<32x512xi32, #tpu.memory_space<hbm>>, %arg4: memref<250000x128xf32, #tpu.memory_space<hbm>>, %arg5: memref<250000x128xf32, #tpu.memory_space<hbm>>, %arg6: memref<16384xf32, #tpu.memory_space<hbm>>, %arg7: memref<512xi32, #tpu.memory_space<vmem>>, %arg8: memref<512xi32, #tpu.memory_space<vmem>>, %arg9: memref<512xi32, #tpu.memory_space<vmem>>, %arg10: memref<512xi32, #tpu.memory_space<vmem>>, %arg11: memref<128x128xf32, #tpu.memory_space<vmem>>, %arg12: memref<128x128xf32, #tpu.memory_space<vmem>>, %arg13: memref<128x128xf32, #tpu.memory_space<vmem>>, %arg14: memref<128x128xf32, #tpu.memory_space<vmem>>, %arg15: memref<512xf32, #tpu.memory_space<vmem>>, %arg16: memref<!tpu.dma_semaphore, #tpu.memory_space<semaphore_mem>>, %arg17: memref<!tpu.dma_semaphore, #tpu.memory_space<semaphore_mem>>, %arg18: memref<!tpu.dma_semaphore, #tpu.memory_space<semaphore_mem>>, %arg19: memref<!tpu.dma_semaphore, #tpu.memory_space<semaphore_mem>>) attributes {dimension_semantics = [#tpu.dimension_semantics<core_parallel>, #tpu.dimension_semantics<subcore_parallel>], iteration_bounds = array<i64: 2, 16>, scalar_prefetch = 0 : i64, scratch_operands = 13 : i64, tpu.core_type = #tpu.core_type<sc_vector_subcore>, window_params = [{transform_indices = #map}, {transform_indices = #map}, {transform_indices = #map}, {transform_indices = #map}, {transform_indices = #map1}]} {
    %mul3A = arith.constant 2 : i32
    %mul3A_0 = arith.muli %arg1, %mul3A : i32
    %add3A = arith.addi %mul3A_0, %arg0 : i32
    "tpu.region"() ({
      %run_scoped3A = tpu.sem_alloc : memref<!tpu.dma_semaphore, #tpu.memory_space<semaphore_mem>>
      %dma_start3A_549 = arith.constant 0 : i32
      %dma_start3A_550 = tpu.memref_slice %arg2[%add3A, %dma_start3A_549] : memref<32x512xi32, #tpu.memory_space<hbm>> -> memref<1x512xi32, #tpu.memory_space<hbm>>
      %dma_start3A_551 = tpu.memref_squeeze %dma_start3A_550 : memref<1x512xi32, #tpu.memory_space<hbm>> -> memref<512xi32, #tpu.memory_space<hbm>>
      %dma_start3A_552 = arith.constant 0 : i32
      %dma_start3A_553 = tpu.memref_slice %arg2[%add3A, %dma_start3A_552] : memref<32x512xi32, #tpu.memory_space<hbm>> -> memref<1x512xi32, #tpu.memory_space<hbm>>
      %dma_start3A_554 = tpu.memref_squeeze %dma_start3A_553 : memref<1x512xi32, #tpu.memory_space<hbm>> -> memref<512xi32, #tpu.memory_space<hbm>>
      tpu.enqueue_dma source(%dma_start3A_554 : memref<512xi32, #tpu.memory_space<hbm>>) target(%arg7 : memref<512xi32, #tpu.memory_space<vmem>>) target_semaphore(%run_scoped3A : memref<!tpu.dma_semaphore, #tpu.memory_space<semaphore_mem>>)
      %dma_wait3A_555 = arith.constant 0 : i32
      %dma_wait3A_556 = tpu.memref_slice %arg2[%add3A, %dma_wait3A_555] : memref<32x512xi32, #tpu.memory_space<hbm>> -> memref<1x512xi32, #tpu.memory_space<hbm>>
      %dma_wait3A_557 = tpu.memref_squeeze %dma_wait3A_556 : memref<1x512xi32, #tpu.memory_space<hbm>> -> memref<512xi32, #tpu.memory_space<hbm>>
      %dma_wait3A_558 = arith.constant 0 : i32
      %dma_wait3A_559 = tpu.memref_slice %arg2[%add3A, %dma_wait3A_558] : memref<32x512xi32, #tpu.memory_space<hbm>> -> memref<1x512xi32, #tpu.memory_space<hbm>>
      %dma_wait3A_560 = tpu.memref_squeeze %dma_wait3A_559 : memref<1x512xi32, #tpu.memory_space<hbm>> -> memref<512xi32, #tpu.memory_space<hbm>>
      tpu.wait_dma2 semaphore(%run_scoped3A : memref<!tpu.dma_semaphore, #tpu.memory_space<semaphore_mem>>) src(%dma_wait3A_560 : memref<512xi32, #tpu.memory_space<hbm>>) dst(%arg7 : memref<512xi32, #tpu.memory_space<vmem>>)
      tpu.yield
    }) : () -> ()
    "tpu.region"() ({
      %run_scoped3A = tpu.sem_alloc : memref<!tpu.dma_semaphore, #tpu.memory_space<semaphore_mem>>
      %dma_start3A_549 = arith.constant 0 : i32
      %dma_start3A_550 = tpu.memref_slice %arg3[%add3A, %dma_start3A_549] : memref<32x512xi32, #tpu.memory_space<hbm>> -> memref<1x512xi32, #tpu.memory_space<hbm>>
      %dma_start3A_551 = tpu.memref_squeeze %dma_start3A_550 : memref<1x512xi32, #tpu.memory_space<hbm>> -> memref<512xi32, #tpu.memory_space<hbm>>
      %dma_start3A_552 = arith.constant 0 : i32
      %dma_start3A_553 = tpu.memref_slice %arg3[%add3A, %dma_start3A_552] : memref<32x512xi32, #tpu.memory_space<hbm>> -> memref<1x512xi32, #tpu.memory_space<hbm>>
      %dma_start3A_554 = tpu.memref_squeeze %dma_start3A_553 : memref<1x512xi32, #tpu.memory_space<hbm>> -> memref<512xi32, #tpu.memory_space<hbm>>
      tpu.enqueue_dma source(%dma_start3A_554 : memref<512xi32, #tpu.memory_space<hbm>>) target(%arg8 : memref<512xi32, #tpu.memory_space<vmem>>) target_semaphore(%run_scoped3A : memref<!tpu.dma_semaphore, #tpu.memory_space<semaphore_mem>>)
      %dma_wait3A_555 = arith.constant 0 : i32
      %dma_wait3A_556 = tpu.memref_slice %arg3[%add3A, %dma_wait3A_555] : memref<32x512xi32, #tpu.memory_space<hbm>> -> memref<1x512xi32, #tpu.memory_space<hbm>>
      %dma_wait3A_557 = tpu.memref_squeeze %dma_wait3A_556 : memref<1x512xi32, #tpu.memory_space<hbm>> -> memref<512xi32, #tpu.memory_space<hbm>>
      %dma_wait3A_558 = arith.constant 0 : i32
      %dma_wait3A_559 = tpu.memref_slice %arg3[%add3A, %dma_wait3A_558] : memref<32x512xi32, #tpu.memory_space<hbm>> -> memref<1x512xi32, #tpu.memory_space<hbm>>
      %dma_wait3A_560 = tpu.memref_squeeze %dma_wait3A_559 : memref<1x512xi32, #tpu.memory_space<hbm>> -> memref<512xi32, #tpu.memory_space<hbm>>
      tpu.wait_dma2 semaphore(%run_scoped3A : memref<!tpu.dma_semaphore, #tpu.memory_space<semaphore_mem>>) src(%dma_wait3A_560 : memref<512xi32, #tpu.memory_space<hbm>>) dst(%arg8 : memref<512xi32, #tpu.memory_space<vmem>>)
      tpu.yield
    }) : () -> ()
    %get3A = arith.constant 0 : index
    %get3A_1 = tpu.vector_load %arg7[%get3A] {strides = array<i32>} : memref<512xi32, #tpu.memory_space<vmem>>, vector<16xi32>,
    %shift_right_arithmetic3A = arith.constant 2 : i32
    %shift_right_arithmetic3A_2 = vector.broadcast %shift_right_arithmetic3A : i32 to vector<16xi32>
    %shift_right_arithmetic3A_3 = arith.shrsi %get3A_1, %shift_right_arithmetic3A_2 : vector<16xi32>
    %swap3A = arith.constant 0 : index
    %swap3A_4 = tpu.vector_load %arg9[%swap3A] {strides = array<i32>} : memref<512xi32, #tpu.memory_space<vmem>>, vector<16xi32>,
    tpu.vector_store %arg9[%swap3A], %shift_right_arithmetic3A_3 {strides = array<i32>} : memref<512xi32, #tpu.memory_space<vmem>>, vector<16xi32>,
    %get3A_5 = arith.constant 0 : index
    %get3A_6 = tpu.vector_load %arg8[%get3A_5] {strides = array<i32>} : memref<512xi32, #tpu.memory_space<vmem>>, vector<16xi32>,
    %shift_right_arithmetic3A_7 = arith.constant 2 : i32
    %shift_right_arithmetic3A_8 = vector.broadcast %shift_right_arithmetic3A_7 : i32 to vector<16xi32>
    %shift_right_arithmetic3A_9 = arith.shrsi %get3A_6, %shift_right_arithmetic3A_8 : vector<16xi32>
    %swap3A_10 = arith.constant 0 : index
    %swap3A_11 = tpu.vector_load %arg10[%swap3A_10] {strides = array<i32>} : memref<512xi32, #tpu.memory_space<vmem>>, vector<16xi32>,
    tpu.vector_store %arg10[%swap3A_10], %shift_right_arithmetic3A_9 {strides = array<i32>} : memref<512xi32, #tpu.memory_space<vmem>>, vector<16xi32>,
    %get3A_12 = arith.constant 16 : index
    %get3A_13 = tpu.vector_load %arg7[%get3A_12] {strides = array<i32>} : memref<512xi32, #tpu.memory_space<vmem>>, vector<16xi32>,
    %shift_right_arithmetic3A_14 = arith.constant 2 : i32
    %shift_right_arithmetic3A_15 = vector.broadcast %shift_right_arithmetic3A_14 : i32 to vector<16xi32>
    %shift_right_arithmetic3A_16 = arith.shrsi %get3A_13, %shift_right_arithmetic3A_15 : vector<16xi32>
    %swap3A_17 = arith.constant 16 : index
    %swap3A_18 = tpu.vector_load %arg9[%swap3A_17] {strides = array<i32>} : memref<512xi32, #tpu.memory_space<vmem>>, vector<16xi32>,
    tpu.vector_store %arg9[%swap3A_17], %shift_right_arithmetic3A_16 {strides = array<i32>} : memref<512xi32, #tpu.memory_space<vmem>>, vector<16xi32>,
    %get3A_19 = arith.constant 16 : index
    %get3A_20 = tpu.vector_load %arg8[%get3A_19] {strides = array<i32>} : memref<512xi32, #tpu.memory_space<vmem>>, vector<16xi32>,
    %shift_right_arithmetic3A_21 = arith.constant 2 : i32
    %shift_right_arithmetic3A_22 = vector.broadcast %shift_right_arithmetic3A_21 : i32 to vector<16xi32>
    %shift_right_arithmetic3A_23 = arith.shrsi %get3A_20, %shift_right_arithmetic3A_22 : vector<16xi32>
    %swap3A_24 = arith.constant 16 : index
    %swap3A_25 = tpu.vector_load %arg10[%swap3A_24] {strides = array<i32>} : memref<512xi32, #tpu.memory_space<vmem>>, vector<16xi32>,
    tpu.vector_store %arg10[%swap3A_24], %shift_right_arithmetic3A_23 {strides = array<i32>} : memref<512xi32, #tpu.memory_space<vmem>>, vector<16xi32>,
    %get3A_26 = arith.constant 32 : index
    %get3A_27 = tpu.vector_load %arg7[%get3A_26] {strides = array<i32>} : memref<512xi32, #tpu.memory_space<vmem>>, vector<16xi32>,
    %shift_right_arithmetic3A_28 = arith.constant 2 : i32
    %shift_right_arithmetic3A_29 = vector.broadcast %shift_right_arithmetic3A_28 : i32 to vector<16xi32>
    %shift_right_arithmetic3A_30 = arith.shrsi %get3A_27, %shift_right_arithmetic3A_29 : vector<16xi32>
    %swap3A_31 = arith.constant 32 : index
    %swap3A_32 = tpu.vector_load %arg9[%swap3A_31] {strides = array<i32>} : memref<512xi32, #tpu.memory_space<vmem>>, vector<16xi32>,
    tpu.vector_store %arg9[%swap3A_31], %shift_right_arithmetic3A_30 {strides = array<i32>} : memref<512xi32, #tpu.memory_space<vmem>>, vector<16xi32>,
    %get3A_33 = arith.constant 32 : index
    %get3A_34 = tpu.vector_load %arg8[%get3A_33] {strides = array<i32>} : memref<512xi32, #tpu.memory_space<vmem>>, vector<16xi32>,
    %shift_right_arithmetic3A_35 = arith.constant 2 : i32
    %shift_right_arithmetic3A_36 = vector.broadcast %shift_right_arithmetic3A_35 : i32 to vector<16xi32>
    %shift_right_arithmetic3A_37 = arith.shrsi %get3A_34, %shift_right_arithmetic3A_36 : vector<16xi32>
    %swap3A_38 = arith.constant 32 : index
    %swap3A_39 = tpu.vector_load %arg10[%swap3A_38] {strides = array<i32>} : memref<512xi32, #tpu.memory_space<vmem>>, vector<16xi32>,
    tpu.vector_store %arg10[%swap3A_38], %shift_right_arithmetic3A_37 {strides = array<i32>} : memref<512xi32, #tpu.memory_space<vmem>>, vector<16xi32>,
    %get3A_40 = arith.constant 48 : index
    %get3A_41 = tpu.vector_load %arg7[%get3A_40] {strides = array<i32>} : memref<512xi32, #tpu.memory_space<vmem>>, vector<16xi32>,
    %shift_right_arithmetic3A_42 = arith.constant 2 : i32
    %shift_right_arithmetic3A_43 = vector.broadcast %shift_right_arithmetic3A_42 : i32 to vector<16xi32>
    %shift_right_arithmetic3A_44 = arith.shrsi %get3A_41, %shift_right_arithmetic3A_43 : vector<16xi32>
    %swap3A_45 = arith.constant 48 : index
    %swap3A_46 = tpu.vector_load %arg9[%swap3A_45] {strides = array<i32>} : memref<512xi32, #tpu.memory_space<vmem>>, vector<16xi32>,
    tpu.vector_store %arg9[%swap3A_45], %shift_right_arithmetic3A_44 {strides = array<i32>} : memref<512xi32, #tpu.memory_space<vmem>>, vector<16xi32>,
    %get3A_47 = arith.constant 48 : index
    %get3A_48 = tpu.vector_load %arg8[%get3A_47] {strides = array<i32>} : memref<512xi32, #tpu.memory_space<vmem>>, vector<16xi32>,
    %shift_right_arithmetic3A_49 = arith.constant 2 : i32
    %shift_right_arithmetic3A_50 = vector.broadcast %shift_right_arithmetic3A_49 : i32 to vector<16xi32>
    %shift_right_arithmetic3A_51 = arith.shrsi %get3A_48, %shift_right_arithmetic3A_50 : vector<16xi32>
    %swap3A_52 = arith.constant 48 : index
    %swap3A_53 = tpu.vector_load %arg10[%swap3A_52] {strides = array<i32>} : memref<512xi32, #tpu.memory_space<vmem>>, vector<16xi32>,
    tpu.vector_store %arg10[%swap3A_52], %shift_right_arithmetic3A_51 {strides = array<i32>} : memref<512xi32, #tpu.memory_space<vmem>>, vector<16xi32>,
    %get3A_54 = arith.constant 64 : index
    %get3A_55 = tpu.vector_load %arg7[%get3A_54] {strides = array<i32>} : memref<512xi32, #tpu.memory_space<vmem>>, vector<16xi32>,
    %shift_right_arithmetic3A_56 = arith.constant 2 : i32
    %shift_right_arithmetic3A_57 = vector.broadcast %shift_right_arithmetic3A_56 : i32 to vector<16xi32>
    %shift_right_arithmetic3A_58 = arith.shrsi %get3A_55, %shift_right_arithmetic3A_57 : vector<16xi32>
    %swap3A_59 = arith.constant 64 : index
    %swap3A_60 = tpu.vector_load %arg9[%swap3A_59] {strides = array<i32>} : memref<512xi32, #tpu.memory_space<vmem>>, vector<16xi32>,
    tpu.vector_store %arg9[%swap3A_59], %shift_right_arithmetic3A_58 {strides = array<i32>} : memref<512xi32, #tpu.memory_space<vmem>>, vector<16xi32>,
    %get3A_61 = arith.constant 64 : index
    %get3A_62 = tpu.vector_load %arg8[%get3A_61] {strides = array<i32>} : memref<512xi32, #tpu.memory_space<vmem>>, vector<16xi32>,
    %shift_right_arithmetic3A_63 = arith.constant 2 : i32
    %shift_right_arithmetic3A_64 = vector.broadcast %shift_right_arithmetic3A_63 : i32 to vector<16xi32>
    %shift_right_arithmetic3A_65 = arith.shrsi %get3A_62, %shift_right_arithmetic3A_64 : vector<16xi32>
    %swap3A_66 = arith.constant 64 : index
    %swap3A_67 = tpu.vector_load %arg10[%swap3A_66] {strides = array<i32>} : memref<512xi32, #tpu.memory_space<vmem>>, vector<16xi32>,
    tpu.vector_store %arg10[%swap3A_66], %shift_right_arithmetic3A_65 {strides = array<i32>} : memref<512xi32, #tpu.memory_space<vmem>>, vector<16xi32>,
    %get3A_68 = arith.constant 80 : index
    %get3A_69 = tpu.vector_load %arg7[%get3A_68] {strides = array<i32>} : memref<512xi32, #tpu.memory_space<vmem>>, vector<16xi32>,
    %shift_right_arithmetic3A_70 = arith.constant 2 : i32
    %shift_right_arithmetic3A_71 = vector.broadcast %shift_right_arithmetic3A_70 : i32 to vector<16xi32>
    %shift_right_arithmetic3A_72 = arith.shrsi %get3A_69, %shift_right_arithmetic3A_71 : vector<16xi32>
    %swap3A_73 = arith.constant 80 : index
    %swap3A_74 = tpu.vector_load %arg9[%swap3A_73] {strides = array<i32>} : memref<512xi32, #tpu.memory_space<vmem>>, vector<16xi32>,
    tpu.vector_store %arg9[%swap3A_73], %shift_right_arithmetic3A_72 {strides = array<i32>} : memref<512xi32, #tpu.memory_space<vmem>>, vector<16xi32>,
    %get3A_75 = arith.constant 80 : index
    %get3A_76 = tpu.vector_load %arg8[%get3A_75] {strides = array<i32>} : memref<512xi32, #tpu.memory_space<vmem>>, vector<16xi32>,
    %shift_right_arithmetic3A_77 = arith.constant 2 : i32
    %shift_right_arithmetic3A_78 = vector.broadcast %shift_right_arithmetic3A_77 : i32 to vector<16xi32>
    %shift_right_arithmetic3A_79 = arith.shrsi %get3A_76, %shift_right_arithmetic3A_78 : vector<16xi32>
    %swap3A_80 = arith.constant 80 : index
    %swap3A_81 = tpu.vector_load %arg10[%swap3A_80] {strides = array<i32>} : memref<512xi32, #tpu.memory_space<vmem>>, vector<16xi32>,
    tpu.vector_store %arg10[%swap3A_80], %shift_right_arithmetic3A_79 {strides = array<i32>} : memref<512xi32, #tpu.memory_space<vmem>>, vector<16xi32>,
    %get3A_82 = arith.constant 96 : index
    %get3A_83 = tpu.vector_load %arg7[%get3A_82] {strides = array<i32>} : memref<512xi32, #tpu.memory_space<vmem>>, vector<16xi32>,
    %shift_right_arithmetic3A_84 = arith.constant 2 : i32
    %shift_right_arithmetic3A_85 = vector.broadcast %shift_right_arithmetic3A_84 : i32 to vector<16xi32>
    %shift_right_arithmetic3A_86 = arith.shrsi %get3A_83, %shift_right_arithmetic3A_85 : vector<16xi32>
    %swap3A_87 = arith.constant 96 : index
    %swap3A_88 = tpu.vector_load %arg9[%swap3A_87] {strides = array<i32>} : memref<512xi32, #tpu.memory_space<vmem>>, vector<16xi32>,
    tpu.vector_store %arg9[%swap3A_87], %shift_right_arithmetic3A_86 {strides = array<i32>} : memref<512xi32, #tpu.memory_space<vmem>>, vector<16xi32>,
    %get3A_89 = arith.constant 96 : index
    %get3A_90 = tpu.vector_load %arg8[%get3A_89] {strides = array<i32>} : memref<512xi32, #tpu.memory_space<vmem>>, vector<16xi32>,
    %shift_right_arithmetic3A_91 = arith.constant 2 : i32
    %shift_right_arithmetic3A_92 = vector.broadcast %shift_right_arithmetic3A_91 : i32 to vector<16xi32>
    %shift_right_arithmetic3A_93 = arith.shrsi %get3A_90, %shift_right_arithmetic3A_92 : vector<16xi32>
    %swap3A_94 = arith.constant 96 : index
    %swap3A_95 = tpu.vector_load %arg10[%swap3A_94] {strides = array<i32>} : memref<512xi32, #tpu.memory_space<vmem>>, vector<16xi32>,
    tpu.vector_store %arg10[%swap3A_94], %shift_right_arithmetic3A_93 {strides = array<i32>} : memref<512xi32, #tpu.memory_space<vmem>>, vector<16xi32>,
    %get3A_96 = arith.constant 112 : index
    %get3A_97 = tpu.vector_load %arg7[%get3A_96] {strides = array<i32>} : memref<512xi32, #tpu.memory_space<vmem>>, vector<16xi32>,
    %shift_right_arithmetic3A_98 = arith.constant 2 : i32
    %shift_right_arithmetic3A_99 = vector.broadcast %shift_right_arithmetic3A_98 : i32 to vector<16xi32>
    %shift_right_arithmetic3A_100 = arith.shrsi %get3A_97, %shift_right_arithmetic3A_99 : vector<16xi32>
    %swap3A_101 = arith.constant 112 : index
    %swap3A_102 = tpu.vector_load %arg9[%swap3A_101] {strides = array<i32>} : memref<512xi32, #tpu.memory_space<vmem>>, vector<16xi32>,
    tpu.vector_store %arg9[%swap3A_101], %shift_right_arithmetic3A_100 {strides = array<i32>} : memref<512xi32, #tpu.memory_space<vmem>>, vector<16xi32>,
    %get3A_103 = arith.constant 112 : index
    %get3A_104 = tpu.vector_load %arg8[%get3A_103] {strides = array<i32>} : memref<512xi32, #tpu.memory_space<vmem>>, vector<16xi32>,
    %shift_right_arithmetic3A_105 = arith.constant 2 : i32
    %shift_right_arithmetic3A_106 = vector.broadcast %shift_right_arithmetic3A_105 : i32 to vector<16xi32>
    %shift_right_arithmetic3A_107 = arith.shrsi %get3A_104, %shift_right_arithmetic3A_106 : vector<16xi32>
    %swap3A_108 = arith.constant 112 : index
    %swap3A_109 = tpu.vector_load %arg10[%swap3A_108] {strides = array<i32>} : memref<512xi32, #tpu.memory_space<vmem>>, vector<16xi32>,
    tpu.vector_store %arg10[%swap3A_108], %shift_right_arithmetic3A_107 {strides = array<i32>} : memref<512xi32, #tpu.memory_space<vmem>>, vector<16xi32>,
    %get3A_110 = arith.constant 128 : index
    %get3A_111 = tpu.vector_load %arg7[%get3A_110] {strides = array<i32>} : memref<512xi32, #tpu.memory_space<vmem>>, vector<16xi32>,
    %shift_right_arithmetic3A_112 = arith.constant 2 : i32
    %shift_right_arithmetic3A_113 = vector.broadcast %shift_right_arithmetic3A_112 : i32 to vector<16xi32>
    %shift_right_arithmetic3A_114 = arith.shrsi %get3A_111, %shift_right_arithmetic3A_113 : vector<16xi32>
    %swap3A_115 = arith.constant 128 : index
    %swap3A_116 = tpu.vector_load %arg9[%swap3A_115] {strides = array<i32>} : memref<512xi32, #tpu.memory_space<vmem>>, vector<16xi32>,
    tpu.vector_store %arg9[%swap3A_115], %shift_right_arithmetic3A_114 {strides = array<i32>} : memref<512xi32, #tpu.memory_space<vmem>>, vector<16xi32>,
    %get3A_117 = arith.constant 128 : index
    %get3A_118 = tpu.vector_load %arg8[%get3A_117] {strides = array<i32>} : memref<512xi32, #tpu.memory_space<vmem>>, vector<16xi32>,
    %shift_right_arithmetic3A_119 = arith.constant 2 : i32
    %shift_right_arithmetic3A_120 = vector.broadcast %shift_right_arithmetic3A_119 : i32 to vector<16xi32>
    %shift_right_arithmetic3A_121 = arith.shrsi %get3A_118, %shift_right_arithmetic3A_120 : vector<16xi32>
    %swap3A_122 = arith.constant 128 : index
    %swap3A_123 = tpu.vector_load %arg10[%swap3A_122] {strides = array<i32>} : memref<512xi32, #tpu.memory_space<vmem>>, vector<16xi32>,
    tpu.vector_store %arg10[%swap3A_122], %shift_right_arithmetic3A_121 {strides = array<i32>} : memref<512xi32, #tpu.memory_space<vmem>>, vector<16xi32>,
    %get3A_124 = arith.constant 144 : index
    %get3A_125 = tpu.vector_load %arg7[%get3A_124] {strides = array<i32>} : memref<512xi32, #tpu.memory_space<vmem>>, vector<16xi32>,
    %shift_right_arithmetic3A_126 = arith.constant 2 : i32
    %shift_right_arithmetic3A_127 = vector.broadcast %shift_right_arithmetic3A_126 : i32 to vector<16xi32>
    %shift_right_arithmetic3A_128 = arith.shrsi %get3A_125, %shift_right_arithmetic3A_127 : vector<16xi32>
    %swap3A_129 = arith.constant 144 : index
    %swap3A_130 = tpu.vector_load %arg9[%swap3A_129] {strides = array<i32>} : memref<512xi32, #tpu.memory_space<vmem>>, vector<16xi32>,
    tpu.vector_store %arg9[%swap3A_129], %shift_right_arithmetic3A_128 {strides = array<i32>} : memref<512xi32, #tpu.memory_space<vmem>>, vector<16xi32>,
    %get3A_131 = arith.constant 144 : index
    %get3A_132 = tpu.vector_load %arg8[%get3A_131] {strides = array<i32>} : memref<512xi32, #tpu.memory_space<vmem>>, vector<16xi32>,
    %shift_right_arithmetic3A_133 = arith.constant 2 : i32
    %shift_right_arithmetic3A_134 = vector.broadcast %shift_right_arithmetic3A_133 : i32 to vector<16xi32>
    %shift_right_arithmetic3A_135 = arith.shrsi %get3A_132, %shift_right_arithmetic3A_134 : vector<16xi32>
    %swap3A_136 = arith.constant 144 : index
    %swap3A_137 = tpu.vector_load %arg10[%swap3A_136] {strides = array<i32>} : memref<512xi32, #tpu.memory_space<vmem>>, vector<16xi32>,
    tpu.vector_store %arg10[%swap3A_136], %shift_right_arithmetic3A_135 {strides = array<i32>} : memref<512xi32, #tpu.memory_space<vmem>>, vector<16xi32>,
    %get3A_138 = arith.constant 160 : index
    %get3A_139 = tpu.vector_load %arg7[%get3A_138] {strides = array<i32>} : memref<512xi32, #tpu.memory_space<vmem>>, vector<16xi32>,
    %shift_right_arithmetic3A_140 = arith.constant 2 : i32
    %shift_right_arithmetic3A_141 = vector.broadcast %shift_right_arithmetic3A_140 : i32 to vector<16xi32>
    %shift_right_arithmetic3A_142 = arith.shrsi %get3A_139, %shift_right_arithmetic3A_141 : vector<16xi32>
    %swap3A_143 = arith.constant 160 : index
    %swap3A_144 = tpu.vector_load %arg9[%swap3A_143] {strides = array<i32>} : memref<512xi32, #tpu.memory_space<vmem>>, vector<16xi32>,
    tpu.vector_store %arg9[%swap3A_143], %shift_right_arithmetic3A_142 {strides = array<i32>} : memref<512xi32, #tpu.memory_space<vmem>>, vector<16xi32>,
    %get3A_145 = arith.constant 160 : index
    %get3A_146 = tpu.vector_load %arg8[%get3A_145] {strides = array<i32>} : memref<512xi32, #tpu.memory_space<vmem>>, vector<16xi32>,
    %shift_right_arithmetic3A_147 = arith.constant 2 : i32
    %shift_right_arithmetic3A_148 = vector.broadcast %shift_right_arithmetic3A_147 : i32 to vector<16xi32>
    %shift_right_arithmetic3A_149 = arith.shrsi %get3A_146, %shift_right_arithmetic3A_148 : vector<16xi32>
    %swap3A_150 = arith.constant 160 : index
    %swap3A_151 = tpu.vector_load %arg10[%swap3A_150] {strides = array<i32>} : memref<512xi32, #tpu.memory_space<vmem>>, vector<16xi32>,
    tpu.vector_store %arg10[%swap3A_150], %shift_right_arithmetic3A_149 {strides = array<i32>} : memref<512xi32, #tpu.memory_space<vmem>>, vector<16xi32>,
    %get3A_152 = arith.constant 176 : index
    %get3A_153 = tpu.vector_load %arg7[%get3A_152] {strides = array<i32>} : memref<512xi32, #tpu.memory_space<vmem>>, vector<16xi32>,
    %shift_right_arithmetic3A_154 = arith.constant 2 : i32
    %shift_right_arithmetic3A_155 = vector.broadcast %shift_right_arithmetic3A_154 : i32 to vector<16xi32>
    %shift_right_arithmetic3A_156 = arith.shrsi %get3A_153, %shift_right_arithmetic3A_155 : vector<16xi32>
    %swap3A_157 = arith.constant 176 : index
    %swap3A_158 = tpu.vector_load %arg9[%swap3A_157] {strides = array<i32>} : memref<512xi32, #tpu.memory_space<vmem>>, vector<16xi32>,
    tpu.vector_store %arg9[%swap3A_157], %shift_right_arithmetic3A_156 {strides = array<i32>} : memref<512xi32, #tpu.memory_space<vmem>>, vector<16xi32>,
    %get3A_159 = arith.constant 176 : index
    %get3A_160 = tpu.vector_load %arg8[%get3A_159] {strides = array<i32>} : memref<512xi32, #tpu.memory_space<vmem>>, vector<16xi32>,
    %shift_right_arithmetic3A_161 = arith.constant 2 : i32
    %shift_right_arithmetic3A_162 = vector.broadcast %shift_right_arithmetic3A_161 : i32 to vector<16xi32>
    %shift_right_arithmetic3A_163 = arith.shrsi %get3A_160, %shift_right_arithmetic3A_162 : vector<16xi32>
    %swap3A_164 = arith.constant 176 : index
    %swap3A_165 = tpu.vector_load %arg10[%swap3A_164] {strides = array<i32>} : memref<512xi32, #tpu.memory_space<vmem>>, vector<16xi32>,
    tpu.vector_store %arg10[%swap3A_164], %shift_right_arithmetic3A_163 {strides = array<i32>} : memref<512xi32, #tpu.memory_space<vmem>>, vector<16xi32>,
    %get3A_166 = arith.constant 192 : index
    %get3A_167 = tpu.vector_load %arg7[%get3A_166] {strides = array<i32>} : memref<512xi32, #tpu.memory_space<vmem>>, vector<16xi32>,
    %shift_right_arithmetic3A_168 = arith.constant 2 : i32
    %shift_right_arithmetic3A_169 = vector.broadcast %shift_right_arithmetic3A_168 : i32 to vector<16xi32>
    %shift_right_arithmetic3A_170 = arith.shrsi %get3A_167, %shift_right_arithmetic3A_169 : vector<16xi32>
    %swap3A_171 = arith.constant 192 : index
    %swap3A_172 = tpu.vector_load %arg9[%swap3A_171] {strides = array<i32>} : memref<512xi32, #tpu.memory_space<vmem>>, vector<16xi32>,
    tpu.vector_store %arg9[%swap3A_171], %shift_right_arithmetic3A_170 {strides = array<i32>} : memref<512xi32, #tpu.memory_space<vmem>>, vector<16xi32>,
    %get3A_173 = arith.constant 192 : index
    %get3A_174 = tpu.vector_load %arg8[%get3A_173] {strides = array<i32>} : memref<512xi32, #tpu.memory_space<vmem>>, vector<16xi32>,
    %shift_right_arithmetic3A_175 = arith.constant 2 : i32
    %shift_right_arithmetic3A_176 = vector.broadcast %shift_right_arithmetic3A_175 : i32 to vector<16xi32>
    %shift_right_arithmetic3A_177 = arith.shrsi %get3A_174, %shift_right_arithmetic3A_176 : vector<16xi32>
    %swap3A_178 = arith.constant 192 : index
    %swap3A_179 = tpu.vector_load %arg10[%swap3A_178] {strides = array<i32>} : memref<512xi32, #tpu.memory_space<vmem>>, vector<16xi32>,
    tpu.vector_store %arg10[%swap3A_178], %shift_right_arithmetic3A_177 {strides = array<i32>} : memref<512xi32, #tpu.memory_space<vmem>>, vector<16xi32>,
    %get3A_180 = arith.constant 208 : index
    %get3A_181 = tpu.vector_load %arg7[%get3A_180] {strides = array<i32>} : memref<512xi32, #tpu.memory_space<vmem>>, vector<16xi32>,
    %shift_right_arithmetic3A_182 = arith.constant 2 : i32
    %shift_right_arithmetic3A_183 = vector.broadcast %shift_right_arithmetic3A_182 : i32 to vector<16xi32>
    %shift_right_arithmetic3A_184 = arith.shrsi %get3A_181, %shift_right_arithmetic3A_183 : vector<16xi32>
    %swap3A_185 = arith.constant 208 : index
    %swap3A_186 = tpu.vector_load %arg9[%swap3A_185] {strides = array<i32>} : memref<512xi32, #tpu.memory_space<vmem>>, vector<16xi32>,
    tpu.vector_store %arg9[%swap3A_185], %shift_right_arithmetic3A_184 {strides = array<i32>} : memref<512xi32, #tpu.memory_space<vmem>>, vector<16xi32>,
    %get3A_187 = arith.constant 208 : index
    %get3A_188 = tpu.vector_load %arg8[%get3A_187] {strides = array<i32>} : memref<512xi32, #tpu.memory_space<vmem>>, vector<16xi32>,
    %shift_right_arithmetic3A_189 = arith.constant 2 : i32
    %shift_right_arithmetic3A_190 = vector.broadcast %shift_right_arithmetic3A_189 : i32 to vector<16xi32>
    %shift_right_arithmetic3A_191 = arith.shrsi %get3A_188, %shift_right_arithmetic3A_190 : vector<16xi32>
    %swap3A_192 = arith.constant 208 : index
    %swap3A_193 = tpu.vector_load %arg10[%swap3A_192] {strides = array<i32>} : memref<512xi32, #tpu.memory_space<vmem>>, vector<16xi32>,
    tpu.vector_store %arg10[%swap3A_192], %shift_right_arithmetic3A_191 {strides = array<i32>} : memref<512xi32, #tpu.memory_space<vmem>>, vector<16xi32>,
    %get3A_194 = arith.constant 224 : index
    %get3A_195 = tpu.vector_load %arg7[%get3A_194] {strides = array<i32>} : memref<512xi32, #tpu.memory_space<vmem>>, vector<16xi32>,
    %shift_right_arithmetic3A_196 = arith.constant 2 : i32
    %shift_right_arithmetic3A_197 = vector.broadcast %shift_right_arithmetic3A_196 : i32 to vector<16xi32>
    %shift_right_arithmetic3A_198 = arith.shrsi %get3A_195, %shift_right_arithmetic3A_197 : vector<16xi32>
    %swap3A_199 = arith.constant 224 : index
    %swap3A_200 = tpu.vector_load %arg9[%swap3A_199] {strides = array<i32>} : memref<512xi32, #tpu.memory_space<vmem>>, vector<16xi32>,
    tpu.vector_store %arg9[%swap3A_199], %shift_right_arithmetic3A_198 {strides = array<i32>} : memref<512xi32, #tpu.memory_space<vmem>>, vector<16xi32>,
    %get3A_201 = arith.constant 224 : index
    %get3A_202 = tpu.vector_load %arg8[%get3A_201] {strides = array<i32>} : memref<512xi32, #tpu.memory_space<vmem>>, vector<16xi32>,
    %shift_right_arithmetic3A_203 = arith.constant 2 : i32
    %shift_right_arithmetic3A_204 = vector.broadcast %shift_right_arithmetic3A_203 : i32 to vector<16xi32>
    %shift_right_arithmetic3A_205 = arith.shrsi %get3A_202, %shift_right_arithmetic3A_204 : vector<16xi32>
    %swap3A_206 = arith.constant 224 : index
    %swap3A_207 = tpu.vector_load %arg10[%swap3A_206] {strides = array<i32>} : memref<512xi32, #tpu.memory_space<vmem>>, vector<16xi32>,
    tpu.vector_store %arg10[%swap3A_206], %shift_right_arithmetic3A_205 {strides = array<i32>} : memref<512xi32, #tpu.memory_space<vmem>>, vector<16xi32>,
    %get3A_208 = arith.constant 240 : index
    %get3A_209 = tpu.vector_load %arg7[%get3A_208] {strides = array<i32>} : memref<512xi32, #tpu.memory_space<vmem>>, vector<16xi32>,
    %shift_right_arithmetic3A_210 = arith.constant 2 : i32
    %shift_right_arithmetic3A_211 = vector.broadcast %shift_right_arithmetic3A_210 : i32 to vector<16xi32>
    %shift_right_arithmetic3A_212 = arith.shrsi %get3A_209, %shift_right_arithmetic3A_211 : vector<16xi32>
    %swap3A_213 = arith.constant 240 : index
    %swap3A_214 = tpu.vector_load %arg9[%swap3A_213] {strides = array<i32>} : memref<512xi32, #tpu.memory_space<vmem>>, vector<16xi32>,
    tpu.vector_store %arg9[%swap3A_213], %shift_right_arithmetic3A_212 {strides = array<i32>} : memref<512xi32, #tpu.memory_space<vmem>>, vector<16xi32>,
    %get3A_215 = arith.constant 240 : index
    %get3A_216 = tpu.vector_load %arg8[%get3A_215] {strides = array<i32>} : memref<512xi32, #tpu.memory_space<vmem>>, vector<16xi32>,
    %shift_right_arithmetic3A_217 = arith.constant 2 : i32
    %shift_right_arithmetic3A_218 = vector.broadcast %shift_right_arithmetic3A_217 : i32 to vector<16xi32>
    %shift_right_arithmetic3A_219 = arith.shrsi %get3A_216, %shift_right_arithmetic3A_218 : vector<16xi32>
    %swap3A_220 = arith.constant 240 : index
    %swap3A_221 = tpu.vector_load %arg10[%swap3A_220] {strides = array<i32>} : memref<512xi32, #tpu.memory_space<vmem>>, vector<16xi32>,
    tpu.vector_store %arg10[%swap3A_220], %shift_right_arithmetic3A_219 {strides = array<i32>} : memref<512xi32, #tpu.memory_space<vmem>>, vector<16xi32>,
    %get3A_222 = arith.constant 256 : index
    %get3A_223 = tpu.vector_load %arg7[%get3A_222] {strides = array<i32>} : memref<512xi32, #tpu.memory_space<vmem>>, vector<16xi32>,
    %shift_right_arithmetic3A_224 = arith.constant 2 : i32
    %shift_right_arithmetic3A_225 = vector.broadcast %shift_right_arithmetic3A_224 : i32 to vector<16xi32>
    %shift_right_arithmetic3A_226 = arith.shrsi %get3A_223, %shift_right_arithmetic3A_225 : vector<16xi32>
    %swap3A_227 = arith.constant 256 : index
    %swap3A_228 = tpu.vector_load %arg9[%swap3A_227] {strides = array<i32>} : memref<512xi32, #tpu.memory_space<vmem>>, vector<16xi32>,
    tpu.vector_store %arg9[%swap3A_227], %shift_right_arithmetic3A_226 {strides = array<i32>} : memref<512xi32, #tpu.memory_space<vmem>>, vector<16xi32>,
    %get3A_229 = arith.constant 256 : index
    %get3A_230 = tpu.vector_load %arg8[%get3A_229] {strides = array<i32>} : memref<512xi32, #tpu.memory_space<vmem>>, vector<16xi32>,
    %shift_right_arithmetic3A_231 = arith.constant 2 : i32
    %shift_right_arithmetic3A_232 = vector.broadcast %shift_right_arithmetic3A_231 : i32 to vector<16xi32>
    %shift_right_arithmetic3A_233 = arith.shrsi %get3A_230, %shift_right_arithmetic3A_232 : vector<16xi32>
    %swap3A_234 = arith.constant 256 : index
    %swap3A_235 = tpu.vector_load %arg10[%swap3A_234] {strides = array<i32>} : memref<512xi32, #tpu.memory_space<vmem>>, vector<16xi32>,
    tpu.vector_store %arg10[%swap3A_234], %shift_right_arithmetic3A_233 {strides = array<i32>} : memref<512xi32, #tpu.memory_space<vmem>>, vector<16xi32>,
    %get3A_236 = arith.constant 272 : index
    %get3A_237 = tpu.vector_load %arg7[%get3A_236] {strides = array<i32>} : memref<512xi32, #tpu.memory_space<vmem>>, vector<16xi32>,
    %shift_right_arithmetic3A_238 = arith.constant 2 : i32
    %shift_right_arithmetic3A_239 = vector.broadcast %shift_right_arithmetic3A_238 : i32 to vector<16xi32>
    %shift_right_arithmetic3A_240 = arith.shrsi %get3A_237, %shift_right_arithmetic3A_239 : vector<16xi32>
    %swap3A_241 = arith.constant 272 : index
    %swap3A_242 = tpu.vector_load %arg9[%swap3A_241] {strides = array<i32>} : memref<512xi32, #tpu.memory_space<vmem>>, vector<16xi32>,
    tpu.vector_store %arg9[%swap3A_241], %shift_right_arithmetic3A_240 {strides = array<i32>} : memref<512xi32, #tpu.memory_space<vmem>>, vector<16xi32>,
    %get3A_243 = arith.constant 272 : index
    %get3A_244 = tpu.vector_load %arg8[%get3A_243] {strides = array<i32>} : memref<512xi32, #tpu.memory_space<vmem>>, vector<16xi32>,
    %shift_right_arithmetic3A_245 = arith.constant 2 : i32
    %shift_right_arithmetic3A_246 = vector.broadcast %shift_right_arithmetic3A_245 : i32 to vector<16xi32>
    %shift_right_arithmetic3A_247 = arith.shrsi %get3A_244, %shift_right_arithmetic3A_246 : vector<16xi32>
    %swap3A_248 = arith.constant 272 : index
    %swap3A_249 = tpu.vector_load %arg10[%swap3A_248] {strides = array<i32>} : memref<512xi32, #tpu.memory_space<vmem>>, vector<16xi32>,
    tpu.vector_store %arg10[%swap3A_248], %shift_right_arithmetic3A_247 {strides = array<i32>} : memref<512xi32, #tpu.memory_space<vmem>>, vector<16xi32>,
    %get3A_250 = arith.constant 288 : index
    %get3A_251 = tpu.vector_load %arg7[%get3A_250] {strides = array<i32>} : memref<512xi32, #tpu.memory_space<vmem>>, vector<16xi32>,
    %shift_right_arithmetic3A_252 = arith.constant 2 : i32
    %shift_right_arithmetic3A_253 = vector.broadcast %shift_right_arithmetic3A_252 : i32 to vector<16xi32>
    %shift_right_arithmetic3A_254 = arith.shrsi %get3A_251, %shift_right_arithmetic3A_253 : vector<16xi32>
    %swap3A_255 = arith.constant 288 : index
    %swap3A_256 = tpu.vector_load %arg9[%swap3A_255] {strides = array<i32>} : memref<512xi32, #tpu.memory_space<vmem>>, vector<16xi32>,
    tpu.vector_store %arg9[%swap3A_255], %shift_right_arithmetic3A_254 {strides = array<i32>} : memref<512xi32, #tpu.memory_space<vmem>>, vector<16xi32>,
    %get3A_257 = arith.constant 288 : index
    %get3A_258 = tpu.vector_load %arg8[%get3A_257] {strides = array<i32>} : memref<512xi32, #tpu.memory_space<vmem>>, vector<16xi32>,
    %shift_right_arithmetic3A_259 = arith.constant 2 : i32
    %shift_right_arithmetic3A_260 = vector.broadcast %shift_right_arithmetic3A_259 : i32 to vector<16xi32>
    %shift_right_arithmetic3A_261 = arith.shrsi %get3A_258, %shift_right_arithmetic3A_260 : vector<16xi32>
    %swap3A_262 = arith.constant 288 : index
    %swap3A_263 = tpu.vector_load %arg10[%swap3A_262] {strides = array<i32>} : memref<512xi32, #tpu.memory_space<vmem>>, vector<16xi32>,
    tpu.vector_store %arg10[%swap3A_262], %shift_right_arithmetic3A_261 {strides = array<i32>} : memref<512xi32, #tpu.memory_space<vmem>>, vector<16xi32>,
    %get3A_264 = arith.constant 304 : index
    %get3A_265 = tpu.vector_load %arg7[%get3A_264] {strides = array<i32>} : memref<512xi32, #tpu.memory_space<vmem>>, vector<16xi32>,
    %shift_right_arithmetic3A_266 = arith.constant 2 : i32
    %shift_right_arithmetic3A_267 = vector.broadcast %shift_right_arithmetic3A_266 : i32 to vector<16xi32>
    %shift_right_arithmetic3A_268 = arith.shrsi %get3A_265, %shift_right_arithmetic3A_267 : vector<16xi32>
    %swap3A_269 = arith.constant 304 : index
    %swap3A_270 = tpu.vector_load %arg9[%swap3A_269] {strides = array<i32>} : memref<512xi32, #tpu.memory_space<vmem>>, vector<16xi32>,
    tpu.vector_store %arg9[%swap3A_269], %shift_right_arithmetic3A_268 {strides = array<i32>} : memref<512xi32, #tpu.memory_space<vmem>>, vector<16xi32>,
    %get3A_271 = arith.constant 304 : index
    %get3A_272 = tpu.vector_load %arg8[%get3A_271] {strides = array<i32>} : memref<512xi32, #tpu.memory_space<vmem>>, vector<16xi32>,
    %shift_right_arithmetic3A_273 = arith.constant 2 : i32
    %shift_right_arithmetic3A_274 = vector.broadcast %shift_right_arithmetic3A_273 : i32 to vector<16xi32>
    %shift_right_arithmetic3A_275 = arith.shrsi %get3A_272, %shift_right_arithmetic3A_274 : vector<16xi32>
    %swap3A_276 = arith.constant 304 : index
    %swap3A_277 = tpu.vector_load %arg10[%swap3A_276] {strides = array<i32>} : memref<512xi32, #tpu.memory_space<vmem>>, vector<16xi32>,
    tpu.vector_store %arg10[%swap3A_276], %shift_right_arithmetic3A_275 {strides = array<i32>} : memref<512xi32, #tpu.memory_space<vmem>>, vector<16xi32>,
    %get3A_278 = arith.constant 320 : index
    %get3A_279 = tpu.vector_load %arg7[%get3A_278] {strides = array<i32>} : memref<512xi32, #tpu.memory_space<vmem>>, vector<16xi32>,
    %shift_right_arithmetic3A_280 = arith.constant 2 : i32
    %shift_right_arithmetic3A_281 = vector.broadcast %shift_right_arithmetic3A_280 : i32 to vector<16xi32>
    %shift_right_arithmetic3A_282 = arith.shrsi %get3A_279, %shift_right_arithmetic3A_281 : vector<16xi32>
    %swap3A_283 = arith.constant 320 : index
    %swap3A_284 = tpu.vector_load %arg9[%swap3A_283] {strides = array<i32>} : memref<512xi32, #tpu.memory_space<vmem>>, vector<16xi32>,
    tpu.vector_store %arg9[%swap3A_283], %shift_right_arithmetic3A_282 {strides = array<i32>} : memref<512xi32, #tpu.memory_space<vmem>>, vector<16xi32>,
    %get3A_285 = arith.constant 320 : index
    %get3A_286 = tpu.vector_load %arg8[%get3A_285] {strides = array<i32>} : memref<512xi32, #tpu.memory_space<vmem>>, vector<16xi32>,
    %shift_right_arithmetic3A_287 = arith.constant 2 : i32
    %shift_right_arithmetic3A_288 = vector.broadcast %shift_right_arithmetic3A_287 : i32 to vector<16xi32>
    %shift_right_arithmetic3A_289 = arith.shrsi %get3A_286, %shift_right_arithmetic3A_288 : vector<16xi32>
    %swap3A_290 = arith.constant 320 : index
    %swap3A_291 = tpu.vector_load %arg10[%swap3A_290] {strides = array<i32>} : memref<512xi32, #tpu.memory_space<vmem>>, vector<16xi32>,
    tpu.vector_store %arg10[%swap3A_290], %shift_right_arithmetic3A_289 {strides = array<i32>} : memref<512xi32, #tpu.memory_space<vmem>>, vector<16xi32>,
    %get3A_292 = arith.constant 336 : index
    %get3A_293 = tpu.vector_load %arg7[%get3A_292] {strides = array<i32>} : memref<512xi32, #tpu.memory_space<vmem>>, vector<16xi32>,
    %shift_right_arithmetic3A_294 = arith.constant 2 : i32
    %shift_right_arithmetic3A_295 = vector.broadcast %shift_right_arithmetic3A_294 : i32 to vector<16xi32>
    %shift_right_arithmetic3A_296 = arith.shrsi %get3A_293, %shift_right_arithmetic3A_295 : vector<16xi32>
    %swap3A_297 = arith.constant 336 : index
    %swap3A_298 = tpu.vector_load %arg9[%swap3A_297] {strides = array<i32>} : memref<512xi32, #tpu.memory_space<vmem>>, vector<16xi32>,
    tpu.vector_store %arg9[%swap3A_297], %shift_right_arithmetic3A_296 {strides = array<i32>} : memref<512xi32, #tpu.memory_space<vmem>>, vector<16xi32>,
    %get3A_299 = arith.constant 336 : index
    %get3A_300 = tpu.vector_load %arg8[%get3A_299] {strides = array<i32>} : memref<512xi32, #tpu.memory_space<vmem>>, vector<16xi32>,
    %shift_right_arithmetic3A_301 = arith.constant 2 : i32
    %shift_right_arithmetic3A_302 = vector.broadcast %shift_right_arithmetic3A_301 : i32 to vector<16xi32>
    %shift_right_arithmetic3A_303 = arith.shrsi %get3A_300, %shift_right_arithmetic3A_302 : vector<16xi32>
    %swap3A_304 = arith.constant 336 : index
    %swap3A_305 = tpu.vector_load %arg10[%swap3A_304] {strides = array<i32>} : memref<512xi32, #tpu.memory_space<vmem>>, vector<16xi32>,
    tpu.vector_store %arg10[%swap3A_304], %shift_right_arithmetic3A_303 {strides = array<i32>} : memref<512xi32, #tpu.memory_space<vmem>>, vector<16xi32>,
    %get3A_306 = arith.constant 352 : index
    %get3A_307 = tpu.vector_load %arg7[%get3A_306] {strides = array<i32>} : memref<512xi32, #tpu.memory_space<vmem>>, vector<16xi32>,
    %shift_right_arithmetic3A_308 = arith.constant 2 : i32
    %shift_right_arithmetic3A_309 = vector.broadcast %shift_right_arithmetic3A_308 : i32 to vector<16xi32>
    %shift_right_arithmetic3A_310 = arith.shrsi %get3A_307, %shift_right_arithmetic3A_309 : vector<16xi32>
    %swap3A_311 = arith.constant 352 : index
    %swap3A_312 = tpu.vector_load %arg9[%swap3A_311] {strides = array<i32>} : memref<512xi32, #tpu.memory_space<vmem>>, vector<16xi32>,
    tpu.vector_store %arg9[%swap3A_311], %shift_right_arithmetic3A_310 {strides = array<i32>} : memref<512xi32, #tpu.memory_space<vmem>>, vector<16xi32>,
    %get3A_313 = arith.constant 352 : index
    %get3A_314 = tpu.vector_load %arg8[%get3A_313] {strides = array<i32>} : memref<512xi32, #tpu.memory_space<vmem>>, vector<16xi32>,
    %shift_right_arithmetic3A_315 = arith.constant 2 : i32
    %shift_right_arithmetic3A_316 = vector.broadcast %shift_right_arithmetic3A_315 : i32 to vector<16xi32>
    %shift_right_arithmetic3A_317 = arith.shrsi %get3A_314, %shift_right_arithmetic3A_316 : vector<16xi32>
    %swap3A_318 = arith.constant 352 : index
    %swap3A_319 = tpu.vector_load %arg10[%swap3A_318] {strides = array<i32>} : memref<512xi32, #tpu.memory_space<vmem>>, vector<16xi32>,
    tpu.vector_store %arg10[%swap3A_318], %shift_right_arithmetic3A_317 {strides = array<i32>} : memref<512xi32, #tpu.memory_space<vmem>>, vector<16xi32>,
    %get3A_320 = arith.constant 368 : index
    %get3A_321 = tpu.vector_load %arg7[%get3A_320] {strides = array<i32>} : memref<512xi32, #tpu.memory_space<vmem>>, vector<16xi32>,
    %shift_right_arithmetic3A_322 = arith.constant 2 : i32
    %shift_right_arithmetic3A_323 = vector.broadcast %shift_right_arithmetic3A_322 : i32 to vector<16xi32>
    %shift_right_arithmetic3A_324 = arith.shrsi %get3A_321, %shift_right_arithmetic3A_323 : vector<16xi32>
    %swap3A_325 = arith.constant 368 : index
    %swap3A_326 = tpu.vector_load %arg9[%swap3A_325] {strides = array<i32>} : memref<512xi32, #tpu.memory_space<vmem>>, vector<16xi32>,
    tpu.vector_store %arg9[%swap3A_325], %shift_right_arithmetic3A_324 {strides = array<i32>} : memref<512xi32, #tpu.memory_space<vmem>>, vector<16xi32>,
    %get3A_327 = arith.constant 368 : index
    %get3A_328 = tpu.vector_load %arg8[%get3A_327] {strides = array<i32>} : memref<512xi32, #tpu.memory_space<vmem>>, vector<16xi32>,
    %shift_right_arithmetic3A_329 = arith.constant 2 : i32
    %shift_right_arithmetic3A_330 = vector.broadcast %shift_right_arithmetic3A_329 : i32 to vector<16xi32>
    %shift_right_arithmetic3A_331 = arith.shrsi %get3A_328, %shift_right_arithmetic3A_330 : vector<16xi32>
    %swap3A_332 = arith.constant 368 : index
    %swap3A_333 = tpu.vector_load %arg10[%swap3A_332] {strides = array<i32>} : memref<512xi32, #tpu.memory_space<vmem>>, vector<16xi32>,
    tpu.vector_store %arg10[%swap3A_332], %shift_right_arithmetic3A_331 {strides = array<i32>} : memref<512xi32, #tpu.memory_space<vmem>>, vector<16xi32>,
    %get3A_334 = arith.constant 384 : index
    %get3A_335 = tpu.vector_load %arg7[%get3A_334] {strides = array<i32>} : memref<512xi32, #tpu.memory_space<vmem>>, vector<16xi32>,
    %shift_right_arithmetic3A_336 = arith.constant 2 : i32
    %shift_right_arithmetic3A_337 = vector.broadcast %shift_right_arithmetic3A_336 : i32 to vector<16xi32>
    %shift_right_arithmetic3A_338 = arith.shrsi %get3A_335, %shift_right_arithmetic3A_337 : vector<16xi32>
    %swap3A_339 = arith.constant 384 : index
    %swap3A_340 = tpu.vector_load %arg9[%swap3A_339] {strides = array<i32>} : memref<512xi32, #tpu.memory_space<vmem>>, vector<16xi32>,
    tpu.vector_store %arg9[%swap3A_339], %shift_right_arithmetic3A_338 {strides = array<i32>} : memref<512xi32, #tpu.memory_space<vmem>>, vector<16xi32>,
    %get3A_341 = arith.constant 384 : index
    %get3A_342 = tpu.vector_load %arg8[%get3A_341] {strides = array<i32>} : memref<512xi32, #tpu.memory_space<vmem>>, vector<16xi32>,
    %shift_right_arithmetic3A_343 = arith.constant 2 : i32
    %shift_right_arithmetic3A_344 = vector.broadcast %shift_right_arithmetic3A_343 : i32 to vector<16xi32>
    %shift_right_arithmetic3A_345 = arith.shrsi %get3A_342, %shift_right_arithmetic3A_344 : vector<16xi32>
    %swap3A_346 = arith.constant 384 : index
    %swap3A_347 = tpu.vector_load %arg10[%swap3A_346] {strides = array<i32>} : memref<512xi32, #tpu.memory_space<vmem>>, vector<16xi32>,
    tpu.vector_store %arg10[%swap3A_346], %shift_right_arithmetic3A_345 {strides = array<i32>} : memref<512xi32, #tpu.memory_space<vmem>>, vector<16xi32>,
    %get3A_348 = arith.constant 400 : index
    %get3A_349 = tpu.vector_load %arg7[%get3A_348] {strides = array<i32>} : memref<512xi32, #tpu.memory_space<vmem>>, vector<16xi32>,
    %shift_right_arithmetic3A_350 = arith.constant 2 : i32
    %shift_right_arithmetic3A_351 = vector.broadcast %shift_right_arithmetic3A_350 : i32 to vector<16xi32>
    %shift_right_arithmetic3A_352 = arith.shrsi %get3A_349, %shift_right_arithmetic3A_351 : vector<16xi32>
    %swap3A_353 = arith.constant 400 : index
    %swap3A_354 = tpu.vector_load %arg9[%swap3A_353] {strides = array<i32>} : memref<512xi32, #tpu.memory_space<vmem>>, vector<16xi32>,
    tpu.vector_store %arg9[%swap3A_353], %shift_right_arithmetic3A_352 {strides = array<i32>} : memref<512xi32, #tpu.memory_space<vmem>>, vector<16xi32>,
    %get3A_355 = arith.constant 400 : index
    %get3A_356 = tpu.vector_load %arg8[%get3A_355] {strides = array<i32>} : memref<512xi32, #tpu.memory_space<vmem>>, vector<16xi32>,
    %shift_right_arithmetic3A_357 = arith.constant 2 : i32
    %shift_right_arithmetic3A_358 = vector.broadcast %shift_right_arithmetic3A_357 : i32 to vector<16xi32>
    %shift_right_arithmetic3A_359 = arith.shrsi %get3A_356, %shift_right_arithmetic3A_358 : vector<16xi32>
    %swap3A_360 = arith.constant 400 : index
    %swap3A_361 = tpu.vector_load %arg10[%swap3A_360] {strides = array<i32>} : memref<512xi32, #tpu.memory_space<vmem>>, vector<16xi32>,
    tpu.vector_store %arg10[%swap3A_360], %shift_right_arithmetic3A_359 {strides = array<i32>} : memref<512xi32, #tpu.memory_space<vmem>>, vector<16xi32>,
    %get3A_362 = arith.constant 416 : index
    %get3A_363 = tpu.vector_load %arg7[%get3A_362] {strides = array<i32>} : memref<512xi32, #tpu.memory_space<vmem>>, vector<16xi32>,
    %shift_right_arithmetic3A_364 = arith.constant 2 : i32
    %shift_right_arithmetic3A_365 = vector.broadcast %shift_right_arithmetic3A_364 : i32 to vector<16xi32>
    %shift_right_arithmetic3A_366 = arith.shrsi %get3A_363, %shift_right_arithmetic3A_365 : vector<16xi32>
    %swap3A_367 = arith.constant 416 : index
    %swap3A_368 = tpu.vector_load %arg9[%swap3A_367] {strides = array<i32>} : memref<512xi32, #tpu.memory_space<vmem>>, vector<16xi32>,
    tpu.vector_store %arg9[%swap3A_367], %shift_right_arithmetic3A_366 {strides = array<i32>} : memref<512xi32, #tpu.memory_space<vmem>>, vector<16xi32>,
    %get3A_369 = arith.constant 416 : index
    %get3A_370 = tpu.vector_load %arg8[%get3A_369] {strides = array<i32>} : memref<512xi32, #tpu.memory_space<vmem>>, vector<16xi32>,
    %shift_right_arithmetic3A_371 = arith.constant 2 : i32
    %shift_right_arithmetic3A_372 = vector.broadcast %shift_right_arithmetic3A_371 : i32 to vector<16xi32>
    %shift_right_arithmetic3A_373 = arith.shrsi %get3A_370, %shift_right_arithmetic3A_372 : vector<16xi32>
    %swap3A_374 = arith.constant 416 : index
    %swap3A_375 = tpu.vector_load %arg10[%swap3A_374] {strides = array<i32>} : memref<512xi32, #tpu.memory_space<vmem>>, vector<16xi32>,
    tpu.vector_store %arg10[%swap3A_374], %shift_right_arithmetic3A_373 {strides = array<i32>} : memref<512xi32, #tpu.memory_space<vmem>>, vector<16xi32>,
    %get3A_376 = arith.constant 432 : index
    %get3A_377 = tpu.vector_load %arg7[%get3A_376] {strides = array<i32>} : memref<512xi32, #tpu.memory_space<vmem>>, vector<16xi32>,
    %shift_right_arithmetic3A_378 = arith.constant 2 : i32
    %shift_right_arithmetic3A_379 = vector.broadcast %shift_right_arithmetic3A_378 : i32 to vector<16xi32>
    %shift_right_arithmetic3A_380 = arith.shrsi %get3A_377, %shift_right_arithmetic3A_379 : vector<16xi32>
    %swap3A_381 = arith.constant 432 : index
    %swap3A_382 = tpu.vector_load %arg9[%swap3A_381] {strides = array<i32>} : memref<512xi32, #tpu.memory_space<vmem>>, vector<16xi32>,
    tpu.vector_store %arg9[%swap3A_381], %shift_right_arithmetic3A_380 {strides = array<i32>} : memref<512xi32, #tpu.memory_space<vmem>>, vector<16xi32>,
    %get3A_383 = arith.constant 432 : index
    %get3A_384 = tpu.vector_load %arg8[%get3A_383] {strides = array<i32>} : memref<512xi32, #tpu.memory_space<vmem>>, vector<16xi32>,
    %shift_right_arithmetic3A_385 = arith.constant 2 : i32
    %shift_right_arithmetic3A_386 = vector.broadcast %shift_right_arithmetic3A_385 : i32 to vector<16xi32>
    %shift_right_arithmetic3A_387 = arith.shrsi %get3A_384, %shift_right_arithmetic3A_386 : vector<16xi32>
    %swap3A_388 = arith.constant 432 : index
    %swap3A_389 = tpu.vector_load %arg10[%swap3A_388] {strides = array<i32>} : memref<512xi32, #tpu.memory_space<vmem>>, vector<16xi32>,
    tpu.vector_store %arg10[%swap3A_388], %shift_right_arithmetic3A_387 {strides = array<i32>} : memref<512xi32, #tpu.memory_space<vmem>>, vector<16xi32>,
    %get3A_390 = arith.constant 448 : index
    %get3A_391 = tpu.vector_load %arg7[%get3A_390] {strides = array<i32>} : memref<512xi32, #tpu.memory_space<vmem>>, vector<16xi32>,
    %shift_right_arithmetic3A_392 = arith.constant 2 : i32
    %shift_right_arithmetic3A_393 = vector.broadcast %shift_right_arithmetic3A_392 : i32 to vector<16xi32>
    %shift_right_arithmetic3A_394 = arith.shrsi %get3A_391, %shift_right_arithmetic3A_393 : vector<16xi32>
    %swap3A_395 = arith.constant 448 : index
    %swap3A_396 = tpu.vector_load %arg9[%swap3A_395] {strides = array<i32>} : memref<512xi32, #tpu.memory_space<vmem>>, vector<16xi32>,
    tpu.vector_store %arg9[%swap3A_395], %shift_right_arithmetic3A_394 {strides = array<i32>} : memref<512xi32, #tpu.memory_space<vmem>>, vector<16xi32>,
    %get3A_397 = arith.constant 448 : index
    %get3A_398 = tpu.vector_load %arg8[%get3A_397] {strides = array<i32>} : memref<512xi32, #tpu.memory_space<vmem>>, vector<16xi32>,
    %shift_right_arithmetic3A_399 = arith.constant 2 : i32
    %shift_right_arithmetic3A_400 = vector.broadcast %shift_right_arithmetic3A_399 : i32 to vector<16xi32>
    %shift_right_arithmetic3A_401 = arith.shrsi %get3A_398, %shift_right_arithmetic3A_400 : vector<16xi32>
    %swap3A_402 = arith.constant 448 : index
    %swap3A_403 = tpu.vector_load %arg10[%swap3A_402] {strides = array<i32>} : memref<512xi32, #tpu.memory_space<vmem>>, vector<16xi32>,
    tpu.vector_store %arg10[%swap3A_402], %shift_right_arithmetic3A_401 {strides = array<i32>} : memref<512xi32, #tpu.memory_space<vmem>>, vector<16xi32>,
    %get3A_404 = arith.constant 464 : index
    %get3A_405 = tpu.vector_load %arg7[%get3A_404] {strides = array<i32>} : memref<512xi32, #tpu.memory_space<vmem>>, vector<16xi32>,
    %shift_right_arithmetic3A_406 = arith.constant 2 : i32
    %shift_right_arithmetic3A_407 = vector.broadcast %shift_right_arithmetic3A_406 : i32 to vector<16xi32>
    %shift_right_arithmetic3A_408 = arith.shrsi %get3A_405, %shift_right_arithmetic3A_407 : vector<16xi32>
    %swap3A_409 = arith.constant 464 : index
    %swap3A_410 = tpu.vector_load %arg9[%swap3A_409] {strides = array<i32>} : memref<512xi32, #tpu.memory_space<vmem>>, vector<16xi32>,
    tpu.vector_store %arg9[%swap3A_409], %shift_right_arithmetic3A_408 {strides = array<i32>} : memref<512xi32, #tpu.memory_space<vmem>>, vector<16xi32>,
    %get3A_411 = arith.constant 464 : index
    %get3A_412 = tpu.vector_load %arg8[%get3A_411] {strides = array<i32>} : memref<512xi32, #tpu.memory_space<vmem>>, vector<16xi32>,
    %shift_right_arithmetic3A_413 = arith.constant 2 : i32
    %shift_right_arithmetic3A_414 = vector.broadcast %shift_right_arithmetic3A_413 : i32 to vector<16xi32>
    %shift_right_arithmetic3A_415 = arith.shrsi %get3A_412, %shift_right_arithmetic3A_414 : vector<16xi32>
    %swap3A_416 = arith.constant 464 : index
    %swap3A_417 = tpu.vector_load %arg10[%swap3A_416] {strides = array<i32>} : memref<512xi32, #tpu.memory_space<vmem>>, vector<16xi32>,
    tpu.vector_store %arg10[%swap3A_416], %shift_right_arithmetic3A_415 {strides = array<i32>} : memref<512xi32, #tpu.memory_space<vmem>>, vector<16xi32>,
    %get3A_418 = arith.constant 480 : index
    %get3A_419 = tpu.vector_load %arg7[%get3A_418] {strides = array<i32>} : memref<512xi32, #tpu.memory_space<vmem>>, vector<16xi32>,
    %shift_right_arithmetic3A_420 = arith.constant 2 : i32
    %shift_right_arithmetic3A_421 = vector.broadcast %shift_right_arithmetic3A_420 : i32 to vector<16xi32>
    %shift_right_arithmetic3A_422 = arith.shrsi %get3A_419, %shift_right_arithmetic3A_421 : vector<16xi32>
    %swap3A_423 = arith.constant 480 : index
    %swap3A_424 = tpu.vector_load %arg9[%swap3A_423] {strides = array<i32>} : memref<512xi32, #tpu.memory_space<vmem>>, vector<16xi32>,
    tpu.vector_store %arg9[%swap3A_423], %shift_right_arithmetic3A_422 {strides = array<i32>} : memref<512xi32, #tpu.memory_space<vmem>>, vector<16xi32>,
    %get3A_425 = arith.constant 480 : index
    %get3A_426 = tpu.vector_load %arg8[%get3A_425] {strides = array<i32>} : memref<512xi32, #tpu.memory_space<vmem>>, vector<16xi32>,
    %shift_right_arithmetic3A_427 = arith.constant 2 : i32
    %shift_right_arithmetic3A_428 = vector.broadcast %shift_right_arithmetic3A_427 : i32 to vector<16xi32>
    %shift_right_arithmetic3A_429 = arith.shrsi %get3A_426, %shift_right_arithmetic3A_428 : vector<16xi32>
    %swap3A_430 = arith.constant 480 : index
    %swap3A_431 = tpu.vector_load %arg10[%swap3A_430] {strides = array<i32>} : memref<512xi32, #tpu.memory_space<vmem>>, vector<16xi32>,
    tpu.vector_store %arg10[%swap3A_430], %shift_right_arithmetic3A_429 {strides = array<i32>} : memref<512xi32, #tpu.memory_space<vmem>>, vector<16xi32>,
    %get3A_432 = arith.constant 496 : index
    %get3A_433 = tpu.vector_load %arg7[%get3A_432] {strides = array<i32>} : memref<512xi32, #tpu.memory_space<vmem>>, vector<16xi32>,
    %shift_right_arithmetic3A_434 = arith.constant 2 : i32
    %shift_right_arithmetic3A_435 = vector.broadcast %shift_right_arithmetic3A_434 : i32 to vector<16xi32>
    %shift_right_arithmetic3A_436 = arith.shrsi %get3A_433, %shift_right_arithmetic3A_435 : vector<16xi32>
    %swap3A_437 = arith.constant 496 : index
    %swap3A_438 = tpu.vector_load %arg9[%swap3A_437] {strides = array<i32>} : memref<512xi32, #tpu.memory_space<vmem>>, vector<16xi32>,
    tpu.vector_store %arg9[%swap3A_437], %shift_right_arithmetic3A_436 {strides = array<i32>} : memref<512xi32, #tpu.memory_space<vmem>>, vector<16xi32>,
    %get3A_439 = arith.constant 496 : index
    %get3A_440 = tpu.vector_load %arg8[%get3A_439] {strides = array<i32>} : memref<512xi32, #tpu.memory_space<vmem>>, vector<16xi32>,
    %shift_right_arithmetic3A_441 = arith.constant 2 : i32
    %shift_right_arithmetic3A_442 = vector.broadcast %shift_right_arithmetic3A_441 : i32 to vector<16xi32>
    %shift_right_arithmetic3A_443 = arith.shrsi %get3A_440, %shift_right_arithmetic3A_442 : vector<16xi32>
    %swap3A_444 = arith.constant 496 : index
    %swap3A_445 = tpu.vector_load %arg10[%swap3A_444] {strides = array<i32>} : memref<512xi32, #tpu.memory_space<vmem>>, vector<16xi32>,
    tpu.vector_store %arg10[%swap3A_444], %shift_right_arithmetic3A_443 {strides = array<i32>} : memref<512xi32, #tpu.memory_space<vmem>>, vector<16xi32>,
    %iota3A = tpu.iota {dimensions = array<i32: 0>} : vector<16xi32>
    %dma_start3A = arith.constant 0 : i32
    %dma_start3A_446 = tpu.memref_slice %arg9[%dma_start3A] : memref<512xi32, #tpu.memory_space<vmem>> -> memref<128xi32, #tpu.memory_space<vmem>>
    %dma_start3A_447 = arith.constant 0 : i32
    %dma_start3A_448 = arith.constant 0 : i32
    %dma_start3A_449 = tpu.memref_slice %arg4[%dma_start3A_447, %dma_start3A_448] : memref<250000x128xf32, #tpu.memory_space<hbm>> -> memref<250000x128xf32, #tpu.memory_space<hbm>>
    tpu.enqueue_indirect_dma source(%dma_start3A_449 : memref<250000x128xf32, #tpu.memory_space<hbm>>) target(%arg11 : memref<128x128xf32, #tpu.memory_space<vmem>>) offsets(%dma_start3A_446 : memref<128xi32, #tpu.memory_space<vmem>>) semaphore(%arg16 : memref<!tpu.dma_semaphore, #tpu.memory_space<semaphore_mem>>)
    %dma_start3A_450 = arith.constant 0 : i32
    %dma_start3A_451 = tpu.memref_slice %arg10[%dma_start3A_450] : memref<512xi32, #tpu.memory_space<vmem>> -> memref<128xi32, #tpu.memory_space<vmem>>
    %dma_start3A_452 = arith.constant 0 : i32
    %dma_start3A_453 = arith.constant 0 : i32
    %dma_start3A_454 = tpu.memref_slice %arg5[%dma_start3A_452, %dma_start3A_453] : memref<250000x128xf32, #tpu.memory_space<hbm>> -> memref<250000x128xf32, #tpu.memory_space<hbm>>
    tpu.enqueue_indirect_dma source(%dma_start3A_454 : memref<250000x128xf32, #tpu.memory_space<hbm>>) target(%arg13 : memref<128x128xf32, #tpu.memory_space<vmem>>) offsets(%dma_start3A_451 : memref<128xi32, #tpu.memory_space<vmem>>) semaphore(%arg18 : memref<!tpu.dma_semaphore, #tpu.memory_space<semaphore_mem>>)
    %dma_start3A_455 = arith.constant 128 : i32
    %dma_start3A_456 = tpu.memref_slice %arg9[%dma_start3A_455] : memref<512xi32, #tpu.memory_space<vmem>> -> memref<128xi32, #tpu.memory_space<vmem>>
    %dma_start3A_457 = arith.constant 0 : i32
    %dma_start3A_458 = arith.constant 0 : i32
    %dma_start3A_459 = tpu.memref_slice %arg4[%dma_start3A_457, %dma_start3A_458] : memref<250000x128xf32, #tpu.memory_space<hbm>> -> memref<250000x128xf32, #tpu.memory_space<hbm>>
    tpu.enqueue_indirect_dma source(%dma_start3A_459 : memref<250000x128xf32, #tpu.memory_space<hbm>>) target(%arg12 : memref<128x128xf32, #tpu.memory_space<vmem>>) offsets(%dma_start3A_456 : memref<128xi32, #tpu.memory_space<vmem>>) semaphore(%arg17 : memref<!tpu.dma_semaphore, #tpu.memory_space<semaphore_mem>>)
    %dma_start3A_460 = arith.constant 128 : i32
    %dma_start3A_461 = tpu.memref_slice %arg10[%dma_start3A_460] : memref<512xi32, #tpu.memory_space<vmem>> -> memref<128xi32, #tpu.memory_space<vmem>>
    %dma_start3A_462 = arith.constant 0 : i32
    %dma_start3A_463 = arith.constant 0 : i32
    %dma_start3A_464 = tpu.memref_slice %arg5[%dma_start3A_462, %dma_start3A_463] : memref<250000x128xf32, #tpu.memory_space<hbm>> -> memref<250000x128xf32, #tpu.memory_space<hbm>>
    tpu.enqueue_indirect_dma source(%dma_start3A_464 : memref<250000x128xf32, #tpu.memory_space<hbm>>) target(%arg14 : memref<128x128xf32, #tpu.memory_space<vmem>>) offsets(%dma_start3A_461 : memref<128xi32, #tpu.memory_space<vmem>>) semaphore(%arg19 : memref<!tpu.dma_semaphore, #tpu.memory_space<semaphore_mem>>)
    %dma_wait3A = arith.constant 0 : i32
    %dma_wait3A_465 = tpu.memref_slice %arg9[%dma_wait3A] : memref<512xi32, #tpu.memory_space<vmem>> -> memref<128xi32, #tpu.memory_space<vmem>>
    %dma_wait3A_466 = arith.constant 0 : i32
    %dma_wait3A_467 = arith.constant 0 : i32
    %dma_wait3A_468 = tpu.memref_slice %arg4[%dma_wait3A_466, %dma_wait3A_467] : memref<250000x128xf32, #tpu.memory_space<hbm>> -> memref<250000x128xf32, #tpu.memory_space<hbm>>
    tpu.wait_indirect_dma semaphore(%arg16 : memref<!tpu.dma_semaphore, #tpu.memory_space<semaphore_mem>>) src(%dma_wait3A_468 : memref<250000x128xf32, #tpu.memory_space<hbm>>) dst(%arg11 : memref<128x128xf32, #tpu.memory_space<vmem>>)
    %dma_wait3A_469 = arith.constant 0 : i32
    %dma_wait3A_470 = tpu.memref_slice %arg10[%dma_wait3A_469] : memref<512xi32, #tpu.memory_space<vmem>> -> memref<128xi32, #tpu.memory_space<vmem>>
    %dma_wait3A_471 = arith.constant 0 : i32
    %dma_wait3A_472 = arith.constant 0 : i32
    %dma_wait3A_473 = tpu.memref_slice %arg5[%dma_wait3A_471, %dma_wait3A_472] : memref<250000x128xf32, #tpu.memory_space<hbm>> -> memref<250000x128xf32, #tpu.memory_space<hbm>>
    tpu.wait_indirect_dma semaphore(%arg18 : memref<!tpu.dma_semaphore, #tpu.memory_space<semaphore_mem>>) src(%dma_wait3A_473 : memref<250000x128xf32, #tpu.memory_space<hbm>>) dst(%arg13 : memref<128x128xf32, #tpu.memory_space<vmem>>)
    %scan3A = arith.constant 0 : i32
    %scan3A_474 = arith.constant 0 : i32
    %scan3A_475 = arith.constant 8 : i32
    %scan3A_476 = arith.addi %scan3A_474, %scan3A_475 : i32
    %scan3A_477 = arith.constant 1 : i32
    scf.for %scan3A_549 = %scan3A_474 to %scan3A_476 step %scan3A_477  : i32 {
      %mul3A_550 = arith.constant 16 : i32
      %mul3A_551 = arith.muli %scan3A_549, %mul3A_550 : i32
      %add3A_552 = vector.broadcast %mul3A_551 : i32 to vector<16xi32>
      %add3A_553 = arith.addi %add3A_552, %iota3A : vector<16xi32>
      %mul3A_554 = arith.constant 16 : i32
      %mul3A_555 = arith.muli %scan3A_549, %mul3A_554 : i32
      %add3A_556 = arith.constant 0 : i32
      %add3A_557 = arith.addi %add3A_556, %mul3A_555 : i32
      %get3A_558 = arith.index_cast %add3A_557 : i32 to index
      %get3A_559 = tpu.vector_load %arg7[%get3A_558] {strides = array<i32>} : memref<512xi32, #tpu.memory_space<vmem>>, vector<16xi32>,
      %and3A = arith.constant 3 : i32
      %and3A_560 = vector.broadcast %and3A : i32 to vector<16xi32>
      %and3A_561 = arith.andi %get3A_559, %and3A_560 : vector<16xi32>
      %shift_left3A = arith.constant 5 : i32
      %shift_left3A_562 = vector.broadcast %shift_left3A : i32 to vector<16xi32>
      %shift_left3A_563 = arith.shli %and3A_561, %shift_left3A_562 : vector<16xi32>
      %get3A_564 = arith.index_cast %add3A_557 : i32 to index
      %get3A_565 = tpu.vector_load %arg8[%get3A_564] {strides = array<i32>} : memref<512xi32, #tpu.memory_space<vmem>>, vector<16xi32>,
      %and3A_566 = arith.constant 3 : i32
      %and3A_567 = vector.broadcast %and3A_566 : i32 to vector<16xi32>
      %and3A_568 = arith.andi %get3A_565, %and3A_567 : vector<16xi32>
      %shift_left3A_569 = arith.constant 5 : i32
      %shift_left3A_570 = vector.broadcast %shift_left3A_569 : i32 to vector<16xi32>
      %shift_left3A_571 = arith.shli %and3A_568, %shift_left3A_570 : vector<16xi32>
      %broadcast_in_dim3A = arith.constant 0.000000e+00 : f32
      %broadcast_in_dim3A_572 = vector.broadcast %broadcast_in_dim3A : f32 to vector<16xf32>
      %add3A_573 = arith.constant 0 : i32
      %add3A_574 = vector.broadcast %add3A_573 : i32 to vector<16xi32>
      %add3A_575 = arith.addi %shift_left3A_563, %add3A_574 : vector<16xi32>
      %gather3A = tpu.vector_load_idx %arg11[%add3A_553, %add3A_575] : memref<128x128xf32, #tpu.memory_space<vmem>>[vector<16xi32>, vector<16xi32>], vector<16xf32>,
      %add3A_576 = arith.constant 0 : i32
      %add3A_577 = vector.broadcast %add3A_576 : i32 to vector<16xi32>
      %add3A_578 = arith.addi %shift_left3A_571, %add3A_577 : vector<16xi32>
      %gather3A_579 = tpu.vector_load_idx %arg13[%add3A_553, %add3A_578] : memref<128x128xf32, #tpu.memory_space<vmem>>[vector<16xi32>, vector<16xi32>], vector<16xf32>,
      %mul3A_580 = arith.mulf %gather3A, %gather3A_579 : vector<16xf32>
      %add3A_581 = arith.addf %broadcast_in_dim3A_572, %mul3A_580 : vector<16xf32>
      %add3A_582 = arith.constant 1 : i32
      %add3A_583 = vector.broadcast %add3A_582 : i32 to vector<16xi32>
      %add3A_584 = arith.addi %shift_left3A_563, %add3A_583 : vector<16xi32>
      %gather3A_585 = tpu.vector_load_idx %arg11[%add3A_553, %add3A_584] : memref<128x128xf32, #tpu.memory_space<vmem>>[vector<16xi32>, vector<16xi32>], vector<16xf32>,
      %add3A_586 = arith.constant 1 : i32
      %add3A_587 = vector.broadcast %add3A_586 : i32 to vector<16xi32>
      %add3A_588 = arith.addi %shift_left3A_571, %add3A_587 : vector<16xi32>
      %gather3A_589 = tpu.vector_load_idx %arg13[%add3A_553, %add3A_588] : memref<128x128xf32, #tpu.memory_space<vmem>>[vector<16xi32>, vector<16xi32>], vector<16xf32>,
      %mul3A_590 = arith.mulf %gather3A_585, %gather3A_589 : vector<16xf32>
      %add3A_591 = arith.addf %add3A_581, %mul3A_590 : vector<16xf32>
      %add3A_592 = arith.constant 2 : i32
      %add3A_593 = vector.broadcast %add3A_592 : i32 to vector<16xi32>
      %add3A_594 = arith.addi %shift_left3A_563, %add3A_593 : vector<16xi32>
      %gather3A_595 = tpu.vector_load_idx %arg11[%add3A_553, %add3A_594] : memref<128x128xf32, #tpu.memory_space<vmem>>[vector<16xi32>, vector<16xi32>], vector<16xf32>,
      %add3A_596 = arith.constant 2 : i32
      %add3A_597 = vector.broadcast %add3A_596 : i32 to vector<16xi32>
      %add3A_598 = arith.addi %shift_left3A_571, %add3A_597 : vector<16xi32>
      %gather3A_599 = tpu.vector_load_idx %arg13[%add3A_553, %add3A_598] : memref<128x128xf32, #tpu.memory_space<vmem>>[vector<16xi32>, vector<16xi32>], vector<16xf32>,
      %mul3A_600 = arith.mulf %gather3A_595, %gather3A_599 : vector<16xf32>
      %add3A_601 = arith.addf %add3A_591, %mul3A_600 : vector<16xf32>
      %add3A_602 = arith.constant 3 : i32
      %add3A_603 = vector.broadcast %add3A_602 : i32 to vector<16xi32>
      %add3A_604 = arith.addi %shift_left3A_563, %add3A_603 : vector<16xi32>
      %gather3A_605 = tpu.vector_load_idx %arg11[%add3A_553, %add3A_604] : memref<128x128xf32, #tpu.memory_space<vmem>>[vector<16xi32>, vector<16xi32>], vector<16xf32>,
      %add3A_606 = arith.constant 3 : i32
      %add3A_607 = vector.broadcast %add3A_606 : i32 to vector<16xi32>
      %add3A_608 = arith.addi %shift_left3A_571, %add3A_607 : vector<16xi32>
      %gather3A_609 = tpu.vector_load_idx %arg13[%add3A_553, %add3A_608] : memref<128x128xf32, #tpu.memory_space<vmem>>[vector<16xi32>, vector<16xi32>], vector<16xf32>,
      %mul3A_610 = arith.mulf %gather3A_605, %gather3A_609 : vector<16xf32>
      %add3A_611 = arith.addf %add3A_601, %mul3A_610 : vector<16xf32>
      %add3A_612 = arith.constant 4 : i32
      %add3A_613 = vector.broadcast %add3A_612 : i32 to vector<16xi32>
      %add3A_614 = arith.addi %shift_left3A_563, %add3A_613 : vector<16xi32>
      %gather3A_615 = tpu.vector_load_idx %arg11[%add3A_553, %add3A_614] : memref<128x128xf32, #tpu.memory_space<vmem>>[vector<16xi32>, vector<16xi32>], vector<16xf32>,
      %add3A_616 = arith.constant 4 : i32
      %add3A_617 = vector.broadcast %add3A_616 : i32 to vector<16xi32>
      %add3A_618 = arith.addi %shift_left3A_571, %add3A_617 : vector<16xi32>
      %gather3A_619 = tpu.vector_load_idx %arg13[%add3A_553, %add3A_618] : memref<128x128xf32, #tpu.memory_space<vmem>>[vector<16xi32>, vector<16xi32>], vector<16xf32>,
      %mul3A_620 = arith.mulf %gather3A_615, %gather3A_619 : vector<16xf32>
      %add3A_621 = arith.addf %add3A_611, %mul3A_620 : vector<16xf32>
      %add3A_622 = arith.constant 5 : i32
      %add3A_623 = vector.broadcast %add3A_622 : i32 to vector<16xi32>
      %add3A_624 = arith.addi %shift_left3A_563, %add3A_623 : vector<16xi32>
      %gather3A_625 = tpu.vector_load_idx %arg11[%add3A_553, %add3A_624] : memref<128x128xf32, #tpu.memory_space<vmem>>[vector<16xi32>, vector<16xi32>], vector<16xf32>,
      %add3A_626 = arith.constant 5 : i32
      %add3A_627 = vector.broadcast %add3A_626 : i32 to vector<16xi32>
      %add3A_628 = arith.addi %shift_left3A_571, %add3A_627 : vector<16xi32>
      %gather3A_629 = tpu.vector_load_idx %arg13[%add3A_553, %add3A_628] : memref<128x128xf32, #tpu.memory_space<vmem>>[vector<16xi32>, vector<16xi32>], vector<16xf32>,
      %mul3A_630 = arith.mulf %gather3A_625, %gather3A_629 : vector<16xf32>
      %add3A_631 = arith.addf %add3A_621, %mul3A_630 : vector<16xf32>
      %add3A_632 = arith.constant 6 : i32
      %add3A_633 = vector.broadcast %add3A_632 : i32 to vector<16xi32>
      %add3A_634 = arith.addi %shift_left3A_563, %add3A_633 : vector<16xi32>
      %gather3A_635 = tpu.vector_load_idx %arg11[%add3A_553, %add3A_634] : memref<128x128xf32, #tpu.memory_space<vmem>>[vector<16xi32>, vector<16xi32>], vector<16xf32>,
      %add3A_636 = arith.constant 6 : i32
      %add3A_637 = vector.broadcast %add3A_636 : i32 to vector<16xi32>
      %add3A_638 = arith.addi %shift_left3A_571, %add3A_637 : vector<16xi32>
      %gather3A_639 = tpu.vector_load_idx %arg13[%add3A_553, %add3A_638] : memref<128x128xf32, #tpu.memory_space<vmem>>[vector<16xi32>, vector<16xi32>], vector<16xf32>,
      %mul3A_640 = arith.mulf %gather3A_635, %gather3A_639 : vector<16xf32>
      %add3A_641 = arith.addf %add3A_631, %mul3A_640 : vector<16xf32>
      %add3A_642 = arith.constant 7 : i32
      %add3A_643 = vector.broadcast %add3A_642 : i32 to vector<16xi32>
      %add3A_644 = arith.addi %shift_left3A_563, %add3A_643 : vector<16xi32>
      %gather3A_645 = tpu.vector_load_idx %arg11[%add3A_553, %add3A_644] : memref<128x128xf32, #tpu.memory_space<vmem>>[vector<16xi32>, vector<16xi32>], vector<16xf32>,
      %add3A_646 = arith.constant 7 : i32
      %add3A_647 = vector.broadcast %add3A_646 : i32 to vector<16xi32>
      %add3A_648 = arith.addi %shift_left3A_571, %add3A_647 : vector<16xi32>
      %gather3A_649 = tpu.vector_load_idx %arg13[%add3A_553, %add3A_648] : memref<128x128xf32, #tpu.memory_space<vmem>>[vector<16xi32>, vector<16xi32>], vector<16xf32>,
      %mul3A_650 = arith.mulf %gather3A_645, %gather3A_649 : vector<16xf32>
      %add3A_651 = arith.addf %add3A_641, %mul3A_650 : vector<16xf32>
      %add3A_652 = arith.constant 8 : i32
      %add3A_653 = vector.broadcast %add3A_652 : i32 to vector<16xi32>
      %add3A_654 = arith.addi %shift_left3A_563, %add3A_653 : vector<16xi32>
      %gather3A_655 = tpu.vector_load_idx %arg11[%add3A_553, %add3A_654] : memref<128x128xf32, #tpu.memory_space<vmem>>[vector<16xi32>, vector<16xi32>], vector<16xf32>,
      %add3A_656 = arith.constant 8 : i32
      %add3A_657 = vector.broadcast %add3A_656 : i32 to vector<16xi32>
      %add3A_658 = arith.addi %shift_left3A_571, %add3A_657 : vector<16xi32>
      %gather3A_659 = tpu.vector_load_idx %arg13[%add3A_553, %add3A_658] : memref<128x128xf32, #tpu.memory_space<vmem>>[vector<16xi32>, vector<16xi32>], vector<16xf32>,
      %mul3A_660 = arith.mulf %gather3A_655, %gather3A_659 : vector<16xf32>
      %add3A_661 = arith.addf %add3A_651, %mul3A_660 : vector<16xf32>
      %add3A_662 = arith.constant 9 : i32
      %add3A_663 = vector.broadcast %add3A_662 : i32 to vector<16xi32>
      %add3A_664 = arith.addi %shift_left3A_563, %add3A_663 : vector<16xi32>
      %gather3A_665 = tpu.vector_load_idx %arg11[%add3A_553, %add3A_664] : memref<128x128xf32, #tpu.memory_space<vmem>>[vector<16xi32>, vector<16xi32>], vector<16xf32>,
      %add3A_666 = arith.constant 9 : i32
      %add3A_667 = vector.broadcast %add3A_666 : i32 to vector<16xi32>
      %add3A_668 = arith.addi %shift_left3A_571, %add3A_667 : vector<16xi32>
      %gather3A_669 = tpu.vector_load_idx %arg13[%add3A_553, %add3A_668] : memref<128x128xf32, #tpu.memory_space<vmem>>[vector<16xi32>, vector<16xi32>], vector<16xf32>,
      %mul3A_670 = arith.mulf %gather3A_665, %gather3A_669 : vector<16xf32>
      %add3A_671 = arith.addf %add3A_661, %mul3A_670 : vector<16xf32>
      %add3A_672 = arith.constant 10 : i32
      %add3A_673 = vector.broadcast %add3A_672 : i32 to vector<16xi32>
      %add3A_674 = arith.addi %shift_left3A_563, %add3A_673 : vector<16xi32>
      %gather3A_675 = tpu.vector_load_idx %arg11[%add3A_553, %add3A_674] : memref<128x128xf32, #tpu.memory_space<vmem>>[vector<16xi32>, vector<16xi32>], vector<16xf32>,
      %add3A_676 = arith.constant 10 : i32
      %add3A_677 = vector.broadcast %add3A_676 : i32 to vector<16xi32>
      %add3A_678 = arith.addi %shift_left3A_571, %add3A_677 : vector<16xi32>
      %gather3A_679 = tpu.vector_load_idx %arg13[%add3A_553, %add3A_678] : memref<128x128xf32, #tpu.memory_space<vmem>>[vector<16xi32>, vector<16xi32>], vector<16xf32>,
      %mul3A_680 = arith.mulf %gather3A_675, %gather3A_679 : vector<16xf32>
      %add3A_681 = arith.addf %add3A_671, %mul3A_680 : vector<16xf32>
      %add3A_682 = arith.constant 11 : i32
      %add3A_683 = vector.broadcast %add3A_682 : i32 to vector<16xi32>
      %add3A_684 = arith.addi %shift_left3A_563, %add3A_683 : vector<16xi32>
      %gather3A_685 = tpu.vector_load_idx %arg11[%add3A_553, %add3A_684] : memref<128x128xf32, #tpu.memory_space<vmem>>[vector<16xi32>, vector<16xi32>], vector<16xf32>,
      %add3A_686 = arith.constant 11 : i32
      %add3A_687 = vector.broadcast %add3A_686 : i32 to vector<16xi32>
      %add3A_688 = arith.addi %shift_left3A_571, %add3A_687 : vector<16xi32>
      %gather3A_689 = tpu.vector_load_idx %arg13[%add3A_553, %add3A_688] : memref<128x128xf32, #tpu.memory_space<vmem>>[vector<16xi32>, vector<16xi32>], vector<16xf32>,
      %mul3A_690 = arith.mulf %gather3A_685, %gather3A_689 : vector<16xf32>
      %add3A_691 = arith.addf %add3A_681, %mul3A_690 : vector<16xf32>
      %add3A_692 = arith.constant 12 : i32
      %add3A_693 = vector.broadcast %add3A_692 : i32 to vector<16xi32>
      %add3A_694 = arith.addi %shift_left3A_563, %add3A_693 : vector<16xi32>
      %gather3A_695 = tpu.vector_load_idx %arg11[%add3A_553, %add3A_694] : memref<128x128xf32, #tpu.memory_space<vmem>>[vector<16xi32>, vector<16xi32>], vector<16xf32>,
      %add3A_696 = arith.constant 12 : i32
      %add3A_697 = vector.broadcast %add3A_696 : i32 to vector<16xi32>
      %add3A_698 = arith.addi %shift_left3A_571, %add3A_697 : vector<16xi32>
      %gather3A_699 = tpu.vector_load_idx %arg13[%add3A_553, %add3A_698] : memref<128x128xf32, #tpu.memory_space<vmem>>[vector<16xi32>, vector<16xi32>], vector<16xf32>,
      %mul3A_700 = arith.mulf %gather3A_695, %gather3A_699 : vector<16xf32>
      %add3A_701 = arith.addf %add3A_691, %mul3A_700 : vector<16xf32>
      %add3A_702 = arith.constant 13 : i32
      %add3A_703 = vector.broadcast %add3A_702 : i32 to vector<16xi32>
      %add3A_704 = arith.addi %shift_left3A_563, %add3A_703 : vector<16xi32>
      %gather3A_705 = tpu.vector_load_idx %arg11[%add3A_553, %add3A_704] : memref<128x128xf32, #tpu.memory_space<vmem>>[vector<16xi32>, vector<16xi32>], vector<16xf32>,
      %add3A_706 = arith.constant 13 : i32
      %add3A_707 = vector.broadcast %add3A_706 : i32 to vector<16xi32>
      %add3A_708 = arith.addi %shift_left3A_571, %add3A_707 : vector<16xi32>
      %gather3A_709 = tpu.vector_load_idx %arg13[%add3A_553, %add3A_708] : memref<128x128xf32, #tpu.memory_space<vmem>>[vector<16xi32>, vector<16xi32>], vector<16xf32>,
      %mul3A_710 = arith.mulf %gather3A_705, %gather3A_709 : vector<16xf32>
      %add3A_711 = arith.addf %add3A_701, %mul3A_710 : vector<16xf32>
      %add3A_712 = arith.constant 14 : i32
      %add3A_713 = vector.broadcast %add3A_712 : i32 to vector<16xi32>
      %add3A_714 = arith.addi %shift_left3A_563, %add3A_713 : vector<16xi32>
      %gather3A_715 = tpu.vector_load_idx %arg11[%add3A_553, %add3A_714] : memref<128x128xf32, #tpu.memory_space<vmem>>[vector<16xi32>, vector<16xi32>], vector<16xf32>,
      %add3A_716 = arith.constant 14 : i32
      %add3A_717 = vector.broadcast %add3A_716 : i32 to vector<16xi32>
      %add3A_718 = arith.addi %shift_left3A_571, %add3A_717 : vector<16xi32>
      %gather3A_719 = tpu.vector_load_idx %arg13[%add3A_553, %add3A_718] : memref<128x128xf32, #tpu.memory_space<vmem>>[vector<16xi32>, vector<16xi32>], vector<16xf32>,
      %mul3A_720 = arith.mulf %gather3A_715, %gather3A_719 : vector<16xf32>
      %add3A_721 = arith.addf %add3A_711, %mul3A_720 : vector<16xf32>
      %add3A_722 = arith.constant 15 : i32
      %add3A_723 = vector.broadcast %add3A_722 : i32 to vector<16xi32>
      %add3A_724 = arith.addi %shift_left3A_563, %add3A_723 : vector<16xi32>
      %gather3A_725 = tpu.vector_load_idx %arg11[%add3A_553, %add3A_724] : memref<128x128xf32, #tpu.memory_space<vmem>>[vector<16xi32>, vector<16xi32>], vector<16xf32>,
      %add3A_726 = arith.constant 15 : i32
      %add3A_727 = vector.broadcast %add3A_726 : i32 to vector<16xi32>
      %add3A_728 = arith.addi %shift_left3A_571, %add3A_727 : vector<16xi32>
      %gather3A_729 = tpu.vector_load_idx %arg13[%add3A_553, %add3A_728] : memref<128x128xf32, #tpu.memory_space<vmem>>[vector<16xi32>, vector<16xi32>], vector<16xf32>,
      %mul3A_730 = arith.mulf %gather3A_725, %gather3A_729 : vector<16xf32>
      %add3A_731 = arith.addf %add3A_721, %mul3A_730 : vector<16xf32>
      %add3A_732 = arith.constant 16 : i32
      %add3A_733 = vector.broadcast %add3A_732 : i32 to vector<16xi32>
      %add3A_734 = arith.addi %shift_left3A_563, %add3A_733 : vector<16xi32>
      %gather3A_735 = tpu.vector_load_idx %arg11[%add3A_553, %add3A_734] : memref<128x128xf32, #tpu.memory_space<vmem>>[vector<16xi32>, vector<16xi32>], vector<16xf32>,
      %add3A_736 = arith.constant 16 : i32
      %add3A_737 = vector.broadcast %add3A_736 : i32 to vector<16xi32>
      %add3A_738 = arith.addi %shift_left3A_571, %add3A_737 : vector<16xi32>
      %gather3A_739 = tpu.vector_load_idx %arg13[%add3A_553, %add3A_738] : memref<128x128xf32, #tpu.memory_space<vmem>>[vector<16xi32>, vector<16xi32>], vector<16xf32>,
      %mul3A_740 = arith.mulf %gather3A_735, %gather3A_739 : vector<16xf32>
      %add3A_741 = arith.addf %add3A_731, %mul3A_740 : vector<16xf32>
      %add3A_742 = arith.constant 17 : i32
      %add3A_743 = vector.broadcast %add3A_742 : i32 to vector<16xi32>
      %add3A_744 = arith.addi %shift_left3A_563, %add3A_743 : vector<16xi32>
      %gather3A_745 = tpu.vector_load_idx %arg11[%add3A_553, %add3A_744] : memref<128x128xf32, #tpu.memory_space<vmem>>[vector<16xi32>, vector<16xi32>], vector<16xf32>,
      %add3A_746 = arith.constant 17 : i32
      %add3A_747 = vector.broadcast %add3A_746 : i32 to vector<16xi32>
      %add3A_748 = arith.addi %shift_left3A_571, %add3A_747 : vector<16xi32>
      %gather3A_749 = tpu.vector_load_idx %arg13[%add3A_553, %add3A_748] : memref<128x128xf32, #tpu.memory_space<vmem>>[vector<16xi32>, vector<16xi32>], vector<16xf32>,
      %mul3A_750 = arith.mulf %gather3A_745, %gather3A_749 : vector<16xf32>
      %add3A_751 = arith.addf %add3A_741, %mul3A_750 : vector<16xf32>
      %add3A_752 = arith.constant 18 : i32
      %add3A_753 = vector.broadcast %add3A_752 : i32 to vector<16xi32>
      %add3A_754 = arith.addi %shift_left3A_563, %add3A_753 : vector<16xi32>
      %gather3A_755 = tpu.vector_load_idx %arg11[%add3A_553, %add3A_754] : memref<128x128xf32, #tpu.memory_space<vmem>>[vector<16xi32>, vector<16xi32>], vector<16xf32>,
      %add3A_756 = arith.constant 18 : i32
      %add3A_757 = vector.broadcast %add3A_756 : i32 to vector<16xi32>
      %add3A_758 = arith.addi %shift_left3A_571, %add3A_757 : vector<16xi32>
      %gather3A_759 = tpu.vector_load_idx %arg13[%add3A_553, %add3A_758] : memref<128x128xf32, #tpu.memory_space<vmem>>[vector<16xi32>, vector<16xi32>], vector<16xf32>,
      %mul3A_760 = arith.mulf %gather3A_755, %gather3A_759 : vector<16xf32>
      %add3A_761 = arith.addf %add3A_751, %mul3A_760 : vector<16xf32>
      %add3A_762 = arith.constant 19 : i32
      %add3A_763 = vector.broadcast %add3A_762 : i32 to vector<16xi32>
      %add3A_764 = arith.addi %shift_left3A_563, %add3A_763 : vector<16xi32>
      %gather3A_765 = tpu.vector_load_idx %arg11[%add3A_553, %add3A_764] : memref<128x128xf32, #tpu.memory_space<vmem>>[vector<16xi32>, vector<16xi32>], vector<16xf32>,
      %add3A_766 = arith.constant 19 : i32
      %add3A_767 = vector.broadcast %add3A_766 : i32 to vector<16xi32>
      %add3A_768 = arith.addi %shift_left3A_571, %add3A_767 : vector<16xi32>
      %gather3A_769 = tpu.vector_load_idx %arg13[%add3A_553, %add3A_768] : memref<128x128xf32, #tpu.memory_space<vmem>>[vector<16xi32>, vector<16xi32>], vector<16xf32>,
      %mul3A_770 = arith.mulf %gather3A_765, %gather3A_769 : vector<16xf32>
      %add3A_771 = arith.addf %add3A_761, %mul3A_770 : vector<16xf32>
      %add3A_772 = arith.constant 20 : i32
      %add3A_773 = vector.broadcast %add3A_772 : i32 to vector<16xi32>
      %add3A_774 = arith.addi %shift_left3A_563, %add3A_773 : vector<16xi32>
      %gather3A_775 = tpu.vector_load_idx %arg11[%add3A_553, %add3A_774] : memref<128x128xf32, #tpu.memory_space<vmem>>[vector<16xi32>, vector<16xi32>], vector<16xf32>,
      %add3A_776 = arith.constant 20 : i32
      %add3A_777 = vector.broadcast %add3A_776 : i32 to vector<16xi32>
      %add3A_778 = arith.addi %shift_left3A_571, %add3A_777 : vector<16xi32>
      %gather3A_779 = tpu.vector_load_idx %arg13[%add3A_553, %add3A_778] : memref<128x128xf32, #tpu.memory_space<vmem>>[vector<16xi32>, vector<16xi32>], vector<16xf32>,
      %mul3A_780 = arith.mulf %gather3A_775, %gather3A_779 : vector<16xf32>
      %add3A_781 = arith.addf %add3A_771, %mul3A_780 : vector<16xf32>
      %add3A_782 = arith.constant 21 : i32
      %add3A_783 = vector.broadcast %add3A_782 : i32 to vector<16xi32>
      %add3A_784 = arith.addi %shift_left3A_563, %add3A_783 : vector<16xi32>
      %gather3A_785 = tpu.vector_load_idx %arg11[%add3A_553, %add3A_784] : memref<128x128xf32, #tpu.memory_space<vmem>>[vector<16xi32>, vector<16xi32>], vector<16xf32>,
      %add3A_786 = arith.constant 21 : i32
      %add3A_787 = vector.broadcast %add3A_786 : i32 to vector<16xi32>
      %add3A_788 = arith.addi %shift_left3A_571, %add3A_787 : vector<16xi32>
      %gather3A_789 = tpu.vector_load_idx %arg13[%add3A_553, %add3A_788] : memref<128x128xf32, #tpu.memory_space<vmem>>[vector<16xi32>, vector<16xi32>], vector<16xf32>,
      %mul3A_790 = arith.mulf %gather3A_785, %gather3A_789 : vector<16xf32>
      %add3A_791 = arith.addf %add3A_781, %mul3A_790 : vector<16xf32>
      %add3A_792 = arith.constant 22 : i32
      %add3A_793 = vector.broadcast %add3A_792 : i32 to vector<16xi32>
      %add3A_794 = arith.addi %shift_left3A_563, %add3A_793 : vector<16xi32>
      %gather3A_795 = tpu.vector_load_idx %arg11[%add3A_553, %add3A_794] : memref<128x128xf32, #tpu.memory_space<vmem>>[vector<16xi32>, vector<16xi32>], vector<16xf32>,
      %add3A_796 = arith.constant 22 : i32
      %add3A_797 = vector.broadcast %add3A_796 : i32 to vector<16xi32>
      %add3A_798 = arith.addi %shift_left3A_571, %add3A_797 : vector<16xi32>
      %gather3A_799 = tpu.vector_load_idx %arg13[%add3A_553, %add3A_798] : memref<128x128xf32, #tpu.memory_space<vmem>>[vector<16xi32>, vector<16xi32>], vector<16xf32>,
      %mul3A_800 = arith.mulf %gather3A_795, %gather3A_799 : vector<16xf32>
      %add3A_801 = arith.addf %add3A_791, %mul3A_800 : vector<16xf32>
      %add3A_802 = arith.constant 23 : i32
      %add3A_803 = vector.broadcast %add3A_802 : i32 to vector<16xi32>
      %add3A_804 = arith.addi %shift_left3A_563, %add3A_803 : vector<16xi32>
      %gather3A_805 = tpu.vector_load_idx %arg11[%add3A_553, %add3A_804] : memref<128x128xf32, #tpu.memory_space<vmem>>[vector<16xi32>, vector<16xi32>], vector<16xf32>,
      %add3A_806 = arith.constant 23 : i32
      %add3A_807 = vector.broadcast %add3A_806 : i32 to vector<16xi32>
      %add3A_808 = arith.addi %shift_left3A_571, %add3A_807 : vector<16xi32>
      %gather3A_809 = tpu.vector_load_idx %arg13[%add3A_553, %add3A_808] : memref<128x128xf32, #tpu.memory_space<vmem>>[vector<16xi32>, vector<16xi32>], vector<16xf32>,
      %mul3A_810 = arith.mulf %gather3A_805, %gather3A_809 : vector<16xf32>
      %add3A_811 = arith.addf %add3A_801, %mul3A_810 : vector<16xf32>
      %add3A_812 = arith.constant 24 : i32
      %add3A_813 = vector.broadcast %add3A_812 : i32 to vector<16xi32>
      %add3A_814 = arith.addi %shift_left3A_563, %add3A_813 : vector<16xi32>
      %gather3A_815 = tpu.vector_load_idx %arg11[%add3A_553, %add3A_814] : memref<128x128xf32, #tpu.memory_space<vmem>>[vector<16xi32>, vector<16xi32>], vector<16xf32>,
      %add3A_816 = arith.constant 24 : i32
      %add3A_817 = vector.broadcast %add3A_816 : i32 to vector<16xi32>
      %add3A_818 = arith.addi %shift_left3A_571, %add3A_817 : vector<16xi32>
      %gather3A_819 = tpu.vector_load_idx %arg13[%add3A_553, %add3A_818] : memref<128x128xf32, #tpu.memory_space<vmem>>[vector<16xi32>, vector<16xi32>], vector<16xf32>,
      %mul3A_820 = arith.mulf %gather3A_815, %gather3A_819 : vector<16xf32>
      %add3A_821 = arith.addf %add3A_811, %mul3A_820 : vector<16xf32>
      %add3A_822 = arith.constant 25 : i32
      %add3A_823 = vector.broadcast %add3A_822 : i32 to vector<16xi32>
      %add3A_824 = arith.addi %shift_left3A_563, %add3A_823 : vector<16xi32>
      %gather3A_825 = tpu.vector_load_idx %arg11[%add3A_553, %add3A_824] : memref<128x128xf32, #tpu.memory_space<vmem>>[vector<16xi32>, vector<16xi32>], vector<16xf32>,
      %add3A_826 = arith.constant 25 : i32
      %add3A_827 = vector.broadcast %add3A_826 : i32 to vector<16xi32>
      %add3A_828 = arith.addi %shift_left3A_571, %add3A_827 : vector<16xi32>
      %gather3A_829 = tpu.vector_load_idx %arg13[%add3A_553, %add3A_828] : memref<128x128xf32, #tpu.memory_space<vmem>>[vector<16xi32>, vector<16xi32>], vector<16xf32>,
      %mul3A_830 = arith.mulf %gather3A_825, %gather3A_829 : vector<16xf32>
      %add3A_831 = arith.addf %add3A_821, %mul3A_830 : vector<16xf32>
      %add3A_832 = arith.constant 26 : i32
      %add3A_833 = vector.broadcast %add3A_832 : i32 to vector<16xi32>
      %add3A_834 = arith.addi %shift_left3A_563, %add3A_833 : vector<16xi32>
      %gather3A_835 = tpu.vector_load_idx %arg11[%add3A_553, %add3A_834] : memref<128x128xf32, #tpu.memory_space<vmem>>[vector<16xi32>, vector<16xi32>], vector<16xf32>,
      %add3A_836 = arith.constant 26 : i32
      %add3A_837 = vector.broadcast %add3A_836 : i32 to vector<16xi32>
      %add3A_838 = arith.addi %shift_left3A_571, %add3A_837 : vector<16xi32>
      %gather3A_839 = tpu.vector_load_idx %arg13[%add3A_553, %add3A_838] : memref<128x128xf32, #tpu.memory_space<vmem>>[vector<16xi32>, vector<16xi32>], vector<16xf32>,
      %mul3A_840 = arith.mulf %gather3A_835, %gather3A_839 : vector<16xf32>
      %add3A_841 = arith.addf %add3A_831, %mul3A_840 : vector<16xf32>
      %add3A_842 = arith.constant 27 : i32
      %add3A_843 = vector.broadcast %add3A_842 : i32 to vector<16xi32>
      %add3A_844 = arith.addi %shift_left3A_563, %add3A_843 : vector<16xi32>
      %gather3A_845 = tpu.vector_load_idx %arg11[%add3A_553, %add3A_844] : memref<128x128xf32, #tpu.memory_space<vmem>>[vector<16xi32>, vector<16xi32>], vector<16xf32>,
      %add3A_846 = arith.constant 27 : i32
      %add3A_847 = vector.broadcast %add3A_846 : i32 to vector<16xi32>
      %add3A_848 = arith.addi %shift_left3A_571, %add3A_847 : vector<16xi32>
      %gather3A_849 = tpu.vector_load_idx %arg13[%add3A_553, %add3A_848] : memref<128x128xf32, #tpu.memory_space<vmem>>[vector<16xi32>, vector<16xi32>], vector<16xf32>,
      %mul3A_850 = arith.mulf %gather3A_845, %gather3A_849 : vector<16xf32>
      %add3A_851 = arith.addf %add3A_841, %mul3A_850 : vector<16xf32>
      %add3A_852 = arith.constant 28 : i32
      %add3A_853 = vector.broadcast %add3A_852 : i32 to vector<16xi32>
      %add3A_854 = arith.addi %shift_left3A_563, %add3A_853 : vector<16xi32>
      %gather3A_855 = tpu.vector_load_idx %arg11[%add3A_553, %add3A_854] : memref<128x128xf32, #tpu.memory_space<vmem>>[vector<16xi32>, vector<16xi32>], vector<16xf32>,
      %add3A_856 = arith.constant 28 : i32
      %add3A_857 = vector.broadcast %add3A_856 : i32 to vector<16xi32>
      %add3A_858 = arith.addi %shift_left3A_571, %add3A_857 : vector<16xi32>
      %gather3A_859 = tpu.vector_load_idx %arg13[%add3A_553, %add3A_858] : memref<128x128xf32, #tpu.memory_space<vmem>>[vector<16xi32>, vector<16xi32>], vector<16xf32>,
      %mul3A_860 = arith.mulf %gather3A_855, %gather3A_859 : vector<16xf32>
      %add3A_861 = arith.addf %add3A_851, %mul3A_860 : vector<16xf32>
      %add3A_862 = arith.constant 29 : i32
      %add3A_863 = vector.broadcast %add3A_862 : i32 to vector<16xi32>
      %add3A_864 = arith.addi %shift_left3A_563, %add3A_863 : vector<16xi32>
      %gather3A_865 = tpu.vector_load_idx %arg11[%add3A_553, %add3A_864] : memref<128x128xf32, #tpu.memory_space<vmem>>[vector<16xi32>, vector<16xi32>], vector<16xf32>,
      %add3A_866 = arith.constant 29 : i32
      %add3A_867 = vector.broadcast %add3A_866 : i32 to vector<16xi32>
      %add3A_868 = arith.addi %shift_left3A_571, %add3A_867 : vector<16xi32>
      %gather3A_869 = tpu.vector_load_idx %arg13[%add3A_553, %add3A_868] : memref<128x128xf32, #tpu.memory_space<vmem>>[vector<16xi32>, vector<16xi32>], vector<16xf32>,
      %mul3A_870 = arith.mulf %gather3A_865, %gather3A_869 : vector<16xf32>
      %add3A_871 = arith.addf %add3A_861, %mul3A_870 : vector<16xf32>
      %add3A_872 = arith.constant 30 : i32
      %add3A_873 = vector.broadcast %add3A_872 : i32 to vector<16xi32>
      %add3A_874 = arith.addi %shift_left3A_563, %add3A_873 : vector<16xi32>
      %gather3A_875 = tpu.vector_load_idx %arg11[%add3A_553, %add3A_874] : memref<128x128xf32, #tpu.memory_space<vmem>>[vector<16xi32>, vector<16xi32>], vector<16xf32>,
      %add3A_876 = arith.constant 30 : i32
      %add3A_877 = vector.broadcast %add3A_876 : i32 to vector<16xi32>
      %add3A_878 = arith.addi %shift_left3A_571, %add3A_877 : vector<16xi32>
      %gather3A_879 = tpu.vector_load_idx %arg13[%add3A_553, %add3A_878] : memref<128x128xf32, #tpu.memory_space<vmem>>[vector<16xi32>, vector<16xi32>], vector<16xf32>,
      %mul3A_880 = arith.mulf %gather3A_875, %gather3A_879 : vector<16xf32>
      %add3A_881 = arith.addf %add3A_871, %mul3A_880 : vector<16xf32>
      %add3A_882 = arith.constant 31 : i32
      %add3A_883 = vector.broadcast %add3A_882 : i32 to vector<16xi32>
      %add3A_884 = arith.addi %shift_left3A_563, %add3A_883 : vector<16xi32>
      %gather3A_885 = tpu.vector_load_idx %arg11[%add3A_553, %add3A_884] : memref<128x128xf32, #tpu.memory_space<vmem>>[vector<16xi32>, vector<16xi32>], vector<16xf32>,
      %add3A_886 = arith.constant 31 : i32
      %add3A_887 = vector.broadcast %add3A_886 : i32 to vector<16xi32>
      %add3A_888 = arith.addi %shift_left3A_571, %add3A_887 : vector<16xi32>
      %gather3A_889 = tpu.vector_load_idx %arg13[%add3A_553, %add3A_888] : memref<128x128xf32, #tpu.memory_space<vmem>>[vector<16xi32>, vector<16xi32>], vector<16xf32>,
      %mul3A_890 = arith.mulf %gather3A_885, %gather3A_889 : vector<16xf32>
      %add3A_891 = arith.addf %add3A_881, %mul3A_890 : vector<16xf32>
      %neg3A = arith.constant 0.000000e+00 : f32
      %neg3A_892 = vector.broadcast %neg3A : f32 to vector<16xf32>
      %neg3A_893 = arith.subf %neg3A_892, %add3A_891 : vector<16xf32>
      %exp3A = math.exp %neg3A_893 : vector<16xf32>
      %add3A_894 = arith.constant 1.000000e+00 : f32
      %add3A_895 = vector.broadcast %add3A_894 : f32 to vector<16xf32>
      %add3A_896 = arith.addf %add3A_895, %exp3A : vector<16xf32>
      %div3A = arith.constant 1.000000e+00 : f32
      %div3A_897 = vector.broadcast %div3A : f32 to vector<16xf32>
      %div3A_898 = arith.divf %div3A_897, %add3A_896 : vector<16xf32>
      %swap3A_899 = arith.index_cast %add3A_557 : i32 to index
      %swap3A_900 = tpu.vector_load %arg15[%swap3A_899] {strides = array<i32>} : memref<512xf32, #tpu.memory_space<vmem>>, vector<16xf32>,
      tpu.vector_store %arg15[%swap3A_899], %div3A_898 {strides = array<i32>} : memref<512xf32, #tpu.memory_space<vmem>>, vector<16xf32>,
    }
    %scan3A_478 = arith.constant 8 : i32
    %dma_start3A_479 = arith.constant 256 : i32
    %dma_start3A_480 = tpu.memref_slice %arg9[%dma_start3A_479] : memref<512xi32, #tpu.memory_space<vmem>> -> memref<128xi32, #tpu.memory_space<vmem>>
    %dma_start3A_481 = arith.constant 0 : i32
    %dma_start3A_482 = arith.constant 0 : i32
    %dma_start3A_483 = tpu.memref_slice %arg4[%dma_start3A_481, %dma_start3A_482] : memref<250000x128xf32, #tpu.memory_space<hbm>> -> memref<250000x128xf32, #tpu.memory_space<hbm>>
    tpu.enqueue_indirect_dma source(%dma_start3A_483 : memref<250000x128xf32, #tpu.memory_space<hbm>>) target(%arg11 : memref<128x128xf32, #tpu.memory_space<vmem>>) offsets(%dma_start3A_480 : memref<128xi32, #tpu.memory_space<vmem>>) semaphore(%arg16 : memref<!tpu.dma_semaphore, #tpu.memory_space<semaphore_mem>>)
    %dma_start3A_484 = arith.constant 256 : i32
    %dma_start3A_485 = tpu.memref_slice %arg10[%dma_start3A_484] : memref<512xi32, #tpu.memory_space<vmem>> -> memref<128xi32, #tpu.memory_space<vmem>>
    %dma_start3A_486 = arith.constant 0 : i32
    %dma_start3A_487 = arith.constant 0 : i32
    %dma_start3A_488 = tpu.memref_slice %arg5[%dma_start3A_486, %dma_start3A_487] : memref<250000x128xf32, #tpu.memory_space<hbm>> -> memref<250000x128xf32, #tpu.memory_space<hbm>>
    tpu.enqueue_indirect_dma source(%dma_start3A_488 : memref<250000x128xf32, #tpu.memory_space<hbm>>) target(%arg13 : memref<128x128xf32, #tpu.memory_space<vmem>>) offsets(%dma_start3A_485 : memref<128xi32, #tpu.memory_space<vmem>>) semaphore(%arg18 : memref<!tpu.dma_semaphore, #tpu.memory_space<semaphore_mem>>)
    %dma_wait3A_489 = arith.constant 128 : i32
    %dma_wait3A_490 = tpu.memref_slice %arg9[%dma_wait3A_489] : memref<512xi32, #tpu.memory_space<vmem>> -> memref<128xi32, #tpu.memory_space<vmem>>
    %dma_wait3A_491 = arith.constant 0 : i32
    %dma_wait3A_492 = arith.constant 0 : i32
    %dma_wait3A_493 = tpu.memref_slice %arg4[%dma_wait3A_491, %dma_wait3A_492] : memref<250000x128xf32, #tpu.memory_space<hbm>> -> memref<250000x128xf32, #tpu.memory_space<hbm>>
    tpu.wait_indirect_dma semaphore(%arg17 : memref<!tpu.dma_semaphore, #tpu.memory_space<semaphore_mem>>) src(%dma_wait3A_493 : memref<250000x128xf32, #tpu.memory_space<hbm>>) dst(%arg12 : memref<128x128xf32, #tpu.memory_space<vmem>>)
    %dma_wait3A_494 = arith.constant 128 : i32
    %dma_wait3A_495 = tpu.memref_slice %arg10[%dma_wait3A_494] : memref<512xi32, #tpu.memory_space<vmem>> -> memref<128xi32, #tpu.memory_space<vmem>>
    %dma_wait3A_496 = arith.constant 0 : i32
    %dma_wait3A_497 = arith.constant 0 : i32
    %dma_wait3A_498 = tpu.memref_slice %arg5[%dma_wait3A_496, %dma_wait3A_497] : memref<250000x128xf32, #tpu.memory_space<hbm>> -> memref<250000x128xf32, #tpu.memory_space<hbm>>
    tpu.wait_indirect_dma semaphore(%arg19 : memref<!tpu.dma_semaphore, #tpu.memory_space<semaphore_mem>>) src(%dma_wait3A_498 : memref<250000x128xf32, #tpu.memory_space<hbm>>) dst(%arg14 : memref<128x128xf32, #tpu.memory_space<vmem>>)
    %scan3A_499 = arith.constant 0 : i32
    %scan3A_500 = arith.constant 0 : i32
    %scan3A_501 = arith.constant 8 : i32
    %scan3A_502 = arith.addi %scan3A_500, %scan3A_501 : i32
    %scan3A_503 = arith.constant 1 : i32
    scf.for %scan3A_549 = %scan3A_500 to %scan3A_502 step %scan3A_503  : i32 {
      %mul3A_550 = arith.constant 16 : i32
      %mul3A_551 = arith.muli %scan3A_549, %mul3A_550 : i32
      %add3A_552 = vector.broadcast %mul3A_551 : i32 to vector<16xi32>
      %add3A_553 = arith.addi %add3A_552, %iota3A : vector<16xi32>
      %mul3A_554 = arith.constant 16 : i32
      %mul3A_555 = arith.muli %scan3A_549, %mul3A_554 : i32
      %add3A_556 = arith.constant 128 : i32
      %add3A_557 = arith.addi %add3A_556, %mul3A_555 : i32
      %get3A_558 = arith.index_cast %add3A_557 : i32 to index
      %get3A_559 = tpu.vector_load %arg7[%get3A_558] {strides = array<i32>} : memref<512xi32, #tpu.memory_space<vmem>>, vector<16xi32>,
      %and3A = arith.constant 3 : i32
      %and3A_560 = vector.broadcast %and3A : i32 to vector<16xi32>
      %and3A_561 = arith.andi %get3A_559, %and3A_560 : vector<16xi32>
      %shift_left3A = arith.constant 5 : i32
      %shift_left3A_562 = vector.broadcast %shift_left3A : i32 to vector<16xi32>
      %shift_left3A_563 = arith.shli %and3A_561, %shift_left3A_562 : vector<16xi32>
      %get3A_564 = arith.index_cast %add3A_557 : i32 to index
      %get3A_565 = tpu.vector_load %arg8[%get3A_564] {strides = array<i32>} : memref<512xi32, #tpu.memory_space<vmem>>, vector<16xi32>,
      %and3A_566 = arith.constant 3 : i32
      %and3A_567 = vector.broadcast %and3A_566 : i32 to vector<16xi32>
      %and3A_568 = arith.andi %get3A_565, %and3A_567 : vector<16xi32>
      %shift_left3A_569 = arith.constant 5 : i32
      %shift_left3A_570 = vector.broadcast %shift_left3A_569 : i32 to vector<16xi32>
      %shift_left3A_571 = arith.shli %and3A_568, %shift_left3A_570 : vector<16xi32>
      %broadcast_in_dim3A = arith.constant 0.000000e+00 : f32
      %broadcast_in_dim3A_572 = vector.broadcast %broadcast_in_dim3A : f32 to vector<16xf32>
      %add3A_573 = arith.constant 0 : i32
      %add3A_574 = vector.broadcast %add3A_573 : i32 to vector<16xi32>
      %add3A_575 = arith.addi %shift_left3A_563, %add3A_574 : vector<16xi32>
      %gather3A = tpu.vector_load_idx %arg12[%add3A_553, %add3A_575] : memref<128x128xf32, #tpu.memory_space<vmem>>[vector<16xi32>, vector<16xi32>], vector<16xf32>,
      %add3A_576 = arith.constant 0 : i32
      %add3A_577 = vector.broadcast %add3A_576 : i32 to vector<16xi32>
      %add3A_578 = arith.addi %shift_left3A_571, %add3A_577 : vector<16xi32>
      %gather3A_579 = tpu.vector_load_idx %arg14[%add3A_553, %add3A_578] : memref<128x128xf32, #tpu.memory_space<vmem>>[vector<16xi32>, vector<16xi32>], vector<16xf32>,
      %mul3A_580 = arith.mulf %gather3A, %gather3A_579 : vector<16xf32>
      %add3A_581 = arith.addf %broadcast_in_dim3A_572, %mul3A_580 : vector<16xf32>
      %add3A_582 = arith.constant 1 : i32
      %add3A_583 = vector.broadcast %add3A_582 : i32 to vector<16xi32>
      %add3A_584 = arith.addi %shift_left3A_563, %add3A_583 : vector<16xi32>
      %gather3A_585 = tpu.vector_load_idx %arg12[%add3A_553, %add3A_584] : memref<128x128xf32, #tpu.memory_space<vmem>>[vector<16xi32>, vector<16xi32>], vector<16xf32>,
      %add3A_586 = arith.constant 1 : i32
      %add3A_587 = vector.broadcast %add3A_586 : i32 to vector<16xi32>
      %add3A_588 = arith.addi %shift_left3A_571, %add3A_587 : vector<16xi32>
      %gather3A_589 = tpu.vector_load_idx %arg14[%add3A_553, %add3A_588] : memref<128x128xf32, #tpu.memory_space<vmem>>[vector<16xi32>, vector<16xi32>], vector<16xf32>,
      %mul3A_590 = arith.mulf %gather3A_585, %gather3A_589 : vector<16xf32>
      %add3A_591 = arith.addf %add3A_581, %mul3A_590 : vector<16xf32>
      %add3A_592 = arith.constant 2 : i32
      %add3A_593 = vector.broadcast %add3A_592 : i32 to vector<16xi32>
      %add3A_594 = arith.addi %shift_left3A_563, %add3A_593 : vector<16xi32>
      %gather3A_595 = tpu.vector_load_idx %arg12[%add3A_553, %add3A_594] : memref<128x128xf32, #tpu.memory_space<vmem>>[vector<16xi32>, vector<16xi32>], vector<16xf32>,
      %add3A_596 = arith.constant 2 : i32
      %add3A_597 = vector.broadcast %add3A_596 : i32 to vector<16xi32>
      %add3A_598 = arith.addi %shift_left3A_571, %add3A_597 : vector<16xi32>
      %gather3A_599 = tpu.vector_load_idx %arg14[%add3A_553, %add3A_598] : memref<128x128xf32, #tpu.memory_space<vmem>>[vector<16xi32>, vector<16xi32>], vector<16xf32>,
      %mul3A_600 = arith.mulf %gather3A_595, %gather3A_599 : vector<16xf32>
      %add3A_601 = arith.addf %add3A_591, %mul3A_600 : vector<16xf32>
      %add3A_602 = arith.constant 3 : i32
      %add3A_603 = vector.broadcast %add3A_602 : i32 to vector<16xi32>
      %add3A_604 = arith.addi %shift_left3A_563, %add3A_603 : vector<16xi32>
      %gather3A_605 = tpu.vector_load_idx %arg12[%add3A_553, %add3A_604] : memref<128x128xf32, #tpu.memory_space<vmem>>[vector<16xi32>, vector<16xi32>], vector<16xf32>,
      %add3A_606 = arith.constant 3 : i32
      %add3A_607 = vector.broadcast %add3A_606 : i32 to vector<16xi32>
      %add3A_608 = arith.addi %shift_left3A_571, %add3A_607 : vector<16xi32>
      %gather3A_609 = tpu.vector_load_idx %arg14[%add3A_553, %add3A_608] : memref<128x128xf32, #tpu.memory_space<vmem>>[vector<16xi32>, vector<16xi32>], vector<16xf32>,
      %mul3A_610 = arith.mulf %gather3A_605, %gather3A_609 : vector<16xf32>
      %add3A_611 = arith.addf %add3A_601, %mul3A_610 : vector<16xf32>
      %add3A_612 = arith.constant 4 : i32
      %add3A_613 = vector.broadcast %add3A_612 : i32 to vector<16xi32>
      %add3A_614 = arith.addi %shift_left3A_563, %add3A_613 : vector<16xi32>
      %gather3A_615 = tpu.vector_load_idx %arg12[%add3A_553, %add3A_614] : memref<128x128xf32, #tpu.memory_space<vmem>>[vector<16xi32>, vector<16xi32>], vector<16xf32>,
      %add3A_616 = arith.constant 4 : i32
      %add3A_617 = vector.broadcast %add3A_616 : i32 to vector<16xi32>
      %add3A_618 = arith.addi %shift_left3A_571, %add3A_617 : vector<16xi32>
      %gather3A_619 = tpu.vector_load_idx %arg14[%add3A_553, %add3A_618] : memref<128x128xf32, #tpu.memory_space<vmem>>[vector<16xi32>, vector<16xi32>], vector<16xf32>,
      %mul3A_620 = arith.mulf %gather3A_615, %gather3A_619 : vector<16xf32>
      %add3A_621 = arith.addf %add3A_611, %mul3A_620 : vector<16xf32>
      %add3A_622 = arith.constant 5 : i32
      %add3A_623 = vector.broadcast %add3A_622 : i32 to vector<16xi32>
      %add3A_624 = arith.addi %shift_left3A_563, %add3A_623 : vector<16xi32>
      %gather3A_625 = tpu.vector_load_idx %arg12[%add3A_553, %add3A_624] : memref<128x128xf32, #tpu.memory_space<vmem>>[vector<16xi32>, vector<16xi32>], vector<16xf32>,
      %add3A_626 = arith.constant 5 : i32
      %add3A_627 = vector.broadcast %add3A_626 : i32 to vector<16xi32>
      %add3A_628 = arith.addi %shift_left3A_571, %add3A_627 : vector<16xi32>
      %gather3A_629 = tpu.vector_load_idx %arg14[%add3A_553, %add3A_628] : memref<128x128xf32, #tpu.memory_space<vmem>>[vector<16xi32>, vector<16xi32>], vector<16xf32>,
      %mul3A_630 = arith.mulf %gather3A_625, %gather3A_629 : vector<16xf32>
      %add3A_631 = arith.addf %add3A_621, %mul3A_630 : vector<16xf32>
      %add3A_632 = arith.constant 6 : i32
      %add3A_633 = vector.broadcast %add3A_632 : i32 to vector<16xi32>
      %add3A_634 = arith.addi %shift_left3A_563, %add3A_633 : vector<16xi32>
      %gather3A_635 = tpu.vector_load_idx %arg12[%add3A_553, %add3A_634] : memref<128x128xf32, #tpu.memory_space<vmem>>[vector<16xi32>, vector<16xi32>], vector<16xf32>,
      %add3A_636 = arith.constant 6 : i32
      %add3A_637 = vector.broadcast %add3A_636 : i32 to vector<16xi32>
      %add3A_638 = arith.addi %shift_left3A_571, %add3A_637 : vector<16xi32>
      %gather3A_639 = tpu.vector_load_idx %arg14[%add3A_553, %add3A_638] : memref<128x128xf32, #tpu.memory_space<vmem>>[vector<16xi32>, vector<16xi32>], vector<16xf32>,
      %mul3A_640 = arith.mulf %gather3A_635, %gather3A_639 : vector<16xf32>
      %add3A_641 = arith.addf %add3A_631, %mul3A_640 : vector<16xf32>
      %add3A_642 = arith.constant 7 : i32
      %add3A_643 = vector.broadcast %add3A_642 : i32 to vector<16xi32>
      %add3A_644 = arith.addi %shift_left3A_563, %add3A_643 : vector<16xi32>
      %gather3A_645 = tpu.vector_load_idx %arg12[%add3A_553, %add3A_644] : memref<128x128xf32, #tpu.memory_space<vmem>>[vector<16xi32>, vector<16xi32>], vector<16xf32>,
      %add3A_646 = arith.constant 7 : i32
      %add3A_647 = vector.broadcast %add3A_646 : i32 to vector<16xi32>
      %add3A_648 = arith.addi %shift_left3A_571, %add3A_647 : vector<16xi32>
      %gather3A_649 = tpu.vector_load_idx %arg14[%add3A_553, %add3A_648] : memref<128x128xf32, #tpu.memory_space<vmem>>[vector<16xi32>, vector<16xi32>], vector<16xf32>,
      %mul3A_650 = arith.mulf %gather3A_645, %gather3A_649 : vector<16xf32>
      %add3A_651 = arith.addf %add3A_641, %mul3A_650 : vector<16xf32>
      %add3A_652 = arith.constant 8 : i32
      %add3A_653 = vector.broadcast %add3A_652 : i32 to vector<16xi32>
      %add3A_654 = arith.addi %shift_left3A_563, %add3A_653 : vector<16xi32>
      %gather3A_655 = tpu.vector_load_idx %arg12[%add3A_553, %add3A_654] : memref<128x128xf32, #tpu.memory_space<vmem>>[vector<16xi32>, vector<16xi32>], vector<16xf32>,
      %add3A_656 = arith.constant 8 : i32
      %add3A_657 = vector.broadcast %add3A_656 : i32 to vector<16xi32>
      %add3A_658 = arith.addi %shift_left3A_571, %add3A_657 : vector<16xi32>
      %gather3A_659 = tpu.vector_load_idx %arg14[%add3A_553, %add3A_658] : memref<128x128xf32, #tpu.memory_space<vmem>>[vector<16xi32>, vector<16xi32>], vector<16xf32>,
      %mul3A_660 = arith.mulf %gather3A_655, %gather3A_659 : vector<16xf32>
      %add3A_661 = arith.addf %add3A_651, %mul3A_660 : vector<16xf32>
      %add3A_662 = arith.constant 9 : i32
      %add3A_663 = vector.broadcast %add3A_662 : i32 to vector<16xi32>
      %add3A_664 = arith.addi %shift_left3A_563, %add3A_663 : vector<16xi32>
      %gather3A_665 = tpu.vector_load_idx %arg12[%add3A_553, %add3A_664] : memref<128x128xf32, #tpu.memory_space<vmem>>[vector<16xi32>, vector<16xi32>], vector<16xf32>,
      %add3A_666 = arith.constant 9 : i32
      %add3A_667 = vector.broadcast %add3A_666 : i32 to vector<16xi32>
      %add3A_668 = arith.addi %shift_left3A_571, %add3A_667 : vector<16xi32>
      %gather3A_669 = tpu.vector_load_idx %arg14[%add3A_553, %add3A_668] : memref<128x128xf32, #tpu.memory_space<vmem>>[vector<16xi32>, vector<16xi32>], vector<16xf32>,
      %mul3A_670 = arith.mulf %gather3A_665, %gather3A_669 : vector<16xf32>
      %add3A_671 = arith.addf %add3A_661, %mul3A_670 : vector<16xf32>
      %add3A_672 = arith.constant 10 : i32
      %add3A_673 = vector.broadcast %add3A_672 : i32 to vector<16xi32>
      %add3A_674 = arith.addi %shift_left3A_563, %add3A_673 : vector<16xi32>
      %gather3A_675 = tpu.vector_load_idx %arg12[%add3A_553, %add3A_674] : memref<128x128xf32, #tpu.memory_space<vmem>>[vector<16xi32>, vector<16xi32>], vector<16xf32>,
      %add3A_676 = arith.constant 10 : i32
      %add3A_677 = vector.broadcast %add3A_676 : i32 to vector<16xi32>
      %add3A_678 = arith.addi %shift_left3A_571, %add3A_677 : vector<16xi32>
      %gather3A_679 = tpu.vector_load_idx %arg14[%add3A_553, %add3A_678] : memref<128x128xf32, #tpu.memory_space<vmem>>[vector<16xi32>, vector<16xi32>], vector<16xf32>,
      %mul3A_680 = arith.mulf %gather3A_675, %gather3A_679 : vector<16xf32>
      %add3A_681 = arith.addf %add3A_671, %mul3A_680 : vector<16xf32>
      %add3A_682 = arith.constant 11 : i32
      %add3A_683 = vector.broadcast %add3A_682 : i32 to vector<16xi32>
      %add3A_684 = arith.addi %shift_left3A_563, %add3A_683 : vector<16xi32>
      %gather3A_685 = tpu.vector_load_idx %arg12[%add3A_553, %add3A_684] : memref<128x128xf32, #tpu.memory_space<vmem>>[vector<16xi32>, vector<16xi32>], vector<16xf32>,
      %add3A_686 = arith.constant 11 : i32
      %add3A_687 = vector.broadcast %add3A_686 : i32 to vector<16xi32>
      %add3A_688 = arith.addi %shift_left3A_571, %add3A_687 : vector<16xi32>
      %gather3A_689 = tpu.vector_load_idx %arg14[%add3A_553, %add3A_688] : memref<128x128xf32, #tpu.memory_space<vmem>>[vector<16xi32>, vector<16xi32>], vector<16xf32>,
      %mul3A_690 = arith.mulf %gather3A_685, %gather3A_689 : vector<16xf32>
      %add3A_691 = arith.addf %add3A_681, %mul3A_690 : vector<16xf32>
      %add3A_692 = arith.constant 12 : i32
      %add3A_693 = vector.broadcast %add3A_692 : i32 to vector<16xi32>
      %add3A_694 = arith.addi %shift_left3A_563, %add3A_693 : vector<16xi32>
      %gather3A_695 = tpu.vector_load_idx %arg12[%add3A_553, %add3A_694] : memref<128x128xf32, #tpu.memory_space<vmem>>[vector<16xi32>, vector<16xi32>], vector<16xf32>,
      %add3A_696 = arith.constant 12 : i32
      %add3A_697 = vector.broadcast %add3A_696 : i32 to vector<16xi32>
      %add3A_698 = arith.addi %shift_left3A_571, %add3A_697 : vector<16xi32>
      %gather3A_699 = tpu.vector_load_idx %arg14[%add3A_553, %add3A_698] : memref<128x128xf32, #tpu.memory_space<vmem>>[vector<16xi32>, vector<16xi32>], vector<16xf32>,
      %mul3A_700 = arith.mulf %gather3A_695, %gather3A_699 : vector<16xf32>
      %add3A_701 = arith.addf %add3A_691, %mul3A_700 : vector<16xf32>
      %add3A_702 = arith.constant 13 : i32
      %add3A_703 = vector.broadcast %add3A_702 : i32 to vector<16xi32>
      %add3A_704 = arith.addi %shift_left3A_563, %add3A_703 : vector<16xi32>
      %gather3A_705 = tpu.vector_load_idx %arg12[%add3A_553, %add3A_704] : memref<128x128xf32, #tpu.memory_space<vmem>>[vector<16xi32>, vector<16xi32>], vector<16xf32>,
      %add3A_706 = arith.constant 13 : i32
      %add3A_707 = vector.broadcast %add3A_706 : i32 to vector<16xi32>
      %add3A_708 = arith.addi %shift_left3A_571, %add3A_707 : vector<16xi32>
      %gather3A_709 = tpu.vector_load_idx %arg14[%add3A_553, %add3A_708] : memref<128x128xf32, #tpu.memory_space<vmem>>[vector<16xi32>, vector<16xi32>], vector<16xf32>,
      %mul3A_710 = arith.mulf %gather3A_705, %gather3A_709 : vector<16xf32>
      %add3A_711 = arith.addf %add3A_701, %mul3A_710 : vector<16xf32>
      %add3A_712 = arith.constant 14 : i32
      %add3A_713 = vector.broadcast %add3A_712 : i32 to vector<16xi32>
      %add3A_714 = arith.addi %shift_left3A_563, %add3A_713 : vector<16xi32>
      %gather3A_715 = tpu.vector_load_idx %arg12[%add3A_553, %add3A_714] : memref<128x128xf32, #tpu.memory_space<vmem>>[vector<16xi32>, vector<16xi32>], vector<16xf32>,
      %add3A_716 = arith.constant 14 : i32
      %add3A_717 = vector.broadcast %add3A_716 : i32 to vector<16xi32>
      %add3A_718 = arith.addi %shift_left3A_571, %add3A_717 : vector<16xi32>
      %gather3A_719 = tpu.vector_load_idx %arg14[%add3A_553, %add3A_718] : memref<128x128xf32, #tpu.memory_space<vmem>>[vector<16xi32>, vector<16xi32>], vector<16xf32>,
      %mul3A_720 = arith.mulf %gather3A_715, %gather3A_719 : vector<16xf32>
      %add3A_721 = arith.addf %add3A_711, %mul3A_720 : vector<16xf32>
      %add3A_722 = arith.constant 15 : i32
      %add3A_723 = vector.broadcast %add3A_722 : i32 to vector<16xi32>
      %add3A_724 = arith.addi %shift_left3A_563, %add3A_723 : vector<16xi32>
      %gather3A_725 = tpu.vector_load_idx %arg12[%add3A_553, %add3A_724] : memref<128x128xf32, #tpu.memory_space<vmem>>[vector<16xi32>, vector<16xi32>], vector<16xf32>,
      %add3A_726 = arith.constant 15 : i32
      %add3A_727 = vector.broadcast %add3A_726 : i32 to vector<16xi32>
      %add3A_728 = arith.addi %shift_left3A_571, %add3A_727 : vector<16xi32>
      %gather3A_729 = tpu.vector_load_idx %arg14[%add3A_553, %add3A_728] : memref<128x128xf32, #tpu.memory_space<vmem>>[vector<16xi32>, vector<16xi32>], vector<16xf32>,
      %mul3A_730 = arith.mulf %gather3A_725, %gather3A_729 : vector<16xf32>
      %add3A_731 = arith.addf %add3A_721, %mul3A_730 : vector<16xf32>
      %add3A_732 = arith.constant 16 : i32
      %add3A_733 = vector.broadcast %add3A_732 : i32 to vector<16xi32>
      %add3A_734 = arith.addi %shift_left3A_563, %add3A_733 : vector<16xi32>
      %gather3A_735 = tpu.vector_load_idx %arg12[%add3A_553, %add3A_734] : memref<128x128xf32, #tpu.memory_space<vmem>>[vector<16xi32>, vector<16xi32>], vector<16xf32>,
      %add3A_736 = arith.constant 16 : i32
      %add3A_737 = vector.broadcast %add3A_736 : i32 to vector<16xi32>
      %add3A_738 = arith.addi %shift_left3A_571, %add3A_737 : vector<16xi32>
      %gather3A_739 = tpu.vector_load_idx %arg14[%add3A_553, %add3A_738] : memref<128x128xf32, #tpu.memory_space<vmem>>[vector<16xi32>, vector<16xi32>], vector<16xf32>,
      %mul3A_740 = arith.mulf %gather3A_735, %gather3A_739 : vector<16xf32>
      %add3A_741 = arith.addf %add3A_731, %mul3A_740 : vector<16xf32>
      %add3A_742 = arith.constant 17 : i32
      %add3A_743 = vector.broadcast %add3A_742 : i32 to vector<16xi32>
      %add3A_744 = arith.addi %shift_left3A_563, %add3A_743 : vector<16xi32>
      %gather3A_745 = tpu.vector_load_idx %arg12[%add3A_553, %add3A_744] : memref<128x128xf32, #tpu.memory_space<vmem>>[vector<16xi32>, vector<16xi32>], vector<16xf32>,
      %add3A_746 = arith.constant 17 : i32
      %add3A_747 = vector.broadcast %add3A_746 : i32 to vector<16xi32>
      %add3A_748 = arith.addi %shift_left3A_571, %add3A_747 : vector<16xi32>
      %gather3A_749 = tpu.vector_load_idx %arg14[%add3A_553, %add3A_748] : memref<128x128xf32, #tpu.memory_space<vmem>>[vector<16xi32>, vector<16xi32>], vector<16xf32>,
      %mul3A_750 = arith.mulf %gather3A_745, %gather3A_749 : vector<16xf32>
      %add3A_751 = arith.addf %add3A_741, %mul3A_750 : vector<16xf32>
      %add3A_752 = arith.constant 18 : i32
      %add3A_753 = vector.broadcast %add3A_752 : i32 to vector<16xi32>
      %add3A_754 = arith.addi %shift_left3A_563, %add3A_753 : vector<16xi32>
      %gather3A_755 = tpu.vector_load_idx %arg12[%add3A_553, %add3A_754] : memref<128x128xf32, #tpu.memory_space<vmem>>[vector<16xi32>, vector<16xi32>], vector<16xf32>,
      %add3A_756 = arith.constant 18 : i32
      %add3A_757 = vector.broadcast %add3A_756 : i32 to vector<16xi32>
      %add3A_758 = arith.addi %shift_left3A_571, %add3A_757 : vector<16xi32>
      %gather3A_759 = tpu.vector_load_idx %arg14[%add3A_553, %add3A_758] : memref<128x128xf32, #tpu.memory_space<vmem>>[vector<16xi32>, vector<16xi32>], vector<16xf32>,
      %mul3A_760 = arith.mulf %gather3A_755, %gather3A_759 : vector<16xf32>
      %add3A_761 = arith.addf %add3A_751, %mul3A_760 : vector<16xf32>
      %add3A_762 = arith.constant 19 : i32
      %add3A_763 = vector.broadcast %add3A_762 : i32 to vector<16xi32>
      %add3A_764 = arith.addi %shift_left3A_563, %add3A_763 : vector<16xi32>
      %gather3A_765 = tpu.vector_load_idx %arg12[%add3A_553, %add3A_764] : memref<128x128xf32, #tpu.memory_space<vmem>>[vector<16xi32>, vector<16xi32>], vector<16xf32>,
      %add3A_766 = arith.constant 19 : i32
      %add3A_767 = vector.broadcast %add3A_766 : i32 to vector<16xi32>
      %add3A_768 = arith.addi %shift_left3A_571, %add3A_767 : vector<16xi32>
      %gather3A_769 = tpu.vector_load_idx %arg14[%add3A_553, %add3A_768] : memref<128x128xf32, #tpu.memory_space<vmem>>[vector<16xi32>, vector<16xi32>], vector<16xf32>,
      %mul3A_770 = arith.mulf %gather3A_765, %gather3A_769 : vector<16xf32>
      %add3A_771 = arith.addf %add3A_761, %mul3A_770 : vector<16xf32>
      %add3A_772 = arith.constant 20 : i32
      %add3A_773 = vector.broadcast %add3A_772 : i32 to vector<16xi32>
      %add3A_774 = arith.addi %shift_left3A_563, %add3A_773 : vector<16xi32>
      %gather3A_775 = tpu.vector_load_idx %arg12[%add3A_553, %add3A_774] : memref<128x128xf32, #tpu.memory_space<vmem>>[vector<16xi32>, vector<16xi32>], vector<16xf32>,
      %add3A_776 = arith.constant 20 : i32
      %add3A_777 = vector.broadcast %add3A_776 : i32 to vector<16xi32>
      %add3A_778 = arith.addi %shift_left3A_571, %add3A_777 : vector<16xi32>
      %gather3A_779 = tpu.vector_load_idx %arg14[%add3A_553, %add3A_778] : memref<128x128xf32, #tpu.memory_space<vmem>>[vector<16xi32>, vector<16xi32>], vector<16xf32>,
      %mul3A_780 = arith.mulf %gather3A_775, %gather3A_779 : vector<16xf32>
      %add3A_781 = arith.addf %add3A_771, %mul3A_780 : vector<16xf32>
      %add3A_782 = arith.constant 21 : i32
      %add3A_783 = vector.broadcast %add3A_782 : i32 to vector<16xi32>
      %add3A_784 = arith.addi %shift_left3A_563, %add3A_783 : vector<16xi32>
      %gather3A_785 = tpu.vector_load_idx %arg12[%add3A_553, %add3A_784] : memref<128x128xf32, #tpu.memory_space<vmem>>[vector<16xi32>, vector<16xi32>], vector<16xf32>,
      %add3A_786 = arith.constant 21 : i32
      %add3A_787 = vector.broadcast %add3A_786 : i32 to vector<16xi32>
      %add3A_788 = arith.addi %shift_left3A_571, %add3A_787 : vector<16xi32>
      %gather3A_789 = tpu.vector_load_idx %arg14[%add3A_553, %add3A_788] : memref<128x128xf32, #tpu.memory_space<vmem>>[vector<16xi32>, vector<16xi32>], vector<16xf32>,
      %mul3A_790 = arith.mulf %gather3A_785, %gather3A_789 : vector<16xf32>
      %add3A_791 = arith.addf %add3A_781, %mul3A_790 : vector<16xf32>
      %add3A_792 = arith.constant 22 : i32
      %add3A_793 = vector.broadcast %add3A_792 : i32 to vector<16xi32>
      %add3A_794 = arith.addi %shift_left3A_563, %add3A_793 : vector<16xi32>
      %gather3A_795 = tpu.vector_load_idx %arg12[%add3A_553, %add3A_794] : memref<128x128xf32, #tpu.memory_space<vmem>>[vector<16xi32>, vector<16xi32>], vector<16xf32>,
      %add3A_796 = arith.constant 22 : i32
      %add3A_797 = vector.broadcast %add3A_796 : i32 to vector<16xi32>
      %add3A_798 = arith.addi %shift_left3A_571, %add3A_797 : vector<16xi32>
      %gather3A_799 = tpu.vector_load_idx %arg14[%add3A_553, %add3A_798] : memref<128x128xf32, #tpu.memory_space<vmem>>[vector<16xi32>, vector<16xi32>], vector<16xf32>,
      %mul3A_800 = arith.mulf %gather3A_795, %gather3A_799 : vector<16xf32>
      %add3A_801 = arith.addf %add3A_791, %mul3A_800 : vector<16xf32>
      %add3A_802 = arith.constant 23 : i32
      %add3A_803 = vector.broadcast %add3A_802 : i32 to vector<16xi32>
      %add3A_804 = arith.addi %shift_left3A_563, %add3A_803 : vector<16xi32>
      %gather3A_805 = tpu.vector_load_idx %arg12[%add3A_553, %add3A_804] : memref<128x128xf32, #tpu.memory_space<vmem>>[vector<16xi32>, vector<16xi32>], vector<16xf32>,
      %add3A_806 = arith.constant 23 : i32
      %add3A_807 = vector.broadcast %add3A_806 : i32 to vector<16xi32>
      %add3A_808 = arith.addi %shift_left3A_571, %add3A_807 : vector<16xi32>
      %gather3A_809 = tpu.vector_load_idx %arg14[%add3A_553, %add3A_808] : memref<128x128xf32, #tpu.memory_space<vmem>>[vector<16xi32>, vector<16xi32>], vector<16xf32>,
      %mul3A_810 = arith.mulf %gather3A_805, %gather3A_809 : vector<16xf32>
      %add3A_811 = arith.addf %add3A_801, %mul3A_810 : vector<16xf32>
      %add3A_812 = arith.constant 24 : i32
      %add3A_813 = vector.broadcast %add3A_812 : i32 to vector<16xi32>
      %add3A_814 = arith.addi %shift_left3A_563, %add3A_813 : vector<16xi32>
      %gather3A_815 = tpu.vector_load_idx %arg12[%add3A_553, %add3A_814] : memref<128x128xf32, #tpu.memory_space<vmem>>[vector<16xi32>, vector<16xi32>], vector<16xf32>,
      %add3A_816 = arith.constant 24 : i32
      %add3A_817 = vector.broadcast %add3A_816 : i32 to vector<16xi32>
      %add3A_818 = arith.addi %shift_left3A_571, %add3A_817 : vector<16xi32>
      %gather3A_819 = tpu.vector_load_idx %arg14[%add3A_553, %add3A_818] : memref<128x128xf32, #tpu.memory_space<vmem>>[vector<16xi32>, vector<16xi32>], vector<16xf32>,
      %mul3A_820 = arith.mulf %gather3A_815, %gather3A_819 : vector<16xf32>
      %add3A_821 = arith.addf %add3A_811, %mul3A_820 : vector<16xf32>
      %add3A_822 = arith.constant 25 : i32
      %add3A_823 = vector.broadcast %add3A_822 : i32 to vector<16xi32>
      %add3A_824 = arith.addi %shift_left3A_563, %add3A_823 : vector<16xi32>
      %gather3A_825 = tpu.vector_load_idx %arg12[%add3A_553, %add3A_824] : memref<128x128xf32, #tpu.memory_space<vmem>>[vector<16xi32>, vector<16xi32>], vector<16xf32>,
      %add3A_826 = arith.constant 25 : i32
      %add3A_827 = vector.broadcast %add3A_826 : i32 to vector<16xi32>
      %add3A_828 = arith.addi %shift_left3A_571, %add3A_827 : vector<16xi32>
      %gather3A_829 = tpu.vector_load_idx %arg14[%add3A_553, %add3A_828] : memref<128x128xf32, #tpu.memory_space<vmem>>[vector<16xi32>, vector<16xi32>], vector<16xf32>,
      %mul3A_830 = arith.mulf %gather3A_825, %gather3A_829 : vector<16xf32>
      %add3A_831 = arith.addf %add3A_821, %mul3A_830 : vector<16xf32>
      %add3A_832 = arith.constant 26 : i32
      %add3A_833 = vector.broadcast %add3A_832 : i32 to vector<16xi32>
      %add3A_834 = arith.addi %shift_left3A_563, %add3A_833 : vector<16xi32>
      %gather3A_835 = tpu.vector_load_idx %arg12[%add3A_553, %add3A_834] : memref<128x128xf32, #tpu.memory_space<vmem>>[vector<16xi32>, vector<16xi32>], vector<16xf32>,
      %add3A_836 = arith.constant 26 : i32
      %add3A_837 = vector.broadcast %add3A_836 : i32 to vector<16xi32>
      %add3A_838 = arith.addi %shift_left3A_571, %add3A_837 : vector<16xi32>
      %gather3A_839 = tpu.vector_load_idx %arg14[%add3A_553, %add3A_838] : memref<128x128xf32, #tpu.memory_space<vmem>>[vector<16xi32>, vector<16xi32>], vector<16xf32>,
      %mul3A_840 = arith.mulf %gather3A_835, %gather3A_839 : vector<16xf32>
      %add3A_841 = arith.addf %add3A_831, %mul3A_840 : vector<16xf32>
      %add3A_842 = arith.constant 27 : i32
      %add3A_843 = vector.broadcast %add3A_842 : i32 to vector<16xi32>
      %add3A_844 = arith.addi %shift_left3A_563, %add3A_843 : vector<16xi32>
      %gather3A_845 = tpu.vector_load_idx %arg12[%add3A_553, %add3A_844] : memref<128x128xf32, #tpu.memory_space<vmem>>[vector<16xi32>, vector<16xi32>], vector<16xf32>,
      %add3A_846 = arith.constant 27 : i32
      %add3A_847 = vector.broadcast %add3A_846 : i32 to vector<16xi32>
      %add3A_848 = arith.addi %shift_left3A_571, %add3A_847 : vector<16xi32>
      %gather3A_849 = tpu.vector_load_idx %arg14[%add3A_553, %add3A_848] : memref<128x128xf32, #tpu.memory_space<vmem>>[vector<16xi32>, vector<16xi32>], vector<16xf32>,
      %mul3A_850 = arith.mulf %gather3A_845, %gather3A_849 : vector<16xf32>
      %add3A_851 = arith.addf %add3A_841, %mul3A_850 : vector<16xf32>
      %add3A_852 = arith.constant 28 : i32
      %add3A_853 = vector.broadcast %add3A_852 : i32 to vector<16xi32>
      %add3A_854 = arith.addi %shift_left3A_563, %add3A_853 : vector<16xi32>
      %gather3A_855 = tpu.vector_load_idx %arg12[%add3A_553, %add3A_854] : memref<128x128xf32, #tpu.memory_space<vmem>>[vector<16xi32>, vector<16xi32>], vector<16xf32>,
      %add3A_856 = arith.constant 28 : i32
      %add3A_857 = vector.broadcast %add3A_856 : i32 to vector<16xi32>
      %add3A_858 = arith.addi %shift_left3A_571, %add3A_857 : vector<16xi32>
      %gather3A_859 = tpu.vector_load_idx %arg14[%add3A_553, %add3A_858] : memref<128x128xf32, #tpu.memory_space<vmem>>[vector<16xi32>, vector<16xi32>], vector<16xf32>,
      %mul3A_860 = arith.mulf %gather3A_855, %gather3A_859 : vector<16xf32>
      %add3A_861 = arith.addf %add3A_851, %mul3A_860 : vector<16xf32>
      %add3A_862 = arith.constant 29 : i32
      %add3A_863 = vector.broadcast %add3A_862 : i32 to vector<16xi32>
      %add3A_864 = arith.addi %shift_left3A_563, %add3A_863 : vector<16xi32>
      %gather3A_865 = tpu.vector_load_idx %arg12[%add3A_553, %add3A_864] : memref<128x128xf32, #tpu.memory_space<vmem>>[vector<16xi32>, vector<16xi32>], vector<16xf32>,
      %add3A_866 = arith.constant 29 : i32
      %add3A_867 = vector.broadcast %add3A_866 : i32 to vector<16xi32>
      %add3A_868 = arith.addi %shift_left3A_571, %add3A_867 : vector<16xi32>
      %gather3A_869 = tpu.vector_load_idx %arg14[%add3A_553, %add3A_868] : memref<128x128xf32, #tpu.memory_space<vmem>>[vector<16xi32>, vector<16xi32>], vector<16xf32>,
      %mul3A_870 = arith.mulf %gather3A_865, %gather3A_869 : vector<16xf32>
      %add3A_871 = arith.addf %add3A_861, %mul3A_870 : vector<16xf32>
      %add3A_872 = arith.constant 30 : i32
      %add3A_873 = vector.broadcast %add3A_872 : i32 to vector<16xi32>
      %add3A_874 = arith.addi %shift_left3A_563, %add3A_873 : vector<16xi32>
      %gather3A_875 = tpu.vector_load_idx %arg12[%add3A_553, %add3A_874] : memref<128x128xf32, #tpu.memory_space<vmem>>[vector<16xi32>, vector<16xi32>], vector<16xf32>,
      %add3A_876 = arith.constant 30 : i32
      %add3A_877 = vector.broadcast %add3A_876 : i32 to vector<16xi32>
      %add3A_878 = arith.addi %shift_left3A_571, %add3A_877 : vector<16xi32>
      %gather3A_879 = tpu.vector_load_idx %arg14[%add3A_553, %add3A_878] : memref<128x128xf32, #tpu.memory_space<vmem>>[vector<16xi32>, vector<16xi32>], vector<16xf32>,
      %mul3A_880 = arith.mulf %gather3A_875, %gather3A_879 : vector<16xf32>
      %add3A_881 = arith.addf %add3A_871, %mul3A_880 : vector<16xf32>
      %add3A_882 = arith.constant 31 : i32
      %add3A_883 = vector.broadcast %add3A_882 : i32 to vector<16xi32>
      %add3A_884 = arith.addi %shift_left3A_563, %add3A_883 : vector<16xi32>
      %gather3A_885 = tpu.vector_load_idx %arg12[%add3A_553, %add3A_884] : memref<128x128xf32, #tpu.memory_space<vmem>>[vector<16xi32>, vector<16xi32>], vector<16xf32>,
      %add3A_886 = arith.constant 31 : i32
      %add3A_887 = vector.broadcast %add3A_886 : i32 to vector<16xi32>
      %add3A_888 = arith.addi %shift_left3A_571, %add3A_887 : vector<16xi32>
      %gather3A_889 = tpu.vector_load_idx %arg14[%add3A_553, %add3A_888] : memref<128x128xf32, #tpu.memory_space<vmem>>[vector<16xi32>, vector<16xi32>], vector<16xf32>,
      %mul3A_890 = arith.mulf %gather3A_885, %gather3A_889 : vector<16xf32>
      %add3A_891 = arith.addf %add3A_881, %mul3A_890 : vector<16xf32>
      %neg3A = arith.constant 0.000000e+00 : f32
      %neg3A_892 = vector.broadcast %neg3A : f32 to vector<16xf32>
      %neg3A_893 = arith.subf %neg3A_892, %add3A_891 : vector<16xf32>
      %exp3A = math.exp %neg3A_893 : vector<16xf32>
      %add3A_894 = arith.constant 1.000000e+00 : f32
      %add3A_895 = vector.broadcast %add3A_894 : f32 to vector<16xf32>
      %add3A_896 = arith.addf %add3A_895, %exp3A : vector<16xf32>
      %div3A = arith.constant 1.000000e+00 : f32
      %div3A_897 = vector.broadcast %div3A : f32 to vector<16xf32>
      %div3A_898 = arith.divf %div3A_897, %add3A_896 : vector<16xf32>
      %swap3A_899 = arith.index_cast %add3A_557 : i32 to index
      %swap3A_900 = tpu.vector_load %arg15[%swap3A_899] {strides = array<i32>} : memref<512xf32, #tpu.memory_space<vmem>>, vector<16xf32>,
      tpu.vector_store %arg15[%swap3A_899], %div3A_898 {strides = array<i32>} : memref<512xf32, #tpu.memory_space<vmem>>, vector<16xf32>,
    }
    %scan3A_504 = arith.constant 8 : i32
    %dma_start3A_505 = arith.constant 384 : i32
    %dma_start3A_506 = tpu.memref_slice %arg9[%dma_start3A_505] : memref<512xi32, #tpu.memory_space<vmem>> -> memref<128xi32, #tpu.memory_space<vmem>>
    %dma_start3A_507 = arith.constant 0 : i32
    %dma_start3A_508 = arith.constant 0 : i32
    %dma_start3A_509 = tpu.memref_slice %arg4[%dma_start3A_507, %dma_start3A_508] : memref<250000x128xf32, #tpu.memory_space<hbm>> -> memref<250000x128xf32, #tpu.memory_space<hbm>>
    tpu.enqueue_indirect_dma source(%dma_start3A_509 : memref<250000x128xf32, #tpu.memory_space<hbm>>) target(%arg12 : memref<128x128xf32, #tpu.memory_space<vmem>>) offsets(%dma_start3A_506 : memref<128xi32, #tpu.memory_space<vmem>>) semaphore(%arg17 : memref<!tpu.dma_semaphore, #tpu.memory_space<semaphore_mem>>)
    %dma_start3A_510 = arith.constant 384 : i32
    %dma_start3A_511 = tpu.memref_slice %arg10[%dma_start3A_510] : memref<512xi32, #tpu.memory_space<vmem>> -> memref<128xi32, #tpu.memory_space<vmem>>
    %dma_start3A_512 = arith.constant 0 : i32
    %dma_start3A_513 = arith.constant 0 : i32
    %dma_start3A_514 = tpu.memref_slice %arg5[%dma_start3A_512, %dma_start3A_513] : memref<250000x128xf32, #tpu.memory_space<hbm>> -> memref<250000x128xf32, #tpu.memory_space<hbm>>
    tpu.enqueue_indirect_dma source(%dma_start3A_514 : memref<250000x128xf32, #tpu.memory_space<hbm>>) target(%arg14 : memref<128x128xf32, #tpu.memory_space<vmem>>) offsets(%dma_start3A_511 : memref<128xi32, #tpu.memory_space<vmem>>) semaphore(%arg19 : memref<!tpu.dma_semaphore, #tpu.memory_space<semaphore_mem>>)
    %dma_wait3A_515 = arith.constant 256 : i32
    %dma_wait3A_516 = tpu.memref_slice %arg9[%dma_wait3A_515] : memref<512xi32, #tpu.memory_space<vmem>> -> memref<128xi32, #tpu.memory_space<vmem>>
    %dma_wait3A_517 = arith.constant 0 : i32
    %dma_wait3A_518 = arith.constant 0 : i32
    %dma_wait3A_519 = tpu.memref_slice %arg4[%dma_wait3A_517, %dma_wait3A_518] : memref<250000x128xf32, #tpu.memory_space<hbm>> -> memref<250000x128xf32, #tpu.memory_space<hbm>>
    tpu.wait_indirect_dma semaphore(%arg16 : memref<!tpu.dma_semaphore, #tpu.memory_space<semaphore_mem>>) src(%dma_wait3A_519 : memref<250000x128xf32, #tpu.memory_space<hbm>>) dst(%arg11 : memref<128x128xf32, #tpu.memory_space<vmem>>)
    %dma_wait3A_520 = arith.constant 256 : i32
    %dma_wait3A_521 = tpu.memref_slice %arg10[%dma_wait3A_520] : memref<512xi32, #tpu.memory_space<vmem>> -> memref<128xi32, #tpu.memory_space<vmem>>
    %dma_wait3A_522 = arith.constant 0 : i32
    %dma_wait3A_523 = arith.constant 0 : i32
    %dma_wait3A_524 = tpu.memref_slice %arg5[%dma_wait3A_522, %dma_wait3A_523] : memref<250000x128xf32, #tpu.memory_space<hbm>> -> memref<250000x128xf32, #tpu.memory_space<hbm>>
    tpu.wait_indirect_dma semaphore(%arg18 : memref<!tpu.dma_semaphore, #tpu.memory_space<semaphore_mem>>) src(%dma_wait3A_524 : memref<250000x128xf32, #tpu.memory_space<hbm>>) dst(%arg13 : memref<128x128xf32, #tpu.memory_space<vmem>>)
    %scan3A_525 = arith.constant 0 : i32
    %scan3A_526 = arith.constant 0 : i32
    %scan3A_527 = arith.constant 8 : i32
    %scan3A_528 = arith.addi %scan3A_526, %scan3A_527 : i32
    %scan3A_529 = arith.constant 1 : i32
    scf.for %scan3A_549 = %scan3A_526 to %scan3A_528 step %scan3A_529  : i32 {
      %mul3A_550 = arith.constant 16 : i32
      %mul3A_551 = arith.muli %scan3A_549, %mul3A_550 : i32
      %add3A_552 = vector.broadcast %mul3A_551 : i32 to vector<16xi32>
      %add3A_553 = arith.addi %add3A_552, %iota3A : vector<16xi32>
      %mul3A_554 = arith.constant 16 : i32
      %mul3A_555 = arith.muli %scan3A_549, %mul3A_554 : i32
      %add3A_556 = arith.constant 256 : i32
      %add3A_557 = arith.addi %add3A_556, %mul3A_555 : i32
      %get3A_558 = arith.index_cast %add3A_557 : i32 to index
      %get3A_559 = tpu.vector_load %arg7[%get3A_558] {strides = array<i32>} : memref<512xi32, #tpu.memory_space<vmem>>, vector<16xi32>,
      %and3A = arith.constant 3 : i32
      %and3A_560 = vector.broadcast %and3A : i32 to vector<16xi32>
      %and3A_561 = arith.andi %get3A_559, %and3A_560 : vector<16xi32>
      %shift_left3A = arith.constant 5 : i32
      %shift_left3A_562 = vector.broadcast %shift_left3A : i32 to vector<16xi32>
      %shift_left3A_563 = arith.shli %and3A_561, %shift_left3A_562 : vector<16xi32>
      %get3A_564 = arith.index_cast %add3A_557 : i32 to index
      %get3A_565 = tpu.vector_load %arg8[%get3A_564] {strides = array<i32>} : memref<512xi32, #tpu.memory_space<vmem>>, vector<16xi32>,
      %and3A_566 = arith.constant 3 : i32
      %and3A_567 = vector.broadcast %and3A_566 : i32 to vector<16xi32>
      %and3A_568 = arith.andi %get3A_565, %and3A_567 : vector<16xi32>
      %shift_left3A_569 = arith.constant 5 : i32
      %shift_left3A_570 = vector.broadcast %shift_left3A_569 : i32 to vector<16xi32>
      %shift_left3A_571 = arith.shli %and3A_568, %shift_left3A_570 : vector<16xi32>
      %broadcast_in_dim3A = arith.constant 0.000000e+00 : f32
      %broadcast_in_dim3A_572 = vector.broadcast %broadcast_in_dim3A : f32 to vector<16xf32>
      %add3A_573 = arith.constant 0 : i32
      %add3A_574 = vector.broadcast %add3A_573 : i32 to vector<16xi32>
      %add3A_575 = arith.addi %shift_left3A_563, %add3A_574 : vector<16xi32>
      %gather3A = tpu.vector_load_idx %arg11[%add3A_553, %add3A_575] : memref<128x128xf32, #tpu.memory_space<vmem>>[vector<16xi32>, vector<16xi32>], vector<16xf32>,
      %add3A_576 = arith.constant 0 : i32
      %add3A_577 = vector.broadcast %add3A_576 : i32 to vector<16xi32>
      %add3A_578 = arith.addi %shift_left3A_571, %add3A_577 : vector<16xi32>
      %gather3A_579 = tpu.vector_load_idx %arg13[%add3A_553, %add3A_578] : memref<128x128xf32, #tpu.memory_space<vmem>>[vector<16xi32>, vector<16xi32>], vector<16xf32>,
      %mul3A_580 = arith.mulf %gather3A, %gather3A_579 : vector<16xf32>
      %add3A_581 = arith.addf %broadcast_in_dim3A_572, %mul3A_580 : vector<16xf32>
      %add3A_582 = arith.constant 1 : i32
      %add3A_583 = vector.broadcast %add3A_582 : i32 to vector<16xi32>
      %add3A_584 = arith.addi %shift_left3A_563, %add3A_583 : vector<16xi32>
      %gather3A_585 = tpu.vector_load_idx %arg11[%add3A_553, %add3A_584] : memref<128x128xf32, #tpu.memory_space<vmem>>[vector<16xi32>, vector<16xi32>], vector<16xf32>,
      %add3A_586 = arith.constant 1 : i32
      %add3A_587 = vector.broadcast %add3A_586 : i32 to vector<16xi32>
      %add3A_588 = arith.addi %shift_left3A_571, %add3A_587 : vector<16xi32>
      %gather3A_589 = tpu.vector_load_idx %arg13[%add3A_553, %add3A_588] : memref<128x128xf32, #tpu.memory_space<vmem>>[vector<16xi32>, vector<16xi32>], vector<16xf32>,
      %mul3A_590 = arith.mulf %gather3A_585, %gather3A_589 : vector<16xf32>
      %add3A_591 = arith.addf %add3A_581, %mul3A_590 : vector<16xf32>
      %add3A_592 = arith.constant 2 : i32
      %add3A_593 = vector.broadcast %add3A_592 : i32 to vector<16xi32>
      %add3A_594 = arith.addi %shift_left3A_563, %add3A_593 : vector<16xi32>
      %gather3A_595 = tpu.vector_load_idx %arg11[%add3A_553, %add3A_594] : memref<128x128xf32, #tpu.memory_space<vmem>>[vector<16xi32>, vector<16xi32>], vector<16xf32>,
      %add3A_596 = arith.constant 2 : i32
      %add3A_597 = vector.broadcast %add3A_596 : i32 to vector<16xi32>
      %add3A_598 = arith.addi %shift_left3A_571, %add3A_597 : vector<16xi32>
      %gather3A_599 = tpu.vector_load_idx %arg13[%add3A_553, %add3A_598] : memref<128x128xf32, #tpu.memory_space<vmem>>[vector<16xi32>, vector<16xi32>], vector<16xf32>,
      %mul3A_600 = arith.mulf %gather3A_595, %gather3A_599 : vector<16xf32>
      %add3A_601 = arith.addf %add3A_591, %mul3A_600 : vector<16xf32>
      %add3A_602 = arith.constant 3 : i32
      %add3A_603 = vector.broadcast %add3A_602 : i32 to vector<16xi32>
      %add3A_604 = arith.addi %shift_left3A_563, %add3A_603 : vector<16xi32>
      %gather3A_605 = tpu.vector_load_idx %arg11[%add3A_553, %add3A_604] : memref<128x128xf32, #tpu.memory_space<vmem>>[vector<16xi32>, vector<16xi32>], vector<16xf32>,
      %add3A_606 = arith.constant 3 : i32
      %add3A_607 = vector.broadcast %add3A_606 : i32 to vector<16xi32>
      %add3A_608 = arith.addi %shift_left3A_571, %add3A_607 : vector<16xi32>
      %gather3A_609 = tpu.vector_load_idx %arg13[%add3A_553, %add3A_608] : memref<128x128xf32, #tpu.memory_space<vmem>>[vector<16xi32>, vector<16xi32>], vector<16xf32>,
      %mul3A_610 = arith.mulf %gather3A_605, %gather3A_609 : vector<16xf32>
      %add3A_611 = arith.addf %add3A_601, %mul3A_610 : vector<16xf32>
      %add3A_612 = arith.constant 4 : i32
      %add3A_613 = vector.broadcast %add3A_612 : i32 to vector<16xi32>
      %add3A_614 = arith.addi %shift_left3A_563, %add3A_613 : vector<16xi32>
      %gather3A_615 = tpu.vector_load_idx %arg11[%add3A_553, %add3A_614] : memref<128x128xf32, #tpu.memory_space<vmem>>[vector<16xi32>, vector<16xi32>], vector<16xf32>,
      %add3A_616 = arith.constant 4 : i32
      %add3A_617 = vector.broadcast %add3A_616 : i32 to vector<16xi32>
      %add3A_618 = arith.addi %shift_left3A_571, %add3A_617 : vector<16xi32>
      %gather3A_619 = tpu.vector_load_idx %arg13[%add3A_553, %add3A_618] : memref<128x128xf32, #tpu.memory_space<vmem>>[vector<16xi32>, vector<16xi32>], vector<16xf32>,
      %mul3A_620 = arith.mulf %gather3A_615, %gather3A_619 : vector<16xf32>
      %add3A_621 = arith.addf %add3A_611, %mul3A_620 : vector<16xf32>
      %add3A_622 = arith.constant 5 : i32
      %add3A_623 = vector.broadcast %add3A_622 : i32 to vector<16xi32>
      %add3A_624 = arith.addi %shift_left3A_563, %add3A_623 : vector<16xi32>
      %gather3A_625 = tpu.vector_load_idx %arg11[%add3A_553, %add3A_624] : memref<128x128xf32, #tpu.memory_space<vmem>>[vector<16xi32>, vector<16xi32>], vector<16xf32>,
      %add3A_626 = arith.constant 5 : i32
      %add3A_627 = vector.broadcast %add3A_626 : i32 to vector<16xi32>
      %add3A_628 = arith.addi %shift_left3A_571, %add3A_627 : vector<16xi32>
      %gather3A_629 = tpu.vector_load_idx %arg13[%add3A_553, %add3A_628] : memref<128x128xf32, #tpu.memory_space<vmem>>[vector<16xi32>, vector<16xi32>], vector<16xf32>,
      %mul3A_630 = arith.mulf %gather3A_625, %gather3A_629 : vector<16xf32>
      %add3A_631 = arith.addf %add3A_621, %mul3A_630 : vector<16xf32>
      %add3A_632 = arith.constant 6 : i32
      %add3A_633 = vector.broadcast %add3A_632 : i32 to vector<16xi32>
      %add3A_634 = arith.addi %shift_left3A_563, %add3A_633 : vector<16xi32>
      %gather3A_635 = tpu.vector_load_idx %arg11[%add3A_553, %add3A_634] : memref<128x128xf32, #tpu.memory_space<vmem>>[vector<16xi32>, vector<16xi32>], vector<16xf32>,
      %add3A_636 = arith.constant 6 : i32
      %add3A_637 = vector.broadcast %add3A_636 : i32 to vector<16xi32>
      %add3A_638 = arith.addi %shift_left3A_571, %add3A_637 : vector<16xi32>
      %gather3A_639 = tpu.vector_load_idx %arg13[%add3A_553, %add3A_638] : memref<128x128xf32, #tpu.memory_space<vmem>>[vector<16xi32>, vector<16xi32>], vector<16xf32>,
      %mul3A_640 = arith.mulf %gather3A_635, %gather3A_639 : vector<16xf32>
      %add3A_641 = arith.addf %add3A_631, %mul3A_640 : vector<16xf32>
      %add3A_642 = arith.constant 7 : i32
      %add3A_643 = vector.broadcast %add3A_642 : i32 to vector<16xi32>
      %add3A_644 = arith.addi %shift_left3A_563, %add3A_643 : vector<16xi32>
      %gather3A_645 = tpu.vector_load_idx %arg11[%add3A_553, %add3A_644] : memref<128x128xf32, #tpu.memory_space<vmem>>[vector<16xi32>, vector<16xi32>], vector<16xf32>,
      %add3A_646 = arith.constant 7 : i32
      %add3A_647 = vector.broadcast %add3A_646 : i32 to vector<16xi32>
      %add3A_648 = arith.addi %shift_left3A_571, %add3A_647 : vector<16xi32>
      %gather3A_649 = tpu.vector_load_idx %arg13[%add3A_553, %add3A_648] : memref<128x128xf32, #tpu.memory_space<vmem>>[vector<16xi32>, vector<16xi32>], vector<16xf32>,
      %mul3A_650 = arith.mulf %gather3A_645, %gather3A_649 : vector<16xf32>
      %add3A_651 = arith.addf %add3A_641, %mul3A_650 : vector<16xf32>
      %add3A_652 = arith.constant 8 : i32
      %add3A_653 = vector.broadcast %add3A_652 : i32 to vector<16xi32>
      %add3A_654 = arith.addi %shift_left3A_563, %add3A_653 : vector<16xi32>
      %gather3A_655 = tpu.vector_load_idx %arg11[%add3A_553, %add3A_654] : memref<128x128xf32, #tpu.memory_space<vmem>>[vector<16xi32>, vector<16xi32>], vector<16xf32>,
      %add3A_656 = arith.constant 8 : i32
      %add3A_657 = vector.broadcast %add3A_656 : i32 to vector<16xi32>
      %add3A_658 = arith.addi %shift_left3A_571, %add3A_657 : vector<16xi32>
      %gather3A_659 = tpu.vector_load_idx %arg13[%add3A_553, %add3A_658] : memref<128x128xf32, #tpu.memory_space<vmem>>[vector<16xi32>, vector<16xi32>], vector<16xf32>,
      %mul3A_660 = arith.mulf %gather3A_655, %gather3A_659 : vector<16xf32>
      %add3A_661 = arith.addf %add3A_651, %mul3A_660 : vector<16xf32>
      %add3A_662 = arith.constant 9 : i32
      %add3A_663 = vector.broadcast %add3A_662 : i32 to vector<16xi32>
      %add3A_664 = arith.addi %shift_left3A_563, %add3A_663 : vector<16xi32>
      %gather3A_665 = tpu.vector_load_idx %arg11[%add3A_553, %add3A_664] : memref<128x128xf32, #tpu.memory_space<vmem>>[vector<16xi32>, vector<16xi32>], vector<16xf32>,
      %add3A_666 = arith.constant 9 : i32
      %add3A_667 = vector.broadcast %add3A_666 : i32 to vector<16xi32>
      %add3A_668 = arith.addi %shift_left3A_571, %add3A_667 : vector<16xi32>
      %gather3A_669 = tpu.vector_load_idx %arg13[%add3A_553, %add3A_668] : memref<128x128xf32, #tpu.memory_space<vmem>>[vector<16xi32>, vector<16xi32>], vector<16xf32>,
      %mul3A_670 = arith.mulf %gather3A_665, %gather3A_669 : vector<16xf32>
      %add3A_671 = arith.addf %add3A_661, %mul3A_670 : vector<16xf32>
      %add3A_672 = arith.constant 10 : i32
      %add3A_673 = vector.broadcast %add3A_672 : i32 to vector<16xi32>
      %add3A_674 = arith.addi %shift_left3A_563, %add3A_673 : vector<16xi32>
      %gather3A_675 = tpu.vector_load_idx %arg11[%add3A_553, %add3A_674] : memref<128x128xf32, #tpu.memory_space<vmem>>[vector<16xi32>, vector<16xi32>], vector<16xf32>,
      %add3A_676 = arith.constant 10 : i32
      %add3A_677 = vector.broadcast %add3A_676 : i32 to vector<16xi32>
      %add3A_678 = arith.addi %shift_left3A_571, %add3A_677 : vector<16xi32>
      %gather3A_679 = tpu.vector_load_idx %arg13[%add3A_553, %add3A_678] : memref<128x128xf32, #tpu.memory_space<vmem>>[vector<16xi32>, vector<16xi32>], vector<16xf32>,
      %mul3A_680 = arith.mulf %gather3A_675, %gather3A_679 : vector<16xf32>
      %add3A_681 = arith.addf %add3A_671, %mul3A_680 : vector<16xf32>
      %add3A_682 = arith.constant 11 : i32
      %add3A_683 = vector.broadcast %add3A_682 : i32 to vector<16xi32>
      %add3A_684 = arith.addi %shift_left3A_563, %add3A_683 : vector<16xi32>
      %gather3A_685 = tpu.vector_load_idx %arg11[%add3A_553, %add3A_684] : memref<128x128xf32, #tpu.memory_space<vmem>>[vector<16xi32>, vector<16xi32>], vector<16xf32>,
      %add3A_686 = arith.constant 11 : i32
      %add3A_687 = vector.broadcast %add3A_686 : i32 to vector<16xi32>
      %add3A_688 = arith.addi %shift_left3A_571, %add3A_687 : vector<16xi32>
      %gather3A_689 = tpu.vector_load_idx %arg13[%add3A_553, %add3A_688] : memref<128x128xf32, #tpu.memory_space<vmem>>[vector<16xi32>, vector<16xi32>], vector<16xf32>,
      %mul3A_690 = arith.mulf %gather3A_685, %gather3A_689 : vector<16xf32>
      %add3A_691 = arith.addf %add3A_681, %mul3A_690 : vector<16xf32>
      %add3A_692 = arith.constant 12 : i32
      %add3A_693 = vector.broadcast %add3A_692 : i32 to vector<16xi32>
      %add3A_694 = arith.addi %shift_left3A_563, %add3A_693 : vector<16xi32>
      %gather3A_695 = tpu.vector_load_idx %arg11[%add3A_553, %add3A_694] : memref<128x128xf32, #tpu.memory_space<vmem>>[vector<16xi32>, vector<16xi32>], vector<16xf32>,
      %add3A_696 = arith.constant 12 : i32
      %add3A_697 = vector.broadcast %add3A_696 : i32 to vector<16xi32>
      %add3A_698 = arith.addi %shift_left3A_571, %add3A_697 : vector<16xi32>
      %gather3A_699 = tpu.vector_load_idx %arg13[%add3A_553, %add3A_698] : memref<128x128xf32, #tpu.memory_space<vmem>>[vector<16xi32>, vector<16xi32>], vector<16xf32>,
      %mul3A_700 = arith.mulf %gather3A_695, %gather3A_699 : vector<16xf32>
      %add3A_701 = arith.addf %add3A_691, %mul3A_700 : vector<16xf32>
      %add3A_702 = arith.constant 13 : i32
      %add3A_703 = vector.broadcast %add3A_702 : i32 to vector<16xi32>
      %add3A_704 = arith.addi %shift_left3A_563, %add3A_703 : vector<16xi32>
      %gather3A_705 = tpu.vector_load_idx %arg11[%add3A_553, %add3A_704] : memref<128x128xf32, #tpu.memory_space<vmem>>[vector<16xi32>, vector<16xi32>], vector<16xf32>,
      %add3A_706 = arith.constant 13 : i32
      %add3A_707 = vector.broadcast %add3A_706 : i32 to vector<16xi32>
      %add3A_708 = arith.addi %shift_left3A_571, %add3A_707 : vector<16xi32>
      %gather3A_709 = tpu.vector_load_idx %arg13[%add3A_553, %add3A_708] : memref<128x128xf32, #tpu.memory_space<vmem>>[vector<16xi32>, vector<16xi32>], vector<16xf32>,
      %mul3A_710 = arith.mulf %gather3A_705, %gather3A_709 : vector<16xf32>
      %add3A_711 = arith.addf %add3A_701, %mul3A_710 : vector<16xf32>
      %add3A_712 = arith.constant 14 : i32
      %add3A_713 = vector.broadcast %add3A_712 : i32 to vector<16xi32>
      %add3A_714 = arith.addi %shift_left3A_563, %add3A_713 : vector<16xi32>
      %gather3A_715 = tpu.vector_load_idx %arg11[%add3A_553, %add3A_714] : memref<128x128xf32, #tpu.memory_space<vmem>>[vector<16xi32>, vector<16xi32>], vector<16xf32>,
      %add3A_716 = arith.constant 14 : i32
      %add3A_717 = vector.broadcast %add3A_716 : i32 to vector<16xi32>
      %add3A_718 = arith.addi %shift_left3A_571, %add3A_717 : vector<16xi32>
      %gather3A_719 = tpu.vector_load_idx %arg13[%add3A_553, %add3A_718] : memref<128x128xf32, #tpu.memory_space<vmem>>[vector<16xi32>, vector<16xi32>], vector<16xf32>,
      %mul3A_720 = arith.mulf %gather3A_715, %gather3A_719 : vector<16xf32>
      %add3A_721 = arith.addf %add3A_711, %mul3A_720 : vector<16xf32>
      %add3A_722 = arith.constant 15 : i32
      %add3A_723 = vector.broadcast %add3A_722 : i32 to vector<16xi32>
      %add3A_724 = arith.addi %shift_left3A_563, %add3A_723 : vector<16xi32>
      %gather3A_725 = tpu.vector_load_idx %arg11[%add3A_553, %add3A_724] : memref<128x128xf32, #tpu.memory_space<vmem>>[vector<16xi32>, vector<16xi32>], vector<16xf32>,
      %add3A_726 = arith.constant 15 : i32
      %add3A_727 = vector.broadcast %add3A_726 : i32 to vector<16xi32>
      %add3A_728 = arith.addi %shift_left3A_571, %add3A_727 : vector<16xi32>
      %gather3A_729 = tpu.vector_load_idx %arg13[%add3A_553, %add3A_728] : memref<128x128xf32, #tpu.memory_space<vmem>>[vector<16xi32>, vector<16xi32>], vector<16xf32>,
      %mul3A_730 = arith.mulf %gather3A_725, %gather3A_729 : vector<16xf32>
      %add3A_731 = arith.addf %add3A_721, %mul3A_730 : vector<16xf32>
      %add3A_732 = arith.constant 16 : i32
      %add3A_733 = vector.broadcast %add3A_732 : i32 to vector<16xi32>
      %add3A_734 = arith.addi %shift_left3A_563, %add3A_733 : vector<16xi32>
      %gather3A_735 = tpu.vector_load_idx %arg11[%add3A_553, %add3A_734] : memref<128x128xf32, #tpu.memory_space<vmem>>[vector<16xi32>, vector<16xi32>], vector<16xf32>,
      %add3A_736 = arith.constant 16 : i32
      %add3A_737 = vector.broadcast %add3A_736 : i32 to vector<16xi32>
      %add3A_738 = arith.addi %shift_left3A_571, %add3A_737 : vector<16xi32>
      %gather3A_739 = tpu.vector_load_idx %arg13[%add3A_553, %add3A_738] : memref<128x128xf32, #tpu.memory_space<vmem>>[vector<16xi32>, vector<16xi32>], vector<16xf32>,
      %mul3A_740 = arith.mulf %gather3A_735, %gather3A_739 : vector<16xf32>
      %add3A_741 = arith.addf %add3A_731, %mul3A_740 : vector<16xf32>
      %add3A_742 = arith.constant 17 : i32
      %add3A_743 = vector.broadcast %add3A_742 : i32 to vector<16xi32>
      %add3A_744 = arith.addi %shift_left3A_563, %add3A_743 : vector<16xi32>
      %gather3A_745 = tpu.vector_load_idx %arg11[%add3A_553, %add3A_744] : memref<128x128xf32, #tpu.memory_space<vmem>>[vector<16xi32>, vector<16xi32>], vector<16xf32>,
      %add3A_746 = arith.constant 17 : i32
      %add3A_747 = vector.broadcast %add3A_746 : i32 to vector<16xi32>
      %add3A_748 = arith.addi %shift_left3A_571, %add3A_747 : vector<16xi32>
      %gather3A_749 = tpu.vector_load_idx %arg13[%add3A_553, %add3A_748] : memref<128x128xf32, #tpu.memory_space<vmem>>[vector<16xi32>, vector<16xi32>], vector<16xf32>,
      %mul3A_750 = arith.mulf %gather3A_745, %gather3A_749 : vector<16xf32>
      %add3A_751 = arith.addf %add3A_741, %mul3A_750 : vector<16xf32>
      %add3A_752 = arith.constant 18 : i32
      %add3A_753 = vector.broadcast %add3A_752 : i32 to vector<16xi32>
      %add3A_754 = arith.addi %shift_left3A_563, %add3A_753 : vector<16xi32>
      %gather3A_755 = tpu.vector_load_idx %arg11[%add3A_553, %add3A_754] : memref<128x128xf32, #tpu.memory_space<vmem>>[vector<16xi32>, vector<16xi32>], vector<16xf32>,
      %add3A_756 = arith.constant 18 : i32
      %add3A_757 = vector.broadcast %add3A_756 : i32 to vector<16xi32>
      %add3A_758 = arith.addi %shift_left3A_571, %add3A_757 : vector<16xi32>
      %gather3A_759 = tpu.vector_load_idx %arg13[%add3A_553, %add3A_758] : memref<128x128xf32, #tpu.memory_space<vmem>>[vector<16xi32>, vector<16xi32>], vector<16xf32>,
      %mul3A_760 = arith.mulf %gather3A_755, %gather3A_759 : vector<16xf32>
      %add3A_761 = arith.addf %add3A_751, %mul3A_760 : vector<16xf32>
      %add3A_762 = arith.constant 19 : i32
      %add3A_763 = vector.broadcast %add3A_762 : i32 to vector<16xi32>
      %add3A_764 = arith.addi %shift_left3A_563, %add3A_763 : vector<16xi32>
      %gather3A_765 = tpu.vector_load_idx %arg11[%add3A_553, %add3A_764] : memref<128x128xf32, #tpu.memory_space<vmem>>[vector<16xi32>, vector<16xi32>], vector<16xf32>,
      %add3A_766 = arith.constant 19 : i32
      %add3A_767 = vector.broadcast %add3A_766 : i32 to vector<16xi32>
      %add3A_768 = arith.addi %shift_left3A_571, %add3A_767 : vector<16xi32>
      %gather3A_769 = tpu.vector_load_idx %arg13[%add3A_553, %add3A_768] : memref<128x128xf32, #tpu.memory_space<vmem>>[vector<16xi32>, vector<16xi32>], vector<16xf32>,
      %mul3A_770 = arith.mulf %gather3A_765, %gather3A_769 : vector<16xf32>
      %add3A_771 = arith.addf %add3A_761, %mul3A_770 : vector<16xf32>
      %add3A_772 = arith.constant 20 : i32
      %add3A_773 = vector.broadcast %add3A_772 : i32 to vector<16xi32>
      %add3A_774 = arith.addi %shift_left3A_563, %add3A_773 : vector<16xi32>
      %gather3A_775 = tpu.vector_load_idx %arg11[%add3A_553, %add3A_774] : memref<128x128xf32, #tpu.memory_space<vmem>>[vector<16xi32>, vector<16xi32>], vector<16xf32>,
      %add3A_776 = arith.constant 20 : i32
      %add3A_777 = vector.broadcast %add3A_776 : i32 to vector<16xi32>
      %add3A_778 = arith.addi %shift_left3A_571, %add3A_777 : vector<16xi32>
      %gather3A_779 = tpu.vector_load_idx %arg13[%add3A_553, %add3A_778] : memref<128x128xf32, #tpu.memory_space<vmem>>[vector<16xi32>, vector<16xi32>], vector<16xf32>,
      %mul3A_780 = arith.mulf %gather3A_775, %gather3A_779 : vector<16xf32>
      %add3A_781 = arith.addf %add3A_771, %mul3A_780 : vector<16xf32>
      %add3A_782 = arith.constant 21 : i32
      %add3A_783 = vector.broadcast %add3A_782 : i32 to vector<16xi32>
      %add3A_784 = arith.addi %shift_left3A_563, %add3A_783 : vector<16xi32>
      %gather3A_785 = tpu.vector_load_idx %arg11[%add3A_553, %add3A_784] : memref<128x128xf32, #tpu.memory_space<vmem>>[vector<16xi32>, vector<16xi32>], vector<16xf32>,
      %add3A_786 = arith.constant 21 : i32
      %add3A_787 = vector.broadcast %add3A_786 : i32 to vector<16xi32>
      %add3A_788 = arith.addi %shift_left3A_571, %add3A_787 : vector<16xi32>
      %gather3A_789 = tpu.vector_load_idx %arg13[%add3A_553, %add3A_788] : memref<128x128xf32, #tpu.memory_space<vmem>>[vector<16xi32>, vector<16xi32>], vector<16xf32>,
      %mul3A_790 = arith.mulf %gather3A_785, %gather3A_789 : vector<16xf32>
      %add3A_791 = arith.addf %add3A_781, %mul3A_790 : vector<16xf32>
      %add3A_792 = arith.constant 22 : i32
      %add3A_793 = vector.broadcast %add3A_792 : i32 to vector<16xi32>
      %add3A_794 = arith.addi %shift_left3A_563, %add3A_793 : vector<16xi32>
      %gather3A_795 = tpu.vector_load_idx %arg11[%add3A_553, %add3A_794] : memref<128x128xf32, #tpu.memory_space<vmem>>[vector<16xi32>, vector<16xi32>], vector<16xf32>,
      %add3A_796 = arith.constant 22 : i32
      %add3A_797 = vector.broadcast %add3A_796 : i32 to vector<16xi32>
      %add3A_798 = arith.addi %shift_left3A_571, %add3A_797 : vector<16xi32>
      %gather3A_799 = tpu.vector_load_idx %arg13[%add3A_553, %add3A_798] : memref<128x128xf32, #tpu.memory_space<vmem>>[vector<16xi32>, vector<16xi32>], vector<16xf32>,
      %mul3A_800 = arith.mulf %gather3A_795, %gather3A_799 : vector<16xf32>
      %add3A_801 = arith.addf %add3A_791, %mul3A_800 : vector<16xf32>
      %add3A_802 = arith.constant 23 : i32
      %add3A_803 = vector.broadcast %add3A_802 : i32 to vector<16xi32>
      %add3A_804 = arith.addi %shift_left3A_563, %add3A_803 : vector<16xi32>
      %gather3A_805 = tpu.vector_load_idx %arg11[%add3A_553, %add3A_804] : memref<128x128xf32, #tpu.memory_space<vmem>>[vector<16xi32>, vector<16xi32>], vector<16xf32>,
      %add3A_806 = arith.constant 23 : i32
      %add3A_807 = vector.broadcast %add3A_806 : i32 to vector<16xi32>
      %add3A_808 = arith.addi %shift_left3A_571, %add3A_807 : vector<16xi32>
      %gather3A_809 = tpu.vector_load_idx %arg13[%add3A_553, %add3A_808] : memref<128x128xf32, #tpu.memory_space<vmem>>[vector<16xi32>, vector<16xi32>], vector<16xf32>,
      %mul3A_810 = arith.mulf %gather3A_805, %gather3A_809 : vector<16xf32>
      %add3A_811 = arith.addf %add3A_801, %mul3A_810 : vector<16xf32>
      %add3A_812 = arith.constant 24 : i32
      %add3A_813 = vector.broadcast %add3A_812 : i32 to vector<16xi32>
      %add3A_814 = arith.addi %shift_left3A_563, %add3A_813 : vector<16xi32>
      %gather3A_815 = tpu.vector_load_idx %arg11[%add3A_553, %add3A_814] : memref<128x128xf32, #tpu.memory_space<vmem>>[vector<16xi32>, vector<16xi32>], vector<16xf32>,
      %add3A_816 = arith.constant 24 : i32
      %add3A_817 = vector.broadcast %add3A_816 : i32 to vector<16xi32>
      %add3A_818 = arith.addi %shift_left3A_571, %add3A_817 : vector<16xi32>
      %gather3A_819 = tpu.vector_load_idx %arg13[%add3A_553, %add3A_818] : memref<128x128xf32, #tpu.memory_space<vmem>>[vector<16xi32>, vector<16xi32>], vector<16xf32>,
      %mul3A_820 = arith.mulf %gather3A_815, %gather3A_819 : vector<16xf32>
      %add3A_821 = arith.addf %add3A_811, %mul3A_820 : vector<16xf32>
      %add3A_822 = arith.constant 25 : i32
      %add3A_823 = vector.broadcast %add3A_822 : i32 to vector<16xi32>
      %add3A_824 = arith.addi %shift_left3A_563, %add3A_823 : vector<16xi32>
      %gather3A_825 = tpu.vector_load_idx %arg11[%add3A_553, %add3A_824] : memref<128x128xf32, #tpu.memory_space<vmem>>[vector<16xi32>, vector<16xi32>], vector<16xf32>,
      %add3A_826 = arith.constant 25 : i32
      %add3A_827 = vector.broadcast %add3A_826 : i32 to vector<16xi32>
      %add3A_828 = arith.addi %shift_left3A_571, %add3A_827 : vector<16xi32>
      %gather3A_829 = tpu.vector_load_idx %arg13[%add3A_553, %add3A_828] : memref<128x128xf32, #tpu.memory_space<vmem>>[vector<16xi32>, vector<16xi32>], vector<16xf32>,
      %mul3A_830 = arith.mulf %gather3A_825, %gather3A_829 : vector<16xf32>
      %add3A_831 = arith.addf %add3A_821, %mul3A_830 : vector<16xf32>
      %add3A_832 = arith.constant 26 : i32
      %add3A_833 = vector.broadcast %add3A_832 : i32 to vector<16xi32>
      %add3A_834 = arith.addi %shift_left3A_563, %add3A_833 : vector<16xi32>
      %gather3A_835 = tpu.vector_load_idx %arg11[%add3A_553, %add3A_834] : memref<128x128xf32, #tpu.memory_space<vmem>>[vector<16xi32>, vector<16xi32>], vector<16xf32>,
      %add3A_836 = arith.constant 26 : i32
      %add3A_837 = vector.broadcast %add3A_836 : i32 to vector<16xi32>
      %add3A_838 = arith.addi %shift_left3A_571, %add3A_837 : vector<16xi32>
      %gather3A_839 = tpu.vector_load_idx %arg13[%add3A_553, %add3A_838] : memref<128x128xf32, #tpu.memory_space<vmem>>[vector<16xi32>, vector<16xi32>], vector<16xf32>,
      %mul3A_840 = arith.mulf %gather3A_835, %gather3A_839 : vector<16xf32>
      %add3A_841 = arith.addf %add3A_831, %mul3A_840 : vector<16xf32>
      %add3A_842 = arith.constant 27 : i32
      %add3A_843 = vector.broadcast %add3A_842 : i32 to vector<16xi32>
      %add3A_844 = arith.addi %shift_left3A_563, %add3A_843 : vector<16xi32>
      %gather3A_845 = tpu.vector_load_idx %arg11[%add3A_553, %add3A_844] : memref<128x128xf32, #tpu.memory_space<vmem>>[vector<16xi32>, vector<16xi32>], vector<16xf32>,
      %add3A_846 = arith.constant 27 : i32
      %add3A_847 = vector.broadcast %add3A_846 : i32 to vector<16xi32>
      %add3A_848 = arith.addi %shift_left3A_571, %add3A_847 : vector<16xi32>
      %gather3A_849 = tpu.vector_load_idx %arg13[%add3A_553, %add3A_848] : memref<128x128xf32, #tpu.memory_space<vmem>>[vector<16xi32>, vector<16xi32>], vector<16xf32>,
      %mul3A_850 = arith.mulf %gather3A_845, %gather3A_849 : vector<16xf32>
      %add3A_851 = arith.addf %add3A_841, %mul3A_850 : vector<16xf32>
      %add3A_852 = arith.constant 28 : i32
      %add3A_853 = vector.broadcast %add3A_852 : i32 to vector<16xi32>
      %add3A_854 = arith.addi %shift_left3A_563, %add3A_853 : vector<16xi32>
      %gather3A_855 = tpu.vector_load_idx %arg11[%add3A_553, %add3A_854] : memref<128x128xf32, #tpu.memory_space<vmem>>[vector<16xi32>, vector<16xi32>], vector<16xf32>,
      %add3A_856 = arith.constant 28 : i32
      %add3A_857 = vector.broadcast %add3A_856 : i32 to vector<16xi32>
      %add3A_858 = arith.addi %shift_left3A_571, %add3A_857 : vector<16xi32>
      %gather3A_859 = tpu.vector_load_idx %arg13[%add3A_553, %add3A_858] : memref<128x128xf32, #tpu.memory_space<vmem>>[vector<16xi32>, vector<16xi32>], vector<16xf32>,
      %mul3A_860 = arith.mulf %gather3A_855, %gather3A_859 : vector<16xf32>
      %add3A_861 = arith.addf %add3A_851, %mul3A_860 : vector<16xf32>
      %add3A_862 = arith.constant 29 : i32
      %add3A_863 = vector.broadcast %add3A_862 : i32 to vector<16xi32>
      %add3A_864 = arith.addi %shift_left3A_563, %add3A_863 : vector<16xi32>
      %gather3A_865 = tpu.vector_load_idx %arg11[%add3A_553, %add3A_864] : memref<128x128xf32, #tpu.memory_space<vmem>>[vector<16xi32>, vector<16xi32>], vector<16xf32>,
      %add3A_866 = arith.constant 29 : i32
      %add3A_867 = vector.broadcast %add3A_866 : i32 to vector<16xi32>
      %add3A_868 = arith.addi %shift_left3A_571, %add3A_867 : vector<16xi32>
      %gather3A_869 = tpu.vector_load_idx %arg13[%add3A_553, %add3A_868] : memref<128x128xf32, #tpu.memory_space<vmem>>[vector<16xi32>, vector<16xi32>], vector<16xf32>,
      %mul3A_870 = arith.mulf %gather3A_865, %gather3A_869 : vector<16xf32>
      %add3A_871 = arith.addf %add3A_861, %mul3A_870 : vector<16xf32>
      %add3A_872 = arith.constant 30 : i32
      %add3A_873 = vector.broadcast %add3A_872 : i32 to vector<16xi32>
      %add3A_874 = arith.addi %shift_left3A_563, %add3A_873 : vector<16xi32>
      %gather3A_875 = tpu.vector_load_idx %arg11[%add3A_553, %add3A_874] : memref<128x128xf32, #tpu.memory_space<vmem>>[vector<16xi32>, vector<16xi32>], vector<16xf32>,
      %add3A_876 = arith.constant 30 : i32
      %add3A_877 = vector.broadcast %add3A_876 : i32 to vector<16xi32>
      %add3A_878 = arith.addi %shift_left3A_571, %add3A_877 : vector<16xi32>
      %gather3A_879 = tpu.vector_load_idx %arg13[%add3A_553, %add3A_878] : memref<128x128xf32, #tpu.memory_space<vmem>>[vector<16xi32>, vector<16xi32>], vector<16xf32>,
      %mul3A_880 = arith.mulf %gather3A_875, %gather3A_879 : vector<16xf32>
      %add3A_881 = arith.addf %add3A_871, %mul3A_880 : vector<16xf32>
      %add3A_882 = arith.constant 31 : i32
      %add3A_883 = vector.broadcast %add3A_882 : i32 to vector<16xi32>
      %add3A_884 = arith.addi %shift_left3A_563, %add3A_883 : vector<16xi32>
      %gather3A_885 = tpu.vector_load_idx %arg11[%add3A_553, %add3A_884] : memref<128x128xf32, #tpu.memory_space<vmem>>[vector<16xi32>, vector<16xi32>], vector<16xf32>,
      %add3A_886 = arith.constant 31 : i32
      %add3A_887 = vector.broadcast %add3A_886 : i32 to vector<16xi32>
      %add3A_888 = arith.addi %shift_left3A_571, %add3A_887 : vector<16xi32>
      %gather3A_889 = tpu.vector_load_idx %arg13[%add3A_553, %add3A_888] : memref<128x128xf32, #tpu.memory_space<vmem>>[vector<16xi32>, vector<16xi32>], vector<16xf32>,
      %mul3A_890 = arith.mulf %gather3A_885, %gather3A_889 : vector<16xf32>
      %add3A_891 = arith.addf %add3A_881, %mul3A_890 : vector<16xf32>
      %neg3A = arith.constant 0.000000e+00 : f32
      %neg3A_892 = vector.broadcast %neg3A : f32 to vector<16xf32>
      %neg3A_893 = arith.subf %neg3A_892, %add3A_891 : vector<16xf32>
      %exp3A = math.exp %neg3A_893 : vector<16xf32>
      %add3A_894 = arith.constant 1.000000e+00 : f32
      %add3A_895 = vector.broadcast %add3A_894 : f32 to vector<16xf32>
      %add3A_896 = arith.addf %add3A_895, %exp3A : vector<16xf32>
      %div3A = arith.constant 1.000000e+00 : f32
      %div3A_897 = vector.broadcast %div3A : f32 to vector<16xf32>
      %div3A_898 = arith.divf %div3A_897, %add3A_896 : vector<16xf32>
      %swap3A_899 = arith.index_cast %add3A_557 : i32 to index
      %swap3A_900 = tpu.vector_load %arg15[%swap3A_899] {strides = array<i32>} : memref<512xf32, #tpu.memory_space<vmem>>, vector<16xf32>,
      tpu.vector_store %arg15[%swap3A_899], %div3A_898 {strides = array<i32>} : memref<512xf32, #tpu.memory_space<vmem>>, vector<16xf32>,
    }
    %scan3A_530 = arith.constant 8 : i32
    %dma_wait3A_531 = arith.constant 384 : i32
    %dma_wait3A_532 = tpu.memref_slice %arg9[%dma_wait3A_531] : memref<512xi32, #tpu.memory_space<vmem>> -> memref<128xi32, #tpu.memory_space<vmem>>
    %dma_wait3A_533 = arith.constant 0 : i32
    %dma_wait3A_534 = arith.constant 0 : i32
    %dma_wait3A_535 = tpu.memref_slice %arg4[%dma_wait3A_533, %dma_wait3A_534] : memref<250000x128xf32, #tpu.memory_space<hbm>> -> memref<250000x128xf32, #tpu.memory_space<hbm>>
    tpu.wait_indirect_dma semaphore(%arg17 : memref<!tpu.dma_semaphore, #tpu.memory_space<semaphore_mem>>) src(%dma_wait3A_535 : memref<250000x128xf32, #tpu.memory_space<hbm>>) dst(%arg12 : memref<128x128xf32, #tpu.memory_space<vmem>>)
    %dma_wait3A_536 = arith.constant 384 : i32
    %dma_wait3A_537 = tpu.memref_slice %arg10[%dma_wait3A_536] : memref<512xi32, #tpu.memory_space<vmem>> -> memref<128xi32, #tpu.memory_space<vmem>>
    %dma_wait3A_538 = arith.constant 0 : i32
    %dma_wait3A_539 = arith.constant 0 : i32
    %dma_wait3A_540 = tpu.memref_slice %arg5[%dma_wait3A_538, %dma_wait3A_539] : memref<250000x128xf32, #tpu.memory_space<hbm>> -> memref<250000x128xf32, #tpu.memory_space<hbm>>
    tpu.wait_indirect_dma semaphore(%arg19 : memref<!tpu.dma_semaphore, #tpu.memory_space<semaphore_mem>>) src(%dma_wait3A_540 : memref<250000x128xf32, #tpu.memory_space<hbm>>) dst(%arg14 : memref<128x128xf32, #tpu.memory_space<vmem>>)
    %scan3A_541 = arith.constant 0 : i32
    %scan3A_542 = arith.constant 0 : i32
    %scan3A_543 = arith.constant 8 : i32
    %scan3A_544 = arith.addi %scan3A_542, %scan3A_543 : i32
    %scan3A_545 = arith.constant 1 : i32
    scf.for %scan3A_549 = %scan3A_542 to %scan3A_544 step %scan3A_545  : i32 {
      %mul3A_550 = arith.constant 16 : i32
      %mul3A_551 = arith.muli %scan3A_549, %mul3A_550 : i32
      %add3A_552 = vector.broadcast %mul3A_551 : i32 to vector<16xi32>
      %add3A_553 = arith.addi %add3A_552, %iota3A : vector<16xi32>
      %mul3A_554 = arith.constant 16 : i32
      %mul3A_555 = arith.muli %scan3A_549, %mul3A_554 : i32
      %add3A_556 = arith.constant 384 : i32
      %add3A_557 = arith.addi %add3A_556, %mul3A_555 : i32
      %get3A_558 = arith.index_cast %add3A_557 : i32 to index
      %get3A_559 = tpu.vector_load %arg7[%get3A_558] {strides = array<i32>} : memref<512xi32, #tpu.memory_space<vmem>>, vector<16xi32>,
      %and3A = arith.constant 3 : i32
      %and3A_560 = vector.broadcast %and3A : i32 to vector<16xi32>
      %and3A_561 = arith.andi %get3A_559, %and3A_560 : vector<16xi32>
      %shift_left3A = arith.constant 5 : i32
      %shift_left3A_562 = vector.broadcast %shift_left3A : i32 to vector<16xi32>
      %shift_left3A_563 = arith.shli %and3A_561, %shift_left3A_562 : vector<16xi32>
      %get3A_564 = arith.index_cast %add3A_557 : i32 to index
      %get3A_565 = tpu.vector_load %arg8[%get3A_564] {strides = array<i32>} : memref<512xi32, #tpu.memory_space<vmem>>, vector<16xi32>,
      %and3A_566 = arith.constant 3 : i32
      %and3A_567 = vector.broadcast %and3A_566 : i32 to vector<16xi32>
      %and3A_568 = arith.andi %get3A_565, %and3A_567 : vector<16xi32>
      %shift_left3A_569 = arith.constant 5 : i32
      %shift_left3A_570 = vector.broadcast %shift_left3A_569 : i32 to vector<16xi32>
      %shift_left3A_571 = arith.shli %and3A_568, %shift_left3A_570 : vector<16xi32>
      %broadcast_in_dim3A = arith.constant 0.000000e+00 : f32
      %broadcast_in_dim3A_572 = vector.broadcast %broadcast_in_dim3A : f32 to vector<16xf32>
      %add3A_573 = arith.constant 0 : i32
      %add3A_574 = vector.broadcast %add3A_573 : i32 to vector<16xi32>
      %add3A_575 = arith.addi %shift_left3A_563, %add3A_574 : vector<16xi32>
      %gather3A = tpu.vector_load_idx %arg12[%add3A_553, %add3A_575] : memref<128x128xf32, #tpu.memory_space<vmem>>[vector<16xi32>, vector<16xi32>], vector<16xf32>,
      %add3A_576 = arith.constant 0 : i32
      %add3A_577 = vector.broadcast %add3A_576 : i32 to vector<16xi32>
      %add3A_578 = arith.addi %shift_left3A_571, %add3A_577 : vector<16xi32>
      %gather3A_579 = tpu.vector_load_idx %arg14[%add3A_553, %add3A_578] : memref<128x128xf32, #tpu.memory_space<vmem>>[vector<16xi32>, vector<16xi32>], vector<16xf32>,
      %mul3A_580 = arith.mulf %gather3A, %gather3A_579 : vector<16xf32>
      %add3A_581 = arith.addf %broadcast_in_dim3A_572, %mul3A_580 : vector<16xf32>
      %add3A_582 = arith.constant 1 : i32
      %add3A_583 = vector.broadcast %add3A_582 : i32 to vector<16xi32>
      %add3A_584 = arith.addi %shift_left3A_563, %add3A_583 : vector<16xi32>
      %gather3A_585 = tpu.vector_load_idx %arg12[%add3A_553, %add3A_584] : memref<128x128xf32, #tpu.memory_space<vmem>>[vector<16xi32>, vector<16xi32>], vector<16xf32>,
      %add3A_586 = arith.constant 1 : i32
      %add3A_587 = vector.broadcast %add3A_586 : i32 to vector<16xi32>
      %add3A_588 = arith.addi %shift_left3A_571, %add3A_587 : vector<16xi32>
      %gather3A_589 = tpu.vector_load_idx %arg14[%add3A_553, %add3A_588] : memref<128x128xf32, #tpu.memory_space<vmem>>[vector<16xi32>, vector<16xi32>], vector<16xf32>,
      %mul3A_590 = arith.mulf %gather3A_585, %gather3A_589 : vector<16xf32>
      %add3A_591 = arith.addf %add3A_581, %mul3A_590 : vector<16xf32>
      %add3A_592 = arith.constant 2 : i32
      %add3A_593 = vector.broadcast %add3A_592 : i32 to vector<16xi32>
      %add3A_594 = arith.addi %shift_left3A_563, %add3A_593 : vector<16xi32>
      %gather3A_595 = tpu.vector_load_idx %arg12[%add3A_553, %add3A_594] : memref<128x128xf32, #tpu.memory_space<vmem>>[vector<16xi32>, vector<16xi32>], vector<16xf32>,
      %add3A_596 = arith.constant 2 : i32
      %add3A_597 = vector.broadcast %add3A_596 : i32 to vector<16xi32>
      %add3A_598 = arith.addi %shift_left3A_571, %add3A_597 : vector<16xi32>
      %gather3A_599 = tpu.vector_load_idx %arg14[%add3A_553, %add3A_598] : memref<128x128xf32, #tpu.memory_space<vmem>>[vector<16xi32>, vector<16xi32>], vector<16xf32>,
      %mul3A_600 = arith.mulf %gather3A_595, %gather3A_599 : vector<16xf32>
      %add3A_601 = arith.addf %add3A_591, %mul3A_600 : vector<16xf32>
      %add3A_602 = arith.constant 3 : i32
      %add3A_603 = vector.broadcast %add3A_602 : i32 to vector<16xi32>
      %add3A_604 = arith.addi %shift_left3A_563, %add3A_603 : vector<16xi32>
      %gather3A_605 = tpu.vector_load_idx %arg12[%add3A_553, %add3A_604] : memref<128x128xf32, #tpu.memory_space<vmem>>[vector<16xi32>, vector<16xi32>], vector<16xf32>,
      %add3A_606 = arith.constant 3 : i32
      %add3A_607 = vector.broadcast %add3A_606 : i32 to vector<16xi32>
      %add3A_608 = arith.addi %shift_left3A_571, %add3A_607 : vector<16xi32>
      %gather3A_609 = tpu.vector_load_idx %arg14[%add3A_553, %add3A_608] : memref<128x128xf32, #tpu.memory_space<vmem>>[vector<16xi32>, vector<16xi32>], vector<16xf32>,
      %mul3A_610 = arith.mulf %gather3A_605, %gather3A_609 : vector<16xf32>
      %add3A_611 = arith.addf %add3A_601, %mul3A_610 : vector<16xf32>
      %add3A_612 = arith.constant 4 : i32
      %add3A_613 = vector.broadcast %add3A_612 : i32 to vector<16xi32>
      %add3A_614 = arith.addi %shift_left3A_563, %add3A_613 : vector<16xi32>
      %gather3A_615 = tpu.vector_load_idx %arg12[%add3A_553, %add3A_614] : memref<128x128xf32, #tpu.memory_space<vmem>>[vector<16xi32>, vector<16xi32>], vector<16xf32>,
      %add3A_616 = arith.constant 4 : i32
      %add3A_617 = vector.broadcast %add3A_616 : i32 to vector<16xi32>
      %add3A_618 = arith.addi %shift_left3A_571, %add3A_617 : vector<16xi32>
      %gather3A_619 = tpu.vector_load_idx %arg14[%add3A_553, %add3A_618] : memref<128x128xf32, #tpu.memory_space<vmem>>[vector<16xi32>, vector<16xi32>], vector<16xf32>,
      %mul3A_620 = arith.mulf %gather3A_615, %gather3A_619 : vector<16xf32>
      %add3A_621 = arith.addf %add3A_611, %mul3A_620 : vector<16xf32>
      %add3A_622 = arith.constant 5 : i32
      %add3A_623 = vector.broadcast %add3A_622 : i32 to vector<16xi32>
      %add3A_624 = arith.addi %shift_left3A_563, %add3A_623 : vector<16xi32>
      %gather3A_625 = tpu.vector_load_idx %arg12[%add3A_553, %add3A_624] : memref<128x128xf32, #tpu.memory_space<vmem>>[vector<16xi32>, vector<16xi32>], vector<16xf32>,
      %add3A_626 = arith.constant 5 : i32
      %add3A_627 = vector.broadcast %add3A_626 : i32 to vector<16xi32>
      %add3A_628 = arith.addi %shift_left3A_571, %add3A_627 : vector<16xi32>
      %gather3A_629 = tpu.vector_load_idx %arg14[%add3A_553, %add3A_628] : memref<128x128xf32, #tpu.memory_space<vmem>>[vector<16xi32>, vector<16xi32>], vector<16xf32>,
      %mul3A_630 = arith.mulf %gather3A_625, %gather3A_629 : vector<16xf32>
      %add3A_631 = arith.addf %add3A_621, %mul3A_630 : vector<16xf32>
      %add3A_632 = arith.constant 6 : i32
      %add3A_633 = vector.broadcast %add3A_632 : i32 to vector<16xi32>
      %add3A_634 = arith.addi %shift_left3A_563, %add3A_633 : vector<16xi32>
      %gather3A_635 = tpu.vector_load_idx %arg12[%add3A_553, %add3A_634] : memref<128x128xf32, #tpu.memory_space<vmem>>[vector<16xi32>, vector<16xi32>], vector<16xf32>,
      %add3A_636 = arith.constant 6 : i32
      %add3A_637 = vector.broadcast %add3A_636 : i32 to vector<16xi32>
      %add3A_638 = arith.addi %shift_left3A_571, %add3A_637 : vector<16xi32>
      %gather3A_639 = tpu.vector_load_idx %arg14[%add3A_553, %add3A_638] : memref<128x128xf32, #tpu.memory_space<vmem>>[vector<16xi32>, vector<16xi32>], vector<16xf32>,
      %mul3A_640 = arith.mulf %gather3A_635, %gather3A_639 : vector<16xf32>
      %add3A_641 = arith.addf %add3A_631, %mul3A_640 : vector<16xf32>
      %add3A_642 = arith.constant 7 : i32
      %add3A_643 = vector.broadcast %add3A_642 : i32 to vector<16xi32>
      %add3A_644 = arith.addi %shift_left3A_563, %add3A_643 : vector<16xi32>
      %gather3A_645 = tpu.vector_load_idx %arg12[%add3A_553, %add3A_644] : memref<128x128xf32, #tpu.memory_space<vmem>>[vector<16xi32>, vector<16xi32>], vector<16xf32>,
      %add3A_646 = arith.constant 7 : i32
      %add3A_647 = vector.broadcast %add3A_646 : i32 to vector<16xi32>
      %add3A_648 = arith.addi %shift_left3A_571, %add3A_647 : vector<16xi32>
      %gather3A_649 = tpu.vector_load_idx %arg14[%add3A_553, %add3A_648] : memref<128x128xf32, #tpu.memory_space<vmem>>[vector<16xi32>, vector<16xi32>], vector<16xf32>,
      %mul3A_650 = arith.mulf %gather3A_645, %gather3A_649 : vector<16xf32>
      %add3A_651 = arith.addf %add3A_641, %mul3A_650 : vector<16xf32>
      %add3A_652 = arith.constant 8 : i32
      %add3A_653 = vector.broadcast %add3A_652 : i32 to vector<16xi32>
      %add3A_654 = arith.addi %shift_left3A_563, %add3A_653 : vector<16xi32>
      %gather3A_655 = tpu.vector_load_idx %arg12[%add3A_553, %add3A_654] : memref<128x128xf32, #tpu.memory_space<vmem>>[vector<16xi32>, vector<16xi32>], vector<16xf32>,
      %add3A_656 = arith.constant 8 : i32
      %add3A_657 = vector.broadcast %add3A_656 : i32 to vector<16xi32>
      %add3A_658 = arith.addi %shift_left3A_571, %add3A_657 : vector<16xi32>
      %gather3A_659 = tpu.vector_load_idx %arg14[%add3A_553, %add3A_658] : memref<128x128xf32, #tpu.memory_space<vmem>>[vector<16xi32>, vector<16xi32>], vector<16xf32>,
      %mul3A_660 = arith.mulf %gather3A_655, %gather3A_659 : vector<16xf32>
      %add3A_661 = arith.addf %add3A_651, %mul3A_660 : vector<16xf32>
      %add3A_662 = arith.constant 9 : i32
      %add3A_663 = vector.broadcast %add3A_662 : i32 to vector<16xi32>
      %add3A_664 = arith.addi %shift_left3A_563, %add3A_663 : vector<16xi32>
      %gather3A_665 = tpu.vector_load_idx %arg12[%add3A_553, %add3A_664] : memref<128x128xf32, #tpu.memory_space<vmem>>[vector<16xi32>, vector<16xi32>], vector<16xf32>,
      %add3A_666 = arith.constant 9 : i32
      %add3A_667 = vector.broadcast %add3A_666 : i32 to vector<16xi32>
      %add3A_668 = arith.addi %shift_left3A_571, %add3A_667 : vector<16xi32>
      %gather3A_669 = tpu.vector_load_idx %arg14[%add3A_553, %add3A_668] : memref<128x128xf32, #tpu.memory_space<vmem>>[vector<16xi32>, vector<16xi32>], vector<16xf32>,
      %mul3A_670 = arith.mulf %gather3A_665, %gather3A_669 : vector<16xf32>
      %add3A_671 = arith.addf %add3A_661, %mul3A_670 : vector<16xf32>
      %add3A_672 = arith.constant 10 : i32
      %add3A_673 = vector.broadcast %add3A_672 : i32 to vector<16xi32>
      %add3A_674 = arith.addi %shift_left3A_563, %add3A_673 : vector<16xi32>
      %gather3A_675 = tpu.vector_load_idx %arg12[%add3A_553, %add3A_674] : memref<128x128xf32, #tpu.memory_space<vmem>>[vector<16xi32>, vector<16xi32>], vector<16xf32>,
      %add3A_676 = arith.constant 10 : i32
      %add3A_677 = vector.broadcast %add3A_676 : i32 to vector<16xi32>
      %add3A_678 = arith.addi %shift_left3A_571, %add3A_677 : vector<16xi32>
      %gather3A_679 = tpu.vector_load_idx %arg14[%add3A_553, %add3A_678] : memref<128x128xf32, #tpu.memory_space<vmem>>[vector<16xi32>, vector<16xi32>], vector<16xf32>,
      %mul3A_680 = arith.mulf %gather3A_675, %gather3A_679 : vector<16xf32>
      %add3A_681 = arith.addf %add3A_671, %mul3A_680 : vector<16xf32>
      %add3A_682 = arith.constant 11 : i32
      %add3A_683 = vector.broadcast %add3A_682 : i32 to vector<16xi32>
      %add3A_684 = arith.addi %shift_left3A_563, %add3A_683 : vector<16xi32>
      %gather3A_685 = tpu.vector_load_idx %arg12[%add3A_553, %add3A_684] : memref<128x128xf32, #tpu.memory_space<vmem>>[vector<16xi32>, vector<16xi32>], vector<16xf32>,
      %add3A_686 = arith.constant 11 : i32
      %add3A_687 = vector.broadcast %add3A_686 : i32 to vector<16xi32>
      %add3A_688 = arith.addi %shift_left3A_571, %add3A_687 : vector<16xi32>
      %gather3A_689 = tpu.vector_load_idx %arg14[%add3A_553, %add3A_688] : memref<128x128xf32, #tpu.memory_space<vmem>>[vector<16xi32>, vector<16xi32>], vector<16xf32>,
      %mul3A_690 = arith.mulf %gather3A_685, %gather3A_689 : vector<16xf32>
      %add3A_691 = arith.addf %add3A_681, %mul3A_690 : vector<16xf32>
      %add3A_692 = arith.constant 12 : i32
      %add3A_693 = vector.broadcast %add3A_692 : i32 to vector<16xi32>
      %add3A_694 = arith.addi %shift_left3A_563, %add3A_693 : vector<16xi32>
      %gather3A_695 = tpu.vector_load_idx %arg12[%add3A_553, %add3A_694] : memref<128x128xf32, #tpu.memory_space<vmem>>[vector<16xi32>, vector<16xi32>], vector<16xf32>,
      %add3A_696 = arith.constant 12 : i32
      %add3A_697 = vector.broadcast %add3A_696 : i32 to vector<16xi32>
      %add3A_698 = arith.addi %shift_left3A_571, %add3A_697 : vector<16xi32>
      %gather3A_699 = tpu.vector_load_idx %arg14[%add3A_553, %add3A_698] : memref<128x128xf32, #tpu.memory_space<vmem>>[vector<16xi32>, vector<16xi32>], vector<16xf32>,
      %mul3A_700 = arith.mulf %gather3A_695, %gather3A_699 : vector<16xf32>
      %add3A_701 = arith.addf %add3A_691, %mul3A_700 : vector<16xf32>
      %add3A_702 = arith.constant 13 : i32
      %add3A_703 = vector.broadcast %add3A_702 : i32 to vector<16xi32>
      %add3A_704 = arith.addi %shift_left3A_563, %add3A_703 : vector<16xi32>
      %gather3A_705 = tpu.vector_load_idx %arg12[%add3A_553, %add3A_704] : memref<128x128xf32, #tpu.memory_space<vmem>>[vector<16xi32>, vector<16xi32>], vector<16xf32>,
      %add3A_706 = arith.constant 13 : i32
      %add3A_707 = vector.broadcast %add3A_706 : i32 to vector<16xi32>
      %add3A_708 = arith.addi %shift_left3A_571, %add3A_707 : vector<16xi32>
      %gather3A_709 = tpu.vector_load_idx %arg14[%add3A_553, %add3A_708] : memref<128x128xf32, #tpu.memory_space<vmem>>[vector<16xi32>, vector<16xi32>], vector<16xf32>,
      %mul3A_710 = arith.mulf %gather3A_705, %gather3A_709 : vector<16xf32>
      %add3A_711 = arith.addf %add3A_701, %mul3A_710 : vector<16xf32>
      %add3A_712 = arith.constant 14 : i32
      %add3A_713 = vector.broadcast %add3A_712 : i32 to vector<16xi32>
      %add3A_714 = arith.addi %shift_left3A_563, %add3A_713 : vector<16xi32>
      %gather3A_715 = tpu.vector_load_idx %arg12[%add3A_553, %add3A_714] : memref<128x128xf32, #tpu.memory_space<vmem>>[vector<16xi32>, vector<16xi32>], vector<16xf32>,
      %add3A_716 = arith.constant 14 : i32
      %add3A_717 = vector.broadcast %add3A_716 : i32 to vector<16xi32>
      %add3A_718 = arith.addi %shift_left3A_571, %add3A_717 : vector<16xi32>
      %gather3A_719 = tpu.vector_load_idx %arg14[%add3A_553, %add3A_718] : memref<128x128xf32, #tpu.memory_space<vmem>>[vector<16xi32>, vector<16xi32>], vector<16xf32>,
      %mul3A_720 = arith.mulf %gather3A_715, %gather3A_719 : vector<16xf32>
      %add3A_721 = arith.addf %add3A_711, %mul3A_720 : vector<16xf32>
      %add3A_722 = arith.constant 15 : i32
      %add3A_723 = vector.broadcast %add3A_722 : i32 to vector<16xi32>
      %add3A_724 = arith.addi %shift_left3A_563, %add3A_723 : vector<16xi32>
      %gather3A_725 = tpu.vector_load_idx %arg12[%add3A_553, %add3A_724] : memref<128x128xf32, #tpu.memory_space<vmem>>[vector<16xi32>, vector<16xi32>], vector<16xf32>,
      %add3A_726 = arith.constant 15 : i32
      %add3A_727 = vector.broadcast %add3A_726 : i32 to vector<16xi32>
      %add3A_728 = arith.addi %shift_left3A_571, %add3A_727 : vector<16xi32>
      %gather3A_729 = tpu.vector_load_idx %arg14[%add3A_553, %add3A_728] : memref<128x128xf32, #tpu.memory_space<vmem>>[vector<16xi32>, vector<16xi32>], vector<16xf32>,
      %mul3A_730 = arith.mulf %gather3A_725, %gather3A_729 : vector<16xf32>
      %add3A_731 = arith.addf %add3A_721, %mul3A_730 : vector<16xf32>
      %add3A_732 = arith.constant 16 : i32
      %add3A_733 = vector.broadcast %add3A_732 : i32 to vector<16xi32>
      %add3A_734 = arith.addi %shift_left3A_563, %add3A_733 : vector<16xi32>
      %gather3A_735 = tpu.vector_load_idx %arg12[%add3A_553, %add3A_734] : memref<128x128xf32, #tpu.memory_space<vmem>>[vector<16xi32>, vector<16xi32>], vector<16xf32>,
      %add3A_736 = arith.constant 16 : i32
      %add3A_737 = vector.broadcast %add3A_736 : i32 to vector<16xi32>
      %add3A_738 = arith.addi %shift_left3A_571, %add3A_737 : vector<16xi32>
      %gather3A_739 = tpu.vector_load_idx %arg14[%add3A_553, %add3A_738] : memref<128x128xf32, #tpu.memory_space<vmem>>[vector<16xi32>, vector<16xi32>], vector<16xf32>,
      %mul3A_740 = arith.mulf %gather3A_735, %gather3A_739 : vector<16xf32>
      %add3A_741 = arith.addf %add3A_731, %mul3A_740 : vector<16xf32>
      %add3A_742 = arith.constant 17 : i32
      %add3A_743 = vector.broadcast %add3A_742 : i32 to vector<16xi32>
      %add3A_744 = arith.addi %shift_left3A_563, %add3A_743 : vector<16xi32>
      %gather3A_745 = tpu.vector_load_idx %arg12[%add3A_553, %add3A_744] : memref<128x128xf32, #tpu.memory_space<vmem>>[vector<16xi32>, vector<16xi32>], vector<16xf32>,
      %add3A_746 = arith.constant 17 : i32
      %add3A_747 = vector.broadcast %add3A_746 : i32 to vector<16xi32>
      %add3A_748 = arith.addi %shift_left3A_571, %add3A_747 : vector<16xi32>
      %gather3A_749 = tpu.vector_load_idx %arg14[%add3A_553, %add3A_748] : memref<128x128xf32, #tpu.memory_space<vmem>>[vector<16xi32>, vector<16xi32>], vector<16xf32>,
      %mul3A_750 = arith.mulf %gather3A_745, %gather3A_749 : vector<16xf32>
      %add3A_751 = arith.addf %add3A_741, %mul3A_750 : vector<16xf32>
      %add3A_752 = arith.constant 18 : i32
      %add3A_753 = vector.broadcast %add3A_752 : i32 to vector<16xi32>
      %add3A_754 = arith.addi %shift_left3A_563, %add3A_753 : vector<16xi32>
      %gather3A_755 = tpu.vector_load_idx %arg12[%add3A_553, %add3A_754] : memref<128x128xf32, #tpu.memory_space<vmem>>[vector<16xi32>, vector<16xi32>], vector<16xf32>,
      %add3A_756 = arith.constant 18 : i32
      %add3A_757 = vector.broadcast %add3A_756 : i32 to vector<16xi32>
      %add3A_758 = arith.addi %shift_left3A_571, %add3A_757 : vector<16xi32>
      %gather3A_759 = tpu.vector_load_idx %arg14[%add3A_553, %add3A_758] : memref<128x128xf32, #tpu.memory_space<vmem>>[vector<16xi32>, vector<16xi32>], vector<16xf32>,
      %mul3A_760 = arith.mulf %gather3A_755, %gather3A_759 : vector<16xf32>
      %add3A_761 = arith.addf %add3A_751, %mul3A_760 : vector<16xf32>
      %add3A_762 = arith.constant 19 : i32
      %add3A_763 = vector.broadcast %add3A_762 : i32 to vector<16xi32>
      %add3A_764 = arith.addi %shift_left3A_563, %add3A_763 : vector<16xi32>
      %gather3A_765 = tpu.vector_load_idx %arg12[%add3A_553, %add3A_764] : memref<128x128xf32, #tpu.memory_space<vmem>>[vector<16xi32>, vector<16xi32>], vector<16xf32>,
      %add3A_766 = arith.constant 19 : i32
      %add3A_767 = vector.broadcast %add3A_766 : i32 to vector<16xi32>
      %add3A_768 = arith.addi %shift_left3A_571, %add3A_767 : vector<16xi32>
      %gather3A_769 = tpu.vector_load_idx %arg14[%add3A_553, %add3A_768] : memref<128x128xf32, #tpu.memory_space<vmem>>[vector<16xi32>, vector<16xi32>], vector<16xf32>,
      %mul3A_770 = arith.mulf %gather3A_765, %gather3A_769 : vector<16xf32>
      %add3A_771 = arith.addf %add3A_761, %mul3A_770 : vector<16xf32>
      %add3A_772 = arith.constant 20 : i32
      %add3A_773 = vector.broadcast %add3A_772 : i32 to vector<16xi32>
      %add3A_774 = arith.addi %shift_left3A_563, %add3A_773 : vector<16xi32>
      %gather3A_775 = tpu.vector_load_idx %arg12[%add3A_553, %add3A_774] : memref<128x128xf32, #tpu.memory_space<vmem>>[vector<16xi32>, vector<16xi32>], vector<16xf32>,
      %add3A_776 = arith.constant 20 : i32
      %add3A_777 = vector.broadcast %add3A_776 : i32 to vector<16xi32>
      %add3A_778 = arith.addi %shift_left3A_571, %add3A_777 : vector<16xi32>
      %gather3A_779 = tpu.vector_load_idx %arg14[%add3A_553, %add3A_778] : memref<128x128xf32, #tpu.memory_space<vmem>>[vector<16xi32>, vector<16xi32>], vector<16xf32>,
      %mul3A_780 = arith.mulf %gather3A_775, %gather3A_779 : vector<16xf32>
      %add3A_781 = arith.addf %add3A_771, %mul3A_780 : vector<16xf32>
      %add3A_782 = arith.constant 21 : i32
      %add3A_783 = vector.broadcast %add3A_782 : i32 to vector<16xi32>
      %add3A_784 = arith.addi %shift_left3A_563, %add3A_783 : vector<16xi32>
      %gather3A_785 = tpu.vector_load_idx %arg12[%add3A_553, %add3A_784] : memref<128x128xf32, #tpu.memory_space<vmem>>[vector<16xi32>, vector<16xi32>], vector<16xf32>,
      %add3A_786 = arith.constant 21 : i32
      %add3A_787 = vector.broadcast %add3A_786 : i32 to vector<16xi32>
      %add3A_788 = arith.addi %shift_left3A_571, %add3A_787 : vector<16xi32>
      %gather3A_789 = tpu.vector_load_idx %arg14[%add3A_553, %add3A_788] : memref<128x128xf32, #tpu.memory_space<vmem>>[vector<16xi32>, vector<16xi32>], vector<16xf32>,
      %mul3A_790 = arith.mulf %gather3A_785, %gather3A_789 : vector<16xf32>
      %add3A_791 = arith.addf %add3A_781, %mul3A_790 : vector<16xf32>
      %add3A_792 = arith.constant 22 : i32
      %add3A_793 = vector.broadcast %add3A_792 : i32 to vector<16xi32>
      %add3A_794 = arith.addi %shift_left3A_563, %add3A_793 : vector<16xi32>
      %gather3A_795 = tpu.vector_load_idx %arg12[%add3A_553, %add3A_794] : memref<128x128xf32, #tpu.memory_space<vmem>>[vector<16xi32>, vector<16xi32>], vector<16xf32>,
      %add3A_796 = arith.constant 22 : i32
      %add3A_797 = vector.broadcast %add3A_796 : i32 to vector<16xi32>
      %add3A_798 = arith.addi %shift_left3A_571, %add3A_797 : vector<16xi32>
      %gather3A_799 = tpu.vector_load_idx %arg14[%add3A_553, %add3A_798] : memref<128x128xf32, #tpu.memory_space<vmem>>[vector<16xi32>, vector<16xi32>], vector<16xf32>,
      %mul3A_800 = arith.mulf %gather3A_795, %gather3A_799 : vector<16xf32>
      %add3A_801 = arith.addf %add3A_791, %mul3A_800 : vector<16xf32>
      %add3A_802 = arith.constant 23 : i32
      %add3A_803 = vector.broadcast %add3A_802 : i32 to vector<16xi32>
      %add3A_804 = arith.addi %shift_left3A_563, %add3A_803 : vector<16xi32>
      %gather3A_805 = tpu.vector_load_idx %arg12[%add3A_553, %add3A_804] : memref<128x128xf32, #tpu.memory_space<vmem>>[vector<16xi32>, vector<16xi32>], vector<16xf32>,
      %add3A_806 = arith.constant 23 : i32
      %add3A_807 = vector.broadcast %add3A_806 : i32 to vector<16xi32>
      %add3A_808 = arith.addi %shift_left3A_571, %add3A_807 : vector<16xi32>
      %gather3A_809 = tpu.vector_load_idx %arg14[%add3A_553, %add3A_808] : memref<128x128xf32, #tpu.memory_space<vmem>>[vector<16xi32>, vector<16xi32>], vector<16xf32>,
      %mul3A_810 = arith.mulf %gather3A_805, %gather3A_809 : vector<16xf32>
      %add3A_811 = arith.addf %add3A_801, %mul3A_810 : vector<16xf32>
      %add3A_812 = arith.constant 24 : i32
      %add3A_813 = vector.broadcast %add3A_812 : i32 to vector<16xi32>
      %add3A_814 = arith.addi %shift_left3A_563, %add3A_813 : vector<16xi32>
      %gather3A_815 = tpu.vector_load_idx %arg12[%add3A_553, %add3A_814] : memref<128x128xf32, #tpu.memory_space<vmem>>[vector<16xi32>, vector<16xi32>], vector<16xf32>,
      %add3A_816 = arith.constant 24 : i32
      %add3A_817 = vector.broadcast %add3A_816 : i32 to vector<16xi32>
      %add3A_818 = arith.addi %shift_left3A_571, %add3A_817 : vector<16xi32>
      %gather3A_819 = tpu.vector_load_idx %arg14[%add3A_553, %add3A_818] : memref<128x128xf32, #tpu.memory_space<vmem>>[vector<16xi32>, vector<16xi32>], vector<16xf32>,
      %mul3A_820 = arith.mulf %gather3A_815, %gather3A_819 : vector<16xf32>
      %add3A_821 = arith.addf %add3A_811, %mul3A_820 : vector<16xf32>
      %add3A_822 = arith.constant 25 : i32
      %add3A_823 = vector.broadcast %add3A_822 : i32 to vector<16xi32>
      %add3A_824 = arith.addi %shift_left3A_563, %add3A_823 : vector<16xi32>
      %gather3A_825 = tpu.vector_load_idx %arg12[%add3A_553, %add3A_824] : memref<128x128xf32, #tpu.memory_space<vmem>>[vector<16xi32>, vector<16xi32>], vector<16xf32>,
      %add3A_826 = arith.constant 25 : i32
      %add3A_827 = vector.broadcast %add3A_826 : i32 to vector<16xi32>
      %add3A_828 = arith.addi %shift_left3A_571, %add3A_827 : vector<16xi32>
      %gather3A_829 = tpu.vector_load_idx %arg14[%add3A_553, %add3A_828] : memref<128x128xf32, #tpu.memory_space<vmem>>[vector<16xi32>, vector<16xi32>], vector<16xf32>,
      %mul3A_830 = arith.mulf %gather3A_825, %gather3A_829 : vector<16xf32>
      %add3A_831 = arith.addf %add3A_821, %mul3A_830 : vector<16xf32>
      %add3A_832 = arith.constant 26 : i32
      %add3A_833 = vector.broadcast %add3A_832 : i32 to vector<16xi32>
      %add3A_834 = arith.addi %shift_left3A_563, %add3A_833 : vector<16xi32>
      %gather3A_835 = tpu.vector_load_idx %arg12[%add3A_553, %add3A_834] : memref<128x128xf32, #tpu.memory_space<vmem>>[vector<16xi32>, vector<16xi32>], vector<16xf32>,
      %add3A_836 = arith.constant 26 : i32
      %add3A_837 = vector.broadcast %add3A_836 : i32 to vector<16xi32>
      %add3A_838 = arith.addi %shift_left3A_571, %add3A_837 : vector<16xi32>
      %gather3A_839 = tpu.vector_load_idx %arg14[%add3A_553, %add3A_838] : memref<128x128xf32, #tpu.memory_space<vmem>>[vector<16xi32>, vector<16xi32>], vector<16xf32>,
      %mul3A_840 = arith.mulf %gather3A_835, %gather3A_839 : vector<16xf32>
      %add3A_841 = arith.addf %add3A_831, %mul3A_840 : vector<16xf32>
      %add3A_842 = arith.constant 27 : i32
      %add3A_843 = vector.broadcast %add3A_842 : i32 to vector<16xi32>
      %add3A_844 = arith.addi %shift_left3A_563, %add3A_843 : vector<16xi32>
      %gather3A_845 = tpu.vector_load_idx %arg12[%add3A_553, %add3A_844] : memref<128x128xf32, #tpu.memory_space<vmem>>[vector<16xi32>, vector<16xi32>], vector<16xf32>,
      %add3A_846 = arith.constant 27 : i32
      %add3A_847 = vector.broadcast %add3A_846 : i32 to vector<16xi32>
      %add3A_848 = arith.addi %shift_left3A_571, %add3A_847 : vector<16xi32>
      %gather3A_849 = tpu.vector_load_idx %arg14[%add3A_553, %add3A_848] : memref<128x128xf32, #tpu.memory_space<vmem>>[vector<16xi32>, vector<16xi32>], vector<16xf32>,
      %mul3A_850 = arith.mulf %gather3A_845, %gather3A_849 : vector<16xf32>
      %add3A_851 = arith.addf %add3A_841, %mul3A_850 : vector<16xf32>
      %add3A_852 = arith.constant 28 : i32
      %add3A_853 = vector.broadcast %add3A_852 : i32 to vector<16xi32>
      %add3A_854 = arith.addi %shift_left3A_563, %add3A_853 : vector<16xi32>
      %gather3A_855 = tpu.vector_load_idx %arg12[%add3A_553, %add3A_854] : memref<128x128xf32, #tpu.memory_space<vmem>>[vector<16xi32>, vector<16xi32>], vector<16xf32>,
      %add3A_856 = arith.constant 28 : i32
      %add3A_857 = vector.broadcast %add3A_856 : i32 to vector<16xi32>
      %add3A_858 = arith.addi %shift_left3A_571, %add3A_857 : vector<16xi32>
      %gather3A_859 = tpu.vector_load_idx %arg14[%add3A_553, %add3A_858] : memref<128x128xf32, #tpu.memory_space<vmem>>[vector<16xi32>, vector<16xi32>], vector<16xf32>,
      %mul3A_860 = arith.mulf %gather3A_855, %gather3A_859 : vector<16xf32>
      %add3A_861 = arith.addf %add3A_851, %mul3A_860 : vector<16xf32>
      %add3A_862 = arith.constant 29 : i32
      %add3A_863 = vector.broadcast %add3A_862 : i32 to vector<16xi32>
      %add3A_864 = arith.addi %shift_left3A_563, %add3A_863 : vector<16xi32>
      %gather3A_865 = tpu.vector_load_idx %arg12[%add3A_553, %add3A_864] : memref<128x128xf32, #tpu.memory_space<vmem>>[vector<16xi32>, vector<16xi32>], vector<16xf32>,
      %add3A_866 = arith.constant 29 : i32
      %add3A_867 = vector.broadcast %add3A_866 : i32 to vector<16xi32>
      %add3A_868 = arith.addi %shift_left3A_571, %add3A_867 : vector<16xi32>
      %gather3A_869 = tpu.vector_load_idx %arg14[%add3A_553, %add3A_868] : memref<128x128xf32, #tpu.memory_space<vmem>>[vector<16xi32>, vector<16xi32>], vector<16xf32>,
      %mul3A_870 = arith.mulf %gather3A_865, %gather3A_869 : vector<16xf32>
      %add3A_871 = arith.addf %add3A_861, %mul3A_870 : vector<16xf32>
      %add3A_872 = arith.constant 30 : i32
      %add3A_873 = vector.broadcast %add3A_872 : i32 to vector<16xi32>
      %add3A_874 = arith.addi %shift_left3A_563, %add3A_873 : vector<16xi32>
      %gather3A_875 = tpu.vector_load_idx %arg12[%add3A_553, %add3A_874] : memref<128x128xf32, #tpu.memory_space<vmem>>[vector<16xi32>, vector<16xi32>], vector<16xf32>,
      %add3A_876 = arith.constant 30 : i32
      %add3A_877 = vector.broadcast %add3A_876 : i32 to vector<16xi32>
      %add3A_878 = arith.addi %shift_left3A_571, %add3A_877 : vector<16xi32>
      %gather3A_879 = tpu.vector_load_idx %arg14[%add3A_553, %add3A_878] : memref<128x128xf32, #tpu.memory_space<vmem>>[vector<16xi32>, vector<16xi32>], vector<16xf32>,
      %mul3A_880 = arith.mulf %gather3A_875, %gather3A_879 : vector<16xf32>
      %add3A_881 = arith.addf %add3A_871, %mul3A_880 : vector<16xf32>
      %add3A_882 = arith.constant 31 : i32
      %add3A_883 = vector.broadcast %add3A_882 : i32 to vector<16xi32>
      %add3A_884 = arith.addi %shift_left3A_563, %add3A_883 : vector<16xi32>
      %gather3A_885 = tpu.vector_load_idx %arg12[%add3A_553, %add3A_884] : memref<128x128xf32, #tpu.memory_space<vmem>>[vector<16xi32>, vector<16xi32>], vector<16xf32>,
      %add3A_886 = arith.constant 31 : i32
      %add3A_887 = vector.broadcast %add3A_886 : i32 to vector<16xi32>
      %add3A_888 = arith.addi %shift_left3A_571, %add3A_887 : vector<16xi32>
      %gather3A_889 = tpu.vector_load_idx %arg14[%add3A_553, %add3A_888] : memref<128x128xf32, #tpu.memory_space<vmem>>[vector<16xi32>, vector<16xi32>], vector<16xf32>,
      %mul3A_890 = arith.mulf %gather3A_885, %gather3A_889 : vector<16xf32>
      %add3A_891 = arith.addf %add3A_881, %mul3A_890 : vector<16xf32>
      %neg3A = arith.constant 0.000000e+00 : f32
      %neg3A_892 = vector.broadcast %neg3A : f32 to vector<16xf32>
      %neg3A_893 = arith.subf %neg3A_892, %add3A_891 : vector<16xf32>
      %exp3A = math.exp %neg3A_893 : vector<16xf32>
      %add3A_894 = arith.constant 1.000000e+00 : f32
      %add3A_895 = vector.broadcast %add3A_894 : f32 to vector<16xf32>
      %add3A_896 = arith.addf %add3A_895, %exp3A : vector<16xf32>
      %div3A = arith.constant 1.000000e+00 : f32
      %div3A_897 = vector.broadcast %div3A : f32 to vector<16xf32>
      %div3A_898 = arith.divf %div3A_897, %add3A_896 : vector<16xf32>
      %swap3A_899 = arith.index_cast %add3A_557 : i32 to index
      %swap3A_900 = tpu.vector_load %arg15[%swap3A_899] {strides = array<i32>} : memref<512xf32, #tpu.memory_space<vmem>>, vector<16xf32>,
      tpu.vector_store %arg15[%swap3A_899], %div3A_898 {strides = array<i32>} : memref<512xf32, #tpu.memory_space<vmem>>, vector<16xf32>,
    }
    %scan3A_546 = arith.constant 8 : i32
    %mul3A_547 = arith.constant 512 : i32
    %mul3A_548 = arith.muli %add3A, %mul3A_547 : i32
    "tpu.region"() ({
      %run_scoped3A = tpu.sem_alloc : memref<!tpu.dma_semaphore, #tpu.memory_space<semaphore_mem>>
      %dma_start3A_549 = tpu.memref_slice %arg6[%mul3A_548] : memref<16384xf32, #tpu.memory_space<hbm>> -> memref<512xf32, #tpu.memory_space<hbm>>
      %dma_start3A_550 = tpu.memref_slice %arg6[%mul3A_548] : memref<16384xf32, #tpu.memory_space<hbm>> -> memref<512xf32, #tpu.memory_space<hbm>>
      tpu.enqueue_dma source(%arg15 : memref<512xf32, #tpu.memory_space<vmem>>) target(%dma_start3A_550 : memref<512xf32, #tpu.memory_space<hbm>>) target_semaphore(%run_scoped3A : memref<!tpu.dma_semaphore, #tpu.memory_space<semaphore_mem>>)
      %dma_wait3A_551 = tpu.memref_slice %arg6[%mul3A_548] : memref<16384xf32, #tpu.memory_space<hbm>> -> memref<512xf32, #tpu.memory_space<hbm>>
      %dma_wait3A_552 = tpu.memref_slice %arg6[%mul3A_548] : memref<16384xf32, #tpu.memory_space<hbm>> -> memref<512xf32, #tpu.memory_space<hbm>>
      tpu.wait_dma2 semaphore(%run_scoped3A : memref<!tpu.dma_semaphore, #tpu.memory_space<semaphore_mem>>) src(%arg15 : memref<512xf32, #tpu.memory_space<vmem>>) dst(%dma_wait3A_552 : memref<512xf32, #tpu.memory_space<hbm>>)
      tpu.yield
    }) : () -> ()
    return
  }
}

</mosaic_0001>

<sc_bundles>
// kernel: _run.3.cloned.1.call-start
scs
__scs_entry_jumppad:
0x0: {  	(pc) =	sbr.rel $0x88, $3  }
0x1: {  	(tag) =	ssettag $0x0;
	lr =	simm.s32 $0x1  }
0x2: {  	[smem:$0x3F9D] =	sst lr;
	_ =	strace $0xD0000000  }
0x3: {  	_ = 	snop  }
0x4: {  	_ = 	snop  }
0x5: {  	_ = 	snop  }
0x6: {  	_ = 	snop  }
0x7: {  	_ = 	snop  }
__scs_overlays_trampoline_lowered:
0x8: {  	[smem:$0x3FAC] =	sst s0  }
0x9: {  	[smem:$0x3FAD] =	sst s1  }
0xa: {  	[smem:$0x3FAE] =	sst s2  }
0xb: {  	[smem:$0x3FAF] =	sst s3  }
0xc: {  	[smem:$0x3FB0] =	sst s4  }
0xd: {  	[smem:$0x3FB1] =	sst s5  }
0xe: {  	[smem:$0x3FB2] =	sst s6  }
0xf: {  	[smem:$0x3FB3] =	sst s7  }
0x10: {  	[smem:$0x3FB4] =	sst s8  }
0x11: {  	[smem:$0x3FB5] =	sst s9;
	s0 =	simm.s32 @!p0 $0x0  }
0x12: {  	s1 =	sld [smem:$0x3F9B];
	s0 =	simm.s32 @p0 $0x1  }
0x13: {  	[smem:$0x3FB6] =	sst s0;
	s0 =	simm.s32 @!p1 $0x0  }
0x14: {  	s2 =	sld [smem:$0x3F9A];
	s0 =	simm.s32 @p1 $0x1  }
0x15: {  	[smem:$0x3FB7] =	sst s0;
	s0 =	simm.s32 @!p2 $0x0  }
0x16: {  	s3 =	sld [smem:$0x3FDB];
	s0 =	simm.s32 @p2 $0x1  }
0x17: {  	s4 =	simm.s32 $0x1BF5;
	[smem:$0x3FB9] =	sst s0  }
0x18: {  	s0 =	sld [smem:$0x3F9C];
	_ =	swait.ge [sflag:s4], $0x0  }
0x19: {  	s7 =	sld [smem:$0x3F9D]  }
0x1a: {  	s8 =	sadd.s32 $0xFFFFE003, lr  }
0x1b: {  	s9 =	sadd.s32 $0xFFFFFEF7, lr;
	s5 =	simm.s32 $0xFFFFFFFF;
	p2 =	slt.u32 s8, $0xFFFFF086  }
0x1c: {  	p1 =	slt.u32 s9, $0xF7A;
	s5 =	simm.s32 @!p2 $0x0  }
0x1d: {  	s5 =	simm.s32 @p1 $0x1;
	p0 =	seq.s32 s7, s2  }
0x1e: {  	s7 =	smul.u32 @!p0 $0xF7A, s2;
	p2 =	seq.s32 @!p0 s5, $0x0  }
0x1f: {  	s9 =	smul.u32 $0xF7A, s1;
	s8 =	simm.s32 @!p0 $0x1BF5;
	p2 =	por !p2, p0  }
0x20: {  	[sflag:s8] =	ssyncset.s32 @!p0 $0xFFFFF086;
	s6 =	sadd.s32 @!p0 s3, s7;
	s7 =	simm.s32 @!p0 $0x108  }
0x21: {  	s3 =	sadd.s32 s3, s9;
	s6 =	sadd.s32 @!p0 $0x88, s6;
	s7 =	simm.s32 @p2 $0x1082  }
0x22: {  	[simem:s7], [sflag:s8] =	dma.local @!p0 [hbm:s6], $0xF7A  }
0x23: {  	s9 =	sor.u32 $0xD0000000, s2;
	s6 =	simm.s32 $0x108;
	_ =	swait.ge @!p0 [sflag:s8], $0x0  }
0x24: {  	s3 =	sadd.s32 $0x88, s3;
	s6 =	simm.s32 @!p1 $0x1082;
	[sflag:s4] =	ssyncset.s32 $0xFFFFF086  }
0x25: {  	[simem:s6], [sflag:s4] =	dma.local [hbm:s3], $0xF7A  }
0x26: {  	[smem:$0x3F9D] =	sst s1;
	(tag) =	ssettag s2;
	_ =	strace s9  }
0x27: {  	s1 =	sld [smem:$0x3FAD]  }
0x28: {  	s2 =	sld [smem:$0x3FAE]  }
0x29: {  	s4 =	sld [smem:$0x3FB0]  }
0x2a: {  	p0 =	seq.s32 s5, $0x0;
	s5 =	sld [smem:$0x3FB1]  }
0x2b: {  	s6 =	sld [smem:$0x3FB2]  }
0x2c: {  	s7 =	sld [smem:$0x3FB3]  }
0x2d: {  	s3 =	simm.s32 $0x108;
	s8 =	sld [smem:$0x3FB4]  }
0x2e: {  	s3 =	simm.s32 @!p0 $0x1082;
	s9 =	sld [smem:$0x3FB5]  }
0x2f: {  	lr =	sadd.s32 s0, s3;
	s0 =	sld [smem:$0x3FAC]  }
0x30: {  	s3 =	sld [smem:$0x3FAF]  }
0x31: {  	[smem:$0x3FB8] =	sst s10  }
0x32: {  	s10 =	sld [smem:$0x3FB6];
	_ =	sdelay $0x3  }
0x33: {  	p0 =	seq.s32 s10, $0x1;
	s10 =	sld [smem:$0x3FB8];
	_ =	sdelay $0x3  }
0x34: {  	[smem:$0x3FB8] =	sst s10  }
0x35: {  	s10 =	sld [smem:$0x3FB7];
	_ =	sdelay $0x3  }
0x36: {  	p1 =	seq.s32 s10, $0x1;
	s10 =	sld [smem:$0x3FB8];
	_ =	sdelay $0x3  }
0x37: {  	[smem:$0x3FB8] =	sst s10  }
0x38: {  	s10 =	sld [smem:$0x3FB9]  }
0x39: {  	_ = 	snop;
	(pc) =	sbr.ind lr, $3  }
0x3a: {  	_ = 	snop  }
0x3b: {  	_ = 	snop  }
0x3c: {  	p2 =	seq.s32 s10, $0x1;
	s10 =	sld [smem:$0x3FB8]  }
0x3d: {  	_ =	shalt  }
0x3e: {  	_ =	shalt  }
0x3f: {  	_ =	shalt  }
0x40: {  	_ =	shalt  }
0x41: {  	_ =	shalt  }
0x42: {  	_ =	shalt  }
0x43: {  	_ =	shalt  }
0x44: {  	_ =	shalt  }
0x45: {  	_ =	shalt  }
0x46: {  	_ =	shalt  }
0x47: {  	_ =	shalt  }
0x48: {  	_ =	shalt  }
0x49: {  	_ =	shalt  }
0x4a: {  	_ =	shalt  }
0x4b: {  	_ =	shalt  }
0x4c: {  	_ =	shalt  }
0x4d: {  	_ =	shalt  }
0x4e: {  	_ =	shalt  }
0x4f: {  	_ =	shalt  }
0x50: {  	_ =	shalt  }
0x51: {  	_ =	shalt  }
0x52: {  	_ =	shalt  }
0x53: {  	_ =	shalt  }
0x54: {  	_ =	shalt  }
0x55: {  	_ =	shalt  }
0x56: {  	_ =	shalt  }
0x57: {  	_ =	shalt  }
0x58: {  	_ =	shalt  }
0x59: {  	_ =	shalt  }
0x5a: {  	_ =	shalt  }
0x5b: {  	_ =	shalt  }
0x5c: {  	_ =	shalt  }
0x5d: {  	_ =	shalt  }
0x5e: {  	_ =	shalt  }
0x5f: {  	_ =	shalt  }
0x60: {  	_ =	shalt  }
0x61: {  	_ =	shalt  }
0x62: {  	_ =	shalt  }
0x63: {  	_ =	shalt  }
0x64: {  	_ =	shalt  }
0x65: {  	_ =	shalt  }
0x66: {  	_ =	shalt  }
0x67: {  	_ =	shalt  }
0x68: {  	_ =	shalt  }
0x69: {  	_ =	shalt  }
0x6a: {  	_ =	shalt  }
0x6b: {  	_ =	shalt  }
0x6c: {  	_ =	shalt  }
0x6d: {  	_ =	shalt  }
0x6e: {  	_ =	shalt  }
0x6f: {  	_ =	shalt  }
0x70: {  	_ =	shalt  }
0x71: {  	_ =	shalt  }
0x72: {  	_ =	shalt  }
0x73: {  	_ =	shalt  }
0x74: {  	_ =	shalt  }
0x75: {  	_ =	shalt  }
0x76: {  	_ =	shalt  }
0x77: {  	_ =	shalt  }
0x78: {  	_ =	shalt  }
0x79: {  	_ =	shalt  }
0x7a: {  	_ =	shalt  }
0x7b: {  	_ =	shalt  }
0x7c: {  	_ =	shalt  }
0x7d: {  	_ =	shalt  }
0x7e: {  	_ =	shalt  }
0x7f: {  	_ =	shalt  }
0x80: {  	_ =	shalt  }
0x81: {  	_ =	shalt  }
0x82: {  	_ =	shalt  }
0x83: {  	_ =	shalt  }
0x84: {  	_ =	shalt  }
0x85: {  	_ =	shalt  }
0x86: {  	_ =	shalt  }
0x87: {  	_ =	shalt  }
.Lfunc_end0:
.L_simem_size_0:
called_computation_lowered:
.L_overlay_start_0:
0x88: {  	s2 =	sld [smem:$0x3FD9]  }
0x89: {  	s3 =	sld [smem:$0x3FFE];
	_ =	sdelay $0x1  }
0x8a: {  	s1 =	srdreg.scid  }
0x8b: {  	s0 =	sand.u32 $0x1, s1  }
0x8c: {  	s18 =	sshll.u32 s0, $0xA;
	s2 =	sadd.s32 s3, s2  }
0x8d: {  	s2 =	sadd.s32 s2, s18  }
0x8e: {  	[smem:$0x3FC4] =	sst s2  }
0x8f: {  	_ = 	snop  }
0x90: {  	s2 =	sld [smem:$0x3FC9]  }
0x91: {  	s19 =	sld [smem:$0x3FC8]  }
0x92: {  	s4 =	sld [smem:$0x3FC7]  }
0x93: {  	s5 =	sld [smem:$0x3FC6]  }
0x94: {  	s6 =	sld [smem:$0x3FD0];
	(tm) =	ssettm $0x1  }
0x95: {  	s7 =	sld [smem:$0x3FFB];
	_ =	sdelay $0x3  }
0x96: {  	_ =	strace s7  }
0x97: {  	s7 =	sld [smem:$0x3FFC];
	_ =	sdelay $0x3  }
0x98: {  	_ =	strace s7  }
0x99: {  	s7 =	sld [smem:$0x3FFD];
	_ =	sdelay $0x3  }
0x9a: {  	_ =	strace s7  }
0x9b: {  	_ =	strace $0x8FFFFFFF  }
0x9c: {  	s20 =	sld [smem:$0x3FDB];
	_ =	sdelay $0x1  }
0x9d: {  	s8 =	simm.s32 $_scs_section_size  }
0x9e: {  	s9 =	simm.s32 $_size__tile_overlayer_lowered;
	s10 =	simm.s32 $_tile_overlayer_lowered  }
0x9f: {  	s23 =	simm.s32 $0x1BFF;
	s22 =	sshll.u32 s10, $0x1;
	s7 =	sadd.s32 s8, s20  }
0xa0: {  	s11 =	simm.s32 $0x0;
	s21 =	sshll.u32 s9, $0x1;
	s9 =	sadd.s32 s22, s7  }
0xa1: {  	[timem:s11], [sflag:s23] =	dma.local [hbm:s9], s21  }
0xa2: {  	_ =	swait.ge [sflag:s23], s21  }
0xa3: {  	s8 =	ssub.s32 $0x0, s21;
	[sflag:s23] =	ssyncset.done $0x0  }
0xa4: {  	[sflag:s23] =	ssyncadd.s32 s8;
	_ =	sdelay $0x1  }
0xa5: {  	s24 =	simm.s32 $0x1B8B  }
0xa6: {  	_ =	swait.ge [sflag:s24], $0x1  }
0xa7: {  	[sflag:s24] =	ssyncset.done $0x0  }
0xa8: {  	s25 =	simm.s32 $0x1B8E;
	[sflag:s24] =	ssyncadd.s32 $0xFFFFFFFF  }
0xa9: {  	s26 =	simm.s32 $execute0_lowered;
	[smem:$0x3FD2] =	sst s25  }
0xaa: {  	s8 =	sshll.u32 s26, $0x1;
	_ =	strace $0x80000046;
	[dreg:$0x1] =	wrdreg $0xFFFFFFFF  }
0xab: {  	s28 =	simm.s32 $_size_execute0_lowered;
	s7 =	sadd.s32 s7, s8;
	[dreg:$0x0] =	wrdreg $0x0  }
0xac: {  	s8 =	sshll.u32 s28, $0x1;
	[dreg:$0x2] =	wrdreg s7  }
0xad: {  	[dreg:$0x3] =	wrdreg s8  }
0xae: {  	[dreg:$0x4] =	wrdreg $0xC0  }
0xaf: {  	_ =	task [dreg:s11], $0x5FFFF  }
0xb0: {  	[dreg:$0x1] =	wrdreg $0xFFFFFFFF  }
0xb1: {  	[dreg:$0x0] =	wrdreg $0x60  }
0xb2: {  	[dreg:$0x2] =	wrdreg s2  }
0xb3: {  	[dreg:$0x3] =	wrdreg s19  }
0xb4: {  	[dreg:$0x4] =	wrdreg s4  }
0xb5: {  	[dreg:$0x5] =	wrdreg s5  }
0xb6: {  	[dreg:$0x6] =	wrdreg s6  }
0xb7: {  	[dreg:$0x7] =	wrdreg $0x9  }
0xb8: {  	_ =	task.clear_ibuf [dreg:s11], $0x8FFFF;
	_ =	strace $0x90000046  }
0xb9: {  	s29 =	simm.s32 $0x9;
	_ =	strace $0x80000048  }
0xba: {  	_ =	swait.ge [sflag:s29], $0x1  }
0xbb: {  	[sflag:s29] =	ssyncadd.s32 $0xFFFFFFFF  }
0xbc: {  	_ =	strace $0x90000048  }
0xbd: {  	_ =	sfence  }
0xbe: {  	s30 =	sld [smem:$0x0];
	_ =	sdelay $0x2  }
0xbf: {  	s31 =	sshll.u32 s1, $0xD;
	s1 =	sshrl.u32 s1, $0x2  }
0xc0: {  	s3 =	sand.u32 $0x4000, s31;
	s1 =	sadd.s32 s1, s30  }
0xc1: {  	s0 =	sor.u32 s3, s0;
	s1 =	sshll.u32 s1, $0x11  }
0xc2: {  	s0 =	sor.u32 s1, s0  }
0xc3: {  	s0 =	sadd.s32 $0x8F2B, s0  }
0xc4: {  	[sflag:s0] =	ssyncadd.remote.s32 $0x1  }
0xc5: {  	_ =	sfence.sel $0xFFFF  }
0xc6: {  	[dreg:$0x0] =	wrdreg $0xFFFFFFFF;
	(pc) =	sbr.abs _section_cstart, $3  }
0xc7: {  	[dreg:$0x1] =	wrdreg $0xFFFFFFFF  }
0xc8: {  	_ =	task.clear_ibuf [dreg:s11], $0x2FFFF;
	_ =	strace $0x9FFFFFFF  }
0xc9: {  	(tm) =	ssettm $0x7FFFFFFF  }
tec
execute0_lowered:
.L_overlay_start_1:
0x0: {  	(tag) =	ssettag $0x1  }
0x1: {  	s0 =	rddreg [dreg:$0x0]  }
0x2: {  	s2 =	rddreg [dreg:$0x1]  }
0x3: {  	s1 =	rddreg [dreg:$0x2]  }
0x4: {  	s3 =	rddreg [dreg:$0x3]  }
0x5: {  	s7 =	rddreg [dreg:$0x4]  }
0x6: {  	s5 =	srdreg.scid;
	s8 =	stileid.u32;
	s4 =	simm.s32 $0x0  }
0x7: {  	s11 =	simm.s32 $0x5;
	s12 =	simm.s32 $0x800;
	s14 =	simm.s32 $0x8800  }
0x8: {  	s15 =	simm.s32 $0x480;
	s16 =	simm.s32 $0x4800;
	s17 =	simm.s32 $0x680  }
0x9: {  	s18 =	simm.s32 $0xC800;
	s19 =	simm.s32 $0x1;
	s20 =	simm.s32 $0x3  }
0xa: {  	s21 =	simm.s32 $0x500;
	s22 =	simm.s32 $0x700;
	s23 =	simm.s32 $0x2  }
0xb: {  	s24 =	simm.s32 $0x4;
	s25 =	simm.s32 $0x580;
	s26 =	simm.s32 $0x780  }
0xc: {  	s28 =	simm.s32 $0x10800;
	s29 =	simm.s32 $0x0;
	s5 =	sand.u32 $0x1, s5  }
0xd: {  	s6 =	sshll.u32 s8, $0x1;
	[smem:$0x7FF] =	sst s4;
	s8 =	sshll.u32 s8, $0x7  }
0xe: {  	s6 =	sor.u32 s5, s6;
	s5 =	ssub.s32 $0x2, s5;
	_ =	strace $0x80000047  }
0xf: {  	s9 =	sshll.u32 s6, $0x4;
	s10 =	sshrl.u32 s5, $0x1;
	s31 =	sshll.u32 s6, $0x6  }
0x10: {  	s8 =	sor.u32 s8, s9;
	s30 =	ssub.s32 s5, s10;
	s7 =	sadd.s32 s7, s31  }
0x11: {  	v0 =	vlaneseq.u32;
	s9 =	simm.s32 $0x80;
	s10 =	simm.s32 $0x400;
	s8 =	sand.u32 $0x670, s8  }
0x12: {  	v0 =	vmul.u32 $0x80, v0;
	s5 =	sadd.s32 s0, s8;
	s6 =	sadd.s32 s2, s8;
	s8 =	smax.u32 s30, $0x1  }
.LBB2_1:
0x13: {  	[tilespmem:s4], [sflag:$0x5] =	stream.strided.gather [hbm4b:s5+s9], $0x200, s10, s9, $0x38;
	[tilespmem:$0x10A00] =	vst v63  }
0x14: {  	_ =	swait.ge [sflag:s11], $0x200  }
0x15: {  	[sflag:s11] =	ssyncset.done $0x0  }
0x16: {  	s0 =	simm.s32 $0x200;
	[sflag:s11] =	ssyncadd.s32 $0xFFFFFE00  }
0x17: {  	[tilespmem:s0], [sflag:$0x5] =	stream.strided.gather [hbm4b:s6+s9], $0x200, s10, s9, $0x38;
	[tilespmem:$0x10A00] =	vst v63  }
0x18: {  	_ =	swait.ge [sflag:s11], $0x200  }
0x19: {  	[sflag:s11] =	ssyncset.done $0x0  }
0x1a: {  	[sflag:s11] =	ssyncadd.s32 $0xFFFFFE00  }
0x1b: {  	v1 =	vld [tilespmem:$0x0]  }
0x1c: {  	v2 =	vld [tilespmem:$0x200]  }
0x1d: {  	v3 =	vld [tilespmem:$0x10]  }
0x1e: {  	v4 =	vld [tilespmem:$0x210]  }
0x1f: {  	v5 =	vld [tilespmem:$0x20]  }
0x20: {  	v6 =	vld [tilespmem:$0x220];
	v1 =	vshra.s32 v1, $0x2  }
0x21: {  	[tilespmem:$0x400] =	vst v1;
	v1 =	vshra.s32 v2, $0x2;
	v2 =	vld [tilespmem:$0x30]  }
0x22: {  	[tilespmem:$0x600] =	vst v1;
	v1 =	vshra.s32 v3, $0x2;
	v3 =	vld [tilespmem:$0x230]  }
0x23: {  	v11 =	vld [tilespmem:$0x40];
	[tilespmem:$0x410] =	vst v1;
	v1 =	vshra.s32 v4, $0x2  }
0x24: {  	v12 =	vld [tilespmem:$0x240];
	[tilespmem:$0x610] =	vst v1;
	v1 =	vshra.s32 v5, $0x2  }
0x25: {  	v13 =	vld [tilespmem:$0x50];
	[tilespmem:$0x420] =	vst v1;
	v1 =	vshra.s32 v6, $0x2  }
0x26: {  	[tilespmem:$0x620] =	vst v1;
	v1 =	vshra.s32 v2, $0x2;
	v2 =	vld [tilespmem:$0x250]  }
0x27: {  	[tilespmem:$0x430] =	vst v1;
	v1 =	vshra.s32 v3, $0x2;
	v3 =	vld [tilespmem:$0x60]  }
0x28: {  	v14 =	vld [tilespmem:$0x260];
	[tilespmem:$0x630] =	vst v1;
	v1 =	vshra.s32 v11, $0x2  }
0x29: {  	v15 =	vld [tilespmem:$0x70];
	[tilespmem:$0x440] =	vst v1;
	v1 =	vshra.s32 v12, $0x2  }
0x2a: {  	v16 =	vld [tilespmem:$0x270];
	[tilespmem:$0x640] =	vst v1;
	v1 =	vshra.s32 v13, $0x2  }
0x2b: {  	[tilespmem:$0x450] =	vst v1;
	v1 =	vshra.s32 v2, $0x2;
	v2 =	vld [tilespmem:$0x80]  }
0x2c: {  	[tilespmem:$0x650] =	vst v1;
	v1 =	vshra.s32 v3, $0x2;
	v3 =	vld [tilespmem:$0x280]  }
0x2d: {  	v17 =	vld [tilespmem:$0x90];
	[tilespmem:$0x460] =	vst v1;
	v1 =	vshra.s32 v14, $0x2  }
0x2e: {  	v18 =	vld [tilespmem:$0x290];
	[tilespmem:$0x660] =	vst v1;
	v1 =	vshra.s32 v15, $0x2  }
0x2f: {  	v19 =	vld [tilespmem:$0xA0];
	[tilespmem:$0x470] =	vst v1;
	v1 =	vshra.s32 v16, $0x2  }
0x30: {  	[tilespmem:$0x670] =	vst v1;
	v1 =	vshra.s32 v2, $0x2;
	v2 =	vld [tilespmem:$0x2A0]  }
0x31: {  	[tilespmem:$0x480] =	vst v1;
	v1 =	vshra.s32 v3, $0x2;
	v3 =	vld [tilespmem:$0xB0]  }
0x32: {  	v20 =	vld [tilespmem:$0x2B0];
	[tilespmem:$0x680] =	vst v1;
	v1 =	vshra.s32 v17, $0x2  }
0x33: {  	v21 =	vld [tilespmem:$0xC0];
	[tilespmem:$0x490] =	vst v1;
	v1 =	vshra.s32 v18, $0x2  }
0x34: {  	v22 =	vld [tilespmem:$0x2C0];
	[tilespmem:$0x690] =	vst v1;
	v1 =	vshra.s32 v19, $0x2  }
0x35: {  	[tilespmem:$0x4A0] =	vst v1;
	v1 =	vshra.s32 v2, $0x2;
	v2 =	vld [tilespmem:$0xD0]  }
0x36: {  	[tilespmem:$0x6A0] =	vst v1;
	v1 =	vshra.s32 v3, $0x2;
	v3 =	vld [tilespmem:$0x2D0]  }
0x37: {  	v23 =	vld [tilespmem:$0xE0];
	[tilespmem:$0x4B0] =	vst v1;
	v1 =	vshra.s32 v20, $0x2  }
0x38: {  	v24 =	vld [tilespmem:$0x2E0];
	[tilespmem:$0x6B0] =	vst v1;
	v1 =	vshra.s32 v21, $0x2  }
0x39: {  	v25 =	vld [tilespmem:$0xF0];
	[tilespmem:$0x4C0] =	vst v1;
	v1 =	vshra.s32 v22, $0x2  }
0x3a: {  	[tilespmem:$0x6C0] =	vst v1;
	v1 =	vshra.s32 v2, $0x2;
	v2 =	vld [tilespmem:$0x2F0]  }
0x3b: {  	[tilespmem:$0x4D0] =	vst v1;
	v1 =	vshra.s32 v3, $0x2;
	v3 =	vld [tilespmem:$0x100]  }
0x3c: {  	v26 =	vld [tilespmem:$0x300];
	[tilespmem:$0x6D0] =	vst v1;
	v1 =	vshra.s32 v23, $0x2  }
0x3d: {  	v27 =	vld [tilespmem:$0x110];
	[tilespmem:$0x4E0] =	vst v1;
	v1 =	vshra.s32 v24, $0x2  }
0x3e: {  	v28 =	vld [tilespmem:$0x310];
	[tilespmem:$0x6E0] =	vst v1;
	v1 =	vshra.s32 v25, $0x2  }
0x3f: {  	[tilespmem:$0x4F0] =	vst v1;
	v1 =	vshra.s32 v2, $0x2;
	v2 =	vld [tilespmem:$0x120]  }
0x40: {  	[tilespmem:$0x6F0] =	vst v1;
	v1 =	vshra.s32 v3, $0x2;
	v3 =	vld [tilespmem:$0x320]  }
0x41: {  	v29 =	vld [tilespmem:$0x130];
	[tilespmem:$0x500] =	vst v1;
	v1 =	vshra.s32 v26, $0x2  }
0x42: {  	v30 =	vld [tilespmem:$0x330];
	[tilespmem:$0x700] =	vst v1;
	v1 =	vshra.s32 v27, $0x2  }
0x43: {  	v31 =	vld [tilespmem:$0x140];
	[tilespmem:$0x510] =	vst v1;
	v1 =	vshra.s32 v28, $0x2  }
0x44: {  	[tilespmem:$0x710] =	vst v1;
	v1 =	vshra.s32 v2, $0x2;
	v2 =	vld [tilespmem:$0x340]  }
0x45: {  	[tilespmem:$0x520] =	vst v1;
	v1 =	vshra.s32 v3, $0x2;
	v3 =	vld [tilespmem:$0x150]  }
0x46: {  	v32 =	vld [tilespmem:$0x350];
	[tilespmem:$0x720] =	vst v1;
	v1 =	vshra.s32 v29, $0x2  }
0x47: {  	v33 =	vld [tilespmem:$0x160];
	[tilespmem:$0x530] =	vst v1;
	v1 =	vshra.s32 v30, $0x2  }
0x48: {  	v34 =	vld [tilespmem:$0x360];
	[tilespmem:$0x730] =	vst v1;
	v1 =	vshra.s32 v31, $0x2  }
0x49: {  	[tilespmem:$0x540] =	vst v1;
	v1 =	vshra.s32 v2, $0x2;
	v2 =	vld [tilespmem:$0x170]  }
0x4a: {  	[tilespmem:$0x740] =	vst v1;
	v1 =	vshra.s32 v3, $0x2;
	v3 =	vld [tilespmem:$0x370]  }
0x4b: {  	v35 =	vld [tilespmem:$0x180];
	[tilespmem:$0x550] =	vst v1;
	v1 =	vshra.s32 v32, $0x2  }
0x4c: {  	v36 =	vld [tilespmem:$0x380];
	[tilespmem:$0x750] =	vst v1;
	v1 =	vshra.s32 v33, $0x2  }
0x4d: {  	v37 =	vld [tilespmem:$0x190];
	[tilespmem:$0x560] =	vst v1;
	v1 =	vshra.s32 v34, $0x2  }
0x4e: {  	[tilespmem:$0x760] =	vst v1;
	v1 =	vshra.s32 v2, $0x2;
	v2 =	vld [tilespmem:$0x390]  }
0x4f: {  	[tilespmem:$0x570] =	vst v1;
	v1 =	vshra.s32 v3, $0x2;
	v3 =	vld [tilespmem:$0x1A0]  }
0x50: {  	v38 =	vld [tilespmem:$0x3A0];
	[tilespmem:$0x770] =	vst v1;
	v1 =	vshra.s32 v35, $0x2  }
0x51: {  	v39 =	vld [tilespmem:$0x1B0];
	[tilespmem:$0x580] =	vst v1;
	v1 =	vshra.s32 v36, $0x2  }
0x52: {  	v40 =	vld [tilespmem:$0x3B0];
	[tilespmem:$0x780] =	vst v1;
	v1 =	vshra.s32 v37, $0x2  }
0x53: {  	[tilespmem:$0x590] =	vst v1;
	v1 =	vshra.s32 v2, $0x2;
	v2 =	vld [tilespmem:$0x1C0]  }
0x54: {  	[tilespmem:$0x790] =	vst v1;
	v1 =	vshra.s32 v3, $0x2;
	v3 =	vld [tilespmem:$0x3C0]  }
0x55: {  	v41 =	vld [tilespmem:$0x1D0];
	[tilespmem:$0x5A0] =	vst v1;
	v1 =	vshra.s32 v38, $0x2  }
0x56: {  	v42 =	vld [tilespmem:$0x3D0];
	[tilespmem:$0x7A0] =	vst v1;
	v1 =	vshra.s32 v39, $0x2  }
0x57: {  	v43 =	vld [tilespmem:$0x1E0];
	[tilespmem:$0x5B0] =	vst v1;
	v1 =	vshra.s32 v40, $0x2  }
0x58: {  	[tilespmem:$0x7B0] =	vst v1;
	v1 =	vshra.s32 v2, $0x2;
	v2 =	vld [tilespmem:$0x3E0]  }
0x59: {  	[tilespmem:$0x5C0] =	vst v1;
	v1 =	vshra.s32 v3, $0x2;
	v3 =	vld [tilespmem:$0x1F0]  }
0x5a: {  	v44 =	vld [tilespmem:$0x3F0];
	[tilespmem:$0x7C0] =	vst v1;
	v1 =	vshra.s32 v41, $0x2  }
0x5b: {  	[tilespmem:$0x5D0] =	vst v1;
	v1 =	vshra.s32 v42, $0x2  }
0x5c: {  	[tilespmem:$0x7D0] =	vst v1;
	v1 =	vshra.s32 v43, $0x2  }
0x5d: {  	[tilespmem:$0x5E0] =	vst v1;
	v1 =	vshra.s32 v2, $0x2  }
0x5e: {  	[tilespmem:$0x7E0] =	vst v1;
	v1 =	vshra.s32 v3, $0x2  }
0x5f: {  	[tilespmem:$0x5F0] =	vst v1;
	v1 =	vshra.s32 v44, $0x2  }
0x60: {  	[tilespmem:$0x7F0] =	vst v1  }
0x61: {  	[tilespmem:s12], [sflag:$0x1] =	stream.indirect.gather [hbm4b:s1+s9], $0x80, s10, s9, $0xb8;
	[tilespmem:$0x10A00] =	vst v63  }
0x62: {  	s2 =	simm.s32 $0x600  }
0x63: {  	[tilespmem:s14], [sflag:$0x3] =	stream.indirect.gather [hbm4b:s3+s9], $0x80, s2, s9, $0xb8;
	[tilespmem:$0x10A00] =	vst v63  }
0x64: {  	_ = 	snop  }
0x65: {  	[tilespmem:s16], [sflag:$0x2] =	stream.indirect.gather [hbm4b:s1+s9], $0x80, s15, s9, $0xb8;
	[tilespmem:$0x10A00] =	vst v63  }
0x66: {  	_ = 	snop  }
0x67: {  	[tilespmem:s18], [sflag:$0x4] =	stream.indirect.gather [hbm4b:s3+s9], $0x80, s17, s9, $0xb8;
	[tilespmem:$0x10A00] =	vst v63  }
0x68: {  	_ =	swait.ge [sflag:s19], $0x4000  }
0x69: {  	[sflag:s19] =	ssyncset.done $0x0  }
0x6a: {  	[sflag:s19] =	ssyncadd.s32 $0xFFFFC000  }
0x6b: {  	_ =	swait.ge [sflag:s20], $0x4000  }
0x6c: {  	[sflag:s20] =	ssyncset.done $0x0  }
0x6d: {  	[sflag:s20] =	ssyncadd.s32 $0xFFFFC000  }
0x6e: {  	v1 =	vld [tilespmem:s4+$0x0]  }
0x6f: {  	v2 =	vld [tilespmem:s0+$0x0];
	_ =	sdelay $0x2  }
0x70: {  	v3 =	vmov s4  }
0x71: {  	v3 =	vshll.u32 v3, $0x7;
	v1 =	vshll.u32 v1, $0x5  }
0x72: {  	v3 =	vor.u32 v0, v3;
	v2 =	vshll.u32 v2, $0x5;
	v1 =	vand.u32 $0x60, v1  }
0x73: {  	v45 =	vand.u32 $0x60, v2;
	v2 =	vor.u32 v3, v1  }
0x74: {  	v1 =	vor.u32 v3, v45  }
0x75: {  	v3 =	vor.u32 $0x1, v2  }
0x76: {  	v4 =	vor.u32 $0x1, v1  }
0x77: {  	v46 =	vor.u32 $0x2, v2  }
0x78: {  	v7 =	vor.u32 $0x2, v1;
	v47 =	vld.idx.msk [tilespmem:v2+s12+$0x0], $0xffff  }
0x79: {  	v9 =	vor.u32 $0x3, v2;
	v8 =	vld.idx.msk [tilespmem:v1+s14+$0x0], $0xffff  }
0x7a: {  	v10 =	vor.u32 $0x3, v1;
	v3 =	vld.idx.msk [tilespmem:v3+s12+$0x0], $0xffff  }
0x7b: {  	v11 =	vor.u32 $0x4, v2;
	v4 =	vld.idx.msk [tilespmem:v4+s14+$0x0], $0xffff  }
0x7c: {  	v12 =	vor.u32 $0x4, v1;
	v5 =	vld.idx.msk [tilespmem:v46+s12+$0x0], $0xffff  }
0x7d: {  	v13 =	vor.u32 $0x5, v2;
	v7 =	vld.idx.msk [tilespmem:v7+s14+$0x0], $0xffff  }
0x7e: {  	v14 =	vor.u32 $0x5, v1;
	v9 =	vld.idx.msk [tilespmem:v9+s12+$0x0], $0xffff;
	v6 =	vmul.f32 v8, v47  }
0x7f: {  	v49 =	vor.u32 $0x6, v2;
	v48 =	vld.idx.msk [tilespmem:v10+s14+$0x0], $0xffff  }
0x80: {  	v15 =	vor.u32 $0x6, v1;
	v11 =	vld.idx.msk [tilespmem:v11+s12+$0x0], $0xffff;
	v3 =	vmul.f32 v4, v3;
	v6 =	vadd.f32 $0.0e+00, v6  }
0x81: {  	v51 =	vor.u32 $0x7, v2;
	v50 =	vld.idx.msk [tilespmem:v12+s14+$0x0], $0xffff  }
0x82: {  	v16 =	vor.u32 $0x7, v1;
	v13 =	vld.idx.msk [tilespmem:v13+s12+$0x0], $0xffff;
	v5 =	vmul.f32 v7, v5;
	v3 =	vadd.f32 v3, v6  }
0x83: {  	v54 =	vor.u32 $0x8, v1;
	v52 =	vld.idx.msk [tilespmem:v14+s14+$0x0], $0xffff  }
0x84: {  	v53 =	vor.u32 $0x8, v2;
	v10 =	vld.idx.msk [tilespmem:v49+s12+$0x0], $0xffff;
	v55 =	vmul.f32 v48, v9;
	v3 =	vadd.f32 v5, v3  }
0x85: {  	v58 =	vor.u32 $0x9, v1;
	v56 =	vld.idx.msk [tilespmem:v15+s14+$0x0], $0xffff  }
0x86: {  	v57 =	vor.u32 $0x9, v2;
	v12 =	vld.idx.msk [tilespmem:v51+s12+$0x0], $0xffff;
	v4 =	vmul.f32 v50, v11;
	v3 =	vadd.f32 v55, v3  }
0x87: {  	v61 =	vor.u32 $0xA, v1;
	v59 =	vld.idx.msk [tilespmem:v16+s14+$0x0], $0xffff  }
0x88: {  	v60 =	vor.u32 $0xA, v2;
	v63 =	vld.idx.msk [tilespmem:v54+s14+$0x0], $0xffff;
	v62 =	vmul.f32 v52, v13;
	v3 =	vadd.f32 v4, v3  }
0x89: {  	v20 =	vor.u32 $0xB, v1;
	v7 =	vld.idx.msk [tilespmem:v53+s12+$0x0], $0xffff  }
0x8a: {  	v19 =	vor.u32 $0xB, v2;
	v22 =	vld.idx.msk [tilespmem:v58+s14+$0x0], $0xffff;
	v21 =	vmul.f32 v56, v10;
	v3 =	vadd.f32 v62, v3  }
0x8b: {  	v24 =	vor.u32 $0xC, v1;
	v9 =	vld.idx.msk [tilespmem:v57+s12+$0x0], $0xffff  }
0x8c: {  	v23 =	vor.u32 $0xC, v2;
	v26 =	vld.idx.msk [tilespmem:v61+s14+$0x0], $0xffff;
	v25 =	vmul.f32 v59, v12;
	v3 =	vadd.f32 v21, v3  }
0x8d: {  	v28 =	vor.u32 $0xD, v1;
	v11 =	vld.idx.msk [tilespmem:v60+s12+$0x0], $0xffff  }
0x8e: {  	v27 =	vor.u32 $0xD, v2;
	v30 =	vld.idx.msk [tilespmem:v20+s14+$0x0], $0xffff;
	v29 =	vmul.f32 v63, v7;
	v3 =	vadd.f32 v25, v3  }
0x8f: {  	v32 =	vor.u32 $0xE, v1;
	v13 =	vld.idx.msk [tilespmem:v19+s12+$0x0], $0xffff  }
0x90: {  	v31 =	vor.u32 $0xE, v2;
	v34 =	vld.idx.msk [tilespmem:v24+s14+$0x0], $0xffff;
	v33 =	vmul.f32 v22, v9;
	v3 =	vadd.f32 v29, v3  }
0x91: {  	v36 =	vor.u32 $0xF, v1;
	v10 =	vld.idx.msk [tilespmem:v23+s12+$0x0], $0xffff  }
0x92: {  	v35 =	vor.u32 $0xF, v2;
	v38 =	vld.idx.msk [tilespmem:v28+s14+$0x0], $0xffff;
	v37 =	vmul.f32 v26, v11;
	v3 =	vadd.f32 v33, v3  }
0x93: {  	v40 =	vor.u32 $0x10, v1;
	v12 =	vld.idx.msk [tilespmem:v27+s12+$0x0], $0xffff  }
0x94: {  	v39 =	vor.u32 $0x10, v2;
	v42 =	vld.idx.msk [tilespmem:v32+s14+$0x0], $0xffff;
	v41 =	vmul.f32 v30, v13;
	v3 =	vadd.f32 v37, v3  }
0x95: {  	v44 =	vor.u32 $0x11, v1;
	v7 =	vld.idx.msk [tilespmem:v31+s12+$0x0], $0xffff  }
0x96: {  	v43 =	vor.u32 $0x11, v2;
	v46 =	vld.idx.msk [tilespmem:v36+s14+$0x0], $0xffff;
	v45 =	vmul.f32 v34, v10;
	v3 =	vadd.f32 v41, v3  }
0x97: {  	v47 =	vor.u32 $0x12, v2;
	v9 =	vld.idx.msk [tilespmem:v35+s12+$0x0], $0xffff  }
0x98: {  	v48 =	vor.u32 $0x12, v1;
	v50 =	vld.idx.msk [tilespmem:v40+s14+$0x0], $0xffff;
	v49 =	vmul.f32 v38, v12;
	v3 =	vadd.f32 v45, v3  }
0x99: {  	v51 =	vor.u32 $0x13, v2;
	v11 =	vld.idx.msk [tilespmem:v39+s12+$0x0], $0xffff  }
0x9a: {  	v54 =	vld.idx.msk [tilespmem:v44+s14+$0x0], $0xffff;
	v52 =	vor.u32 $0x13, v1;
	v53 =	vmul.f32 v42, v7;
	v3 =	vadd.f32 v49, v3  }
0x9b: {  	v56 =	vor.u32 $0x14, v1;
	v13 =	vld.idx.msk [tilespmem:v43+s12+$0x0], $0xffff  }
0x9c: {  	v10 =	vld.idx.msk [tilespmem:v47+s12+$0x0], $0xffff;
	v55 =	vor.u32 $0x14, v2;
	v57 =	vmul.f32 v46, v9;
	v3 =	vadd.f32 v53, v3  }
0x9d: {  	v60 =	vor.u32 $0x15, v1;
	v58 =	vld.idx.msk [tilespmem:v48+s14+$0x0], $0xffff  }
0x9e: {  	v59 =	vor.u32 $0x15, v2;
	v12 =	vld.idx.msk [tilespmem:v51+s12+$0x0], $0xffff;
	v61 =	vmul.f32 v50, v11;
	v3 =	vadd.f32 v57, v3  }
0x9f: {  	v20 =	vor.u32 $0x16, v1;
	v62 =	vld.idx.msk [tilespmem:v52+s14+$0x0], $0xffff  }
0xa0: {  	v63 =	vor.u32 $0x16, v2;
	v22 =	vld.idx.msk [tilespmem:v56+s14+$0x0], $0xffff;
	v21 =	vmul.f32 v54, v13;
	v3 =	vadd.f32 v61, v3  }
0xa1: {  	v24 =	vor.u32 $0x17, v1;
	v7 =	vld.idx.msk [tilespmem:v55+s12+$0x0], $0xffff  }
0xa2: {  	v23 =	vor.u32 $0x17, v2;
	v26 =	vld.idx.msk [tilespmem:v60+s14+$0x0], $0xffff;
	v25 =	vmul.f32 v58, v10;
	v3 =	vadd.f32 v21, v3  }
0xa3: {  	v28 =	vor.u32 $0x18, v1;
	v9 =	vld.idx.msk [tilespmem:v59+s12+$0x0], $0xffff  }
0xa4: {  	v27 =	vor.u32 $0x18, v2;
	v30 =	vld.idx.msk [tilespmem:v20+s14+$0x0], $0xffff;
	v29 =	vmul.f32 v62, v12;
	v3 =	vadd.f32 v25, v3  }
0xa5: {  	v32 =	vor.u32 $0x19, v1;
	v11 =	vld.idx.msk [tilespmem:v63+s12+$0x0], $0xffff  }
0xa6: {  	v31 =	vor.u32 $0x19, v2;
	v34 =	vld.idx.msk [tilespmem:v24+s14+$0x0], $0xffff;
	v33 =	vmul.f32 v22, v7;
	v3 =	vadd.f32 v29, v3  }
0xa7: {  	v36 =	vor.u32 $0x1A, v1;
	v13 =	vld.idx.msk [tilespmem:v23+s12+$0x0], $0xffff  }
0xa8: {  	v35 =	vor.u32 $0x1A, v2;
	v38 =	vld.idx.msk [tilespmem:v28+s14+$0x0], $0xffff;
	v37 =	vmul.f32 v26, v9;
	v3 =	vadd.f32 v33, v3  }
0xa9: {  	v40 =	vor.u32 $0x1B, v1;
	v10 =	vld.idx.msk [tilespmem:v27+s12+$0x0], $0xffff  }
0xaa: {  	v39 =	vor.u32 $0x1B, v2;
	v42 =	vld.idx.msk [tilespmem:v32+s14+$0x0], $0xffff;
	v41 =	vmul.f32 v30, v11;
	v3 =	vadd.f32 v37, v3  }
0xab: {  	v44 =	vor.u32 $0x1C, v1;
	v12 =	vld.idx.msk [tilespmem:v31+s12+$0x0], $0xffff  }
0xac: {  	v43 =	vor.u32 $0x1C, v2;
	v46 =	vld.idx.msk [tilespmem:v36+s14+$0x0], $0xffff;
	v45 =	vmul.f32 v34, v13;
	v3 =	vadd.f32 v41, v3  }
0xad: {  	v47 =	vor.u32 $0x1D, v2;
	v7 =	vld.idx.msk [tilespmem:v35+s12+$0x0], $0xffff  }
0xae: {  	v48 =	vor.u32 $0x1D, v1;
	v50 =	vld.idx.msk [tilespmem:v40+s14+$0x0], $0xffff;
	v49 =	vmul.f32 v38, v10;
	v3 =	vadd.f32 v45, v3  }
0xaf: {  	v51 =	vor.u32 $0x1E, v2;
	v9 =	vld.idx.msk [tilespmem:v39+s12+$0x0], $0xffff  }
0xb0: {  	v52 =	vor.u32 $0x1E, v1;
	v54 =	vld.idx.msk [tilespmem:v44+s14+$0x0], $0xffff;
	v53 =	vmul.f32 v42, v12;
	v3 =	vadd.f32 v49, v3  }
0xb1: {  	v2 =	vor.u32 $0x1F, v2;
	v11 =	vld.idx.msk [tilespmem:v43+s12+$0x0], $0xffff  }
0xb2: {  	v1 =	vor.u32 $0x1F, v1;
	v55 =	vld.idx.msk [tilespmem:v47+s12+$0x0], $0xffff;
	v56 =	vmul.f32 v46, v7;
	v3 =	vadd.f32 v53, v3  }
0xb3: {  	v57 =	vld.idx.msk [tilespmem:v48+s14+$0x0], $0xffff  }
0xb4: {  	v58 =	vld.idx.msk [tilespmem:v51+s12+$0x0], $0xffff;
	v59 =	vmul.f32 v50, v9;
	v3 =	vadd.f32 v56, v3  }
0xb5: {  	v60 =	vld.idx.msk [tilespmem:v52+s14+$0x0], $0xffff  }
0xb6: {  	v2 =	vld.idx.msk [tilespmem:v2+s12+$0x0], $0xffff;
	v61 =	vmul.f32 v54, v11;
	v3 =	vadd.f32 v59, v3  }
0xb7: {  	v1 =	vld.idx.msk [tilespmem:v1+s14+$0x0], $0xffff  }
0xb8: {  	v62 =	vmul.f32 v57, v55;
	v3 =	vadd.f32 v61, v3;
	_ =	sdelay $0x1  }
0xb9: {  	v63 =	vmul.f32 v60, v58;
	v3 =	vadd.f32 v62, v3;
	_ =	sdelay $0x1  }
0xba: {  	v1 =	vmul.f32 v1, v2;
	v3 =	vadd.f32 v63, v3;
	_ =	sdelay $0x1  }
0xbb: {  	v1 =	vadd.f32 v1, v3;
	_ =	sdelay $0x1  }
0xbc: {  	v1 =	vsub.f32 $0.0e+00, v1;
	_ =	sdelay $0x1  }
0xbd: {  	v1 =	vmul.f32 $1.442695020e+00, v1;
	_ =	sdelay $0x1  }
0xbe: {  	(erf) = vpow2.f32 v1;
	_ =	sdelay $0x8  }
0xbf: {  	v1 =	vpop (erf)  }
0xc0: {  	v1 =	vadd.f32 $1.000000000e+00, v1;
	_ =	sdelay $0x1  }
0xc1: {  	(erf) = vrcp.f32 v1;
	_ =	sdelay $0x8  }
0xc2: {  	v1 =	vpop (erf)  }
0xc3: {  	s31 =	simm.s32 $0x10;
	[tilespmem:s28+$0x0] =	vst v1  }
0xc4: {  	s0 =	simm.s32 $0x210;
	v1 =	vld [tilespmem:s31+$0x0]  }
0xc5: {  	s30 =	simm.s32 $0x10800;
	s13 =	simm.s32 $0x10;
	s2 =	simm.s32 $0x20;
	v2 =	vld [tilespmem:s0+$0x0]  }
.LBB2_2:
0xc6: {  	p0 =	sne.s32 s2, $0x70;
	_ =	sdelay $0x1  }
0xc7: {  	v3 =	vmov s31;
	s31 =	smov.u32 s2  }
0xc8: {  	v3 =	vshll.u32 v3, $0x7;
	v1 =	vshll.u32 v1, $0x5  }
0xc9: {  	v3 =	vor.u32 v0, v3;
	v1 =	vand.u32 $0x60, v1;
	v2 =	vshll.u32 v2, $0x5  }
0xca: {  	v4 =	vand.u32 $0x60, v2;
	v2 =	vor.u32 v3, v1  }
0xcb: {  	v1 =	vor.u32 v3, v4  }
0xcc: {  	v3 =	vor.u32 $0x1, v2  }
0xcd: {  	v4 =	vor.u32 $0x1, v1  }
0xce: {  	v5 =	vor.u32 $0x2, v2  }
0xcf: {  	v7 =	vor.u32 $0x2, v1;
	v6 =	vld.idx.msk [tilespmem:v2+s12+$0x0], $0xffff  }
0xd0: {  	v9 =	vor.u32 $0x3, v2;
	v8 =	vld.idx.msk [tilespmem:v1+s14+$0x0], $0xffff  }
0xd1: {  	v10 =	vor.u32 $0x3, v1;
	v3 =	vld.idx.msk [tilespmem:v3+s12+$0x0], $0xffff  }
0xd2: {  	v11 =	vor.u32 $0x4, v2;
	v4 =	vld.idx.msk [tilespmem:v4+s14+$0x0], $0xffff  }
0xd3: {  	v12 =	vor.u32 $0x4, v1;
	v5 =	vld.idx.msk [tilespmem:v5+s12+$0x0], $0xffff  }
0xd4: {  	v13 =	vor.u32 $0x5, v2;
	v7 =	vld.idx.msk [tilespmem:v7+s14+$0x0], $0xffff  }
0xd5: {  	v14 =	vor.u32 $0x5, v1;
	v9 =	vld.idx.msk [tilespmem:v9+s12+$0x0], $0xffff  }
0xd6: {  	v6 =	vmul.f32 v8, v6;
	v8 =	vld.idx.msk [tilespmem:v10+s14+$0x0], $0xffff;
	v10 =	vor.u32 $0x6, v2  }
0xd7: {  	v15 =	vor.u32 $0x6, v1;
	v11 =	vld.idx.msk [tilespmem:v11+s12+$0x0], $0xffff  }
0xd8: {  	v6 =	vadd.f32 $0.0e+00, v6;
	v3 =	vmul.f32 v4, v3;
	v4 =	vld.idx.msk [tilespmem:v12+s14+$0x0], $0xffff;
	v12 =	vor.u32 $0x7, v2  }
0xd9: {  	v16 =	vor.u32 $0x7, v1;
	v13 =	vld.idx.msk [tilespmem:v13+s12+$0x0], $0xffff  }
0xda: {  	v3 =	vadd.f32 v3, v6;
	v5 =	vmul.f32 v7, v5;
	v7 =	vor.u32 $0x8, v2;
	v6 =	vld.idx.msk [tilespmem:v14+s14+$0x0], $0xffff  }
0xdb: {  	v14 =	vor.u32 $0x8, v1;
	v10 =	vld.idx.msk [tilespmem:v10+s12+$0x0], $0xffff  }
0xdc: {  	v3 =	vadd.f32 v5, v3;
	v5 =	vmul.f32 v8, v9;
	v9 =	vor.u32 $0x9, v2;
	v8 =	vld.idx.msk [tilespmem:v15+s14+$0x0], $0xffff  }
0xdd: {  	v15 =	vor.u32 $0x9, v1;
	v12 =	vld.idx.msk [tilespmem:v12+s12+$0x0], $0xffff  }
0xde: {  	v3 =	vadd.f32 v5, v3;
	v4 =	vmul.f32 v4, v11;
	v11 =	vor.u32 $0xA, v2;
	v5 =	vld.idx.msk [tilespmem:v16+s14+$0x0], $0xffff  }
0xdf: {  	v16 =	vor.u32 $0xA, v1;
	v7 =	vld.idx.msk [tilespmem:v7+s12+$0x0], $0xffff  }
0xe0: {  	v3 =	vadd.f32 v4, v3;
	v4 =	vmul.f32 v6, v13;
	v13 =	vor.u32 $0xB, v2;
	v6 =	vld.idx.msk [tilespmem:v14+s14+$0x0], $0xffff  }
0xe1: {  	v14 =	vor.u32 $0xB, v1;
	v9 =	vld.idx.msk [tilespmem:v9+s12+$0x0], $0xffff  }
0xe2: {  	v3 =	vadd.f32 v4, v3;
	v4 =	vmul.f32 v8, v10;
	v10 =	vor.u32 $0xC, v2;
	v8 =	vld.idx.msk [tilespmem:v15+s14+$0x0], $0xffff  }
0xe3: {  	v15 =	vor.u32 $0xC, v1;
	v11 =	vld.idx.msk [tilespmem:v11+s12+$0x0], $0xffff  }
0xe4: {  	v3 =	vadd.f32 v4, v3;
	v4 =	vmul.f32 v5, v12;
	v12 =	vor.u32 $0xD, v2;
	v5 =	vld.idx.msk [tilespmem:v16+s14+$0x0], $0xffff  }
0xe5: {  	v16 =	vor.u32 $0xD, v1;
	v13 =	vld.idx.msk [tilespmem:v13+s12+$0x0], $0xffff  }
0xe6: {  	v3 =	vadd.f32 v4, v3;
	v4 =	vmul.f32 v6, v7;
	v7 =	vor.u32 $0xE, v2;
	v6 =	vld.idx.msk [tilespmem:v14+s14+$0x0], $0xffff  }
0xe7: {  	v14 =	vor.u32 $0xE, v1;
	v10 =	vld.idx.msk [tilespmem:v10+s12+$0x0], $0xffff  }
0xe8: {  	v3 =	vadd.f32 v4, v3;
	v4 =	vmul.f32 v8, v9;
	v9 =	vor.u32 $0xF, v2;
	v8 =	vld.idx.msk [tilespmem:v15+s14+$0x0], $0xffff  }
0xe9: {  	v15 =	vor.u32 $0xF, v1;
	v12 =	vld.idx.msk [tilespmem:v12+s12+$0x0], $0xffff  }
0xea: {  	v3 =	vadd.f32 v4, v3;
	v4 =	vmul.f32 v5, v11;
	v11 =	vor.u32 $0x10, v2;
	v5 =	vld.idx.msk [tilespmem:v16+s14+$0x0], $0xffff  }
0xeb: {  	v16 =	vor.u32 $0x10, v1;
	v7 =	vld.idx.msk [tilespmem:v7+s12+$0x0], $0xffff  }
0xec: {  	v3 =	vadd.f32 v4, v3;
	v4 =	vmul.f32 v6, v13;
	v13 =	vor.u32 $0x11, v2;
	v6 =	vld.idx.msk [tilespmem:v14+s14+$0x0], $0xffff  }
0xed: {  	v14 =	vor.u32 $0x11, v1;
	v9 =	vld.idx.msk [tilespmem:v9+s12+$0x0], $0xffff  }
0xee: {  	v3 =	vadd.f32 v4, v3;
	v4 =	vmul.f32 v8, v10;
	v10 =	vor.u32 $0x12, v2;
	v8 =	vld.idx.msk [tilespmem:v15+s14+$0x0], $0xffff  }
0xef: {  	v15 =	vor.u32 $0x12, v1;
	v11 =	vld.idx.msk [tilespmem:v11+s12+$0x0], $0xffff  }
0xf0: {  	v3 =	vadd.f32 v4, v3;
	v4 =	vmul.f32 v5, v12;
	v12 =	vor.u32 $0x13, v2;
	v5 =	vld.idx.msk [tilespmem:v16+s14+$0x0], $0xffff  }
0xf1: {  	v16 =	vor.u32 $0x13, v1;
	v13 =	vld.idx.msk [tilespmem:v13+s12+$0x0], $0xffff  }
0xf2: {  	v3 =	vadd.f32 v4, v3;
	v4 =	vmul.f32 v6, v7;
	v7 =	vor.u32 $0x14, v2;
	v6 =	vld.idx.msk [tilespmem:v14+s14+$0x0], $0xffff  }
0xf3: {  	v14 =	vor.u32 $0x14, v1;
	v10 =	vld.idx.msk [tilespmem:v10+s12+$0x0], $0xffff  }
0xf4: {  	v3 =	vadd.f32 v4, v3;
	v4 =	vmul.f32 v8, v9;
	v9 =	vor.u32 $0x15, v2;
	v8 =	vld.idx.msk [tilespmem:v15+s14+$0x0], $0xffff  }
0xf5: {  	v15 =	vor.u32 $0x15, v1;
	v12 =	vld.idx.msk [tilespmem:v12+s12+$0x0], $0xffff  }
0xf6: {  	v3 =	vadd.f32 v4, v3;
	v4 =	vmul.f32 v5, v11;
	v11 =	vor.u32 $0x16, v2;
	v5 =	vld.idx.msk [tilespmem:v16+s14+$0x0], $0xffff  }
0xf7: {  	v16 =	vor.u32 $0x16, v1;
	v7 =	vld.idx.msk [tilespmem:v7+s12+$0x0], $0xffff  }
0xf8: {  	v3 =	vadd.f32 v4, v3;
	v4 =	vmul.f32 v6, v13;
	v13 =	vor.u32 $0x17, v2;
	v6 =	vld.idx.msk [tilespmem:v14+s14+$0x0], $0xffff  }
0xf9: {  	v14 =	vor.u32 $0x17, v1;
	v9 =	vld.idx.msk [tilespmem:v9+s12+$0x0], $0xffff  }
0xfa: {  	v3 =	vadd.f32 v4, v3;
	v4 =	vmul.f32 v8, v10;
	v10 =	vor.u32 $0x18, v2;
	v8 =	vld.idx.msk [tilespmem:v15+s14+$0x0], $0xffff  }
0xfb: {  	v15 =	vor.u32 $0x18, v1;
	v11 =	vld.idx.msk [tilespmem:v11+s12+$0x0], $0xffff  }
0xfc: {  	v3 =	vadd.f32 v4, v3;
	v4 =	vmul.f32 v5, v12;
	v12 =	vor.u32 $0x19, v2;
	v5 =	vld.idx.msk [tilespmem:v16+s14+$0x0], $0xffff  }
0xfd: {  	v16 =	vor.u32 $0x19, v1;
	v13 =	vld.idx.msk [tilespmem:v13+s12+$0x0], $0xffff  }
0xfe: {  	v3 =	vadd.f32 v4, v3;
	v4 =	vmul.f32 v6, v7;
	v7 =	vor.u32 $0x1A, v2;
	v6 =	vld.idx.msk [tilespmem:v14+s14+$0x0], $0xffff  }
0xff: {  	v14 =	vor.u32 $0x1A, v1;
	v10 =	vld.idx.msk [tilespmem:v10+s12+$0x0], $0xffff  }
0x100: {  	v3 =	vadd.f32 v4, v3;
	v4 =	vmul.f32 v8, v9;
	v9 =	vor.u32 $0x1B, v2;
	v8 =	vld.idx.msk [tilespmem:v15+s14+$0x0], $0xffff  }
0x101: {  	v15 =	vor.u32 $0x1B, v1;
	v12 =	vld.idx.msk [tilespmem:v12+s12+$0x0], $0xffff  }
0x102: {  	v3 =	vadd.f32 v4, v3;
	v4 =	vmul.f32 v5, v11;
	v11 =	vor.u32 $0x1C, v2;
	v5 =	vld.idx.msk [tilespmem:v16+s14+$0x0], $0xffff  }
0x103: {  	v16 =	vor.u32 $0x1C, v1;
	v7 =	vld.idx.msk [tilespmem:v7+s12+$0x0], $0xffff  }
0x104: {  	v3 =	vadd.f32 v4, v3;
	v4 =	vmul.f32 v6, v13;
	v13 =	vor.u32 $0x1D, v2;
	v6 =	vld.idx.msk [tilespmem:v14+s14+$0x0], $0xffff  }
0x105: {  	v14 =	vor.u32 $0x1D, v1;
	v9 =	vld.idx.msk [tilespmem:v9+s12+$0x0], $0xffff  }
0x106: {  	v3 =	vadd.f32 v4, v3;
	v4 =	vmul.f32 v8, v10;
	v10 =	vor.u32 $0x1E, v2;
	v8 =	vld.idx.msk [tilespmem:v15+s14+$0x0], $0xffff  }
0x107: {  	v15 =	vor.u32 $0x1E, v1;
	v11 =	vld.idx.msk [tilespmem:v11+s12+$0x0], $0xffff  }
0x108: {  	v2 =	vor.u32 $0x1F, v2;
	v3 =	vadd.f32 v4, v3;
	v4 =	vmul.f32 v5, v12;
	v5 =	vld.idx.msk [tilespmem:v16+s14+$0x0], $0xffff  }
0x109: {  	v1 =	vor.u32 $0x1F, v1;
	v12 =	vld.idx.msk [tilespmem:v13+s12+$0x0], $0xffff  }
0x10a: {  	v3 =	vadd.f32 v4, v3;
	v4 =	vmul.f32 v6, v7;
	v6 =	vld.idx.msk [tilespmem:v14+s14+$0x0], $0xffff  }
0x10b: {  	v7 =	vld.idx.msk [tilespmem:v10+s12+$0x0], $0xffff  }
0x10c: {  	v3 =	vadd.f32 v4, v3;
	v4 =	vmul.f32 v8, v9;
	v8 =	vld.idx.msk [tilespmem:v15+s14+$0x0], $0xffff  }
0x10d: {  	v2 =	vld.idx.msk [tilespmem:v2+s12+$0x0], $0xffff  }
0x10e: {  	v3 =	vadd.f32 v4, v3;
	v4 =	vmul.f32 v5, v11;
	v1 =	vld.idx.msk [tilespmem:v1+s14+$0x0], $0xffff;
	_ =	sdelay $0x1  }
0x10f: {  	v3 =	vadd.f32 v4, v3;
	v4 =	vmul.f32 v6, v12;
	_ =	sdelay $0x1  }
0x110: {  	v3 =	vadd.f32 v4, v3;
	v4 =	vmul.f32 v8, v7;
	_ =	sdelay $0x1  }
0x111: {  	v3 =	vadd.f32 v4, v3;
	v1 =	vmul.f32 v1, v2;
	_ =	sdelay $0x1  }
0x112: {  	v1 =	vadd.f32 v1, v3;
	_ =	sdelay $0x1  }
0x113: {  	v1 =	vsub.f32 $0.0e+00, v1;
	_ =	sdelay $0x1  }
0x114: {  	v1 =	vmul.f32 $1.442695020e+00, v1;
	_ =	sdelay $0x1  }
0x115: {  	(erf) = vpow2.f32 v1;
	_ =	sdelay $0x8  }
0x116: {  	v1 =	vpop (erf)  }
0x117: {  	v1 =	vadd.f32 $1.000000000e+00, v1;
	_ =	sdelay $0x1  }
0x118: {  	(erf) = vrcp.f32 v1;
	_ =	sdelay $0x7  }
.Ltmp0:
0x119: {  	(pc) =	sbr.rel @p0 .LBB2_2-.Ltmp0, $4  }
0x11a: {  	s30 =	sadd.s32 $0x10, s30;
	v1 =	vpop (erf)  }
0x11b: {  	s13 =	sadd.s32 $0x10, s13;
	[tilespmem:s30+$0x0] =	vst v1  }
0x11c: {  	s0 =	sadd.s32 $0x10, s0;
	v1 =	vld [tilespmem:s13+$0x0]  }
0x11d: {  	s2 =	sadd.s32 $0x10, s2;
	v2 =	vld [tilespmem:s0+$0x0]  }
0x11e: {  	_ =	sdelay $0x1  }
0x11f: {  	v3 =	vmov s31  }
0x120: {  	v3 =	vshll.u32 v3, $0x7;
	v1 =	vshll.u32 v1, $0x5  }
0x121: {  	v3 =	vor.u32 v0, v3;
	v1 =	vand.u32 $0x60, v1;
	v2 =	vshll.u32 v2, $0x5  }
0x122: {  	v4 =	vand.u32 $0x60, v2;
	v2 =	vor.u32 v3, v1  }
0x123: {  	v1 =	vor.u32 v3, v4  }
0x124: {  	v3 =	vor.u32 $0x1, v2  }
0x125: {  	v4 =	vor.u32 $0x1, v1  }
0x126: {  	v5 =	vor.u32 $0x2, v2  }
0x127: {  	v7 =	vor.u32 $0x2, v1;
	v6 =	vld.idx.msk [tilespmem:v2+s12+$0x0], $0xffff  }
0x128: {  	v9 =	vor.u32 $0x3, v2;
	v8 =	vld.idx.msk [tilespmem:v1+s14+$0x0], $0xffff  }
0x129: {  	v10 =	vor.u32 $0x3, v1;
	v3 =	vld.idx.msk [tilespmem:v3+s12+$0x0], $0xffff  }
0x12a: {  	v11 =	vor.u32 $0x4, v2;
	v4 =	vld.idx.msk [tilespmem:v4+s14+$0x0], $0xffff  }
0x12b: {  	v12 =	vor.u32 $0x4, v1;
	v5 =	vld.idx.msk [tilespmem:v5+s12+$0x0], $0xffff  }
0x12c: {  	v13 =	vor.u32 $0x5, v2;
	v7 =	vld.idx.msk [tilespmem:v7+s14+$0x0], $0xffff  }
0x12d: {  	v14 =	vor.u32 $0x5, v1;
	v9 =	vld.idx.msk [tilespmem:v9+s12+$0x0], $0xffff;
	v6 =	vmul.f32 v8, v6  }
0x12e: {  	v21 =	vor.u32 $0x6, v2;
	v20 =	vld.idx.msk [tilespmem:v10+s14+$0x0], $0xffff  }
0x12f: {  	v15 =	vor.u32 $0x6, v1;
	v11 =	vld.idx.msk [tilespmem:v11+s12+$0x0], $0xffff;
	v3 =	vmul.f32 v4, v3;
	v6 =	vadd.f32 $0.0e+00, v6  }
0x130: {  	v23 =	vor.u32 $0x7, v2;
	v22 =	vld.idx.msk [tilespmem:v12+s14+$0x0], $0xffff  }
0x131: {  	v16 =	vor.u32 $0x7, v1;
	v13 =	vld.idx.msk [tilespmem:v13+s12+$0x0], $0xffff;
	v5 =	vmul.f32 v7, v5;
	v3 =	vadd.f32 v3, v6  }
0x132: {  	v26 =	vor.u32 $0x8, v1;
	v24 =	vld.idx.msk [tilespmem:v14+s14+$0x0], $0xffff  }
0x133: {  	v25 =	vor.u32 $0x8, v2;
	v10 =	vld.idx.msk [tilespmem:v21+s12+$0x0], $0xffff;
	v27 =	vmul.f32 v20, v9;
	v3 =	vadd.f32 v5, v3  }
0x134: {  	v30 =	vor.u32 $0x9, v1;
	v28 =	vld.idx.msk [tilespmem:v15+s14+$0x0], $0xffff  }
0x135: {  	v29 =	vor.u32 $0x9, v2;
	v12 =	vld.idx.msk [tilespmem:v23+s12+$0x0], $0xffff;
	v4 =	vmul.f32 v22, v11;
	v3 =	vadd.f32 v27, v3  }
0x136: {  	v33 =	vor.u32 $0xA, v1;
	v31 =	vld.idx.msk [tilespmem:v16+s14+$0x0], $0xffff  }
0x137: {  	v32 =	vor.u32 $0xA, v2;
	v35 =	vld.idx.msk [tilespmem:v26+s14+$0x0], $0xffff;
	v34 =	vmul.f32 v24, v13;
	v3 =	vadd.f32 v4, v3  }
0x138: {  	v37 =	vor.u32 $0xB, v1;
	v7 =	vld.idx.msk [tilespmem:v25+s12+$0x0], $0xffff  }
0x139: {  	v36 =	vor.u32 $0xB, v2;
	v39 =	vld.idx.msk [tilespmem:v30+s14+$0x0], $0xffff;
	v38 =	vmul.f32 v28, v10;
	v3 =	vadd.f32 v34, v3  }
0x13a: {  	v41 =	vor.u32 $0xC, v1;
	v9 =	vld.idx.msk [tilespmem:v29+s12+$0x0], $0xffff  }
0x13b: {  	v40 =	vor.u32 $0xC, v2;
	v43 =	vld.idx.msk [tilespmem:v33+s14+$0x0], $0xffff;
	v42 =	vmul.f32 v31, v12;
	v3 =	vadd.f32 v38, v3  }
0x13c: {  	v45 =	vor.u32 $0xD, v1;
	v11 =	vld.idx.msk [tilespmem:v32+s12+$0x0], $0xffff  }
0x13d: {  	v44 =	vor.u32 $0xD, v2;
	v47 =	vld.idx.msk [tilespmem:v37+s14+$0x0], $0xffff;
	v46 =	vmul.f32 v35, v7;
	v3 =	vadd.f32 v42, v3  }
0x13e: {  	v49 =	vor.u32 $0xE, v1;
	v13 =	vld.idx.msk [tilespmem:v36+s12+$0x0], $0xffff  }
0x13f: {  	v48 =	vor.u32 $0xE, v2;
	v51 =	vld.idx.msk [tilespmem:v41+s14+$0x0], $0xffff;
	v50 =	vmul.f32 v39, v9;
	v3 =	vadd.f32 v46, v3  }
0x140: {  	v53 =	vor.u32 $0xF, v1;
	v10 =	vld.idx.msk [tilespmem:v40+s12+$0x0], $0xffff  }
0x141: {  	v52 =	vor.u32 $0xF, v2;
	v55 =	vld.idx.msk [tilespmem:v45+s14+$0x0], $0xffff;
	v54 =	vmul.f32 v43, v11;
	v3 =	vadd.f32 v50, v3  }
0x142: {  	v57 =	vor.u32 $0x10, v1;
	v12 =	vld.idx.msk [tilespmem:v44+s12+$0x0], $0xffff  }
0x143: {  	v56 =	vor.u32 $0x10, v2;
	v59 =	vld.idx.msk [tilespmem:v49+s14+$0x0], $0xffff;
	v58 =	vmul.f32 v47, v13;
	v3 =	vadd.f32 v54, v3  }
0x144: {  	v60 =	vor.u32 $0x11, v2;
	v7 =	vld.idx.msk [tilespmem:v48+s12+$0x0], $0xffff  }
0x145: {  	v61 =	vor.u32 $0x11, v1;
	v63 =	vld.idx.msk [tilespmem:v53+s14+$0x0], $0xffff;
	v62 =	vmul.f32 v51, v10;
	v3 =	vadd.f32 v58, v3  }
0x146: {  	v21 =	vor.u32 $0x12, v1;
	v9 =	vld.idx.msk [tilespmem:v52+s12+$0x0], $0xffff  }
0x147: {  	v23 =	vld.idx.msk [tilespmem:v57+s14+$0x0], $0xffff;
	v20 =	vor.u32 $0x12, v2;
	v22 =	vmul.f32 v55, v12;
	v3 =	vadd.f32 v62, v3  }
0x148: {  	v24 =	vor.u32 $0x13, v2;
	v11 =	vld.idx.msk [tilespmem:v56+s12+$0x0], $0xffff  }
0x149: {  	v25 =	vor.u32 $0x13, v1;
	v13 =	vld.idx.msk [tilespmem:v60+s12+$0x0], $0xffff;
	v26 =	vmul.f32 v59, v7;
	v3 =	vadd.f32 v22, v3  }
0x14a: {  	v29 =	vor.u32 $0x14, v1;
	v27 =	vld.idx.msk [tilespmem:v61+s14+$0x0], $0xffff  }
0x14b: {  	v28 =	vor.u32 $0x14, v2;
	v31 =	vld.idx.msk [tilespmem:v21+s14+$0x0], $0xffff;
	v30 =	vmul.f32 v63, v9;
	v3 =	vadd.f32 v26, v3  }
0x14c: {  	v33 =	vor.u32 $0x15, v1;
	v10 =	vld.idx.msk [tilespmem:v20+s12+$0x0], $0xffff  }
0x14d: {  	v32 =	vor.u32 $0x15, v2;
	v12 =	vld.idx.msk [tilespmem:v24+s12+$0x0], $0xffff;
	v34 =	vmul.f32 v23, v11;
	v3 =	vadd.f32 v30, v3  }
0x14e: {  	v37 =	vor.u32 $0x16, v1;
	v35 =	vld.idx.msk [tilespmem:v25+s14+$0x0], $0xffff  }
0x14f: {  	v36 =	vor.u32 $0x16, v2;
	v39 =	vld.idx.msk [tilespmem:v29+s14+$0x0], $0xffff;
	v38 =	vmul.f32 v27, v13;
	v3 =	vadd.f32 v34, v3  }
0x150: {  	v41 =	vor.u32 $0x17, v1;
	v7 =	vld.idx.msk [tilespmem:v28+s12+$0x0], $0xffff  }
0x151: {  	v40 =	vor.u32 $0x17, v2;
	v43 =	vld.idx.msk [tilespmem:v33+s14+$0x0], $0xffff;
	v42 =	vmul.f32 v31, v10;
	v3 =	vadd.f32 v38, v3  }
0x152: {  	v45 =	vor.u32 $0x18, v1;
	v9 =	vld.idx.msk [tilespmem:v32+s12+$0x0], $0xffff  }
0x153: {  	v44 =	vor.u32 $0x18, v2;
	v47 =	vld.idx.msk [tilespmem:v37+s14+$0x0], $0xffff;
	v46 =	vmul.f32 v35, v12;
	v3 =	vadd.f32 v42, v3  }
0x154: {  	v49 =	vor.u32 $0x19, v1;
	v11 =	vld.idx.msk [tilespmem:v36+s12+$0x0], $0xffff  }
0x155: {  	v48 =	vor.u32 $0x19, v2;
	v51 =	vld.idx.msk [tilespmem:v41+s14+$0x0], $0xffff;
	v50 =	vmul.f32 v39, v7;
	v3 =	vadd.f32 v46, v3  }
0x156: {  	v53 =	vor.u32 $0x1A, v1;
	v13 =	vld.idx.msk [tilespmem:v40+s12+$0x0], $0xffff  }
0x157: {  	v52 =	vor.u32 $0x1A, v2;
	v55 =	vld.idx.msk [tilespmem:v45+s14+$0x0], $0xffff;
	v54 =	vmul.f32 v43, v9;
	v3 =	vadd.f32 v50, v3  }
0x158: {  	v57 =	vor.u32 $0x1B, v1;
	v10 =	vld.idx.msk [tilespmem:v44+s12+$0x0], $0xffff  }
0x159: {  	v56 =	vor.u32 $0x1B, v2;
	v59 =	vld.idx.msk [tilespmem:v49+s14+$0x0], $0xffff;
	v58 =	vmul.f32 v47, v11;
	v3 =	vadd.f32 v54, v3  }
0x15a: {  	v61 =	vor.u32 $0x1C, v1;
	v12 =	vld.idx.msk [tilespmem:v48+s12+$0x0], $0xffff  }
0x15b: {  	v60 =	vor.u32 $0x1C, v2;
	v63 =	vld.idx.msk [tilespmem:v53+s14+$0x0], $0xffff;
	v62 =	vmul.f32 v51, v13;
	v3 =	vadd.f32 v58, v3  }
0x15c: {  	v19 =	vor.u32 $0x1D, v1;
	v7 =	vld.idx.msk [tilespmem:v52+s12+$0x0], $0xffff  }
0x15d: {  	v18 =	vor.u32 $0x1D, v2;
	v21 =	vld.idx.msk [tilespmem:v57+s14+$0x0], $0xffff;
	v20 =	vmul.f32 v55, v10;
	v3 =	vadd.f32 v62, v3  }
0x15e: {  	v23 =	vor.u32 $0x1E, v1;
	v9 =	vld.idx.msk [tilespmem:v56+s12+$0x0], $0xffff  }
0x15f: {  	v25 =	vld.idx.msk [tilespmem:v61+s14+$0x0], $0xffff;
	v24 =	vmul.f32 v59, v12;
	v22 =	vor.u32 $0x1E, v2;
	v3 =	vadd.f32 v20, v3  }
0x160: {  	v1 =	vor.u32 $0x1F, v1;
	v11 =	vld.idx.msk [tilespmem:v60+s12+$0x0], $0xffff  }
0x161: {  	v28 =	vld.idx.msk [tilespmem:v19+s14+$0x0], $0xffff;
	v27 =	vmul.f32 v63, v7;
	v2 =	vor.u32 $0x1F, v2;
	v3 =	vadd.f32 v24, v3  }
0x162: {  	v26 =	vld.idx.msk [tilespmem:v18+s12+$0x0], $0xffff  }
0x163: {  	v31 =	vld.idx.msk [tilespmem:v23+s14+$0x0], $0xffff;
	v30 =	vmul.f32 v21, v9;
	v3 =	vadd.f32 v27, v3  }
0x164: {  	v29 =	vld.idx.msk [tilespmem:v22+s12+$0x0], $0xffff  }
0x165: {  	v1 =	vld.idx.msk [tilespmem:v1+s14+$0x0], $0xffff;
	v32 =	vmul.f32 v25, v11;
	v3 =	vadd.f32 v30, v3  }
0x166: {  	v2 =	vld.idx.msk [tilespmem:v2+s12+$0x0], $0xffff  }
0x167: {  	v33 =	vmul.f32 v28, v26;
	v3 =	vadd.f32 v32, v3;
	_ =	sdelay $0x1  }
0x168: {  	v34 =	vmul.f32 v31, v29;
	v3 =	vadd.f32 v33, v3;
	_ =	sdelay $0x1  }
0x169: {  	v1 =	vmul.f32 v1, v2;
	v3 =	vadd.f32 v34, v3;
	_ =	sdelay $0x1  }
0x16a: {  	v1 =	vadd.f32 v1, v3;
	_ =	sdelay $0x1  }
0x16b: {  	v1 =	vsub.f32 $0.0e+00, v1;
	_ =	sdelay $0x1  }
0x16c: {  	v1 =	vmul.f32 $1.442695020e+00, v1;
	_ =	sdelay $0x1  }
0x16d: {  	(erf) = vpow2.f32 v1;
	_ =	sdelay $0x8  }
0x16e: {  	v1 =	vpop (erf)  }
0x16f: {  	v1 =	vadd.f32 $1.000000000e+00, v1;
	_ =	sdelay $0x1  }
0x170: {  	(erf) = vrcp.f32 v1;
	_ =	sdelay $0x8  }
0x171: {  	s0 =	sadd.s32 $0x10, s30;
	v1 =	vpop (erf)  }
0x172: {  	s13 =	simm.s32 $0x80;
	[tilespmem:s0+$0x0] =	vst v1  }
0x173: {  	[tilespmem:s12], [sflag:$0x1] =	stream.indirect.gather [hbm4b:s1+s13], $0x80, s21, s13, $0xb8;
	[tilespmem:$0x10A00] =	vst v63  }
0x174: {  	_ = 	snop  }
0x175: {  	[tilespmem:s14], [sflag:$0x3] =	stream.indirect.gather [hbm4b:s3+s13], $0x80, s22, s13, $0xb8;
	[tilespmem:$0x10A00] =	vst v63  }
0x176: {  	_ =	swait.ge [sflag:s23], $0x4000  }
0x177: {  	[sflag:s23] =	ssyncset.done $0x0  }
0x178: {  	[sflag:s23] =	ssyncadd.s32 $0xFFFFC000  }
0x179: {  	_ =	swait.ge [sflag:s24], $0x4000  }
0x17a: {  	[sflag:s24] =	ssyncset.done $0x0  }
0x17b: {  	[sflag:s24] =	ssyncadd.s32 $0xFFFFC000  }
0x17c: {  	s2 =	simm.s32 $0x280;
	v1 =	vld [tilespmem:s13+$0x0]  }
0x17d: {  	v2 =	vld [tilespmem:s2+$0x0];
	_ =	sdelay $0x1  }
0x17e: {  	s13 =	simm.s32 $0x0  }
0x17f: {  	v3 =	vmov s13  }
0x180: {  	v3 =	vshll.u32 v3, $0x7;
	v1 =	vshll.u32 v1, $0x5  }
0x181: {  	v3 =	vor.u32 v0, v3;
	v2 =	vshll.u32 v2, $0x5;
	v1 =	vand.u32 $0x60, v1  }
0x182: {  	v35 =	vand.u32 $0x60, v2;
	v2 =	vor.u32 v3, v1  }
0x183: {  	v1 =	vor.u32 v3, v35  }
0x184: {  	v3 =	vor.u32 $0x1, v2  }
0x185: {  	v4 =	vor.u32 $0x1, v1  }
0x186: {  	v36 =	vor.u32 $0x2, v2  }
0x187: {  	v38 =	vor.u32 $0x2, v1;
	v37 =	vld.idx.msk [tilespmem:v2+s16+$0x0], $0xffff  }
0x188: {  	v40 =	vor.u32 $0x3, v2;
	v39 =	vld.idx.msk [tilespmem:v1+s18+$0x0], $0xffff  }
0x189: {  	v41 =	vor.u32 $0x3, v1;
	v3 =	vld.idx.msk [tilespmem:v3+s16+$0x0], $0xffff  }
0x18a: {  	v42 =	vor.u32 $0x4, v2;
	v4 =	vld.idx.msk [tilespmem:v4+s18+$0x0], $0xffff  }
0x18b: {  	v43 =	vor.u32 $0x4, v1;
	v5 =	vld.idx.msk [tilespmem:v36+s16+$0x0], $0xffff  }
0x18c: {  	v44 =	vor.u32 $0x5, v2;
	v7 =	vld.idx.msk [tilespmem:v38+s18+$0x0], $0xffff  }
0x18d: {  	v45 =	vor.u32 $0x5, v1;
	v9 =	vld.idx.msk [tilespmem:v40+s16+$0x0], $0xffff;
	v6 =	vmul.f32 v39, v37  }
0x18e: {  	v47 =	vor.u32 $0x6, v2;
	v46 =	vld.idx.msk [tilespmem:v41+s18+$0x0], $0xffff  }
0x18f: {  	v48 =	vor.u32 $0x6, v1;
	v11 =	vld.idx.msk [tilespmem:v42+s16+$0x0], $0xffff;
	v3 =	vmul.f32 v4, v3;
	v6 =	vadd.f32 $0.0e+00, v6  }
0x190: {  	v50 =	vor.u32 $0x7, v2;
	v49 =	vld.idx.msk [tilespmem:v43+s18+$0x0], $0xffff  }
0x191: {  	v51 =	vor.u32 $0x7, v1;
	v13 =	vld.idx.msk [tilespmem:v44+s16+$0x0], $0xffff;
	v5 =	vmul.f32 v7, v5;
	v3 =	vadd.f32 v3, v6  }
0x192: {  	v54 =	vor.u32 $0x8, v1;
	v52 =	vld.idx.msk [tilespmem:v45+s18+$0x0], $0xffff  }
0x193: {  	v53 =	vor.u32 $0x8, v2;
	v10 =	vld.idx.msk [tilespmem:v47+s16+$0x0], $0xffff;
	v55 =	vmul.f32 v46, v9;
	v3 =	vadd.f32 v5, v3  }
0x194: {  	v58 =	vor.u32 $0x9, v1;
	v56 =	vld.idx.msk [tilespmem:v48+s18+$0x0], $0xffff  }
0x195: {  	v57 =	vor.u32 $0x9, v2;
	v12 =	vld.idx.msk [tilespmem:v50+s16+$0x0], $0xffff;
	v4 =	vmul.f32 v49, v11;
	v3 =	vadd.f32 v55, v3  }
0x196: {  	v61 =	vor.u32 $0xA, v1;
	v59 =	vld.idx.msk [tilespmem:v51+s18+$0x0], $0xffff  }
0x197: {  	v60 =	vor.u32 $0xA, v2;
	v63 =	vld.idx.msk [tilespmem:v54+s18+$0x0], $0xffff;
	v62 =	vmul.f32 v52, v13;
	v3 =	vadd.f32 v4, v3  }
0x198: {  	v20 =	vor.u32 $0xB, v1;
	v7 =	vld.idx.msk [tilespmem:v53+s16+$0x0], $0xffff  }
0x199: {  	v19 =	vor.u32 $0xB, v2;
	v22 =	vld.idx.msk [tilespmem:v58+s18+$0x0], $0xffff;
	v21 =	vmul.f32 v56, v10;
	v3 =	vadd.f32 v62, v3  }
0x19a: {  	v24 =	vor.u32 $0xC, v1;
	v9 =	vld.idx.msk [tilespmem:v57+s16+$0x0], $0xffff  }
0x19b: {  	v23 =	vor.u32 $0xC, v2;
	v26 =	vld.idx.msk [tilespmem:v61+s18+$0x0], $0xffff;
	v25 =	vmul.f32 v59, v12;
	v3 =	vadd.f32 v21, v3  }
0x19c: {  	v28 =	vor.u32 $0xD, v1;
	v11 =	vld.idx.msk [tilespmem:v60+s16+$0x0], $0xffff  }
0x19d: {  	v27 =	vor.u32 $0xD, v2;
	v30 =	vld.idx.msk [tilespmem:v20+s18+$0x0], $0xffff;
	v29 =	vmul.f32 v63, v7;
	v3 =	vadd.f32 v25, v3  }
0x19e: {  	v32 =	vor.u32 $0xE, v1;
	v13 =	vld.idx.msk [tilespmem:v19+s16+$0x0], $0xffff  }
0x19f: {  	v31 =	vor.u32 $0xE, v2;
	v34 =	vld.idx.msk [tilespmem:v24+s18+$0x0], $0xffff;
	v33 =	vmul.f32 v22, v9;
	v3 =	vadd.f32 v29, v3  }
0x1a0: {  	v36 =	vor.u32 $0xF, v1;
	v10 =	vld.idx.msk [tilespmem:v23+s16+$0x0], $0xffff  }
0x1a1: {  	v35 =	vor.u32 $0xF, v2;
	v38 =	vld.idx.msk [tilespmem:v28+s18+$0x0], $0xffff;
	v37 =	vmul.f32 v26, v11;
	v3 =	vadd.f32 v33, v3  }
0x1a2: {  	v40 =	vor.u32 $0x10, v1;
	v12 =	vld.idx.msk [tilespmem:v27+s16+$0x0], $0xffff  }
0x1a3: {  	v42 =	vld.idx.msk [tilespmem:v32+s18+$0x0], $0xffff;
	v39 =	vor.u32 $0x10, v2;
	v41 =	vmul.f32 v30, v13;
	v3 =	vadd.f32 v37, v3  }
0x1a4: {  	v44 =	vor.u32 $0x11, v1;
	v7 =	vld.idx.msk [tilespmem:v31+s16+$0x0], $0xffff  }
0x1a5: {  	v43 =	vor.u32 $0x11, v2;
	v46 =	vld.idx.msk [tilespmem:v36+s18+$0x0], $0xffff;
	v45 =	vmul.f32 v34, v10;
	v3 =	vadd.f32 v41, v3  }
0x1a6: {  	v48 =	vor.u32 $0x12, v1;
	v9 =	vld.idx.msk [tilespmem:v35+s16+$0x0], $0xffff  }
0x1a7: {  	v47 =	vor.u32 $0x12, v2;
	v50 =	vld.idx.msk [tilespmem:v40+s18+$0x0], $0xffff;
	v49 =	vmul.f32 v38, v12;
	v3 =	vadd.f32 v45, v3  }
0x1a8: {  	v51 =	vor.u32 $0x13, v2;
	v11 =	vld.idx.msk [tilespmem:v39+s16+$0x0], $0xffff  }
0x1a9: {  	v52 =	vor.u32 $0x13, v1;
	v54 =	vld.idx.msk [tilespmem:v44+s18+$0x0], $0xffff;
	v53 =	vmul.f32 v42, v7;
	v3 =	vadd.f32 v49, v3  }
0x1aa: {  	v56 =	vor.u32 $0x14, v1;
	v13 =	vld.idx.msk [tilespmem:v43+s16+$0x0], $0xffff  }
0x1ab: {  	v58 =	vld.idx.msk [tilespmem:v48+s18+$0x0], $0xffff;
	v55 =	vor.u32 $0x14, v2;
	v57 =	vmul.f32 v46, v9;
	v3 =	vadd.f32 v53, v3  }
0x1ac: {  	v60 =	vor.u32 $0x15, v1;
	v10 =	vld.idx.msk [tilespmem:v47+s16+$0x0], $0xffff  }
0x1ad: {  	v59 =	vor.u32 $0x15, v2;
	v12 =	vld.idx.msk [tilespmem:v51+s16+$0x0], $0xffff;
	v61 =	vmul.f32 v50, v11;
	v3 =	vadd.f32 v57, v3  }
0x1ae: {  	v20 =	vor.u32 $0x16, v1;
	v62 =	vld.idx.msk [tilespmem:v52+s18+$0x0], $0xffff  }
0x1af: {  	v63 =	vor.u32 $0x16, v2;
	v22 =	vld.idx.msk [tilespmem:v56+s18+$0x0], $0xffff;
	v21 =	vmul.f32 v54, v13;
	v3 =	vadd.f32 v61, v3  }
0x1b0: {  	v24 =	vor.u32 $0x17, v1;
	v7 =	vld.idx.msk [tilespmem:v55+s16+$0x0], $0xffff  }
0x1b1: {  	v23 =	vor.u32 $0x17, v2;
	v26 =	vld.idx.msk [tilespmem:v60+s18+$0x0], $0xffff;
	v25 =	vmul.f32 v58, v10;
	v3 =	vadd.f32 v21, v3  }
0x1b2: {  	v28 =	vor.u32 $0x18, v1;
	v9 =	vld.idx.msk [tilespmem:v59+s16+$0x0], $0xffff  }
0x1b3: {  	v27 =	vor.u32 $0x18, v2;
	v30 =	vld.idx.msk [tilespmem:v20+s18+$0x0], $0xffff;
	v29 =	vmul.f32 v62, v12;
	v3 =	vadd.f32 v25, v3  }
0x1b4: {  	v32 =	vor.u32 $0x19, v1;
	v11 =	vld.idx.msk [tilespmem:v63+s16+$0x0], $0xffff  }
0x1b5: {  	v31 =	vor.u32 $0x19, v2;
	v34 =	vld.idx.msk [tilespmem:v24+s18+$0x0], $0xffff;
	v33 =	vmul.f32 v22, v7;
	v3 =	vadd.f32 v29, v3  }
0x1b6: {  	v36 =	vor.u32 $0x1A, v1;
	v13 =	vld.idx.msk [tilespmem:v23+s16+$0x0], $0xffff  }
0x1b7: {  	v35 =	vor.u32 $0x1A, v2;
	v38 =	vld.idx.msk [tilespmem:v28+s18+$0x0], $0xffff;
	v37 =	vmul.f32 v26, v9;
	v3 =	vadd.f32 v33, v3  }
0x1b8: {  	v40 =	vor.u32 $0x1B, v1;
	v10 =	vld.idx.msk [tilespmem:v27+s16+$0x0], $0xffff  }
0x1b9: {  	v39 =	vor.u32 $0x1B, v2;
	v42 =	vld.idx.msk [tilespmem:v32+s18+$0x0], $0xffff;
	v41 =	vmul.f32 v30, v11;
	v3 =	vadd.f32 v37, v3  }
0x1ba: {  	v44 =	vor.u32 $0x1C, v1;
	v12 =	vld.idx.msk [tilespmem:v31+s16+$0x0], $0xffff  }
0x1bb: {  	v43 =	vor.u32 $0x1C, v2;
	v46 =	vld.idx.msk [tilespmem:v36+s18+$0x0], $0xffff;
	v45 =	vmul.f32 v34, v13;
	v3 =	vadd.f32 v41, v3  }
0x1bc: {  	v47 =	vor.u32 $0x1D, v2;
	v7 =	vld.idx.msk [tilespmem:v35+s16+$0x0], $0xffff  }
0x1bd: {  	v48 =	vor.u32 $0x1D, v1;
	v50 =	vld.idx.msk [tilespmem:v40+s18+$0x0], $0xffff;
	v49 =	vmul.f32 v38, v10;
	v3 =	vadd.f32 v45, v3  }
0x1be: {  	v51 =	vor.u32 $0x1E, v2;
	v9 =	vld.idx.msk [tilespmem:v39+s16+$0x0], $0xffff  }
0x1bf: {  	v52 =	vor.u32 $0x1E, v1;
	v54 =	vld.idx.msk [tilespmem:v44+s18+$0x0], $0xffff;
	v53 =	vmul.f32 v42, v12;
	v3 =	vadd.f32 v49, v3  }
0x1c0: {  	v2 =	vor.u32 $0x1F, v2;
	v11 =	vld.idx.msk [tilespmem:v43+s16+$0x0], $0xffff  }
0x1c1: {  	v1 =	vor.u32 $0x1F, v1;
	v55 =	vld.idx.msk [tilespmem:v47+s16+$0x0], $0xffff;
	v56 =	vmul.f32 v46, v7;
	v3 =	vadd.f32 v53, v3  }
0x1c2: {  	v57 =	vld.idx.msk [tilespmem:v48+s18+$0x0], $0xffff  }
0x1c3: {  	v58 =	vld.idx.msk [tilespmem:v51+s16+$0x0], $0xffff;
	v59 =	vmul.f32 v50, v9;
	v3 =	vadd.f32 v56, v3  }
0x1c4: {  	v60 =	vld.idx.msk [tilespmem:v52+s18+$0x0], $0xffff  }
0x1c5: {  	v2 =	vld.idx.msk [tilespmem:v2+s16+$0x0], $0xffff;
	v61 =	vmul.f32 v54, v11;
	v3 =	vadd.f32 v59, v3  }
0x1c6: {  	v1 =	vld.idx.msk [tilespmem:v1+s18+$0x0], $0xffff  }
0x1c7: {  	v62 =	vmul.f32 v57, v55;
	v3 =	vadd.f32 v61, v3;
	_ =	sdelay $0x1  }
0x1c8: {  	v63 =	vmul.f32 v60, v58;
	v3 =	vadd.f32 v62, v3;
	_ =	sdelay $0x1  }
0x1c9: {  	v1 =	vmul.f32 v1, v2;
	v3 =	vadd.f32 v63, v3;
	_ =	sdelay $0x1  }
0x1ca: {  	v1 =	vadd.f32 v1, v3;
	_ =	sdelay $0x1  }
0x1cb: {  	v1 =	vsub.f32 $0.0e+00, v1;
	_ =	sdelay $0x1  }
0x1cc: {  	v1 =	vmul.f32 $1.442695020e+00, v1;
	_ =	sdelay $0x1  }
0x1cd: {  	(erf) = vpow2.f32 v1;
	_ =	sdelay $0x8  }
0x1ce: {  	v1 =	vpop (erf)  }
0x1cf: {  	v1 =	vadd.f32 $1.000000000e+00, v1;
	_ =	sdelay $0x1  }
0x1d0: {  	(erf) = vrcp.f32 v1;
	_ =	sdelay $0x8  }
0x1d1: {  	s30 =	simm.s32 $0x10880;
	v1 =	vpop (erf)  }
0x1d2: {  	s31 =	simm.s32 $0x90;
	[tilespmem:s30+$0x0] =	vst v1  }
0x1d3: {  	s0 =	simm.s32 $0x290;
	v1 =	vld [tilespmem:s31+$0x0]  }
0x1d4: {  	s2 =	simm.s32 $0x10;
	s13 =	simm.s32 $0x20;
	v2 =	vld [tilespmem:s0+$0x0]  }
.LBB2_4:
0x1d5: {  	p0 =	sne.s32 s13, $0x70;
	_ =	sdelay $0x1  }
0x1d6: {  	v3 =	vmov s2;
	s2 =	smov.u32 s13  }
0x1d7: {  	v3 =	vshll.u32 v3, $0x7;
	v1 =	vshll.u32 v1, $0x5  }
0x1d8: {  	v3 =	vor.u32 v0, v3;
	v1 =	vand.u32 $0x60, v1;
	v2 =	vshll.u32 v2, $0x5  }
0x1d9: {  	v4 =	vand.u32 $0x60, v2;
	v2 =	vor.u32 v3, v1  }
0x1da: {  	v1 =	vor.u32 v3, v4  }
0x1db: {  	v3 =	vor.u32 $0x1, v2  }
0x1dc: {  	v4 =	vor.u32 $0x1, v1  }
0x1dd: {  	v5 =	vor.u32 $0x2, v2  }
0x1de: {  	v7 =	vor.u32 $0x2, v1;
	v6 =	vld.idx.msk [tilespmem:v2+s16+$0x0], $0xffff  }
0x1df: {  	v9 =	vor.u32 $0x3, v2;
	v8 =	vld.idx.msk [tilespmem:v1+s18+$0x0], $0xffff  }
0x1e0: {  	v10 =	vor.u32 $0x3, v1;
	v3 =	vld.idx.msk [tilespmem:v3+s16+$0x0], $0xffff  }
0x1e1: {  	v11 =	vor.u32 $0x4, v2;
	v4 =	vld.idx.msk [tilespmem:v4+s18+$0x0], $0xffff  }
0x1e2: {  	v12 =	vor.u32 $0x4, v1;
	v5 =	vld.idx.msk [tilespmem:v5+s16+$0x0], $0xffff  }
0x1e3: {  	v13 =	vor.u32 $0x5, v2;
	v7 =	vld.idx.msk [tilespmem:v7+s18+$0x0], $0xffff  }
0x1e4: {  	v14 =	vor.u32 $0x5, v1;
	v9 =	vld.idx.msk [tilespmem:v9+s16+$0x0], $0xffff  }
0x1e5: {  	v6 =	vmul.f32 v8, v6;
	v8 =	vld.idx.msk [tilespmem:v10+s18+$0x0], $0xffff;
	v10 =	vor.u32 $0x6, v2  }
0x1e6: {  	v15 =	vor.u32 $0x6, v1;
	v11 =	vld.idx.msk [tilespmem:v11+s16+$0x0], $0xffff  }
0x1e7: {  	v6 =	vadd.f32 $0.0e+00, v6;
	v3 =	vmul.f32 v4, v3;
	v4 =	vld.idx.msk [tilespmem:v12+s18+$0x0], $0xffff;
	v12 =	vor.u32 $0x7, v2  }
0x1e8: {  	v16 =	vor.u32 $0x7, v1;
	v13 =	vld.idx.msk [tilespmem:v13+s16+$0x0], $0xffff  }
0x1e9: {  	v3 =	vadd.f32 v3, v6;
	v5 =	vmul.f32 v7, v5;
	v7 =	vor.u32 $0x8, v2;
	v6 =	vld.idx.msk [tilespmem:v14+s18+$0x0], $0xffff  }
0x1ea: {  	v14 =	vor.u32 $0x8, v1;
	v10 =	vld.idx.msk [tilespmem:v10+s16+$0x0], $0xffff  }
0x1eb: {  	v3 =	vadd.f32 v5, v3;
	v5 =	vmul.f32 v8, v9;
	v9 =	vor.u32 $0x9, v2;
	v8 =	vld.idx.msk [tilespmem:v15+s18+$0x0], $0xffff  }
0x1ec: {  	v15 =	vor.u32 $0x9, v1;
	v12 =	vld.idx.msk [tilespmem:v12+s16+$0x0], $0xffff  }
0x1ed: {  	v3 =	vadd.f32 v5, v3;
	v4 =	vmul.f32 v4, v11;
	v11 =	vor.u32 $0xA, v2;
	v5 =	vld.idx.msk [tilespmem:v16+s18+$0x0], $0xffff  }
0x1ee: {  	v16 =	vor.u32 $0xA, v1;
	v7 =	vld.idx.msk [tilespmem:v7+s16+$0x0], $0xffff  }
0x1ef: {  	v3 =	vadd.f32 v4, v3;
	v4 =	vmul.f32 v6, v13;
	v13 =	vor.u32 $0xB, v2;
	v6 =	vld.idx.msk [tilespmem:v14+s18+$0x0], $0xffff  }
0x1f0: {  	v14 =	vor.u32 $0xB, v1;
	v9 =	vld.idx.msk [tilespmem:v9+s16+$0x0], $0xffff  }
0x1f1: {  	v3 =	vadd.f32 v4, v3;
	v4 =	vmul.f32 v8, v10;
	v10 =	vor.u32 $0xC, v2;
	v8 =	vld.idx.msk [tilespmem:v15+s18+$0x0], $0xffff  }
0x1f2: {  	v15 =	vor.u32 $0xC, v1;
	v11 =	vld.idx.msk [tilespmem:v11+s16+$0x0], $0xffff  }
0x1f3: {  	v3 =	vadd.f32 v4, v3;
	v4 =	vmul.f32 v5, v12;
	v12 =	vor.u32 $0xD, v2;
	v5 =	vld.idx.msk [tilespmem:v16+s18+$0x0], $0xffff  }
0x1f4: {  	v16 =	vor.u32 $0xD, v1;
	v13 =	vld.idx.msk [tilespmem:v13+s16+$0x0], $0xffff  }
0x1f5: {  	v3 =	vadd.f32 v4, v3;
	v4 =	vmul.f32 v6, v7;
	v7 =	vor.u32 $0xE, v2;
	v6 =	vld.idx.msk [tilespmem:v14+s18+$0x0], $0xffff  }
0x1f6: {  	v14 =	vor.u32 $0xE, v1;
	v10 =	vld.idx.msk [tilespmem:v10+s16+$0x0], $0xffff  }
0x1f7: {  	v3 =	vadd.f32 v4, v3;
	v4 =	vmul.f32 v8, v9;
	v9 =	vor.u32 $0xF, v2;
	v8 =	vld.idx.msk [tilespmem:v15+s18+$0x0], $0xffff  }
0x1f8: {  	v15 =	vor.u32 $0xF, v1;
	v12 =	vld.idx.msk [tilespmem:v12+s16+$0x0], $0xffff  }
0x1f9: {  	v3 =	vadd.f32 v4, v3;
	v4 =	vmul.f32 v5, v11;
	v11 =	vor.u32 $0x10, v2;
	v5 =	vld.idx.msk [tilespmem:v16+s18+$0x0], $0xffff  }
0x1fa: {  	v16 =	vor.u32 $0x10, v1;
	v7 =	vld.idx.msk [tilespmem:v7+s16+$0x0], $0xffff  }
0x1fb: {  	v3 =	vadd.f32 v4, v3;
	v4 =	vmul.f32 v6, v13;
	v13 =	vor.u32 $0x11, v2;
	v6 =	vld.idx.msk [tilespmem:v14+s18+$0x0], $0xffff  }
0x1fc: {  	v14 =	vor.u32 $0x11, v1;
	v9 =	vld.idx.msk [tilespmem:v9+s16+$0x0], $0xffff  }
0x1fd: {  	v3 =	vadd.f32 v4, v3;
	v4 =	vmul.f32 v8, v10;
	v10 =	vor.u32 $0x12, v2;
	v8 =	vld.idx.msk [tilespmem:v15+s18+$0x0], $0xffff  }
0x1fe: {  	v15 =	vor.u32 $0x12, v1;
	v11 =	vld.idx.msk [tilespmem:v11+s16+$0x0], $0xffff  }
0x1ff: {  	v3 =	vadd.f32 v4, v3;
	v4 =	vmul.f32 v5, v12;
	v12 =	vor.u32 $0x13, v2;
	v5 =	vld.idx.msk [tilespmem:v16+s18+$0x0], $0xffff  }
0x200: {  	v16 =	vor.u32 $0x13, v1;
	v13 =	vld.idx.msk [tilespmem:v13+s16+$0x0], $0xffff  }
0x201: {  	v3 =	vadd.f32 v4, v3;
	v4 =	vmul.f32 v6, v7;
	v7 =	vor.u32 $0x14, v2;
	v6 =	vld.idx.msk [tilespmem:v14+s18+$0x0], $0xffff  }
0x202: {  	v14 =	vor.u32 $0x14, v1;
	v10 =	vld.idx.msk [tilespmem:v10+s16+$0x0], $0xffff  }
0x203: {  	v3 =	vadd.f32 v4, v3;
	v4 =	vmul.f32 v8, v9;
	v9 =	vor.u32 $0x15, v2;
	v8 =	vld.idx.msk [tilespmem:v15+s18+$0x0], $0xffff  }
0x204: {  	v15 =	vor.u32 $0x15, v1;
	v12 =	vld.idx.msk [tilespmem:v12+s16+$0x0], $0xffff  }
0x205: {  	v3 =	vadd.f32 v4, v3;
	v4 =	vmul.f32 v5, v11;
	v11 =	vor.u32 $0x16, v2;
	v5 =	vld.idx.msk [tilespmem:v16+s18+$0x0], $0xffff  }
0x206: {  	v16 =	vor.u32 $0x16, v1;
	v7 =	vld.idx.msk [tilespmem:v7+s16+$0x0], $0xffff  }
0x207: {  	v3 =	vadd.f32 v4, v3;
	v4 =	vmul.f32 v6, v13;
	v13 =	vor.u32 $0x17, v2;
	v6 =	vld.idx.msk [tilespmem:v14+s18+$0x0], $0xffff  }
0x208: {  	v14 =	vor.u32 $0x17, v1;
	v9 =	vld.idx.msk [tilespmem:v9+s16+$0x0], $0xffff  }
0x209: {  	v3 =	vadd.f32 v4, v3;
	v4 =	vmul.f32 v8, v10;
	v10 =	vor.u32 $0x18, v2;
	v8 =	vld.idx.msk [tilespmem:v15+s18+$0x0], $0xffff  }
0x20a: {  	v15 =	vor.u32 $0x18, v1;
	v11 =	vld.idx.msk [tilespmem:v11+s16+$0x0], $0xffff  }
0x20b: {  	v3 =	vadd.f32 v4, v3;
	v4 =	vmul.f32 v5, v12;
	v12 =	vor.u32 $0x19, v2;
	v5 =	vld.idx.msk [tilespmem:v16+s18+$0x0], $0xffff  }
0x20c: {  	v16 =	vor.u32 $0x19, v1;
	v13 =	vld.idx.msk [tilespmem:v13+s16+$0x0], $0xffff  }
0x20d: {  	v3 =	vadd.f32 v4, v3;
	v4 =	vmul.f32 v6, v7;
	v7 =	vor.u32 $0x1A, v2;
	v6 =	vld.idx.msk [tilespmem:v14+s18+$0x0], $0xffff  }
0x20e: {  	v14 =	vor.u32 $0x1A, v1;
	v10 =	vld.idx.msk [tilespmem:v10+s16+$0x0], $0xffff  }
0x20f: {  	v3 =	vadd.f32 v4, v3;
	v4 =	vmul.f32 v8, v9;
	v9 =	vor.u32 $0x1B, v2;
	v8 =	vld.idx.msk [tilespmem:v15+s18+$0x0], $0xffff  }
0x210: {  	v15 =	vor.u32 $0x1B, v1;
	v12 =	vld.idx.msk [tilespmem:v12+s16+$0x0], $0xffff  }
0x211: {  	v3 =	vadd.f32 v4, v3;
	v4 =	vmul.f32 v5, v11;
	v11 =	vor.u32 $0x1C, v2;
	v5 =	vld.idx.msk [tilespmem:v16+s18+$0x0], $0xffff  }
0x212: {  	v16 =	vor.u32 $0x1C, v1;
	v7 =	vld.idx.msk [tilespmem:v7+s16+$0x0], $0xffff  }
0x213: {  	v3 =	vadd.f32 v4, v3;
	v4 =	vmul.f32 v6, v13;
	v13 =	vor.u32 $0x1D, v2;
	v6 =	vld.idx.msk [tilespmem:v14+s18+$0x0], $0xffff  }
0x214: {  	v14 =	vor.u32 $0x1D, v1;
	v9 =	vld.idx.msk [tilespmem:v9+s16+$0x0], $0xffff  }
0x215: {  	v3 =	vadd.f32 v4, v3;
	v4 =	vmul.f32 v8, v10;
	v10 =	vor.u32 $0x1E, v2;
	v8 =	vld.idx.msk [tilespmem:v15+s18+$0x0], $0xffff  }
0x216: {  	v15 =	vor.u32 $0x1E, v1;
	v11 =	vld.idx.msk [tilespmem:v11+s16+$0x0], $0xffff  }
0x217: {  	v2 =	vor.u32 $0x1F, v2;
	v3 =	vadd.f32 v4, v3;
	v4 =	vmul.f32 v5, v12;
	v5 =	vld.idx.msk [tilespmem:v16+s18+$0x0], $0xffff  }
0x218: {  	v1 =	vor.u32 $0x1F, v1;
	v12 =	vld.idx.msk [tilespmem:v13+s16+$0x0], $0xffff  }
0x219: {  	v3 =	vadd.f32 v4, v3;
	v4 =	vmul.f32 v6, v7;
	v6 =	vld.idx.msk [tilespmem:v14+s18+$0x0], $0xffff  }
0x21a: {  	v7 =	vld.idx.msk [tilespmem:v10+s16+$0x0], $0xffff  }
0x21b: {  	v3 =	vadd.f32 v4, v3;
	v4 =	vmul.f32 v8, v9;
	v8 =	vld.idx.msk [tilespmem:v15+s18+$0x0], $0xffff  }
0x21c: {  	v2 =	vld.idx.msk [tilespmem:v2+s16+$0x0], $0xffff  }
0x21d: {  	v3 =	vadd.f32 v4, v3;
	v4 =	vmul.f32 v5, v11;
	v1 =	vld.idx.msk [tilespmem:v1+s18+$0x0], $0xffff;
	_ =	sdelay $0x1  }
0x21e: {  	v3 =	vadd.f32 v4, v3;
	v4 =	vmul.f32 v6, v12;
	_ =	sdelay $0x1  }
0x21f: {  	v3 =	vadd.f32 v4, v3;
	v4 =	vmul.f32 v8, v7;
	_ =	sdelay $0x1  }
0x220: {  	v3 =	vadd.f32 v4, v3;
	v1 =	vmul.f32 v1, v2;
	_ =	sdelay $0x1  }
0x221: {  	v1 =	vadd.f32 v1, v3;
	_ =	sdelay $0x1  }
0x222: {  	v1 =	vsub.f32 $0.0e+00, v1;
	_ =	sdelay $0x1  }
0x223: {  	v1 =	vmul.f32 $1.442695020e+00, v1;
	_ =	sdelay $0x1  }
0x224: {  	(erf) = vpow2.f32 v1;
	_ =	sdelay $0x8  }
0x225: {  	v1 =	vpop (erf)  }
0x226: {  	v1 =	vadd.f32 $1.000000000e+00, v1;
	_ =	sdelay $0x1  }
0x227: {  	(erf) = vrcp.f32 v1;
	_ =	sdelay $0x7  }
.Ltmp1:
0x228: {  	(pc) =	sbr.rel @p0 .LBB2_4-.Ltmp1, $4  }
0x229: {  	s30 =	sadd.s32 $0x10, s30;
	v1 =	vpop (erf)  }
0x22a: {  	s31 =	sadd.s32 $0x10, s31;
	[tilespmem:s30+$0x0] =	vst v1  }
0x22b: {  	s0 =	sadd.s32 $0x10, s0;
	v1 =	vld [tilespmem:s31+$0x0]  }
0x22c: {  	s13 =	sadd.s32 $0x10, s13;
	v2 =	vld [tilespmem:s0+$0x0]  }
0x22d: {  	_ =	sdelay $0x1  }
0x22e: {  	v3 =	vmov s2  }
0x22f: {  	v3 =	vshll.u32 v3, $0x7;
	v1 =	vshll.u32 v1, $0x5  }
0x230: {  	v3 =	vor.u32 v0, v3;
	v1 =	vand.u32 $0x60, v1;
	v2 =	vshll.u32 v2, $0x5  }
0x231: {  	v4 =	vand.u32 $0x60, v2;
	v2 =	vor.u32 v3, v1  }
0x232: {  	v1 =	vor.u32 v3, v4  }
0x233: {  	v3 =	vor.u32 $0x1, v2  }
0x234: {  	v4 =	vor.u32 $0x1, v1  }
0x235: {  	v5 =	vor.u32 $0x2, v2  }
0x236: {  	v7 =	vor.u32 $0x2, v1;
	v6 =	vld.idx.msk [tilespmem:v2+s16+$0x0], $0xffff  }
0x237: {  	v9 =	vor.u32 $0x3, v2;
	v8 =	vld.idx.msk [tilespmem:v1+s18+$0x0], $0xffff  }
0x238: {  	v10 =	vor.u32 $0x3, v1;
	v3 =	vld.idx.msk [tilespmem:v3+s16+$0x0], $0xffff  }
0x239: {  	v11 =	vor.u32 $0x4, v2;
	v4 =	vld.idx.msk [tilespmem:v4+s18+$0x0], $0xffff  }
0x23a: {  	v12 =	vor.u32 $0x4, v1;
	v5 =	vld.idx.msk [tilespmem:v5+s16+$0x0], $0xffff  }
0x23b: {  	v13 =	vor.u32 $0x5, v2;
	v7 =	vld.idx.msk [tilespmem:v7+s18+$0x0], $0xffff  }
0x23c: {  	v14 =	vor.u32 $0x5, v1;
	v9 =	vld.idx.msk [tilespmem:v9+s16+$0x0], $0xffff;
	v6 =	vmul.f32 v8, v6  }
0x23d: {  	v21 =	vor.u32 $0x6, v2;
	v20 =	vld.idx.msk [tilespmem:v10+s18+$0x0], $0xffff  }
0x23e: {  	v15 =	vor.u32 $0x6, v1;
	v11 =	vld.idx.msk [tilespmem:v11+s16+$0x0], $0xffff;
	v3 =	vmul.f32 v4, v3;
	v6 =	vadd.f32 $0.0e+00, v6  }
0x23f: {  	v23 =	vor.u32 $0x7, v2;
	v22 =	vld.idx.msk [tilespmem:v12+s18+$0x0], $0xffff  }
0x240: {  	v16 =	vor.u32 $0x7, v1;
	v13 =	vld.idx.msk [tilespmem:v13+s16+$0x0], $0xffff;
	v5 =	vmul.f32 v7, v5;
	v3 =	vadd.f32 v3, v6  }
0x241: {  	v26 =	vor.u32 $0x8, v1;
	v24 =	vld.idx.msk [tilespmem:v14+s18+$0x0], $0xffff  }
0x242: {  	v25 =	vor.u32 $0x8, v2;
	v10 =	vld.idx.msk [tilespmem:v21+s16+$0x0], $0xffff;
	v27 =	vmul.f32 v20, v9;
	v3 =	vadd.f32 v5, v3  }
0x243: {  	v30 =	vor.u32 $0x9, v1;
	v28 =	vld.idx.msk [tilespmem:v15+s18+$0x0], $0xffff  }
0x244: {  	v29 =	vor.u32 $0x9, v2;
	v12 =	vld.idx.msk [tilespmem:v23+s16+$0x0], $0xffff;
	v4 =	vmul.f32 v22, v11;
	v3 =	vadd.f32 v27, v3  }
0x245: {  	v33 =	vor.u32 $0xA, v1;
	v31 =	vld.idx.msk [tilespmem:v16+s18+$0x0], $0xffff  }
0x246: {  	v32 =	vor.u32 $0xA, v2;
	v35 =	vld.idx.msk [tilespmem:v26+s18+$0x0], $0xffff;
	v34 =	vmul.f32 v24, v13;
	v3 =	vadd.f32 v4, v3  }
0x247: {  	v37 =	vor.u32 $0xB, v1;
	v7 =	vld.idx.msk [tilespmem:v25+s16+$0x0], $0xffff  }
0x248: {  	v36 =	vor.u32 $0xB, v2;
	v39 =	vld.idx.msk [tilespmem:v30+s18+$0x0], $0xffff;
	v38 =	vmul.f32 v28, v10;
	v3 =	vadd.f32 v34, v3  }
0x249: {  	v41 =	vor.u32 $0xC, v1;
	v9 =	vld.idx.msk [tilespmem:v29+s16+$0x0], $0xffff  }
0x24a: {  	v40 =	vor.u32 $0xC, v2;
	v43 =	vld.idx.msk [tilespmem:v33+s18+$0x0], $0xffff;
	v42 =	vmul.f32 v31, v12;
	v3 =	vadd.f32 v38, v3  }
0x24b: {  	v45 =	vor.u32 $0xD, v1;
	v11 =	vld.idx.msk [tilespmem:v32+s16+$0x0], $0xffff  }
0x24c: {  	v44 =	vor.u32 $0xD, v2;
	v47 =	vld.idx.msk [tilespmem:v37+s18+$0x0], $0xffff;
	v46 =	vmul.f32 v35, v7;
	v3 =	vadd.f32 v42, v3  }
0x24d: {  	v49 =	vor.u32 $0xE, v1;
	v13 =	vld.idx.msk [tilespmem:v36+s16+$0x0], $0xffff  }
0x24e: {  	v48 =	vor.u32 $0xE, v2;
	v51 =	vld.idx.msk [tilespmem:v41+s18+$0x0], $0xffff;
	v50 =	vmul.f32 v39, v9;
	v3 =	vadd.f32 v46, v3  }
0x24f: {  	v53 =	vor.u32 $0xF, v1;
	v10 =	vld.idx.msk [tilespmem:v40+s16+$0x0], $0xffff  }
0x250: {  	v52 =	vor.u32 $0xF, v2;
	v55 =	vld.idx.msk [tilespmem:v45+s18+$0x0], $0xffff;
	v54 =	vmul.f32 v43, v11;
	v3 =	vadd.f32 v50, v3  }
0x251: {  	v57 =	vor.u32 $0x10, v1;
	v12 =	vld.idx.msk [tilespmem:v44+s16+$0x0], $0xffff  }
0x252: {  	v56 =	vor.u32 $0x10, v2;
	v59 =	vld.idx.msk [tilespmem:v49+s18+$0x0], $0xffff;
	v58 =	vmul.f32 v47, v13;
	v3 =	vadd.f32 v54, v3  }
0x253: {  	v60 =	vor.u32 $0x11, v2;
	v7 =	vld.idx.msk [tilespmem:v48+s16+$0x0], $0xffff  }
0x254: {  	v61 =	vor.u32 $0x11, v1;
	v63 =	vld.idx.msk [tilespmem:v53+s18+$0x0], $0xffff;
	v62 =	vmul.f32 v51, v10;
	v3 =	vadd.f32 v58, v3  }
0x255: {  	v21 =	vor.u32 $0x12, v1;
	v9 =	vld.idx.msk [tilespmem:v52+s16+$0x0], $0xffff  }
0x256: {  	v23 =	vld.idx.msk [tilespmem:v57+s18+$0x0], $0xffff;
	v20 =	vor.u32 $0x12, v2;
	v22 =	vmul.f32 v55, v12;
	v3 =	vadd.f32 v62, v3  }
0x257: {  	v24 =	vor.u32 $0x13, v2;
	v11 =	vld.idx.msk [tilespmem:v56+s16+$0x0], $0xffff  }
0x258: {  	v25 =	vor.u32 $0x13, v1;
	v13 =	vld.idx.msk [tilespmem:v60+s16+$0x0], $0xffff;
	v26 =	vmul.f32 v59, v7;
	v3 =	vadd.f32 v22, v3  }
0x259: {  	v29 =	vor.u32 $0x14, v1;
	v27 =	vld.idx.msk [tilespmem:v61+s18+$0x0], $0xffff  }
0x25a: {  	v28 =	vor.u32 $0x14, v2;
	v31 =	vld.idx.msk [tilespmem:v21+s18+$0x0], $0xffff;
	v30 =	vmul.f32 v63, v9;
	v3 =	vadd.f32 v26, v3  }
0x25b: {  	v33 =	vor.u32 $0x15, v1;
	v10 =	vld.idx.msk [tilespmem:v20+s16+$0x0], $0xffff  }
0x25c: {  	v32 =	vor.u32 $0x15, v2;
	v12 =	vld.idx.msk [tilespmem:v24+s16+$0x0], $0xffff;
	v34 =	vmul.f32 v23, v11;
	v3 =	vadd.f32 v30, v3  }
0x25d: {  	v37 =	vor.u32 $0x16, v1;
	v35 =	vld.idx.msk [tilespmem:v25+s18+$0x0], $0xffff  }
0x25e: {  	v36 =	vor.u32 $0x16, v2;
	v39 =	vld.idx.msk [tilespmem:v29+s18+$0x0], $0xffff;
	v38 =	vmul.f32 v27, v13;
	v3 =	vadd.f32 v34, v3  }
0x25f: {  	v41 =	vor.u32 $0x17, v1;
	v7 =	vld.idx.msk [tilespmem:v28+s16+$0x0], $0xffff  }
0x260: {  	v40 =	vor.u32 $0x17, v2;
	v43 =	vld.idx.msk [tilespmem:v33+s18+$0x0], $0xffff;
	v42 =	vmul.f32 v31, v10;
	v3 =	vadd.f32 v38, v3  }
0x261: {  	v45 =	vor.u32 $0x18, v1;
	v9 =	vld.idx.msk [tilespmem:v32+s16+$0x0], $0xffff  }
0x262: {  	v44 =	vor.u32 $0x18, v2;
	v47 =	vld.idx.msk [tilespmem:v37+s18+$0x0], $0xffff;
	v46 =	vmul.f32 v35, v12;
	v3 =	vadd.f32 v42, v3  }
0x263: {  	v49 =	vor.u32 $0x19, v1;
	v11 =	vld.idx.msk [tilespmem:v36+s16+$0x0], $0xffff  }
0x264: {  	v48 =	vor.u32 $0x19, v2;
	v51 =	vld.idx.msk [tilespmem:v41+s18+$0x0], $0xffff;
	v50 =	vmul.f32 v39, v7;
	v3 =	vadd.f32 v46, v3  }
0x265: {  	v53 =	vor.u32 $0x1A, v1;
	v13 =	vld.idx.msk [tilespmem:v40+s16+$0x0], $0xffff  }
0x266: {  	v52 =	vor.u32 $0x1A, v2;
	v55 =	vld.idx.msk [tilespmem:v45+s18+$0x0], $0xffff;
	v54 =	vmul.f32 v43, v9;
	v3 =	vadd.f32 v50, v3  }
0x267: {  	v57 =	vor.u32 $0x1B, v1;
	v10 =	vld.idx.msk [tilespmem:v44+s16+$0x0], $0xffff  }
0x268: {  	v56 =	vor.u32 $0x1B, v2;
	v59 =	vld.idx.msk [tilespmem:v49+s18+$0x0], $0xffff;
	v58 =	vmul.f32 v47, v11;
	v3 =	vadd.f32 v54, v3  }
0x269: {  	v61 =	vor.u32 $0x1C, v1;
	v12 =	vld.idx.msk [tilespmem:v48+s16+$0x0], $0xffff  }
0x26a: {  	v60 =	vor.u32 $0x1C, v2;
	v63 =	vld.idx.msk [tilespmem:v53+s18+$0x0], $0xffff;
	v62 =	vmul.f32 v51, v13;
	v3 =	vadd.f32 v58, v3  }
0x26b: {  	v19 =	vor.u32 $0x1D, v1;
	v7 =	vld.idx.msk [tilespmem:v52+s16+$0x0], $0xffff  }
0x26c: {  	v18 =	vor.u32 $0x1D, v2;
	v21 =	vld.idx.msk [tilespmem:v57+s18+$0x0], $0xffff;
	v20 =	vmul.f32 v55, v10;
	v3 =	vadd.f32 v62, v3  }
0x26d: {  	v23 =	vor.u32 $0x1E, v1;
	v9 =	vld.idx.msk [tilespmem:v56+s16+$0x0], $0xffff  }
0x26e: {  	v25 =	vld.idx.msk [tilespmem:v61+s18+$0x0], $0xffff;
	v24 =	vmul.f32 v59, v12;
	v22 =	vor.u32 $0x1E, v2;
	v3 =	vadd.f32 v20, v3  }
0x26f: {  	v1 =	vor.u32 $0x1F, v1;
	v11 =	vld.idx.msk [tilespmem:v60+s16+$0x0], $0xffff  }
0x270: {  	v28 =	vld.idx.msk [tilespmem:v19+s18+$0x0], $0xffff;
	v27 =	vmul.f32 v63, v7;
	v2 =	vor.u32 $0x1F, v2;
	v3 =	vadd.f32 v24, v3  }
0x271: {  	v26 =	vld.idx.msk [tilespmem:v18+s16+$0x0], $0xffff  }
0x272: {  	v31 =	vld.idx.msk [tilespmem:v23+s18+$0x0], $0xffff;
	v30 =	vmul.f32 v21, v9;
	v3 =	vadd.f32 v27, v3  }
0x273: {  	v29 =	vld.idx.msk [tilespmem:v22+s16+$0x0], $0xffff  }
0x274: {  	v1 =	vld.idx.msk [tilespmem:v1+s18+$0x0], $0xffff;
	v32 =	vmul.f32 v25, v11;
	v3 =	vadd.f32 v30, v3  }
0x275: {  	v2 =	vld.idx.msk [tilespmem:v2+s16+$0x0], $0xffff  }
0x276: {  	v33 =	vmul.f32 v28, v26;
	v3 =	vadd.f32 v32, v3;
	_ =	sdelay $0x1  }
0x277: {  	v34 =	vmul.f32 v31, v29;
	v3 =	vadd.f32 v33, v3;
	_ =	sdelay $0x1  }
0x278: {  	v1 =	vmul.f32 v1, v2;
	v3 =	vadd.f32 v34, v3;
	_ =	sdelay $0x1  }
0x279: {  	v1 =	vadd.f32 v1, v3;
	_ =	sdelay $0x1  }
0x27a: {  	v1 =	vsub.f32 $0.0e+00, v1;
	_ =	sdelay $0x1  }
0x27b: {  	v1 =	vmul.f32 $1.442695020e+00, v1;
	_ =	sdelay $0x1  }
0x27c: {  	(erf) = vpow2.f32 v1;
	_ =	sdelay $0x8  }
0x27d: {  	v1 =	vpop (erf)  }
0x27e: {  	v1 =	vadd.f32 $1.000000000e+00, v1;
	_ =	sdelay $0x1  }
0x27f: {  	(erf) = vrcp.f32 v1;
	_ =	sdelay $0x8  }
0x280: {  	s0 =	sadd.s32 $0x10, s30;
	v1 =	vpop (erf)  }
0x281: {  	[tilespmem:s0+$0x0] =	vst v1  }
0x282: {  	[tilespmem:s16], [sflag:$0x2] =	stream.indirect.gather [hbm4b:s1+s9], $0x80, s25, s9, $0xb8;
	[tilespmem:$0x10A00] =	vst v63  }
0x283: {  	_ = 	snop  }
0x284: {  	[tilespmem:s18], [sflag:$0x4] =	stream.indirect.gather [hbm4b:s3+s9], $0x80, s26, s9, $0xb8;
	[tilespmem:$0x10A00] =	vst v63  }
0x285: {  	_ =	swait.ge [sflag:s19], $0x4000  }
0x286: {  	[sflag:s19] =	ssyncset.done $0x0  }
0x287: {  	[sflag:s19] =	ssyncadd.s32 $0xFFFFC000  }
0x288: {  	_ =	swait.ge [sflag:s20], $0x4000  }
0x289: {  	[sflag:s20] =	ssyncset.done $0x0  }
0x28a: {  	s2 =	simm.s32 $0x100;
	[sflag:s20] =	ssyncadd.s32 $0xFFFFC000  }
0x28b: {  	s13 =	simm.s32 $0x300;
	v1 =	vld [tilespmem:s2+$0x0]  }
0x28c: {  	v2 =	vld [tilespmem:s13+$0x0];
	_ =	sdelay $0x1  }
0x28d: {  	s13 =	simm.s32 $0x0  }
0x28e: {  	v3 =	vmov s13  }
0x28f: {  	v3 =	vshll.u32 v3, $0x7;
	v1 =	vshll.u32 v1, $0x5  }
0x290: {  	v3 =	vor.u32 v0, v3;
	v2 =	vshll.u32 v2, $0x5;
	v1 =	vand.u32 $0x60, v1  }
0x291: {  	v35 =	vand.u32 $0x60, v2;
	v2 =	vor.u32 v3, v1  }
0x292: {  	v1 =	vor.u32 v3, v35  }
0x293: {  	v3 =	vor.u32 $0x1, v2  }
0x294: {  	v4 =	vor.u32 $0x1, v1  }
0x295: {  	v36 =	vor.u32 $0x2, v2  }
0x296: {  	v38 =	vor.u32 $0x2, v1;
	v37 =	vld.idx.msk [tilespmem:v2+s12+$0x0], $0xffff  }
0x297: {  	v40 =	vor.u32 $0x3, v2;
	v39 =	vld.idx.msk [tilespmem:v1+s14+$0x0], $0xffff  }
0x298: {  	v41 =	vor.u32 $0x3, v1;
	v3 =	vld.idx.msk [tilespmem:v3+s12+$0x0], $0xffff  }
0x299: {  	v42 =	vor.u32 $0x4, v2;
	v4 =	vld.idx.msk [tilespmem:v4+s14+$0x0], $0xffff  }
0x29a: {  	v43 =	vor.u32 $0x4, v1;
	v5 =	vld.idx.msk [tilespmem:v36+s12+$0x0], $0xffff  }
0x29b: {  	v44 =	vor.u32 $0x5, v2;
	v7 =	vld.idx.msk [tilespmem:v38+s14+$0x0], $0xffff  }
0x29c: {  	v45 =	vor.u32 $0x5, v1;
	v9 =	vld.idx.msk [tilespmem:v40+s12+$0x0], $0xffff;
	v6 =	vmul.f32 v39, v37  }
0x29d: {  	v47 =	vor.u32 $0x6, v2;
	v46 =	vld.idx.msk [tilespmem:v41+s14+$0x0], $0xffff  }
0x29e: {  	v48 =	vor.u32 $0x6, v1;
	v11 =	vld.idx.msk [tilespmem:v42+s12+$0x0], $0xffff;
	v3 =	vmul.f32 v4, v3;
	v6 =	vadd.f32 $0.0e+00, v6  }
0x29f: {  	v50 =	vor.u32 $0x7, v2;
	v49 =	vld.idx.msk [tilespmem:v43+s14+$0x0], $0xffff  }
0x2a0: {  	v51 =	vor.u32 $0x7, v1;
	v13 =	vld.idx.msk [tilespmem:v44+s12+$0x0], $0xffff;
	v5 =	vmul.f32 v7, v5;
	v3 =	vadd.f32 v3, v6  }
0x2a1: {  	v54 =	vor.u32 $0x8, v1;
	v52 =	vld.idx.msk [tilespmem:v45+s14+$0x0], $0xffff  }
0x2a2: {  	v53 =	vor.u32 $0x8, v2;
	v10 =	vld.idx.msk [tilespmem:v47+s12+$0x0], $0xffff;
	v55 =	vmul.f32 v46, v9;
	v3 =	vadd.f32 v5, v3  }
0x2a3: {  	v58 =	vor.u32 $0x9, v1;
	v56 =	vld.idx.msk [tilespmem:v48+s14+$0x0], $0xffff  }
0x2a4: {  	v57 =	vor.u32 $0x9, v2;
	v12 =	vld.idx.msk [tilespmem:v50+s12+$0x0], $0xffff;
	v4 =	vmul.f32 v49, v11;
	v3 =	vadd.f32 v55, v3  }
0x2a5: {  	v61 =	vor.u32 $0xA, v1;
	v59 =	vld.idx.msk [tilespmem:v51+s14+$0x0], $0xffff  }
0x2a6: {  	v60 =	vor.u32 $0xA, v2;
	v63 =	vld.idx.msk [tilespmem:v54+s14+$0x0], $0xffff;
	v62 =	vmul.f32 v52, v13;
	v3 =	vadd.f32 v4, v3  }
0x2a7: {  	v20 =	vor.u32 $0xB, v1;
	v7 =	vld.idx.msk [tilespmem:v53+s12+$0x0], $0xffff  }
0x2a8: {  	v19 =	vor.u32 $0xB, v2;
	v22 =	vld.idx.msk [tilespmem:v58+s14+$0x0], $0xffff;
	v21 =	vmul.f32 v56, v10;
	v3 =	vadd.f32 v62, v3  }
0x2a9: {  	v24 =	vor.u32 $0xC, v1;
	v9 =	vld.idx.msk [tilespmem:v57+s12+$0x0], $0xffff  }
0x2aa: {  	v23 =	vor.u32 $0xC, v2;
	v26 =	vld.idx.msk [tilespmem:v61+s14+$0x0], $0xffff;
	v25 =	vmul.f32 v59, v12;
	v3 =	vadd.f32 v21, v3  }
0x2ab: {  	v28 =	vor.u32 $0xD, v1;
	v11 =	vld.idx.msk [tilespmem:v60+s12+$0x0], $0xffff  }
0x2ac: {  	v27 =	vor.u32 $0xD, v2;
	v30 =	vld.idx.msk [tilespmem:v20+s14+$0x0], $0xffff;
	v29 =	vmul.f32 v63, v7;
	v3 =	vadd.f32 v25, v3  }
0x2ad: {  	v32 =	vor.u32 $0xE, v1;
	v13 =	vld.idx.msk [tilespmem:v19+s12+$0x0], $0xffff  }
0x2ae: {  	v31 =	vor.u32 $0xE, v2;
	v34 =	vld.idx.msk [tilespmem:v24+s14+$0x0], $0xffff;
	v33 =	vmul.f32 v22, v9;
	v3 =	vadd.f32 v29, v3  }
0x2af: {  	v36 =	vor.u32 $0xF, v1;
	v10 =	vld.idx.msk [tilespmem:v23+s12+$0x0], $0xffff  }
0x2b0: {  	v35 =	vor.u32 $0xF, v2;
	v38 =	vld.idx.msk [tilespmem:v28+s14+$0x0], $0xffff;
	v37 =	vmul.f32 v26, v11;
	v3 =	vadd.f32 v33, v3  }
0x2b1: {  	v40 =	vor.u32 $0x10, v1;
	v12 =	vld.idx.msk [tilespmem:v27+s12+$0x0], $0xffff  }
0x2b2: {  	v42 =	vld.idx.msk [tilespmem:v32+s14+$0x0], $0xffff;
	v39 =	vor.u32 $0x10, v2;
	v41 =	vmul.f32 v30, v13;
	v3 =	vadd.f32 v37, v3  }
0x2b3: {  	v44 =	vor.u32 $0x11, v1;
	v7 =	vld.idx.msk [tilespmem:v31+s12+$0x0], $0xffff  }
0x2b4: {  	v43 =	vor.u32 $0x11, v2;
	v46 =	vld.idx.msk [tilespmem:v36+s14+$0x0], $0xffff;
	v45 =	vmul.f32 v34, v10;
	v3 =	vadd.f32 v41, v3  }
0x2b5: {  	v48 =	vor.u32 $0x12, v1;
	v9 =	vld.idx.msk [tilespmem:v35+s12+$0x0], $0xffff  }
0x2b6: {  	v47 =	vor.u32 $0x12, v2;
	v50 =	vld.idx.msk [tilespmem:v40+s14+$0x0], $0xffff;
	v49 =	vmul.f32 v38, v12;
	v3 =	vadd.f32 v45, v3  }
0x2b7: {  	v51 =	vor.u32 $0x13, v2;
	v11 =	vld.idx.msk [tilespmem:v39+s12+$0x0], $0xffff  }
0x2b8: {  	v52 =	vor.u32 $0x13, v1;
	v54 =	vld.idx.msk [tilespmem:v44+s14+$0x0], $0xffff;
	v53 =	vmul.f32 v42, v7;
	v3 =	vadd.f32 v49, v3  }
0x2b9: {  	v56 =	vor.u32 $0x14, v1;
	v13 =	vld.idx.msk [tilespmem:v43+s12+$0x0], $0xffff  }
0x2ba: {  	v58 =	vld.idx.msk [tilespmem:v48+s14+$0x0], $0xffff;
	v55 =	vor.u32 $0x14, v2;
	v57 =	vmul.f32 v46, v9;
	v3 =	vadd.f32 v53, v3  }
0x2bb: {  	v60 =	vor.u32 $0x15, v1;
	v10 =	vld.idx.msk [tilespmem:v47+s12+$0x0], $0xffff  }
0x2bc: {  	v59 =	vor.u32 $0x15, v2;
	v12 =	vld.idx.msk [tilespmem:v51+s12+$0x0], $0xffff;
	v61 =	vmul.f32 v50, v11;
	v3 =	vadd.f32 v57, v3  }
0x2bd: {  	v20 =	vor.u32 $0x16, v1;
	v62 =	vld.idx.msk [tilespmem:v52+s14+$0x0], $0xffff  }
0x2be: {  	v63 =	vor.u32 $0x16, v2;
	v22 =	vld.idx.msk [tilespmem:v56+s14+$0x0], $0xffff;
	v21 =	vmul.f32 v54, v13;
	v3 =	vadd.f32 v61, v3  }
0x2bf: {  	v24 =	vor.u32 $0x17, v1;
	v7 =	vld.idx.msk [tilespmem:v55+s12+$0x0], $0xffff  }
0x2c0: {  	v23 =	vor.u32 $0x17, v2;
	v26 =	vld.idx.msk [tilespmem:v60+s14+$0x0], $0xffff;
	v25 =	vmul.f32 v58, v10;
	v3 =	vadd.f32 v21, v3  }
0x2c1: {  	v28 =	vor.u32 $0x18, v1;
	v9 =	vld.idx.msk [tilespmem:v59+s12+$0x0], $0xffff  }
0x2c2: {  	v27 =	vor.u32 $0x18, v2;
	v30 =	vld.idx.msk [tilespmem:v20+s14+$0x0], $0xffff;
	v29 =	vmul.f32 v62, v12;
	v3 =	vadd.f32 v25, v3  }
0x2c3: {  	v32 =	vor.u32 $0x19, v1;
	v11 =	vld.idx.msk [tilespmem:v63+s12+$0x0], $0xffff  }
0x2c4: {  	v31 =	vor.u32 $0x19, v2;
	v34 =	vld.idx.msk [tilespmem:v24+s14+$0x0], $0xffff;
	v33 =	vmul.f32 v22, v7;
	v3 =	vadd.f32 v29, v3  }
0x2c5: {  	v36 =	vor.u32 $0x1A, v1;
	v13 =	vld.idx.msk [tilespmem:v23+s12+$0x0], $0xffff  }
0x2c6: {  	v35 =	vor.u32 $0x1A, v2;
	v38 =	vld.idx.msk [tilespmem:v28+s14+$0x0], $0xffff;
	v37 =	vmul.f32 v26, v9;
	v3 =	vadd.f32 v33, v3  }
0x2c7: {  	v40 =	vor.u32 $0x1B, v1;
	v10 =	vld.idx.msk [tilespmem:v27+s12+$0x0], $0xffff  }
0x2c8: {  	v39 =	vor.u32 $0x1B, v2;
	v42 =	vld.idx.msk [tilespmem:v32+s14+$0x0], $0xffff;
	v41 =	vmul.f32 v30, v11;
	v3 =	vadd.f32 v37, v3  }
0x2c9: {  	v44 =	vor.u32 $0x1C, v1;
	v12 =	vld.idx.msk [tilespmem:v31+s12+$0x0], $0xffff  }
0x2ca: {  	v43 =	vor.u32 $0x1C, v2;
	v46 =	vld.idx.msk [tilespmem:v36+s14+$0x0], $0xffff;
	v45 =	vmul.f32 v34, v13;
	v3 =	vadd.f32 v41, v3  }
0x2cb: {  	v47 =	vor.u32 $0x1D, v2;
	v7 =	vld.idx.msk [tilespmem:v35+s12+$0x0], $0xffff  }
0x2cc: {  	v48 =	vor.u32 $0x1D, v1;
	v50 =	vld.idx.msk [tilespmem:v40+s14+$0x0], $0xffff;
	v49 =	vmul.f32 v38, v10;
	v3 =	vadd.f32 v45, v3  }
0x2cd: {  	v51 =	vor.u32 $0x1E, v2;
	v9 =	vld.idx.msk [tilespmem:v39+s12+$0x0], $0xffff  }
0x2ce: {  	v52 =	vor.u32 $0x1E, v1;
	v54 =	vld.idx.msk [tilespmem:v44+s14+$0x0], $0xffff;
	v53 =	vmul.f32 v42, v12;
	v3 =	vadd.f32 v49, v3  }
0x2cf: {  	v2 =	vor.u32 $0x1F, v2;
	v11 =	vld.idx.msk [tilespmem:v43+s12+$0x0], $0xffff  }
0x2d0: {  	v1 =	vor.u32 $0x1F, v1;
	v55 =	vld.idx.msk [tilespmem:v47+s12+$0x0], $0xffff;
	v56 =	vmul.f32 v46, v7;
	v3 =	vadd.f32 v53, v3  }
0x2d1: {  	v57 =	vld.idx.msk [tilespmem:v48+s14+$0x0], $0xffff  }
0x2d2: {  	v58 =	vld.idx.msk [tilespmem:v51+s12+$0x0], $0xffff;
	v59 =	vmul.f32 v50, v9;
	v3 =	vadd.f32 v56, v3  }
0x2d3: {  	v60 =	vld.idx.msk [tilespmem:v52+s14+$0x0], $0xffff  }
0x2d4: {  	v2 =	vld.idx.msk [tilespmem:v2+s12+$0x0], $0xffff;
	v61 =	vmul.f32 v54, v11;
	v3 =	vadd.f32 v59, v3  }
0x2d5: {  	v1 =	vld.idx.msk [tilespmem:v1+s14+$0x0], $0xffff  }
0x2d6: {  	v62 =	vmul.f32 v57, v55;
	v3 =	vadd.f32 v61, v3;
	_ =	sdelay $0x1  }
0x2d7: {  	v63 =	vmul.f32 v60, v58;
	v3 =	vadd.f32 v62, v3;
	_ =	sdelay $0x1  }
0x2d8: {  	v1 =	vmul.f32 v1, v2;
	v3 =	vadd.f32 v63, v3;
	_ =	sdelay $0x1  }
0x2d9: {  	v1 =	vadd.f32 v1, v3;
	_ =	sdelay $0x1  }
0x2da: {  	v1 =	vsub.f32 $0.0e+00, v1;
	_ =	sdelay $0x1  }
0x2db: {  	v1 =	vmul.f32 $1.442695020e+00, v1;
	_ =	sdelay $0x1  }
0x2dc: {  	(erf) = vpow2.f32 v1;
	_ =	sdelay $0x8  }
0x2dd: {  	v1 =	vpop (erf)  }
0x2de: {  	v1 =	vadd.f32 $1.000000000e+00, v1;
	_ =	sdelay $0x1  }
0x2df: {  	(erf) = vrcp.f32 v1;
	_ =	sdelay $0x8  }
0x2e0: {  	s30 =	simm.s32 $0x10900;
	v1 =	vpop (erf)  }
0x2e1: {  	s31 =	simm.s32 $0x110;
	[tilespmem:s30+$0x0] =	vst v1  }
0x2e2: {  	s0 =	simm.s32 $0x310;
	v1 =	vld [tilespmem:s31+$0x0]  }
0x2e3: {  	s2 =	simm.s32 $0x10;
	s13 =	simm.s32 $0x20;
	v2 =	vld [tilespmem:s0+$0x0]  }
.LBB2_6:
0x2e4: {  	p0 =	sne.s32 s13, $0x70;
	_ =	sdelay $0x1  }
0x2e5: {  	v3 =	vmov s2;
	s2 =	smov.u32 s13  }
0x2e6: {  	v3 =	vshll.u32 v3, $0x7;
	v1 =	vshll.u32 v1, $0x5  }
0x2e7: {  	v3 =	vor.u32 v0, v3;
	v1 =	vand.u32 $0x60, v1;
	v2 =	vshll.u32 v2, $0x5  }
0x2e8: {  	v4 =	vand.u32 $0x60, v2;
	v2 =	vor.u32 v3, v1  }
0x2e9: {  	v1 =	vor.u32 v3, v4  }
0x2ea: {  	v3 =	vor.u32 $0x1, v2  }
0x2eb: {  	v4 =	vor.u32 $0x1, v1  }
0x2ec: {  	v5 =	vor.u32 $0x2, v2  }
0x2ed: {  	v7 =	vor.u32 $0x2, v1;
	v6 =	vld.idx.msk [tilespmem:v2+s12+$0x0], $0xffff  }
0x2ee: {  	v9 =	vor.u32 $0x3, v2;
	v8 =	vld.idx.msk [tilespmem:v1+s14+$0x0], $0xffff  }
0x2ef: {  	v10 =	vor.u32 $0x3, v1;
	v3 =	vld.idx.msk [tilespmem:v3+s12+$0x0], $0xffff  }
0x2f0: {  	v11 =	vor.u32 $0x4, v2;
	v4 =	vld.idx.msk [tilespmem:v4+s14+$0x0], $0xffff  }
0x2f1: {  	v12 =	vor.u32 $0x4, v1;
	v5 =	vld.idx.msk [tilespmem:v5+s12+$0x0], $0xffff  }
0x2f2: {  	v13 =	vor.u32 $0x5, v2;
	v7 =	vld.idx.msk [tilespmem:v7+s14+$0x0], $0xffff  }
0x2f3: {  	v14 =	vor.u32 $0x5, v1;
	v9 =	vld.idx.msk [tilespmem:v9+s12+$0x0], $0xffff  }
0x2f4: {  	v6 =	vmul.f32 v8, v6;
	v8 =	vld.idx.msk [tilespmem:v10+s14+$0x0], $0xffff;
	v10 =	vor.u32 $0x6, v2  }
0x2f5: {  	v15 =	vor.u32 $0x6, v1;
	v11 =	vld.idx.msk [tilespmem:v11+s12+$0x0], $0xffff  }
0x2f6: {  	v6 =	vadd.f32 $0.0e+00, v6;
	v3 =	vmul.f32 v4, v3;
	v4 =	vld.idx.msk [tilespmem:v12+s14+$0x0], $0xffff;
	v12 =	vor.u32 $0x7, v2  }
0x2f7: {  	v16 =	vor.u32 $0x7, v1;
	v13 =	vld.idx.msk [tilespmem:v13+s12+$0x0], $0xffff  }
0x2f8: {  	v3 =	vadd.f32 v3, v6;
	v5 =	vmul.f32 v7, v5;
	v7 =	vor.u32 $0x8, v2;
	v6 =	vld.idx.msk [tilespmem:v14+s14+$0x0], $0xffff  }
0x2f9: {  	v14 =	vor.u32 $0x8, v1;
	v10 =	vld.idx.msk [tilespmem:v10+s12+$0x0], $0xffff  }
0x2fa: {  	v3 =	vadd.f32 v5, v3;
	v5 =	vmul.f32 v8, v9;
	v9 =	vor.u32 $0x9, v2;
	v8 =	vld.idx.msk [tilespmem:v15+s14+$0x0], $0xffff  }
0x2fb: {  	v15 =	vor.u32 $0x9, v1;
	v12 =	vld.idx.msk [tilespmem:v12+s12+$0x0], $0xffff  }
0x2fc: {  	v3 =	vadd.f32 v5, v3;
	v4 =	vmul.f32 v4, v11;
	v11 =	vor.u32 $0xA, v2;
	v5 =	vld.idx.msk [tilespmem:v16+s14+$0x0], $0xffff  }
0x2fd: {  	v16 =	vor.u32 $0xA, v1;
	v7 =	vld.idx.msk [tilespmem:v7+s12+$0x0], $0xffff  }
0x2fe: {  	v3 =	vadd.f32 v4, v3;
	v4 =	vmul.f32 v6, v13;
	v13 =	vor.u32 $0xB, v2;
	v6 =	vld.idx.msk [tilespmem:v14+s14+$0x0], $0xffff  }
0x2ff: {  	v14 =	vor.u32 $0xB, v1;
	v9 =	vld.idx.msk [tilespmem:v9+s12+$0x0], $0xffff  }
0x300: {  	v3 =	vadd.f32 v4, v3;
	v4 =	vmul.f32 v8, v10;
	v10 =	vor.u32 $0xC, v2;
	v8 =	vld.idx.msk [tilespmem:v15+s14+$0x0], $0xffff  }
0x301: {  	v15 =	vor.u32 $0xC, v1;
	v11 =	vld.idx.msk [tilespmem:v11+s12+$0x0], $0xffff  }
0x302: {  	v3 =	vadd.f32 v4, v3;
	v4 =	vmul.f32 v5, v12;
	v12 =	vor.u32 $0xD, v2;
	v5 =	vld.idx.msk [tilespmem:v16+s14+$0x0], $0xffff  }
0x303: {  	v16 =	vor.u32 $0xD, v1;
	v13 =	vld.idx.msk [tilespmem:v13+s12+$0x0], $0xffff  }
0x304: {  	v3 =	vadd.f32 v4, v3;
	v4 =	vmul.f32 v6, v7;
	v7 =	vor.u32 $0xE, v2;
	v6 =	vld.idx.msk [tilespmem:v14+s14+$0x0], $0xffff  }
0x305: {  	v14 =	vor.u32 $0xE, v1;
	v10 =	vld.idx.msk [tilespmem:v10+s12+$0x0], $0xffff  }
0x306: {  	v3 =	vadd.f32 v4, v3;
	v4 =	vmul.f32 v8, v9;
	v9 =	vor.u32 $0xF, v2;
	v8 =	vld.idx.msk [tilespmem:v15+s14+$0x0], $0xffff  }
0x307: {  	v15 =	vor.u32 $0xF, v1;
	v12 =	vld.idx.msk [tilespmem:v12+s12+$0x0], $0xffff  }
0x308: {  	v3 =	vadd.f32 v4, v3;
	v4 =	vmul.f32 v5, v11;
	v11 =	vor.u32 $0x10, v2;
	v5 =	vld.idx.msk [tilespmem:v16+s14+$0x0], $0xffff  }
0x309: {  	v16 =	vor.u32 $0x10, v1;
	v7 =	vld.idx.msk [tilespmem:v7+s12+$0x0], $0xffff  }
0x30a: {  	v3 =	vadd.f32 v4, v3;
	v4 =	vmul.f32 v6, v13;
	v13 =	vor.u32 $0x11, v2;
	v6 =	vld.idx.msk [tilespmem:v14+s14+$0x0], $0xffff  }
0x30b: {  	v14 =	vor.u32 $0x11, v1;
	v9 =	vld.idx.msk [tilespmem:v9+s12+$0x0], $0xffff  }
0x30c: {  	v3 =	vadd.f32 v4, v3;
	v4 =	vmul.f32 v8, v10;
	v10 =	vor.u32 $0x12, v2;
	v8 =	vld.idx.msk [tilespmem:v15+s14+$0x0], $0xffff  }
0x30d: {  	v15 =	vor.u32 $0x12, v1;
	v11 =	vld.idx.msk [tilespmem:v11+s12+$0x0], $0xffff  }
0x30e: {  	v3 =	vadd.f32 v4, v3;
	v4 =	vmul.f32 v5, v12;
	v12 =	vor.u32 $0x13, v2;
	v5 =	vld.idx.msk [tilespmem:v16+s14+$0x0], $0xffff  }
0x30f: {  	v16 =	vor.u32 $0x13, v1;
	v13 =	vld.idx.msk [tilespmem:v13+s12+$0x0], $0xffff  }
0x310: {  	v3 =	vadd.f32 v4, v3;
	v4 =	vmul.f32 v6, v7;
	v7 =	vor.u32 $0x14, v2;
	v6 =	vld.idx.msk [tilespmem:v14+s14+$0x0], $0xffff  }
0x311: {  	v14 =	vor.u32 $0x14, v1;
	v10 =	vld.idx.msk [tilespmem:v10+s12+$0x0], $0xffff  }
0x312: {  	v3 =	vadd.f32 v4, v3;
	v4 =	vmul.f32 v8, v9;
	v9 =	vor.u32 $0x15, v2;
	v8 =	vld.idx.msk [tilespmem:v15+s14+$0x0], $0xffff  }
0x313: {  	v15 =	vor.u32 $0x15, v1;
	v12 =	vld.idx.msk [tilespmem:v12+s12+$0x0], $0xffff  }
0x314: {  	v3 =	vadd.f32 v4, v3;
	v4 =	vmul.f32 v5, v11;
	v11 =	vor.u32 $0x16, v2;
	v5 =	vld.idx.msk [tilespmem:v16+s14+$0x0], $0xffff  }
0x315: {  	v16 =	vor.u32 $0x16, v1;
	v7 =	vld.idx.msk [tilespmem:v7+s12+$0x0], $0xffff  }
0x316: {  	v3 =	vadd.f32 v4, v3;
	v4 =	vmul.f32 v6, v13;
	v13 =	vor.u32 $0x17, v2;
	v6 =	vld.idx.msk [tilespmem:v14+s14+$0x0], $0xffff  }
0x317: {  	v14 =	vor.u32 $0x17, v1;
	v9 =	vld.idx.msk [tilespmem:v9+s12+$0x0], $0xffff  }
0x318: {  	v3 =	vadd.f32 v4, v3;
	v4 =	vmul.f32 v8, v10;
	v10 =	vor.u32 $0x18, v2;
	v8 =	vld.idx.msk [tilespmem:v15+s14+$0x0], $0xffff  }
0x319: {  	v15 =	vor.u32 $0x18, v1;
	v11 =	vld.idx.msk [tilespmem:v11+s12+$0x0], $0xffff  }
0x31a: {  	v3 =	vadd.f32 v4, v3;
	v4 =	vmul.f32 v5, v12;
	v12 =	vor.u32 $0x19, v2;
	v5 =	vld.idx.msk [tilespmem:v16+s14+$0x0], $0xffff  }
0x31b: {  	v16 =	vor.u32 $0x19, v1;
	v13 =	vld.idx.msk [tilespmem:v13+s12+$0x0], $0xffff  }
0x31c: {  	v3 =	vadd.f32 v4, v3;
	v4 =	vmul.f32 v6, v7;
	v7 =	vor.u32 $0x1A, v2;
	v6 =	vld.idx.msk [tilespmem:v14+s14+$0x0], $0xffff  }
0x31d: {  	v14 =	vor.u32 $0x1A, v1;
	v10 =	vld.idx.msk [tilespmem:v10+s12+$0x0], $0xffff  }
0x31e: {  	v3 =	vadd.f32 v4, v3;
	v4 =	vmul.f32 v8, v9;
	v9 =	vor.u32 $0x1B, v2;
	v8 =	vld.idx.msk [tilespmem:v15+s14+$0x0], $0xffff  }
0x31f: {  	v15 =	vor.u32 $0x1B, v1;
	v12 =	vld.idx.msk [tilespmem:v12+s12+$0x0], $0xffff  }
0x320: {  	v3 =	vadd.f32 v4, v3;
	v4 =	vmul.f32 v5, v11;
	v11 =	vor.u32 $0x1C, v2;
	v5 =	vld.idx.msk [tilespmem:v16+s14+$0x0], $0xffff  }
0x321: {  	v16 =	vor.u32 $0x1C, v1;
	v7 =	vld.idx.msk [tilespmem:v7+s12+$0x0], $0xffff  }
0x322: {  	v3 =	vadd.f32 v4, v3;
	v4 =	vmul.f32 v6, v13;
	v13 =	vor.u32 $0x1D, v2;
	v6 =	vld.idx.msk [tilespmem:v14+s14+$0x0], $0xffff  }
0x323: {  	v14 =	vor.u32 $0x1D, v1;
	v9 =	vld.idx.msk [tilespmem:v9+s12+$0x0], $0xffff  }
0x324: {  	v3 =	vadd.f32 v4, v3;
	v4 =	vmul.f32 v8, v10;
	v10 =	vor.u32 $0x1E, v2;
	v8 =	vld.idx.msk [tilespmem:v15+s14+$0x0], $0xffff  }
0x325: {  	v15 =	vor.u32 $0x1E, v1;
	v11 =	vld.idx.msk [tilespmem:v11+s12+$0x0], $0xffff  }
0x326: {  	v2 =	vor.u32 $0x1F, v2;
	v3 =	vadd.f32 v4, v3;
	v4 =	vmul.f32 v5, v12;
	v5 =	vld.idx.msk [tilespmem:v16+s14+$0x0], $0xffff  }
0x327: {  	v1 =	vor.u32 $0x1F, v1;
	v12 =	vld.idx.msk [tilespmem:v13+s12+$0x0], $0xffff  }
0x328: {  	v3 =	vadd.f32 v4, v3;
	v4 =	vmul.f32 v6, v7;
	v6 =	vld.idx.msk [tilespmem:v14+s14+$0x0], $0xffff  }
0x329: {  	v7 =	vld.idx.msk [tilespmem:v10+s12+$0x0], $0xffff  }
0x32a: {  	v3 =	vadd.f32 v4, v3;
	v4 =	vmul.f32 v8, v9;
	v8 =	vld.idx.msk [tilespmem:v15+s14+$0x0], $0xffff  }
0x32b: {  	v2 =	vld.idx.msk [tilespmem:v2+s12+$0x0], $0xffff  }
0x32c: {  	v3 =	vadd.f32 v4, v3;
	v4 =	vmul.f32 v5, v11;
	v1 =	vld.idx.msk [tilespmem:v1+s14+$0x0], $0xffff;
	_ =	sdelay $0x1  }
0x32d: {  	v3 =	vadd.f32 v4, v3;
	v4 =	vmul.f32 v6, v12;
	_ =	sdelay $0x1  }
0x32e: {  	v3 =	vadd.f32 v4, v3;
	v4 =	vmul.f32 v8, v7;
	_ =	sdelay $0x1  }
0x32f: {  	v3 =	vadd.f32 v4, v3;
	v1 =	vmul.f32 v1, v2;
	_ =	sdelay $0x1  }
0x330: {  	v1 =	vadd.f32 v1, v3;
	_ =	sdelay $0x1  }
0x331: {  	v1 =	vsub.f32 $0.0e+00, v1;
	_ =	sdelay $0x1  }
0x332: {  	v1 =	vmul.f32 $1.442695020e+00, v1;
	_ =	sdelay $0x1  }
0x333: {  	(erf) = vpow2.f32 v1;
	_ =	sdelay $0x8  }
0x334: {  	v1 =	vpop (erf)  }
0x335: {  	v1 =	vadd.f32 $1.000000000e+00, v1;
	_ =	sdelay $0x1  }
0x336: {  	(erf) = vrcp.f32 v1;
	_ =	sdelay $0x7  }
.Ltmp2:
0x337: {  	(pc) =	sbr.rel @p0 .LBB2_6-.Ltmp2, $4  }
0x338: {  	s30 =	sadd.s32 $0x10, s30;
	v1 =	vpop (erf)  }
0x339: {  	s31 =	sadd.s32 $0x10, s31;
	[tilespmem:s30+$0x0] =	vst v1  }
0x33a: {  	s0 =	sadd.s32 $0x10, s0;
	v1 =	vld [tilespmem:s31+$0x0]  }
0x33b: {  	s13 =	sadd.s32 $0x10, s13;
	v2 =	vld [tilespmem:s0+$0x0]  }
0x33c: {  	_ =	sdelay $0x1  }
0x33d: {  	v3 =	vmov s2  }
0x33e: {  	v3 =	vshll.u32 v3, $0x7;
	v1 =	vshll.u32 v1, $0x5  }
0x33f: {  	v3 =	vor.u32 v0, v3;
	v1 =	vand.u32 $0x60, v1;
	v2 =	vshll.u32 v2, $0x5  }
0x340: {  	v4 =	vand.u32 $0x60, v2;
	v2 =	vor.u32 v3, v1  }
0x341: {  	v1 =	vor.u32 v3, v4  }
0x342: {  	v3 =	vor.u32 $0x1, v2  }
0x343: {  	v4 =	vor.u32 $0x1, v1  }
0x344: {  	v5 =	vor.u32 $0x2, v2  }
0x345: {  	v7 =	vor.u32 $0x2, v1;
	v6 =	vld.idx.msk [tilespmem:v2+s12+$0x0], $0xffff  }
0x346: {  	v9 =	vor.u32 $0x3, v2;
	v8 =	vld.idx.msk [tilespmem:v1+s14+$0x0], $0xffff  }
0x347: {  	v10 =	vor.u32 $0x3, v1;
	v3 =	vld.idx.msk [tilespmem:v3+s12+$0x0], $0xffff  }
0x348: {  	v11 =	vor.u32 $0x4, v2;
	v4 =	vld.idx.msk [tilespmem:v4+s14+$0x0], $0xffff  }
0x349: {  	v12 =	vor.u32 $0x4, v1;
	v5 =	vld.idx.msk [tilespmem:v5+s12+$0x0], $0xffff  }
0x34a: {  	v13 =	vor.u32 $0x5, v2;
	v7 =	vld.idx.msk [tilespmem:v7+s14+$0x0], $0xffff  }
0x34b: {  	v14 =	vor.u32 $0x5, v1;
	v9 =	vld.idx.msk [tilespmem:v9+s12+$0x0], $0xffff;
	v6 =	vmul.f32 v8, v6  }
0x34c: {  	v21 =	vor.u32 $0x6, v2;
	v20 =	vld.idx.msk [tilespmem:v10+s14+$0x0], $0xffff  }
0x34d: {  	v15 =	vor.u32 $0x6, v1;
	v11 =	vld.idx.msk [tilespmem:v11+s12+$0x0], $0xffff;
	v3 =	vmul.f32 v4, v3;
	v6 =	vadd.f32 $0.0e+00, v6  }
0x34e: {  	v23 =	vor.u32 $0x7, v2;
	v22 =	vld.idx.msk [tilespmem:v12+s14+$0x0], $0xffff  }
0x34f: {  	v16 =	vor.u32 $0x7, v1;
	v13 =	vld.idx.msk [tilespmem:v13+s12+$0x0], $0xffff;
	v5 =	vmul.f32 v7, v5;
	v3 =	vadd.f32 v3, v6  }
0x350: {  	v26 =	vor.u32 $0x8, v1;
	v24 =	vld.idx.msk [tilespmem:v14+s14+$0x0], $0xffff  }
0x351: {  	v25 =	vor.u32 $0x8, v2;
	v10 =	vld.idx.msk [tilespmem:v21+s12+$0x0], $0xffff;
	v27 =	vmul.f32 v20, v9;
	v3 =	vadd.f32 v5, v3  }
0x352: {  	v30 =	vor.u32 $0x9, v1;
	v28 =	vld.idx.msk [tilespmem:v15+s14+$0x0], $0xffff  }
0x353: {  	v29 =	vor.u32 $0x9, v2;
	v12 =	vld.idx.msk [tilespmem:v23+s12+$0x0], $0xffff;
	v4 =	vmul.f32 v22, v11;
	v3 =	vadd.f32 v27, v3  }
0x354: {  	v33 =	vor.u32 $0xA, v1;
	v31 =	vld.idx.msk [tilespmem:v16+s14+$0x0], $0xffff  }
0x355: {  	v32 =	vor.u32 $0xA, v2;
	v35 =	vld.idx.msk [tilespmem:v26+s14+$0x0], $0xffff;
	v34 =	vmul.f32 v24, v13;
	v3 =	vadd.f32 v4, v3  }
0x356: {  	v37 =	vor.u32 $0xB, v1;
	v7 =	vld.idx.msk [tilespmem:v25+s12+$0x0], $0xffff  }
0x357: {  	v36 =	vor.u32 $0xB, v2;
	v39 =	vld.idx.msk [tilespmem:v30+s14+$0x0], $0xffff;
	v38 =	vmul.f32 v28, v10;
	v3 =	vadd.f32 v34, v3  }
0x358: {  	v41 =	vor.u32 $0xC, v1;
	v9 =	vld.idx.msk [tilespmem:v29+s12+$0x0], $0xffff  }
0x359: {  	v40 =	vor.u32 $0xC, v2;
	v43 =	vld.idx.msk [tilespmem:v33+s14+$0x0], $0xffff;
	v42 =	vmul.f32 v31, v12;
	v3 =	vadd.f32 v38, v3  }
0x35a: {  	v45 =	vor.u32 $0xD, v1;
	v11 =	vld.idx.msk [tilespmem:v32+s12+$0x0], $0xffff  }
0x35b: {  	v44 =	vor.u32 $0xD, v2;
	v47 =	vld.idx.msk [tilespmem:v37+s14+$0x0], $0xffff;
	v46 =	vmul.f32 v35, v7;
	v3 =	vadd.f32 v42, v3  }
0x35c: {  	v49 =	vor.u32 $0xE, v1;
	v13 =	vld.idx.msk [tilespmem:v36+s12+$0x0], $0xffff  }
0x35d: {  	v48 =	vor.u32 $0xE, v2;
	v51 =	vld.idx.msk [tilespmem:v41+s14+$0x0], $0xffff;
	v50 =	vmul.f32 v39, v9;
	v3 =	vadd.f32 v46, v3  }
0x35e: {  	v53 =	vor.u32 $0xF, v1;
	v10 =	vld.idx.msk [tilespmem:v40+s12+$0x0], $0xffff  }
0x35f: {  	v52 =	vor.u32 $0xF, v2;
	v55 =	vld.idx.msk [tilespmem:v45+s14+$0x0], $0xffff;
	v54 =	vmul.f32 v43, v11;
	v3 =	vadd.f32 v50, v3  }
0x360: {  	v57 =	vor.u32 $0x10, v1;
	v12 =	vld.idx.msk [tilespmem:v44+s12+$0x0], $0xffff  }
0x361: {  	v56 =	vor.u32 $0x10, v2;
	v59 =	vld.idx.msk [tilespmem:v49+s14+$0x0], $0xffff;
	v58 =	vmul.f32 v47, v13;
	v3 =	vadd.f32 v54, v3  }
0x362: {  	v60 =	vor.u32 $0x11, v2;
	v7 =	vld.idx.msk [tilespmem:v48+s12+$0x0], $0xffff  }
0x363: {  	v61 =	vor.u32 $0x11, v1;
	v63 =	vld.idx.msk [tilespmem:v53+s14+$0x0], $0xffff;
	v62 =	vmul.f32 v51, v10;
	v3 =	vadd.f32 v58, v3  }
0x364: {  	v21 =	vor.u32 $0x12, v1;
	v9 =	vld.idx.msk [tilespmem:v52+s12+$0x0], $0xffff  }
0x365: {  	v23 =	vld.idx.msk [tilespmem:v57+s14+$0x0], $0xffff;
	v20 =	vor.u32 $0x12, v2;
	v22 =	vmul.f32 v55, v12;
	v3 =	vadd.f32 v62, v3  }
0x366: {  	v24 =	vor.u32 $0x13, v2;
	v11 =	vld.idx.msk [tilespmem:v56+s12+$0x0], $0xffff  }
0x367: {  	v25 =	vor.u32 $0x13, v1;
	v13 =	vld.idx.msk [tilespmem:v60+s12+$0x0], $0xffff;
	v26 =	vmul.f32 v59, v7;
	v3 =	vadd.f32 v22, v3  }
0x368: {  	v29 =	vor.u32 $0x14, v1;
	v27 =	vld.idx.msk [tilespmem:v61+s14+$0x0], $0xffff  }
0x369: {  	v28 =	vor.u32 $0x14, v2;
	v31 =	vld.idx.msk [tilespmem:v21+s14+$0x0], $0xffff;
	v30 =	vmul.f32 v63, v9;
	v3 =	vadd.f32 v26, v3  }
0x36a: {  	v33 =	vor.u32 $0x15, v1;
	v10 =	vld.idx.msk [tilespmem:v20+s12+$0x0], $0xffff  }
0x36b: {  	v32 =	vor.u32 $0x15, v2;
	v12 =	vld.idx.msk [tilespmem:v24+s12+$0x0], $0xffff;
	v34 =	vmul.f32 v23, v11;
	v3 =	vadd.f32 v30, v3  }
0x36c: {  	v37 =	vor.u32 $0x16, v1;
	v35 =	vld.idx.msk [tilespmem:v25+s14+$0x0], $0xffff  }
0x36d: {  	v36 =	vor.u32 $0x16, v2;
	v39 =	vld.idx.msk [tilespmem:v29+s14+$0x0], $0xffff;
	v38 =	vmul.f32 v27, v13;
	v3 =	vadd.f32 v34, v3  }
0x36e: {  	v41 =	vor.u32 $0x17, v1;
	v7 =	vld.idx.msk [tilespmem:v28+s12+$0x0], $0xffff  }
0x36f: {  	v40 =	vor.u32 $0x17, v2;
	v43 =	vld.idx.msk [tilespmem:v33+s14+$0x0], $0xffff;
	v42 =	vmul.f32 v31, v10;
	v3 =	vadd.f32 v38, v3  }
0x370: {  	v45 =	vor.u32 $0x18, v1;
	v9 =	vld.idx.msk [tilespmem:v32+s12+$0x0], $0xffff  }
0x371: {  	v44 =	vor.u32 $0x18, v2;
	v47 =	vld.idx.msk [tilespmem:v37+s14+$0x0], $0xffff;
	v46 =	vmul.f32 v35, v12;
	v3 =	vadd.f32 v42, v3  }
0x372: {  	v49 =	vor.u32 $0x19, v1;
	v11 =	vld.idx.msk [tilespmem:v36+s12+$0x0], $0xffff  }
0x373: {  	v48 =	vor.u32 $0x19, v2;
	v51 =	vld.idx.msk [tilespmem:v41+s14+$0x0], $0xffff;
	v50 =	vmul.f32 v39, v7;
	v3 =	vadd.f32 v46, v3  }
0x374: {  	v53 =	vor.u32 $0x1A, v1;
	v13 =	vld.idx.msk [tilespmem:v40+s12+$0x0], $0xffff  }
0x375: {  	v52 =	vor.u32 $0x1A, v2;
	v55 =	vld.idx.msk [tilespmem:v45+s14+$0x0], $0xffff;
	v54 =	vmul.f32 v43, v9;
	v3 =	vadd.f32 v50, v3  }
0x376: {  	v57 =	vor.u32 $0x1B, v1;
	v10 =	vld.idx.msk [tilespmem:v44+s12+$0x0], $0xffff  }
0x377: {  	v56 =	vor.u32 $0x1B, v2;
	v59 =	vld.idx.msk [tilespmem:v49+s14+$0x0], $0xffff;
	v58 =	vmul.f32 v47, v11;
	v3 =	vadd.f32 v54, v3  }
0x378: {  	v61 =	vor.u32 $0x1C, v1;
	v12 =	vld.idx.msk [tilespmem:v48+s12+$0x0], $0xffff  }
0x379: {  	v60 =	vor.u32 $0x1C, v2;
	v63 =	vld.idx.msk [tilespmem:v53+s14+$0x0], $0xffff;
	v62 =	vmul.f32 v51, v13;
	v3 =	vadd.f32 v58, v3  }
0x37a: {  	v19 =	vor.u32 $0x1D, v1;
	v7 =	vld.idx.msk [tilespmem:v52+s12+$0x0], $0xffff  }
0x37b: {  	v18 =	vor.u32 $0x1D, v2;
	v21 =	vld.idx.msk [tilespmem:v57+s14+$0x0], $0xffff;
	v20 =	vmul.f32 v55, v10;
	v3 =	vadd.f32 v62, v3  }
0x37c: {  	v23 =	vor.u32 $0x1E, v1;
	v9 =	vld.idx.msk [tilespmem:v56+s12+$0x0], $0xffff  }
0x37d: {  	v25 =	vld.idx.msk [tilespmem:v61+s14+$0x0], $0xffff;
	v24 =	vmul.f32 v59, v12;
	v22 =	vor.u32 $0x1E, v2;
	v3 =	vadd.f32 v20, v3  }
0x37e: {  	v1 =	vor.u32 $0x1F, v1;
	v11 =	vld.idx.msk [tilespmem:v60+s12+$0x0], $0xffff  }
0x37f: {  	v28 =	vld.idx.msk [tilespmem:v19+s14+$0x0], $0xffff;
	v27 =	vmul.f32 v63, v7;
	v2 =	vor.u32 $0x1F, v2;
	v3 =	vadd.f32 v24, v3  }
0x380: {  	v26 =	vld.idx.msk [tilespmem:v18+s12+$0x0], $0xffff  }
0x381: {  	v31 =	vld.idx.msk [tilespmem:v23+s14+$0x0], $0xffff;
	v30 =	vmul.f32 v21, v9;
	v3 =	vadd.f32 v27, v3  }
0x382: {  	v29 =	vld.idx.msk [tilespmem:v22+s12+$0x0], $0xffff  }
0x383: {  	v1 =	vld.idx.msk [tilespmem:v1+s14+$0x0], $0xffff;
	v32 =	vmul.f32 v25, v11;
	v3 =	vadd.f32 v30, v3  }
0x384: {  	v2 =	vld.idx.msk [tilespmem:v2+s12+$0x0], $0xffff  }
0x385: {  	v33 =	vmul.f32 v28, v26;
	v3 =	vadd.f32 v32, v3;
	_ =	sdelay $0x1  }
0x386: {  	v34 =	vmul.f32 v31, v29;
	v3 =	vadd.f32 v33, v3;
	_ =	sdelay $0x1  }
0x387: {  	v1 =	vmul.f32 v1, v2;
	v3 =	vadd.f32 v34, v3;
	_ =	sdelay $0x1  }
0x388: {  	v1 =	vadd.f32 v1, v3;
	_ =	sdelay $0x1  }
0x389: {  	v1 =	vsub.f32 $0.0e+00, v1;
	_ =	sdelay $0x1  }
0x38a: {  	v1 =	vmul.f32 $1.442695020e+00, v1;
	_ =	sdelay $0x1  }
0x38b: {  	(erf) = vpow2.f32 v1;
	_ =	sdelay $0x8  }
0x38c: {  	v1 =	vpop (erf)  }
0x38d: {  	v1 =	vadd.f32 $1.000000000e+00, v1;
	_ =	sdelay $0x1  }
0x38e: {  	(erf) = vrcp.f32 v1;
	_ =	sdelay $0x8  }
0x38f: {  	s0 =	sadd.s32 $0x10, s30;
	v1 =	vpop (erf)  }
0x390: {  	[tilespmem:s0+$0x0] =	vst v1  }
0x391: {  	_ =	swait.ge [sflag:s23], $0x4000  }
0x392: {  	[sflag:s23] =	ssyncset.done $0x0  }
0x393: {  	[sflag:s23] =	ssyncadd.s32 $0xFFFFC000  }
0x394: {  	_ =	swait.ge [sflag:s24], $0x4000  }
0x395: {  	[sflag:s24] =	ssyncset.done $0x0  }
0x396: {  	s2 =	simm.s32 $0x180;
	[sflag:s24] =	ssyncadd.s32 $0xFFFFC000  }
0x397: {  	s13 =	simm.s32 $0x380;
	v1 =	vld [tilespmem:s2+$0x0]  }
0x398: {  	v2 =	vld [tilespmem:s13+$0x0];
	_ =	sdelay $0x1  }
0x399: {  	s13 =	simm.s32 $0x0  }
0x39a: {  	v3 =	vmov s13  }
0x39b: {  	v3 =	vshll.u32 v3, $0x7;
	v1 =	vshll.u32 v1, $0x5  }
0x39c: {  	v3 =	vor.u32 v0, v3;
	v2 =	vshll.u32 v2, $0x5;
	v1 =	vand.u32 $0x60, v1  }
0x39d: {  	v35 =	vand.u32 $0x60, v2;
	v2 =	vor.u32 v3, v1  }
0x39e: {  	v1 =	vor.u32 v3, v35  }
0x39f: {  	v3 =	vor.u32 $0x1, v2  }
0x3a0: {  	v4 =	vor.u32 $0x1, v1  }
0x3a1: {  	v36 =	vor.u32 $0x2, v2  }
0x3a2: {  	v38 =	vor.u32 $0x2, v1;
	v37 =	vld.idx.msk [tilespmem:v2+s16+$0x0], $0xffff  }
0x3a3: {  	v40 =	vor.u32 $0x3, v2;
	v39 =	vld.idx.msk [tilespmem:v1+s18+$0x0], $0xffff  }
0x3a4: {  	v41 =	vor.u32 $0x3, v1;
	v3 =	vld.idx.msk [tilespmem:v3+s16+$0x0], $0xffff  }
0x3a5: {  	v42 =	vor.u32 $0x4, v2;
	v4 =	vld.idx.msk [tilespmem:v4+s18+$0x0], $0xffff  }
0x3a6: {  	v43 =	vor.u32 $0x4, v1;
	v5 =	vld.idx.msk [tilespmem:v36+s16+$0x0], $0xffff  }
0x3a7: {  	v44 =	vor.u32 $0x5, v2;
	v7 =	vld.idx.msk [tilespmem:v38+s18+$0x0], $0xffff  }
0x3a8: {  	v45 =	vor.u32 $0x5, v1;
	v9 =	vld.idx.msk [tilespmem:v40+s16+$0x0], $0xffff;
	v6 =	vmul.f32 v39, v37  }
0x3a9: {  	v47 =	vor.u32 $0x6, v2;
	v46 =	vld.idx.msk [tilespmem:v41+s18+$0x0], $0xffff  }
0x3aa: {  	v48 =	vor.u32 $0x6, v1;
	v11 =	vld.idx.msk [tilespmem:v42+s16+$0x0], $0xffff;
	v3 =	vmul.f32 v4, v3;
	v6 =	vadd.f32 $0.0e+00, v6  }
0x3ab: {  	v50 =	vor.u32 $0x7, v2;
	v49 =	vld.idx.msk [tilespmem:v43+s18+$0x0], $0xffff  }
0x3ac: {  	v51 =	vor.u32 $0x7, v1;
	v13 =	vld.idx.msk [tilespmem:v44+s16+$0x0], $0xffff;
	v5 =	vmul.f32 v7, v5;
	v3 =	vadd.f32 v3, v6  }
0x3ad: {  	v54 =	vor.u32 $0x8, v1;
	v52 =	vld.idx.msk [tilespmem:v45+s18+$0x0], $0xffff  }
0x3ae: {  	v53 =	vor.u32 $0x8, v2;
	v10 =	vld.idx.msk [tilespmem:v47+s16+$0x0], $0xffff;
	v55 =	vmul.f32 v46, v9;
	v3 =	vadd.f32 v5, v3  }
0x3af: {  	v58 =	vor.u32 $0x9, v1;
	v56 =	vld.idx.msk [tilespmem:v48+s18+$0x0], $0xffff  }
0x3b0: {  	v57 =	vor.u32 $0x9, v2;
	v12 =	vld.idx.msk [tilespmem:v50+s16+$0x0], $0xffff;
	v4 =	vmul.f32 v49, v11;
	v3 =	vadd.f32 v55, v3  }
0x3b1: {  	v61 =	vor.u32 $0xA, v1;
	v59 =	vld.idx.msk [tilespmem:v51+s18+$0x0], $0xffff  }
0x3b2: {  	v60 =	vor.u32 $0xA, v2;
	v63 =	vld.idx.msk [tilespmem:v54+s18+$0x0], $0xffff;
	v62 =	vmul.f32 v52, v13;
	v3 =	vadd.f32 v4, v3  }
0x3b3: {  	v20 =	vor.u32 $0xB, v1;
	v7 =	vld.idx.msk [tilespmem:v53+s16+$0x0], $0xffff  }
0x3b4: {  	v19 =	vor.u32 $0xB, v2;
	v22 =	vld.idx.msk [tilespmem:v58+s18+$0x0], $0xffff;
	v21 =	vmul.f32 v56, v10;
	v3 =	vadd.f32 v62, v3  }
0x3b5: {  	v24 =	vor.u32 $0xC, v1;
	v9 =	vld.idx.msk [tilespmem:v57+s16+$0x0], $0xffff  }
0x3b6: {  	v23 =	vor.u32 $0xC, v2;
	v26 =	vld.idx.msk [tilespmem:v61+s18+$0x0], $0xffff;
	v25 =	vmul.f32 v59, v12;
	v3 =	vadd.f32 v21, v3  }
0x3b7: {  	v28 =	vor.u32 $0xD, v1;
	v11 =	vld.idx.msk [tilespmem:v60+s16+$0x0], $0xffff  }
0x3b8: {  	v27 =	vor.u32 $0xD, v2;
	v30 =	vld.idx.msk [tilespmem:v20+s18+$0x0], $0xffff;
	v29 =	vmul.f32 v63, v7;
	v3 =	vadd.f32 v25, v3  }
0x3b9: {  	v32 =	vor.u32 $0xE, v1;
	v13 =	vld.idx.msk [tilespmem:v19+s16+$0x0], $0xffff  }
0x3ba: {  	v31 =	vor.u32 $0xE, v2;
	v34 =	vld.idx.msk [tilespmem:v24+s18+$0x0], $0xffff;
	v33 =	vmul.f32 v22, v9;
	v3 =	vadd.f32 v29, v3  }
0x3bb: {  	v36 =	vor.u32 $0xF, v1;
	v10 =	vld.idx.msk [tilespmem:v23+s16+$0x0], $0xffff  }
0x3bc: {  	v35 =	vor.u32 $0xF, v2;
	v38 =	vld.idx.msk [tilespmem:v28+s18+$0x0], $0xffff;
	v37 =	vmul.f32 v26, v11;
	v3 =	vadd.f32 v33, v3  }
0x3bd: {  	v40 =	vor.u32 $0x10, v1;
	v12 =	vld.idx.msk [tilespmem:v27+s16+$0x0], $0xffff  }
0x3be: {  	v42 =	vld.idx.msk [tilespmem:v32+s18+$0x0], $0xffff;
	v39 =	vor.u32 $0x10, v2;
	v41 =	vmul.f32 v30, v13;
	v3 =	vadd.f32 v37, v3  }
0x3bf: {  	v44 =	vor.u32 $0x11, v1;
	v7 =	vld.idx.msk [tilespmem:v31+s16+$0x0], $0xffff  }
0x3c0: {  	v43 =	vor.u32 $0x11, v2;
	v46 =	vld.idx.msk [tilespmem:v36+s18+$0x0], $0xffff;
	v45 =	vmul.f32 v34, v10;
	v3 =	vadd.f32 v41, v3  }
0x3c1: {  	v48 =	vor.u32 $0x12, v1;
	v9 =	vld.idx.msk [tilespmem:v35+s16+$0x0], $0xffff  }
0x3c2: {  	v47 =	vor.u32 $0x12, v2;
	v50 =	vld.idx.msk [tilespmem:v40+s18+$0x0], $0xffff;
	v49 =	vmul.f32 v38, v12;
	v3 =	vadd.f32 v45, v3  }
0x3c3: {  	v51 =	vor.u32 $0x13, v2;
	v11 =	vld.idx.msk [tilespmem:v39+s16+$0x0], $0xffff  }
0x3c4: {  	v52 =	vor.u32 $0x13, v1;
	v54 =	vld.idx.msk [tilespmem:v44+s18+$0x0], $0xffff;
	v53 =	vmul.f32 v42, v7;
	v3 =	vadd.f32 v49, v3  }
0x3c5: {  	v56 =	vor.u32 $0x14, v1;
	v13 =	vld.idx.msk [tilespmem:v43+s16+$0x0], $0xffff  }
0x3c6: {  	v58 =	vld.idx.msk [tilespmem:v48+s18+$0x0], $0xffff;
	v55 =	vor.u32 $0x14, v2;
	v57 =	vmul.f32 v46, v9;
	v3 =	vadd.f32 v53, v3  }
0x3c7: {  	v60 =	vor.u32 $0x15, v1;
	v10 =	vld.idx.msk [tilespmem:v47+s16+$0x0], $0xffff  }
0x3c8: {  	v59 =	vor.u32 $0x15, v2;
	v12 =	vld.idx.msk [tilespmem:v51+s16+$0x0], $0xffff;
	v61 =	vmul.f32 v50, v11;
	v3 =	vadd.f32 v57, v3  }
0x3c9: {  	v20 =	vor.u32 $0x16, v1;
	v62 =	vld.idx.msk [tilespmem:v52+s18+$0x0], $0xffff  }
0x3ca: {  	v63 =	vor.u32 $0x16, v2;
	v22 =	vld.idx.msk [tilespmem:v56+s18+$0x0], $0xffff;
	v21 =	vmul.f32 v54, v13;
	v3 =	vadd.f32 v61, v3  }
0x3cb: {  	v24 =	vor.u32 $0x17, v1;
	v7 =	vld.idx.msk [tilespmem:v55+s16+$0x0], $0xffff  }
0x3cc: {  	v23 =	vor.u32 $0x17, v2;
	v26 =	vld.idx.msk [tilespmem:v60+s18+$0x0], $0xffff;
	v25 =	vmul.f32 v58, v10;
	v3 =	vadd.f32 v21, v3  }
0x3cd: {  	v28 =	vor.u32 $0x18, v1;
	v9 =	vld.idx.msk [tilespmem:v59+s16+$0x0], $0xffff  }
0x3ce: {  	v27 =	vor.u32 $0x18, v2;
	v30 =	vld.idx.msk [tilespmem:v20+s18+$0x0], $0xffff;
	v29 =	vmul.f32 v62, v12;
	v3 =	vadd.f32 v25, v3  }
0x3cf: {  	v32 =	vor.u32 $0x19, v1;
	v11 =	vld.idx.msk [tilespmem:v63+s16+$0x0], $0xffff  }
0x3d0: {  	v31 =	vor.u32 $0x19, v2;
	v34 =	vld.idx.msk [tilespmem:v24+s18+$0x0], $0xffff;
	v33 =	vmul.f32 v22, v7;
	v3 =	vadd.f32 v29, v3  }
0x3d1: {  	v36 =	vor.u32 $0x1A, v1;
	v13 =	vld.idx.msk [tilespmem:v23+s16+$0x0], $0xffff  }
0x3d2: {  	v35 =	vor.u32 $0x1A, v2;
	v38 =	vld.idx.msk [tilespmem:v28+s18+$0x0], $0xffff;
	v37 =	vmul.f32 v26, v9;
	v3 =	vadd.f32 v33, v3  }
0x3d3: {  	v40 =	vor.u32 $0x1B, v1;
	v10 =	vld.idx.msk [tilespmem:v27+s16+$0x0], $0xffff  }
0x3d4: {  	v39 =	vor.u32 $0x1B, v2;
	v42 =	vld.idx.msk [tilespmem:v32+s18+$0x0], $0xffff;
	v41 =	vmul.f32 v30, v11;
	v3 =	vadd.f32 v37, v3  }
0x3d5: {  	v44 =	vor.u32 $0x1C, v1;
	v12 =	vld.idx.msk [tilespmem:v31+s16+$0x0], $0xffff  }
0x3d6: {  	v43 =	vor.u32 $0x1C, v2;
	v46 =	vld.idx.msk [tilespmem:v36+s18+$0x0], $0xffff;
	v45 =	vmul.f32 v34, v13;
	v3 =	vadd.f32 v41, v3  }
0x3d7: {  	v47 =	vor.u32 $0x1D, v2;
	v7 =	vld.idx.msk [tilespmem:v35+s16+$0x0], $0xffff  }
0x3d8: {  	v48 =	vor.u32 $0x1D, v1;
	v50 =	vld.idx.msk [tilespmem:v40+s18+$0x0], $0xffff;
	v49 =	vmul.f32 v38, v10;
	v3 =	vadd.f32 v45, v3  }
0x3d9: {  	v51 =	vor.u32 $0x1E, v2;
	v9 =	vld.idx.msk [tilespmem:v39+s16+$0x0], $0xffff  }
0x3da: {  	v52 =	vor.u32 $0x1E, v1;
	v54 =	vld.idx.msk [tilespmem:v44+s18+$0x0], $0xffff;
	v53 =	vmul.f32 v42, v12;
	v3 =	vadd.f32 v49, v3  }
0x3db: {  	v2 =	vor.u32 $0x1F, v2;
	v11 =	vld.idx.msk [tilespmem:v43+s16+$0x0], $0xffff  }
0x3dc: {  	v1 =	vor.u32 $0x1F, v1;
	v55 =	vld.idx.msk [tilespmem:v47+s16+$0x0], $0xffff;
	v56 =	vmul.f32 v46, v7;
	v3 =	vadd.f32 v53, v3  }
0x3dd: {  	v57 =	vld.idx.msk [tilespmem:v48+s18+$0x0], $0xffff  }
0x3de: {  	v58 =	vld.idx.msk [tilespmem:v51+s16+$0x0], $0xffff;
	v59 =	vmul.f32 v50, v9;
	v3 =	vadd.f32 v56, v3  }
0x3df: {  	v60 =	vld.idx.msk [tilespmem:v52+s18+$0x0], $0xffff  }
0x3e0: {  	v2 =	vld.idx.msk [tilespmem:v2+s16+$0x0], $0xffff;
	v61 =	vmul.f32 v54, v11;
	v3 =	vadd.f32 v59, v3  }
0x3e1: {  	v1 =	vld.idx.msk [tilespmem:v1+s18+$0x0], $0xffff  }
0x3e2: {  	v62 =	vmul.f32 v57, v55;
	v3 =	vadd.f32 v61, v3;
	_ =	sdelay $0x1  }
0x3e3: {  	v63 =	vmul.f32 v60, v58;
	v3 =	vadd.f32 v62, v3;
	_ =	sdelay $0x1  }
0x3e4: {  	v1 =	vmul.f32 v1, v2;
	v3 =	vadd.f32 v63, v3;
	_ =	sdelay $0x1  }
0x3e5: {  	v1 =	vadd.f32 v1, v3;
	_ =	sdelay $0x1  }
0x3e6: {  	v1 =	vsub.f32 $0.0e+00, v1;
	_ =	sdelay $0x1  }
0x3e7: {  	v1 =	vmul.f32 $1.442695020e+00, v1;
	_ =	sdelay $0x1  }
0x3e8: {  	(erf) = vpow2.f32 v1;
	_ =	sdelay $0x8  }
0x3e9: {  	v1 =	vpop (erf)  }
0x3ea: {  	v1 =	vadd.f32 $1.000000000e+00, v1;
	_ =	sdelay $0x1  }
0x3eb: {  	(erf) = vrcp.f32 v1;
	_ =	sdelay $0x8  }
0x3ec: {  	s30 =	simm.s32 $0x10980;
	v1 =	vpop (erf)  }
0x3ed: {  	s31 =	simm.s32 $0x190;
	[tilespmem:s30+$0x0] =	vst v1  }
0x3ee: {  	s0 =	simm.s32 $0x390;
	v1 =	vld [tilespmem:s31+$0x0]  }
0x3ef: {  	s2 =	simm.s32 $0x10;
	s13 =	simm.s32 $0x20;
	v2 =	vld [tilespmem:s0+$0x0]  }
.LBB2_8:
0x3f0: {  	p0 =	sne.s32 s13, $0x70;
	_ =	sdelay $0x1  }
0x3f1: {  	v3 =	vmov s2;
	s2 =	smov.u32 s13  }
0x3f2: {  	v3 =	vshll.u32 v3, $0x7;
	v1 =	vshll.u32 v1, $0x5  }
0x3f3: {  	v3 =	vor.u32 v0, v3;
	v1 =	vand.u32 $0x60, v1;
	v2 =	vshll.u32 v2, $0x5  }
0x3f4: {  	v4 =	vand.u32 $0x60, v2;
	v2 =	vor.u32 v3, v1  }
0x3f5: {  	v1 =	vor.u32 v3, v4  }
0x3f6: {  	v3 =	vor.u32 $0x1, v2  }
0x3f7: {  	v4 =	vor.u32 $0x1, v1  }
0x3f8: {  	v5 =	vor.u32 $0x2, v2  }
0x3f9: {  	v7 =	vor.u32 $0x2, v1;
	v6 =	vld.idx.msk [tilespmem:v2+s16+$0x0], $0xffff  }
0x3fa: {  	v9 =	vor.u32 $0x3, v2;
	v8 =	vld.idx.msk [tilespmem:v1+s18+$0x0], $0xffff  }
0x3fb: {  	v10 =	vor.u32 $0x3, v1;
	v3 =	vld.idx.msk [tilespmem:v3+s16+$0x0], $0xffff  }
0x3fc: {  	v11 =	vor.u32 $0x4, v2;
	v4 =	vld.idx.msk [tilespmem:v4+s18+$0x0], $0xffff  }
0x3fd: {  	v12 =	vor.u32 $0x4, v1;
	v5 =	vld.idx.msk [tilespmem:v5+s16+$0x0], $0xffff  }
0x3fe: {  	v13 =	vor.u32 $0x5, v2;
	v7 =	vld.idx.msk [tilespmem:v7+s18+$0x0], $0xffff  }
0x3ff: {  	v14 =	vor.u32 $0x5, v1;
	v9 =	vld.idx.msk [tilespmem:v9+s16+$0x0], $0xffff  }
0x400: {  	v6 =	vmul.f32 v8, v6;
	v8 =	vld.idx.msk [tilespmem:v10+s18+$0x0], $0xffff;
	v10 =	vor.u32 $0x6, v2  }
0x401: {  	v15 =	vor.u32 $0x6, v1;
	v11 =	vld.idx.msk [tilespmem:v11+s16+$0x0], $0xffff  }
0x402: {  	v6 =	vadd.f32 $0.0e+00, v6;
	v3 =	vmul.f32 v4, v3;
	v4 =	vld.idx.msk [tilespmem:v12+s18+$0x0], $0xffff;
	v12 =	vor.u32 $0x7, v2  }
0x403: {  	v16 =	vor.u32 $0x7, v1;
	v13 =	vld.idx.msk [tilespmem:v13+s16+$0x0], $0xffff  }
0x404: {  	v3 =	vadd.f32 v3, v6;
	v5 =	vmul.f32 v7, v5;
	v7 =	vor.u32 $0x8, v2;
	v6 =	vld.idx.msk [tilespmem:v14+s18+$0x0], $0xffff  }
0x405: {  	v14 =	vor.u32 $0x8, v1;
	v10 =	vld.idx.msk [tilespmem:v10+s16+$0x0], $0xffff  }
0x406: {  	v3 =	vadd.f32 v5, v3;
	v5 =	vmul.f32 v8, v9;
	v9 =	vor.u32 $0x9, v2;
	v8 =	vld.idx.msk [tilespmem:v15+s18+$0x0], $0xffff  }
0x407: {  	v15 =	vor.u32 $0x9, v1;
	v12 =	vld.idx.msk [tilespmem:v12+s16+$0x0], $0xffff  }
0x408: {  	v3 =	vadd.f32 v5, v3;
	v4 =	vmul.f32 v4, v11;
	v11 =	vor.u32 $0xA, v2;
	v5 =	vld.idx.msk [tilespmem:v16+s18+$0x0], $0xffff  }
0x409: {  	v16 =	vor.u32 $0xA, v1;
	v7 =	vld.idx.msk [tilespmem:v7+s16+$0x0], $0xffff  }
0x40a: {  	v3 =	vadd.f32 v4, v3;
	v4 =	vmul.f32 v6, v13;
	v13 =	vor.u32 $0xB, v2;
	v6 =	vld.idx.msk [tilespmem:v14+s18+$0x0], $0xffff  }
0x40b: {  	v14 =	vor.u32 $0xB, v1;
	v9 =	vld.idx.msk [tilespmem:v9+s16+$0x0], $0xffff  }
0x40c: {  	v3 =	vadd.f32 v4, v3;
	v4 =	vmul.f32 v8, v10;
	v10 =	vor.u32 $0xC, v2;
	v8 =	vld.idx.msk [tilespmem:v15+s18+$0x0], $0xffff  }
0x40d: {  	v15 =	vor.u32 $0xC, v1;
	v11 =	vld.idx.msk [tilespmem:v11+s16+$0x0], $0xffff  }
0x40e: {  	v3 =	vadd.f32 v4, v3;
	v4 =	vmul.f32 v5, v12;
	v12 =	vor.u32 $0xD, v2;
	v5 =	vld.idx.msk [tilespmem:v16+s18+$0x0], $0xffff  }
0x40f: {  	v16 =	vor.u32 $0xD, v1;
	v13 =	vld.idx.msk [tilespmem:v13+s16+$0x0], $0xffff  }
0x410: {  	v3 =	vadd.f32 v4, v3;
	v4 =	vmul.f32 v6, v7;
	v7 =	vor.u32 $0xE, v2;
	v6 =	vld.idx.msk [tilespmem:v14+s18+$0x0], $0xffff  }
0x411: {  	v14 =	vor.u32 $0xE, v1;
	v10 =	vld.idx.msk [tilespmem:v10+s16+$0x0], $0xffff  }
0x412: {  	v3 =	vadd.f32 v4, v3;
	v4 =	vmul.f32 v8, v9;
	v9 =	vor.u32 $0xF, v2;
	v8 =	vld.idx.msk [tilespmem:v15+s18+$0x0], $0xffff  }
0x413: {  	v15 =	vor.u32 $0xF, v1;
	v12 =	vld.idx.msk [tilespmem:v12+s16+$0x0], $0xffff  }
0x414: {  	v3 =	vadd.f32 v4, v3;
	v4 =	vmul.f32 v5, v11;
	v11 =	vor.u32 $0x10, v2;
	v5 =	vld.idx.msk [tilespmem:v16+s18+$0x0], $0xffff  }
0x415: {  	v16 =	vor.u32 $0x10, v1;
	v7 =	vld.idx.msk [tilespmem:v7+s16+$0x0], $0xffff  }
0x416: {  	v3 =	vadd.f32 v4, v3;
	v4 =	vmul.f32 v6, v13;
	v13 =	vor.u32 $0x11, v2;
	v6 =	vld.idx.msk [tilespmem:v14+s18+$0x0], $0xffff  }
0x417: {  	v14 =	vor.u32 $0x11, v1;
	v9 =	vld.idx.msk [tilespmem:v9+s16+$0x0], $0xffff  }
0x418: {  	v3 =	vadd.f32 v4, v3;
	v4 =	vmul.f32 v8, v10;
	v10 =	vor.u32 $0x12, v2;
	v8 =	vld.idx.msk [tilespmem:v15+s18+$0x0], $0xffff  }
0x419: {  	v15 =	vor.u32 $0x12, v1;
	v11 =	vld.idx.msk [tilespmem:v11+s16+$0x0], $0xffff  }
0x41a: {  	v3 =	vadd.f32 v4, v3;
	v4 =	vmul.f32 v5, v12;
	v12 =	vor.u32 $0x13, v2;
	v5 =	vld.idx.msk [tilespmem:v16+s18+$0x0], $0xffff  }
0x41b: {  	v16 =	vor.u32 $0x13, v1;
	v13 =	vld.idx.msk [tilespmem:v13+s16+$0x0], $0xffff  }
0x41c: {  	v3 =	vadd.f32 v4, v3;
	v4 =	vmul.f32 v6, v7;
	v7 =	vor.u32 $0x14, v2;
	v6 =	vld.idx.msk [tilespmem:v14+s18+$0x0], $0xffff  }
0x41d: {  	v14 =	vor.u32 $0x14, v1;
	v10 =	vld.idx.msk [tilespmem:v10+s16+$0x0], $0xffff  }
0x41e: {  	v3 =	vadd.f32 v4, v3;
	v4 =	vmul.f32 v8, v9;
	v9 =	vor.u32 $0x15, v2;
	v8 =	vld.idx.msk [tilespmem:v15+s18+$0x0], $0xffff  }
0x41f: {  	v15 =	vor.u32 $0x15, v1;
	v12 =	vld.idx.msk [tilespmem:v12+s16+$0x0], $0xffff  }
0x420: {  	v3 =	vadd.f32 v4, v3;
	v4 =	vmul.f32 v5, v11;
	v11 =	vor.u32 $0x16, v2;
	v5 =	vld.idx.msk [tilespmem:v16+s18+$0x0], $0xffff  }
0x421: {  	v16 =	vor.u32 $0x16, v1;
	v7 =	vld.idx.msk [tilespmem:v7+s16+$0x0], $0xffff  }
0x422: {  	v3 =	vadd.f32 v4, v3;
	v4 =	vmul.f32 v6, v13;
	v13 =	vor.u32 $0x17, v2;
	v6 =	vld.idx.msk [tilespmem:v14+s18+$0x0], $0xffff  }
0x423: {  	v14 =	vor.u32 $0x17, v1;
	v9 =	vld.idx.msk [tilespmem:v9+s16+$0x0], $0xffff  }
0x424: {  	v3 =	vadd.f32 v4, v3;
	v4 =	vmul.f32 v8, v10;
	v10 =	vor.u32 $0x18, v2;
	v8 =	vld.idx.msk [tilespmem:v15+s18+$0x0], $0xffff  }
0x425: {  	v15 =	vor.u32 $0x18, v1;
	v11 =	vld.idx.msk [tilespmem:v11+s16+$0x0], $0xffff  }
0x426: {  	v3 =	vadd.f32 v4, v3;
	v4 =	vmul.f32 v5, v12;
	v12 =	vor.u32 $0x19, v2;
	v5 =	vld.idx.msk [tilespmem:v16+s18+$0x0], $0xffff  }
0x427: {  	v16 =	vor.u32 $0x19, v1;
	v13 =	vld.idx.msk [tilespmem:v13+s16+$0x0], $0xffff  }
0x428: {  	v3 =	vadd.f32 v4, v3;
	v4 =	vmul.f32 v6, v7;
	v7 =	vor.u32 $0x1A, v2;
	v6 =	vld.idx.msk [tilespmem:v14+s18+$0x0], $0xffff  }
0x429: {  	v14 =	vor.u32 $0x1A, v1;
	v10 =	vld.idx.msk [tilespmem:v10+s16+$0x0], $0xffff  }
0x42a: {  	v3 =	vadd.f32 v4, v3;
	v4 =	vmul.f32 v8, v9;
	v9 =	vor.u32 $0x1B, v2;
	v8 =	vld.idx.msk [tilespmem:v15+s18+$0x0], $0xffff  }
0x42b: {  	v15 =	vor.u32 $0x1B, v1;
	v12 =	vld.idx.msk [tilespmem:v12+s16+$0x0], $0xffff  }
0x42c: {  	v3 =	vadd.f32 v4, v3;
	v4 =	vmul.f32 v5, v11;
	v11 =	vor.u32 $0x1C, v2;
	v5 =	vld.idx.msk [tilespmem:v16+s18+$0x0], $0xffff  }
0x42d: {  	v16 =	vor.u32 $0x1C, v1;
	v7 =	vld.idx.msk [tilespmem:v7+s16+$0x0], $0xffff  }
0x42e: {  	v3 =	vadd.f32 v4, v3;
	v4 =	vmul.f32 v6, v13;
	v13 =	vor.u32 $0x1D, v2;
	v6 =	vld.idx.msk [tilespmem:v14+s18+$0x0], $0xffff  }
0x42f: {  	v14 =	vor.u32 $0x1D, v1;
	v9 =	vld.idx.msk [tilespmem:v9+s16+$0x0], $0xffff  }
0x430: {  	v3 =	vadd.f32 v4, v3;
	v4 =	vmul.f32 v8, v10;
	v10 =	vor.u32 $0x1E, v2;
	v8 =	vld.idx.msk [tilespmem:v15+s18+$0x0], $0xffff  }
0x431: {  	v15 =	vor.u32 $0x1E, v1;
	v11 =	vld.idx.msk [tilespmem:v11+s16+$0x0], $0xffff  }
0x432: {  	v2 =	vor.u32 $0x1F, v2;
	v3 =	vadd.f32 v4, v3;
	v4 =	vmul.f32 v5, v12;
	v5 =	vld.idx.msk [tilespmem:v16+s18+$0x0], $0xffff  }
0x433: {  	v1 =	vor.u32 $0x1F, v1;
	v12 =	vld.idx.msk [tilespmem:v13+s16+$0x0], $0xffff  }
0x434: {  	v3 =	vadd.f32 v4, v3;
	v4 =	vmul.f32 v6, v7;
	v6 =	vld.idx.msk [tilespmem:v14+s18+$0x0], $0xffff  }
0x435: {  	v7 =	vld.idx.msk [tilespmem:v10+s16+$0x0], $0xffff  }
0x436: {  	v3 =	vadd.f32 v4, v3;
	v4 =	vmul.f32 v8, v9;
	v8 =	vld.idx.msk [tilespmem:v15+s18+$0x0], $0xffff  }
0x437: {  	v2 =	vld.idx.msk [tilespmem:v2+s16+$0x0], $0xffff  }
0x438: {  	v3 =	vadd.f32 v4, v3;
	v4 =	vmul.f32 v5, v11;
	v1 =	vld.idx.msk [tilespmem:v1+s18+$0x0], $0xffff;
	_ =	sdelay $0x1  }
0x439: {  	v3 =	vadd.f32 v4, v3;
	v4 =	vmul.f32 v6, v12;
	_ =	sdelay $0x1  }
0x43a: {  	v3 =	vadd.f32 v4, v3;
	v4 =	vmul.f32 v8, v7;
	_ =	sdelay $0x1  }
0x43b: {  	v3 =	vadd.f32 v4, v3;
	v1 =	vmul.f32 v1, v2;
	_ =	sdelay $0x1  }
0x43c: {  	v1 =	vadd.f32 v1, v3;
	_ =	sdelay $0x1  }
0x43d: {  	v1 =	vsub.f32 $0.0e+00, v1;
	_ =	sdelay $0x1  }
0x43e: {  	v1 =	vmul.f32 $1.442695020e+00, v1;
	_ =	sdelay $0x1  }
0x43f: {  	(erf) = vpow2.f32 v1;
	_ =	sdelay $0x8  }
0x440: {  	v1 =	vpop (erf)  }
0x441: {  	v1 =	vadd.f32 $1.000000000e+00, v1;
	_ =	sdelay $0x1  }
0x442: {  	(erf) = vrcp.f32 v1;
	_ =	sdelay $0x7  }
.Ltmp3:
0x443: {  	(pc) =	sbr.rel @p0 .LBB2_8-.Ltmp3, $4  }
0x444: {  	s30 =	sadd.s32 $0x10, s30;
	v1 =	vpop (erf)  }
0x445: {  	s31 =	sadd.s32 $0x10, s31;
	[tilespmem:s30+$0x0] =	vst v1  }
0x446: {  	s0 =	sadd.s32 $0x10, s0;
	v1 =	vld [tilespmem:s31+$0x0]  }
0x447: {  	s13 =	sadd.s32 $0x10, s13;
	v2 =	vld [tilespmem:s0+$0x0]  }
0x448: {  	_ =	sdelay $0x1  }
0x449: {  	v3 =	vmov s2  }
0x44a: {  	v3 =	vshll.u32 v3, $0x7;
	v1 =	vshll.u32 v1, $0x5  }
0x44b: {  	v3 =	vor.u32 v0, v3;
	v1 =	vand.u32 $0x60, v1;
	v2 =	vshll.u32 v2, $0x5  }
0x44c: {  	v4 =	vand.u32 $0x60, v2;
	v2 =	vor.u32 v3, v1  }
0x44d: {  	v1 =	vor.u32 v3, v4  }
0x44e: {  	v3 =	vor.u32 $0x1, v2  }
0x44f: {  	v4 =	vor.u32 $0x1, v1  }
0x450: {  	v5 =	vor.u32 $0x2, v2  }
0x451: {  	v7 =	vor.u32 $0x2, v1;
	v6 =	vld.idx.msk [tilespmem:v2+s16+$0x0], $0xffff  }
0x452: {  	v9 =	vor.u32 $0x3, v2;
	v8 =	vld.idx.msk [tilespmem:v1+s18+$0x0], $0xffff  }
0x453: {  	v10 =	vor.u32 $0x3, v1;
	v3 =	vld.idx.msk [tilespmem:v3+s16+$0x0], $0xffff  }
0x454: {  	v11 =	vor.u32 $0x4, v2;
	v4 =	vld.idx.msk [tilespmem:v4+s18+$0x0], $0xffff  }
0x455: {  	v12 =	vor.u32 $0x4, v1;
	v5 =	vld.idx.msk [tilespmem:v5+s16+$0x0], $0xffff  }
0x456: {  	v13 =	vor.u32 $0x5, v2;
	v7 =	vld.idx.msk [tilespmem:v7+s18+$0x0], $0xffff  }
0x457: {  	v14 =	vor.u32 $0x5, v1;
	v9 =	vld.idx.msk [tilespmem:v9+s16+$0x0], $0xffff;
	v6 =	vmul.f32 v8, v6  }
0x458: {  	v49 =	vor.u32 $0x6, v2;
	v48 =	vld.idx.msk [tilespmem:v10+s18+$0x0], $0xffff  }
0x459: {  	v15 =	vor.u32 $0x6, v1;
	v11 =	vld.idx.msk [tilespmem:v11+s16+$0x0], $0xffff;
	v3 =	vmul.f32 v4, v3;
	v6 =	vadd.f32 $0.0e+00, v6  }
0x45a: {  	v51 =	vor.u32 $0x7, v2;
	v50 =	vld.idx.msk [tilespmem:v12+s18+$0x0], $0xffff  }
0x45b: {  	v16 =	vor.u32 $0x7, v1;
	v13 =	vld.idx.msk [tilespmem:v13+s16+$0x0], $0xffff;
	v5 =	vmul.f32 v7, v5;
	v3 =	vadd.f32 v3, v6  }
0x45c: {  	v54 =	vor.u32 $0x8, v1;
	v52 =	vld.idx.msk [tilespmem:v14+s18+$0x0], $0xffff  }
0x45d: {  	v53 =	vor.u32 $0x8, v2;
	v10 =	vld.idx.msk [tilespmem:v49+s16+$0x0], $0xffff;
	v55 =	vmul.f32 v48, v9;
	v3 =	vadd.f32 v5, v3  }
0x45e: {  	v58 =	vor.u32 $0x9, v1;
	v56 =	vld.idx.msk [tilespmem:v15+s18+$0x0], $0xffff  }
0x45f: {  	v57 =	vor.u32 $0x9, v2;
	v12 =	vld.idx.msk [tilespmem:v51+s16+$0x0], $0xffff;
	v4 =	vmul.f32 v50, v11;
	v3 =	vadd.f32 v55, v3  }
0x460: {  	v61 =	vor.u32 $0xA, v1;
	v59 =	vld.idx.msk [tilespmem:v16+s18+$0x0], $0xffff  }
0x461: {  	v60 =	vor.u32 $0xA, v2;
	v63 =	vld.idx.msk [tilespmem:v54+s18+$0x0], $0xffff;
	v62 =	vmul.f32 v52, v13;
	v3 =	vadd.f32 v4, v3  }
0x462: {  	v20 =	vor.u32 $0xB, v1;
	v7 =	vld.idx.msk [tilespmem:v53+s16+$0x0], $0xffff  }
0x463: {  	v19 =	vor.u32 $0xB, v2;
	v22 =	vld.idx.msk [tilespmem:v58+s18+$0x0], $0xffff;
	v21 =	vmul.f32 v56, v10;
	v3 =	vadd.f32 v62, v3  }
0x464: {  	v24 =	vor.u32 $0xC, v1;
	v9 =	vld.idx.msk [tilespmem:v57+s16+$0x0], $0xffff  }
0x465: {  	v23 =	vor.u32 $0xC, v2;
	v26 =	vld.idx.msk [tilespmem:v61+s18+$0x0], $0xffff;
	v25 =	vmul.f32 v59, v12;
	v3 =	vadd.f32 v21, v3  }
0x466: {  	v28 =	vor.u32 $0xD, v1;
	v11 =	vld.idx.msk [tilespmem:v60+s16+$0x0], $0xffff  }
0x467: {  	v27 =	vor.u32 $0xD, v2;
	v30 =	vld.idx.msk [tilespmem:v20+s18+$0x0], $0xffff;
	v29 =	vmul.f32 v63, v7;
	v3 =	vadd.f32 v25, v3  }
0x468: {  	v32 =	vor.u32 $0xE, v1;
	v13 =	vld.idx.msk [tilespmem:v19+s16+$0x0], $0xffff  }
0x469: {  	v31 =	vor.u32 $0xE, v2;
	v34 =	vld.idx.msk [tilespmem:v24+s18+$0x0], $0xffff;
	v33 =	vmul.f32 v22, v9;
	v3 =	vadd.f32 v29, v3  }
0x46a: {  	v36 =	vor.u32 $0xF, v1;
	v10 =	vld.idx.msk [tilespmem:v23+s16+$0x0], $0xffff  }
0x46b: {  	v35 =	vor.u32 $0xF, v2;
	v38 =	vld.idx.msk [tilespmem:v28+s18+$0x0], $0xffff;
	v37 =	vmul.f32 v26, v11;
	v3 =	vadd.f32 v33, v3  }
0x46c: {  	v40 =	vor.u32 $0x10, v1;
	v12 =	vld.idx.msk [tilespmem:v27+s16+$0x0], $0xffff  }
0x46d: {  	v39 =	vor.u32 $0x10, v2;
	v42 =	vld.idx.msk [tilespmem:v32+s18+$0x0], $0xffff;
	v41 =	vmul.f32 v30, v13;
	v3 =	vadd.f32 v37, v3  }
0x46e: {  	v44 =	vor.u32 $0x11, v1;
	v7 =	vld.idx.msk [tilespmem:v31+s16+$0x0], $0xffff  }
0x46f: {  	v43 =	vor.u32 $0x11, v2;
	v46 =	vld.idx.msk [tilespmem:v36+s18+$0x0], $0xffff;
	v45 =	vmul.f32 v34, v10;
	v3 =	vadd.f32 v41, v3  }
0x470: {  	v47 =	vor.u32 $0x12, v2;
	v9 =	vld.idx.msk [tilespmem:v35+s16+$0x0], $0xffff  }
0x471: {  	v48 =	vor.u32 $0x12, v1;
	v50 =	vld.idx.msk [tilespmem:v40+s18+$0x0], $0xffff;
	v49 =	vmul.f32 v38, v12;
	v3 =	vadd.f32 v45, v3  }
0x472: {  	v51 =	vor.u32 $0x13, v2;
	v11 =	vld.idx.msk [tilespmem:v39+s16+$0x0], $0xffff  }
0x473: {  	v54 =	vld.idx.msk [tilespmem:v44+s18+$0x0], $0xffff;
	v52 =	vor.u32 $0x13, v1;
	v53 =	vmul.f32 v42, v7;
	v3 =	vadd.f32 v49, v3  }
0x474: {  	v56 =	vor.u32 $0x14, v1;
	v13 =	vld.idx.msk [tilespmem:v43+s16+$0x0], $0xffff  }
0x475: {  	v10 =	vld.idx.msk [tilespmem:v47+s16+$0x0], $0xffff;
	v55 =	vor.u32 $0x14, v2;
	v57 =	vmul.f32 v46, v9;
	v3 =	vadd.f32 v53, v3  }
0x476: {  	v60 =	vor.u32 $0x15, v1;
	v58 =	vld.idx.msk [tilespmem:v48+s18+$0x0], $0xffff  }
0x477: {  	v59 =	vor.u32 $0x15, v2;
	v12 =	vld.idx.msk [tilespmem:v51+s16+$0x0], $0xffff;
	v61 =	vmul.f32 v50, v11;
	v3 =	vadd.f32 v57, v3  }
0x478: {  	v20 =	vor.u32 $0x16, v1;
	v62 =	vld.idx.msk [tilespmem:v52+s18+$0x0], $0xffff  }
0x479: {  	v63 =	vor.u32 $0x16, v2;
	v22 =	vld.idx.msk [tilespmem:v56+s18+$0x0], $0xffff;
	v21 =	vmul.f32 v54, v13;
	v3 =	vadd.f32 v61, v3  }
0x47a: {  	v24 =	vor.u32 $0x17, v1;
	v7 =	vld.idx.msk [tilespmem:v55+s16+$0x0], $0xffff  }
0x47b: {  	v23 =	vor.u32 $0x17, v2;
	v26 =	vld.idx.msk [tilespmem:v60+s18+$0x0], $0xffff;
	v25 =	vmul.f32 v58, v10;
	v3 =	vadd.f32 v21, v3  }
0x47c: {  	v28 =	vor.u32 $0x18, v1;
	v9 =	vld.idx.msk [tilespmem:v59+s16+$0x0], $0xffff  }
0x47d: {  	v27 =	vor.u32 $0x18, v2;
	v30 =	vld.idx.msk [tilespmem:v20+s18+$0x0], $0xffff;
	v29 =	vmul.f32 v62, v12;
	v3 =	vadd.f32 v25, v3  }
0x47e: {  	v32 =	vor.u32 $0x19, v1;
	v11 =	vld.idx.msk [tilespmem:v63+s16+$0x0], $0xffff  }
0x47f: {  	v31 =	vor.u32 $0x19, v2;
	v34 =	vld.idx.msk [tilespmem:v24+s18+$0x0], $0xffff;
	v33 =	vmul.f32 v22, v7;
	v3 =	vadd.f32 v29, v3  }
0x480: {  	v36 =	vor.u32 $0x1A, v1;
	v13 =	vld.idx.msk [tilespmem:v23+s16+$0x0], $0xffff  }
0x481: {  	v35 =	vor.u32 $0x1A, v2;
	v38 =	vld.idx.msk [tilespmem:v28+s18+$0x0], $0xffff;
	v37 =	vmul.f32 v26, v9;
	v3 =	vadd.f32 v33, v3  }
0x482: {  	v40 =	vor.u32 $0x1B, v1;
	v10 =	vld.idx.msk [tilespmem:v27+s16+$0x0], $0xffff  }
0x483: {  	v39 =	vor.u32 $0x1B, v2;
	v42 =	vld.idx.msk [tilespmem:v32+s18+$0x0], $0xffff;
	v41 =	vmul.f32 v30, v11;
	v3 =	vadd.f32 v37, v3  }
0x484: {  	v44 =	vor.u32 $0x1C, v1;
	v12 =	vld.idx.msk [tilespmem:v31+s16+$0x0], $0xffff  }
0x485: {  	v43 =	vor.u32 $0x1C, v2;
	v46 =	vld.idx.msk [tilespmem:v36+s18+$0x0], $0xffff;
	v45 =	vmul.f32 v34, v13;
	v3 =	vadd.f32 v41, v3  }
0x486: {  	v47 =	vor.u32 $0x1D, v2;
	v7 =	vld.idx.msk [tilespmem:v35+s16+$0x0], $0xffff  }
0x487: {  	v48 =	vor.u32 $0x1D, v1;
	v50 =	vld.idx.msk [tilespmem:v40+s18+$0x0], $0xffff;
	v49 =	vmul.f32 v38, v10;
	v3 =	vadd.f32 v45, v3  }
0x488: {  	v51 =	vor.u32 $0x1E, v2;
	v9 =	vld.idx.msk [tilespmem:v39+s16+$0x0], $0xffff  }
0x489: {  	v52 =	vor.u32 $0x1E, v1;
	v54 =	vld.idx.msk [tilespmem:v44+s18+$0x0], $0xffff;
	v53 =	vmul.f32 v42, v12;
	v3 =	vadd.f32 v49, v3  }
0x48a: {  	v2 =	vor.u32 $0x1F, v2;
	v11 =	vld.idx.msk [tilespmem:v43+s16+$0x0], $0xffff  }
0x48b: {  	v1 =	vor.u32 $0x1F, v1;
	v55 =	vld.idx.msk [tilespmem:v47+s16+$0x0], $0xffff;
	v56 =	vmul.f32 v46, v7;
	v3 =	vadd.f32 v53, v3  }
0x48c: {  	v57 =	vld.idx.msk [tilespmem:v48+s18+$0x0], $0xffff  }
0x48d: {  	v58 =	vld.idx.msk [tilespmem:v51+s16+$0x0], $0xffff;
	v59 =	vmul.f32 v50, v9;
	v3 =	vadd.f32 v56, v3  }
0x48e: {  	v60 =	vld.idx.msk [tilespmem:v52+s18+$0x0], $0xffff  }
0x48f: {  	v2 =	vld.idx.msk [tilespmem:v2+s16+$0x0], $0xffff;
	v61 =	vmul.f32 v54, v11;
	v3 =	vadd.f32 v59, v3  }
0x490: {  	v1 =	vld.idx.msk [tilespmem:v1+s18+$0x0], $0xffff  }
0x491: {  	v62 =	vmul.f32 v57, v55;
	v3 =	vadd.f32 v61, v3;
	_ =	sdelay $0x1  }
0x492: {  	v63 =	vmul.f32 v60, v58;
	v3 =	vadd.f32 v62, v3;
	_ =	sdelay $0x1  }
0x493: {  	v1 =	vmul.f32 v1, v2;
	v3 =	vadd.f32 v63, v3;
	_ =	sdelay $0x1  }
0x494: {  	v1 =	vadd.f32 v1, v3;
	_ =	sdelay $0x1  }
0x495: {  	v1 =	vsub.f32 $0.0e+00, v1;
	_ =	sdelay $0x1  }
0x496: {  	v1 =	vmul.f32 $1.442695020e+00, v1;
	_ =	sdelay $0x1  }
0x497: {  	(erf) = vpow2.f32 v1;
	_ =	sdelay $0x8  }
0x498: {  	v1 =	vpop (erf)  }
0x499: {  	v1 =	vadd.f32 $1.000000000e+00, v1;
	_ =	sdelay $0x1  }
0x49a: {  	(erf) = vrcp.f32 v1;
	_ =	sdelay $0x7  }
0x49b: {  	s29 =	sadd.s32 $0x1, s29  }
0x49c: {  	s0 =	sadd.s32 $0x10, s30;
	p0 =	sne.s32 s29, s8;
	v1 =	vpop (erf)  }
.Ltmp4:
0x49d: {  	[tilespmem:s0+$0x0] =	vst v1;
	(pc) =	sbr.rel @p0 .LBB2_1-.Ltmp4, $4  }
0x49e: {  	[hbm4b:s7+s4] =	stream.linear.scatter [tilespmem:s28], [sflag:$0x5], $0x200, $0x38;
	[tilespmem:$0x10A00] =	vst v63  }
0x49f: {  	_ =	swait.ge [sflag:s11], $0x200  }
0x4a0: {  	[sflag:s11] =	ssyncset.done $0x0  }
0x4a1: {  	[sflag:s11] =	ssyncadd.s32 $0xFFFFFE00  }
0x4a2: {  	_ =	sfence.sel $0x180000  }
0x4a3: {  	[bflag:$0x0] =	sbarrier.arrive $0xFFFF  }
0x4a4: {  	_ =	strace $0x90000047  }
0x4a5: {  	s0 =	stileid.u32;
	[bflag:$0x2] =	sbarrier.arrive $0xFFFF  }
0x4a6: {  	p0 =	sne.s32 s0, $0x0;
	s0 =	rddreg [dreg:$0x5]  }
0x4a7: {  	s0 =	sadd.s32 @!p0 $0x100000, s0  }
0x4a8: {  	[sflag:s0] =	ssyncadd.tile.s32 @!p0 $0x1;
	_ =	shalt  }
.Lfunc_end2:
_tile_overlayer_lowered:
.L_overlay_start_2:
0x4a9: {  	(tag) =	ssettag $0x2  }
0x4aa: {  	s0 =	rddreg [dreg:$0x0];
	s2 =	stileid.u32  }
0x4ab: {  	s1 =	rddreg [dreg:$0x1];
	p0 =	sne.s32 s2, $0x0  }
0x4ac: {  	s3 =	rddreg [dreg:$0x2];
	[bflag:$0x3] =	sbarrier.arrive $0xFFFF;
	s2 =	simm.s32 @!p0 $0x1C05  }
0x4ad: {  	[timem:s3], [sflag:s2] =	dma.local @!p0 [hbm:s0], s1  }
0x4ae: {  	s0 =	simm.s32 @!p0 $0x5  }
0x4af: {  	_ =	swait.ge @!p0 [sflag:s0], s1  }
0x4b0: {  	s1 =	ssub.s32 @!p0 $0x0, s1;
	[sflag:s0] =	ssyncset.done @!p0 $0x0  }
0x4b1: {  	[sflag:s0] =	ssyncadd.s32 @!p0 s1  }
0x4b2: {  	[bflag:$0x3] =	sbarrier.arrive $0xFFFF  }
0x4b3: {  	_ =	shalt  }

</sc_bundles>
